<compile_context>
chip_gen: v7x
topology: tpu7x:2x2x1
jax: 0.10.2.dev20260603
libtpu: 0.0.44.dev20260713+nightly
codegen_flags: <defaults>
</compile_context>

<pallas_src>
import functools

import jax
import jax.numpy as jnp
from jax import lax
from jax.experimental import pallas as pl
from jax.experimental.pallas import tpu as pltpu
from jax.experimental.pallas import tpu_sc as plsc

N_NODES = 10000
N_EDGES = 320000
IN_DIM = 128
OUT_DIM = 16
HEADS = 8
HC = HEADS * OUT_DIM

NC = 2
NS = 16
L = 16

EPT = N_EDGES // (NC * NS)
EB = 80
SB = EB // 2
NBLK = EPT // EB
HEXT = 144
DEN_W = 16
NPAD = 10240
RPT = NPAD // NS
RCH = 40

BN1 = 2000


def _proj_body(x_ref, wt_ref, atts_ref, attd_ref, hext_ref, adp_ref):
    h = jnp.dot(x_ref[...], wt_ref[...], preferred_element_type=jnp.float32)
    col = lax.broadcasted_iota(jnp.int32, (HC, 2 * HEADS), 0)
    row = lax.broadcasted_iota(jnp.int32, (HC, 2 * HEADS), 1)
    m = jnp.where(col // OUT_DIM == row, 1.0, 0.0).astype(jnp.float32)
    hext_ref[:, 0:HC] = h
    hext_ref[:, HC:HC + 2 * HEADS] = jnp.dot(
        h * atts_ref[...], m, preferred_element_type=jnp.float32)
    adp_ref[...] = jnp.dot(
        h * attd_ref[...], m, preferred_element_type=jnp.float32)


def _proj(x, wt, atts, attd):
    grid = (N_NODES // BN1,)
    return pl.pallas_call(
        _proj_body,
        grid=grid,
        in_specs=[
            pl.BlockSpec((BN1, IN_DIM), lambda i: (i, 0)),
            pl.BlockSpec((IN_DIM, HC), lambda i: (0, 0)),
            pl.BlockSpec((1, HC), lambda i: (0, 0)),
            pl.BlockSpec((1, HC), lambda i: (0, 0)),
        ],
        out_specs=[
            pl.BlockSpec((BN1, HEXT), lambda i: (i, 0)),
            pl.BlockSpec((BN1, DEN_W), lambda i: (i, 0)),
        ],
        out_shape=[
            jax.ShapeDtypeStruct((N_NODES, HEXT), jnp.float32),
            jax.ShapeDtypeStruct((N_NODES, DEN_W), jnp.float32),
        ],
    )(x, wt, atts, attd)


def _make_edge_kernel():
    mesh = plsc.VectorSubcoreMesh(core_axis_name="c", subcore_axis_name="s")

    @functools.partial(
        pl.kernel,
        out_type=jax.ShapeDtypeStruct((NC, NPAD, HEXT), jnp.float32),
        mesh=mesh,
        compiler_params=pltpu.CompilerParams(use_tc_tiling_on_sc=False),
        scratch_types=[
            pltpu.VMEM((2, 2, SB), jnp.int32),
            pltpu.VMEM((2, 2, SB), jnp.int32),
            pltpu.VMEM((2, 2, SB), jnp.int32),
            pltpu.VMEM((2, 2, SB), jnp.int32),
            pltpu.VMEM((EB, HEXT), jnp.float32),
            pltpu.VMEM((EB, HEXT), jnp.float32),
            pltpu.VMEM((EB, DEN_W), jnp.float32),
            pltpu.VMEM((EB, DEN_W), jnp.float32),
            pltpu.VMEM((SB, HEXT), jnp.float32),
            pltpu.VMEM((SB, HEXT), jnp.float32),
            pltpu.VMEM_SHARED((NPAD, HEXT), jnp.float32),
            pltpu.SemaphoreType.DMA,
            pltpu.SemaphoreType.DMA,
            pltpu.SemaphoreType.DMA,
            pltpu.SemaphoreType.DMA,
            pltpu.SemaphoreType.DMA,
            pltpu.SemaphoreType.DMA,
        ],
    )
    def edge_kernel(hext_hbm, adp_hbm, sd_hbm, acc_hbm,
                    sdr0, sdr1, sdr2, sdr3, hg0, hg1, adg0, adg1,
                    msg0, msg1, acc,
                    sh0, sh1, sa0, sa1, sm0, sm1):
        c = lax.axis_index("c")
        s = lax.axis_index("s")
        wid = c * NS + s
        sdr = (sdr0, sdr1, sdr2, sdr3)
        gs = ((hg0, adg0, sh0, sa0), (hg1, adg1, sh1, sa1))
        msgs = ((msg0, sm0), (msg1, sm1))

        def _zero(i, _):
            r = i // (HEXT // L)
            col = (i % (HEXT // L)) * L
            hg0[r, pl.ds(col, L)] = jnp.zeros((L,), jnp.float32)
            return 0

        lax.fori_loop(0, RCH * (HEXT // L), _zero, 0)

        def _init_fire(k, _):
            r0 = s * RPT + k * RCH
            pltpu.async_copy(hg0.at[pl.ds(0, RCH)], acc.at[pl.ds(r0, RCH)], sh0)
            return 0

        lax.fori_loop(0, RPT // RCH, _init_fire, 0)

        def _init_wait(k, _):
            r0 = s * RPT + k * RCH
            pltpu.make_async_copy(hg0.at[pl.ds(0, RCH)], acc.at[pl.ds(r0, RCH)], sh0).wait()
            return 0

        lax.fori_loop(0, RPT // RCH, _init_wait, 0)
        plsc.subcore_barrier()

        def _gfire(blk, g, sd):
            hg, adg, sh, sa = g
            pltpu.sync_copy(sd_hbm.at[:, wid, blk], sd)
            pltpu.async_copy(hext_hbm.at[sd.at[0, 0]], hg.at[pl.ds(0, SB)], sh)
            pltpu.async_copy(hext_hbm.at[sd.at[0, 1]], hg.at[pl.ds(SB, SB)], sh)
            pltpu.async_copy(adp_hbm.at[sd.at[1, 0]], adg.at[pl.ds(0, SB)], sa)
            pltpu.async_copy(adp_hbm.at[sd.at[1, 1]], adg.at[pl.ds(SB, SB)], sa)

        def _gwait(g, sd):
            hg, adg, sh, sa = g
            pltpu.make_async_copy(hext_hbm.at[sd.at[0, 0]], hg.at[pl.ds(0, SB)], sh).wait()
            pltpu.make_async_copy(hext_hbm.at[sd.at[0, 1]], hg.at[pl.ds(SB, SB)], sh).wait()
            pltpu.make_async_copy(adp_hbm.at[sd.at[1, 0]], adg.at[pl.ds(0, SB)], sa).wait()
            pltpu.make_async_copy(adp_hbm.at[sd.at[1, 1]], adg.at[pl.ds(SB, SB)], sa).wait()

        def _compute_sub(g, m, sub):
            hg, adg, sh, sa = g
            msg, sm = m
            base = sub * SB

            def _edge(e, _):
                ee = base + e
                a = hg[ee, pl.ds(HC, L)] + adg[ee, :]
                w = jnp.exp(jnp.maximum(a, 0.2 * a))
                msg[e, pl.ds(HC, L)] = w
                for hh in range(HEADS):
                    msg[e, pl.ds(hh * L, L)] = hg[ee, pl.ds(hh * L, L)] * w[hh]
                return 0

            lax.fori_loop(0, SB, _edge, 0)

        def _sfire(m, sd, sub):
            msg, sm = m
            pltpu.async_copy(msg, acc.at[sd.at[1, sub]], sm, add=True)

        def _swait(m, sd, sub):
            msg, sm = m
            pltpu.make_async_copy(msg, acc.at[sd.at[1, sub]], sm).wait()

        def _step(sd_cur, sd_prev, sd_next, g, gn, fire_next, first):
            if first:
                _gfire(fire_next, gn, sd_next)
            else:
                pl.when(fire_next < NBLK)(
                    lambda: _gfire(fire_next, gn, sd_next))
            _gwait(g, sd_cur)
            if not first:
                _swait(msgs[0], sd_prev, 0)
            _compute_sub(g, msgs[0], 0)
            _sfire(msgs[0], sd_cur, 0)
            if not first:
                _swait(msgs[1], sd_prev, 1)
            _compute_sub(g, msgs[1], 1)
            _sfire(msgs[1], sd_cur, 1)

        _gfire(0, gs[0], sdr[0])
        _step(sdr[0], None, sdr[1], gs[0], gs[1], 1, True)

        def _quad(i, _):
            b = 4 * i + 1
            _step(sdr[1], sdr[0], sdr[2], gs[1], gs[0], b + 1, False)
            _step(sdr[2], sdr[1], sdr[3], gs[0], gs[1], b + 2, False)
            _step(sdr[3], sdr[2], sdr[0], gs[1], gs[0], b + 3, False)
            _step(sdr[0], sdr[3], sdr[1], gs[0], gs[1], b + 4, False)
            return 0

        lax.fori_loop(0, (NBLK - 1) // 4, _quad, 0)
        _swait(msgs[0], sdr[0], 0)
        _swait(msgs[1], sdr[0], 1)
        plsc.subcore_barrier()

        def _dr_r0(k):
            return s * RPT + k * RCH

        def _d_in_fire(k, m, sem):
            pltpu.async_copy(acc.at[pl.ds(_dr_r0(k), RCH)], m, sem)

        def _d_in_wait(k, m, sem):
            pltpu.make_async_copy(acc.at[pl.ds(_dr_r0(k), RCH)], m, sem).wait()

        def _d_out_fire(k, m, sem):
            pltpu.async_copy(m, acc_hbm.at[c, pl.ds(_dr_r0(k), RCH)], sem)

        def _d_out_wait(k, m, sem):
            pltpu.make_async_copy(m, acc_hbm.at[c, pl.ds(_dr_r0(k), RCH)], sem).wait()

        _d_in_fire(0, msg0, sa0)

        def _d_pair(j, _):
            k = 2 * j
            _d_in_wait(k, msg0, sa0)
            pl.when(j > 0)(lambda: _d_out_wait(k - 1, msg1, sm1))
            _d_in_fire(k + 1, msg1, sa1)
            _d_out_fire(k, msg0, sm0)
            _d_in_wait(k + 1, msg1, sa1)
            _d_out_wait(k, msg0, sm0)
            pl.when(k + 2 < RPT // RCH)(lambda: _d_in_fire(k + 2, msg0, sa0))
            _d_out_fire(k + 1, msg1, sm1)
            return 0

        lax.fori_loop(0, (RPT // RCH) // 2, _d_pair, 0)
        _d_out_wait(RPT // RCH - 1, msg1, sm1)

    return edge_kernel


_edge_kernel = _make_edge_kernel()


def _combine_body(acc_ref, x_ref, bias_ref, out_ref):
    num = acc_ref[0, :, 0:HC] + acc_ref[1, :, 0:HC]
    den = acc_ref[0, :, HC:HC + HEADS] + acc_ref[1, :, HC:HC + HEADS]
    inv = 1.0 / jnp.maximum(den, 1e-30)
    col = lax.broadcasted_iota(jnp.int32, (HEADS, HC), 1)
    row = lax.broadcasted_iota(jnp.int32, (HEADS, HC), 0)
    m = jnp.where(col // OUT_DIM == row, 1.0, 0.0).astype(jnp.float32)
    inv128 = jnp.dot(inv, m, preferred_element_type=jnp.float32)
    out = jnp.maximum(num * inv128 + bias_ref[...], 0.0)
    out_ref[...] = x_ref[...] + out


def _combine(acc2, x, bias2):
    grid = (N_NODES // BN1,)
    return pl.pallas_call(
        _combine_body,
        grid=grid,
        in_specs=[
            pl.BlockSpec((NC, BN1, HEXT), lambda i: (0, i, 0)),
            pl.BlockSpec((BN1, IN_DIM), lambda i: (i, 0)),
            pl.BlockSpec((1, HC), lambda i: (0, 0)),
        ],
        out_specs=pl.BlockSpec((BN1, HC), lambda i: (i, 0)),
        out_shape=jax.ShapeDtypeStruct((N_NODES, HC), jnp.float32),
    )(acc2, x, bias2)


def kernel(x, edge_index, W, att_src, att_dst, bias):
    src = edge_index[0].astype(jnp.int32).reshape(NC * NS, NBLK, 2, SB)
    dst = edge_index[1].astype(jnp.int32).reshape(NC * NS, NBLK, 2, SB)
    sd = jnp.stack([src, dst])
    wt = W.T
    atts = att_src.reshape(1, HC)
    attd = att_dst.reshape(1, HC)
    hext, adp = _proj(x, wt, atts, attd)
    acc2 = _edge_kernel(hext, adp, sd)
    return _combine(acc2, x, bias.reshape(1, HC))

# --- scband reference (transcript-rebuilt; emitter-appended) ---
"""Pipeline reference for scband-gatlayer-51788715655659 (READ-ONLY COPY).

The authoritative reference and input builder live on the scoring server;
editing this copy changes nothing except your own understanding.
"""

import jax, jax.numpy as jnp
import numpy as np

N_NODES = 10000
N_EDGES = 320000
IN_DIM = 128
OUT_DIM = 16
HEADS = 8


def setup_inputs(seed: int = 0) -> dict:
    key = jax.random.key(seed)
    k1, k2, k3, k4, k5, k6 = jax.random.split(key, 6)
    x = jax.random.normal(k1, (N_NODES, IN_DIM), dtype=jnp.float32)
    edge_index = jax.random.randint(k2, (2, N_EDGES), 0, N_NODES, dtype=jnp.int64)
    # GATConv parameters (PyG layout): lin weight [H*C, in_dim], att_src/att_dst [1, H, C], bias [H*C]
    W = jax.random.normal(k3, (HEADS * OUT_DIM, IN_DIM), dtype=jnp.float32) * (1.0 / np.sqrt(IN_DIM))
    att_src = jax.random.normal(k4, (1, HEADS, OUT_DIM), dtype=jnp.float32) * 0.1
    att_dst = jax.random.normal(k5, (1, HEADS, OUT_DIM), dtype=jnp.float32) * 0.1
    bias = jnp.zeros((HEADS * OUT_DIM,), dtype=jnp.float32)
    return {"x": x, "edge_index": edge_index, "W": W, "att_src": att_src, "att_dst": att_dst, "bias": bias}


def _segment_softmax(alpha, seg, num_segments):
    amax = jax.ops.segment_max(alpha, seg, num_segments=num_segments)
    amax = jnp.where(jnp.isfinite(amax), amax, 0.0)
    ex = jnp.exp(alpha - amax[seg])
    denom = jax.ops.segment_sum(ex, seg, num_segments=num_segments)
    return ex / (denom[seg] + 1e-16)


def _gatconv(x, edge_index, W, att_src, att_dst, bias):
    # linear projection, reshape to [N, H, C]
    h = (x @ W.T).reshape(-1, HEADS, OUT_DIM)
    alpha_src = (h * att_src).sum(-1)  # [N, H]
    alpha_dst = (h * att_dst).sum(-1)  # [N, H]
    src = edge_index[0]
    dst = edge_index[1]
    alpha = alpha_src[src] + alpha_dst[dst]  # [E, H]
    alpha = jax.nn.leaky_relu(alpha, negative_slope=0.2)
    alpha = _segment_softmax(alpha, dst, N_NODES)
    msg = h[src] * alpha[:, :, None]  # [E, H, C]
    out = jax.ops.segment_sum(msg, dst, num_segments=N_NODES)  # [N, H, C]
    out = out.reshape(N_NODES, HEADS * OUT_DIM) + bias
    return out


def reference(x, edge_index, W, att_src, att_dst, bias):
    h_in = x
    h = _gatconv(x, edge_index, W, att_src, att_dst, bias)
    # batch_norm = False
    h = jax.nn.relu(h)
    # residual = True (in_dim == out_dim * num_heads)
    h = h_in + h
    return h

if __name__ == "__main__":
    import jax
    _d = setup_inputs()
    print(jax.jit(kernel)(*tuple(_d.values())))

</pallas_src>

<mosaic_0001>
#map = affine_map<(d0, d1) -> (0, 0)>
#map1 = affine_map<(d0, d1) -> (0, 0, 0, 0, 0)>
#map2 = affine_map<(d0, d1) -> (0, 0, 0)>
module attributes {stable_mosaic.version = 14 : i64} {
  func.func @edge_kernel(%arg0: i32, %arg1: i32, %arg2: memref<10000x144xf32, #tpu.memory_space<hbm>>, %arg3: memref<10000x16xf32, #tpu.memory_space<hbm>>, %arg4: memref<2x32x125x2x40xi32, #tpu.memory_space<hbm>>, %arg5: memref<2x10240x144xf32, #tpu.memory_space<hbm>>, %arg6: memref<2x2x40xi32, #tpu.memory_space<vmem>>, %arg7: memref<2x2x40xi32, #tpu.memory_space<vmem>>, %arg8: memref<2x2x40xi32, #tpu.memory_space<vmem>>, %arg9: memref<2x2x40xi32, #tpu.memory_space<vmem>>, %arg10: memref<80x144xf32, #tpu.memory_space<vmem>>, %arg11: memref<80x144xf32, #tpu.memory_space<vmem>>, %arg12: memref<80x16xf32, #tpu.memory_space<vmem>>, %arg13: memref<80x16xf32, #tpu.memory_space<vmem>>, %arg14: memref<40x144xf32, #tpu.memory_space<vmem>>, %arg15: memref<40x144xf32, #tpu.memory_space<vmem>>, %arg16: memref<10240x144xf32, #tpu.memory_space<vmem_shared>>, %arg17: memref<!tpu.dma_semaphore, #tpu.memory_space<semaphore_mem>>, %arg18: memref<!tpu.dma_semaphore, #tpu.memory_space<semaphore_mem>>, %arg19: memref<!tpu.dma_semaphore, #tpu.memory_space<semaphore_mem>>, %arg20: memref<!tpu.dma_semaphore, #tpu.memory_space<semaphore_mem>>, %arg21: memref<!tpu.dma_semaphore, #tpu.memory_space<semaphore_mem>>, %arg22: memref<!tpu.dma_semaphore, #tpu.memory_space<semaphore_mem>>) attributes {dimension_semantics = [#tpu.dimension_semantics<core_parallel>, #tpu.dimension_semantics<subcore_parallel>], iteration_bounds = array<i64: 2, 16>, scalar_prefetch = 0 : i64, scratch_operands = 17 : i64, tpu.core_type = #tpu.core_type<sc_vector_subcore>, window_params = [{transform_indices = #map}, {transform_indices = #map}, {transform_indices = #map1}, {transform_indices = #map2}]} {
    %mul3A = arith.constant 16 : i32
    %mul3A_0 = arith.muli %arg0, %mul3A : i32
    %add3A = arith.addi %mul3A_0, %arg1 : i32
    %scan3A = arith.constant 0 : i32
    %scan3A_1 = arith.constant 0 : i32
    %scan3A_2 = arith.constant 360 : i32
    %scan3A_3 = arith.addi %scan3A_1, %scan3A_2 : i32
    %scan3A_4 = arith.constant 1 : i32
    %scan3A_5 = scf.for %scan3A_231 = %scan3A_1 to %scan3A_3 step %scan3A_4 iter_args(%scan3A_232 = %scan3A) -> (i32)  : i32 {
      %jit3A = arith.constant 9 : i32
      %div3A = arith.divsi %scan3A_231, %jit3A : i32
      %sign3A = arith.constant 0 : i32
      %sign3A_233 = arith.cmpi sgt, %scan3A_231, %sign3A : i32
      %sign3A_234 = arith.extui %sign3A_233 : i1 to i32
      %sign3A_235 = arith.constant 0 : i32
      %sign3A_236 = arith.cmpi slt, %scan3A_231, %sign3A_235 : i32
      %sign3A_237 = arith.extui %sign3A_236 : i1 to i32
      %sign3A_238 = arith.subi %sign3A_234, %sign3A_237 : i32
      %sign3A_239 = arith.constant 0 : i32
      %sign3A_240 = arith.cmpi sgt, %jit3A, %sign3A_239 : i32
      %sign3A_241 = arith.extui %sign3A_240 : i1 to i32
      %sign3A_242 = arith.constant 0 : i32
      %sign3A_243 = arith.cmpi slt, %jit3A, %sign3A_242 : i32
      %sign3A_244 = arith.extui %sign3A_243 : i1 to i32
      %sign3A_245 = arith.subi %sign3A_241, %sign3A_244 : i32
      %ne3A = arith.cmpi ne, %sign3A_238, %sign3A_245 : i32
      %rem3A = arith.remsi %scan3A_231, %jit3A : i32
      %ne3A_246 = arith.constant 0 : i32
      %ne3A_247 = arith.cmpi ne, %rem3A, %ne3A_246 : i32
      %and3A = arith.andi %ne3A, %ne3A_247 : i1
      %sub3A = arith.constant 1 : i32
      %sub3A_248 = arith.subi %div3A, %sub3A : i32
      %select_n3A = arith.select %and3A, %sub3A_248, %div3A : i32
      %jit3A_249 = arith.constant 9 : i32
      %eq3A = arith.constant 0 : i32
      %eq3A_250 = arith.cmpi eq, %jit3A_249, %eq3A : i32
      %jit3A_251 = arith.constant 1 : i32
      %select_n3A_252 = arith.select %eq3A_250, %jit3A_251, %jit3A_249 : i32
      %rem3A_253 = arith.remsi %scan3A_231, %select_n3A_252 : i32
      %ne3A_254 = arith.constant 0 : i32
      %ne3A_255 = arith.cmpi ne, %rem3A_253, %ne3A_254 : i32
      %lt3A = arith.constant 0 : i32
      %lt3A_256 = arith.cmpi slt, %rem3A_253, %lt3A : i32
      %lt3A_257 = arith.constant 0 : i32
      %lt3A_258 = arith.cmpi slt, %select_n3A_252, %lt3A_257 : i32
      %ne3A_259 = arith.xori %lt3A_256, %lt3A_258 : i1
      %and3A_260 = arith.andi %ne3A_259, %ne3A_255 : i1
      %add3A_261 = arith.addi %rem3A_253, %select_n3A_252 : i32
      %select_n3A_262 = arith.select %and3A_260, %add3A_261, %rem3A_253 : i32
      %mul3A_263 = arith.constant 16 : i32
      %mul3A_264 = arith.muli %select_n3A_262, %mul3A_263 : i32
      %broadcast_in_dim3A = arith.constant 0.000000e+00 : f32
      %broadcast_in_dim3A_265 = vector.broadcast %broadcast_in_dim3A : f32 to vector<16xf32>
      %swap3A = arith.index_cast %select_n3A : i32 to index
      %swap3A_266 = arith.index_cast %mul3A_264 : i32 to index
      %swap3A_267 = tpu.vector_load %arg10[%swap3A, %swap3A_266] {strides = array<i32>} : memref<80x144xf32, #tpu.memory_space<vmem>>, vector<1x16xf32>,
      %swap3A_268 = vector.shape_cast %swap3A_267 : vector<1x16xf32> to vector<16xf32>
      %swap3A_269 = vector.shape_cast %broadcast_in_dim3A_265 : vector<16xf32> to vector<1x16xf32>
      tpu.vector_store %arg10[%swap3A, %swap3A_266], %swap3A_269 {strides = array<i32>} : memref<80x144xf32, #tpu.memory_space<vmem>>, vector<1x16xf32>,
      %scan3A_270 = arith.constant 0 : i32
      scf.yield %scan3A_270 : i32
    }
    %scan3A_6 = arith.constant 360 : i32
    %scan3A_7 = arith.constant 0 : i32
    %scan3A_8 = arith.constant 0 : i32
    %scan3A_9 = arith.constant 16 : i32
    %scan3A_10 = arith.addi %scan3A_8, %scan3A_9 : i32
    %scan3A_11 = arith.constant 1 : i32
    %scan3A_12 = scf.for %scan3A_231 = %scan3A_8 to %scan3A_10 step %scan3A_11 iter_args(%scan3A_232 = %scan3A_7) -> (i32)  : i32 {
      %mul3A_233 = arith.constant 640 : i32
      %mul3A_234 = arith.muli %arg1, %mul3A_233 : i32
      %mul3A_235 = arith.constant 40 : i32
      %mul3A_236 = arith.muli %scan3A_231, %mul3A_235 : i32
      %add3A_237 = arith.addi %mul3A_234, %mul3A_236 : i32
      %dma_start3A_238 = arith.constant 0 : i32
      %dma_start3A_239 = arith.constant 0 : i32
      %dma_start3A_240 = tpu.memref_slice %arg10[%dma_start3A_238, %dma_start3A_239] : memref<80x144xf32, #tpu.memory_space<vmem>> -> memref<40x144xf32, #tpu.memory_space<vmem>>
      %dma_start3A_241 = arith.constant 0 : i32
      %dma_start3A_242 = tpu.memref_slice %arg16[%add3A_237, %dma_start3A_241] : memref<10240x144xf32, #tpu.memory_space<vmem_shared>> -> memref<40x144xf32, #tpu.memory_space<vmem_shared>>
      %dma_start3A_243 = arith.constant 0 : i32
      %dma_start3A_244 = tpu.memref_slice %arg16[%add3A_237, %dma_start3A_243] : memref<10240x144xf32, #tpu.memory_space<vmem_shared>> -> memref<40x144xf32, #tpu.memory_space<vmem_shared>>
      %dma_start3A_245 = arith.constant 0 : i32
      %dma_start3A_246 = arith.constant 0 : i32
      %dma_start3A_247 = tpu.memref_slice %arg10[%dma_start3A_245, %dma_start3A_246] : memref<80x144xf32, #tpu.memory_space<vmem>> -> memref<40x144xf32, #tpu.memory_space<vmem>>
      tpu.enqueue_dma source(%dma_start3A_247 : memref<40x144xf32, #tpu.memory_space<vmem>>) target(%dma_start3A_244 : memref<40x144xf32, #tpu.memory_space<vmem_shared>>) target_semaphore(%arg17 : memref<!tpu.dma_semaphore, #tpu.memory_space<semaphore_mem>>)
      %scan3A_248 = arith.constant 0 : i32
      scf.yield %scan3A_248 : i32
    }
    %scan3A_13 = arith.constant 16 : i32
    %scan3A_14 = arith.constant 0 : i32
    %scan3A_15 = arith.constant 0 : i32
    %scan3A_16 = arith.constant 16 : i32
    %scan3A_17 = arith.addi %scan3A_15, %scan3A_16 : i32
    %scan3A_18 = arith.constant 1 : i32
    %scan3A_19 = scf.for %scan3A_231 = %scan3A_15 to %scan3A_17 step %scan3A_18 iter_args(%scan3A_232 = %scan3A_14) -> (i32)  : i32 {
      %mul3A_233 = arith.constant 640 : i32
      %mul3A_234 = arith.muli %arg1, %mul3A_233 : i32
      %mul3A_235 = arith.constant 40 : i32
      %mul3A_236 = arith.muli %scan3A_231, %mul3A_235 : i32
      %add3A_237 = arith.addi %mul3A_234, %mul3A_236 : i32
      %dma_wait3A_238 = arith.constant 0 : i32
      %dma_wait3A_239 = arith.constant 0 : i32
      %dma_wait3A_240 = tpu.memref_slice %arg10[%dma_wait3A_238, %dma_wait3A_239] : memref<80x144xf32, #tpu.memory_space<vmem>> -> memref<40x144xf32, #tpu.memory_space<vmem>>
      %dma_wait3A_241 = arith.constant 0 : i32
      %dma_wait3A_242 = tpu.memref_slice %arg16[%add3A_237, %dma_wait3A_241] : memref<10240x144xf32, #tpu.memory_space<vmem_shared>> -> memref<40x144xf32, #tpu.memory_space<vmem_shared>>
      %dma_wait3A_243 = arith.constant 0 : i32
      %dma_wait3A_244 = tpu.memref_slice %arg16[%add3A_237, %dma_wait3A_243] : memref<10240x144xf32, #tpu.memory_space<vmem_shared>> -> memref<40x144xf32, #tpu.memory_space<vmem_shared>>
      %dma_wait3A_245 = arith.constant 0 : i32
      %dma_wait3A_246 = arith.constant 0 : i32
      %dma_wait3A_247 = tpu.memref_slice %arg10[%dma_wait3A_245, %dma_wait3A_246] : memref<80x144xf32, #tpu.memory_space<vmem>> -> memref<40x144xf32, #tpu.memory_space<vmem>>
      tpu.wait_dma2 semaphore(%arg17 : memref<!tpu.dma_semaphore, #tpu.memory_space<semaphore_mem>>) src(%dma_wait3A_247 : memref<40x144xf32, #tpu.memory_space<vmem>>) dst(%dma_wait3A_244 : memref<40x144xf32, #tpu.memory_space<vmem_shared>>)
      %scan3A_248 = arith.constant 0 : i32
      scf.yield %scan3A_248 : i32
    }
    %scan3A_20 = arith.constant 16 : i32
    %barrier3A = arith.constant 0 : index
    tpu.barrier barrier_id(%barrier3A)
    %run_scoped3A = arith.constant 0 : i32
    "tpu.region"() ({
      %run_scoped3A_231 = tpu.sem_alloc : memref<!tpu.dma_semaphore, #tpu.memory_space<semaphore_mem>>
      %dma_start3A_232 = arith.constant 0 : i32
      %dma_start3A_233 = arith.constant 0 : i32
      %dma_start3A_234 = arith.constant 0 : i32
      %dma_start3A_235 = tpu.memref_slice %arg4[%dma_start3A_232, %add3A, %run_scoped3A, %dma_start3A_233, %dma_start3A_234] : memref<2x32x125x2x40xi32, #tpu.memory_space<hbm>> -> memref<2x1x1x2x40xi32, #tpu.memory_space<hbm>>
      %dma_start3A_236 = tpu.memref_squeeze %dma_start3A_235 : memref<2x1x1x2x40xi32, #tpu.memory_space<hbm>> -> memref<2x2x40xi32, #tpu.memory_space<hbm>>
      %dma_start3A_237 = arith.constant 0 : i32
      %dma_start3A_238 = arith.constant 0 : i32
      %dma_start3A_239 = arith.constant 0 : i32
      %dma_start3A_240 = tpu.memref_slice %arg4[%dma_start3A_237, %add3A, %run_scoped3A, %dma_start3A_238, %dma_start3A_239] : memref<2x32x125x2x40xi32, #tpu.memory_space<hbm>> -> memref<2x1x1x2x40xi32, #tpu.memory_space<hbm>>
      %dma_start3A_241 = tpu.memref_squeeze %dma_start3A_240 : memref<2x1x1x2x40xi32, #tpu.memory_space<hbm>> -> memref<2x2x40xi32, #tpu.memory_space<hbm>>
      tpu.enqueue_dma source(%dma_start3A_241 : memref<2x2x40xi32, #tpu.memory_space<hbm>>) target(%arg6 : memref<2x2x40xi32, #tpu.memory_space<vmem>>) target_semaphore(%run_scoped3A_231 : memref<!tpu.dma_semaphore, #tpu.memory_space<semaphore_mem>>)
      %dma_wait3A_242 = arith.constant 0 : i32
      %dma_wait3A_243 = arith.constant 0 : i32
      %dma_wait3A_244 = arith.constant 0 : i32
      %dma_wait3A_245 = tpu.memref_slice %arg4[%dma_wait3A_242, %add3A, %run_scoped3A, %dma_wait3A_243, %dma_wait3A_244] : memref<2x32x125x2x40xi32, #tpu.memory_space<hbm>> -> memref<2x1x1x2x40xi32, #tpu.memory_space<hbm>>
      %dma_wait3A_246 = tpu.memref_squeeze %dma_wait3A_245 : memref<2x1x1x2x40xi32, #tpu.memory_space<hbm>> -> memref<2x2x40xi32, #tpu.memory_space<hbm>>
      %dma_wait3A_247 = arith.constant 0 : i32
      %dma_wait3A_248 = arith.constant 0 : i32
      %dma_wait3A_249 = arith.constant 0 : i32
      %dma_wait3A_250 = tpu.memref_slice %arg4[%dma_wait3A_247, %add3A, %run_scoped3A, %dma_wait3A_248, %dma_wait3A_249] : memref<2x32x125x2x40xi32, #tpu.memory_space<hbm>> -> memref<2x1x1x2x40xi32, #tpu.memory_space<hbm>>
      %dma_wait3A_251 = tpu.memref_squeeze %dma_wait3A_250 : memref<2x1x1x2x40xi32, #tpu.memory_space<hbm>> -> memref<2x2x40xi32, #tpu.memory_space<hbm>>
      tpu.wait_dma2 semaphore(%run_scoped3A_231 : memref<!tpu.dma_semaphore, #tpu.memory_space<semaphore_mem>>) src(%dma_wait3A_251 : memref<2x2x40xi32, #tpu.memory_space<hbm>>) dst(%arg6 : memref<2x2x40xi32, #tpu.memory_space<vmem>>)
      tpu.yield
    }) : () -> ()
    %dma_start3A = arith.constant 0 : i32
    %dma_start3A_21 = arith.constant 0 : i32
    %dma_start3A_22 = arith.constant 0 : i32
    %dma_start3A_23 = arith.constant 0 : i32
    %dma_start3A_24 = tpu.memref_slice %arg10[%dma_start3A_22, %dma_start3A_23] : memref<80x144xf32, #tpu.memory_space<vmem>> -> memref<40x144xf32, #tpu.memory_space<vmem>>
    %dma_start3A_25 = arith.constant 0 : i32
    %dma_start3A_26 = tpu.memref_slice %arg6[%dma_start3A, %dma_start3A_21, %dma_start3A_25] : memref<2x2x40xi32, #tpu.memory_space<vmem>> -> memref<1x1x40xi32, #tpu.memory_space<vmem>>
    %dma_start3A_27 = tpu.memref_squeeze %dma_start3A_26 : memref<1x1x40xi32, #tpu.memory_space<vmem>> -> memref<40xi32, #tpu.memory_space<vmem>>
    %dma_start3A_28 = arith.constant 0 : i32
    %dma_start3A_29 = arith.constant 0 : i32
    %dma_start3A_30 = tpu.memref_slice %arg2[%dma_start3A_28, %dma_start3A_29] : memref<10000x144xf32, #tpu.memory_space<hbm>> -> memref<10000x144xf32, #tpu.memory_space<hbm>>
    tpu.enqueue_indirect_dma source(%dma_start3A_30 : memref<10000x144xf32, #tpu.memory_space<hbm>>) target(%dma_start3A_24 : memref<40x144xf32, #tpu.memory_space<vmem>>) offsets(%dma_start3A_27 : memref<40xi32, #tpu.memory_space<vmem>>) semaphore(%arg17 : memref<!tpu.dma_semaphore, #tpu.memory_space<semaphore_mem>>)
    %dma_start3A_31 = arith.constant 0 : i32
    %dma_start3A_32 = arith.constant 1 : i32
    %dma_start3A_33 = arith.constant 40 : i32
    %dma_start3A_34 = arith.constant 0 : i32
    %dma_start3A_35 = tpu.memref_slice %arg10[%dma_start3A_33, %dma_start3A_34] : memref<80x144xf32, #tpu.memory_space<vmem>> -> memref<40x144xf32, #tpu.memory_space<vmem>>
    %dma_start3A_36 = arith.constant 0 : i32
    %dma_start3A_37 = tpu.memref_slice %arg6[%dma_start3A_31, %dma_start3A_32, %dma_start3A_36] : memref<2x2x40xi32, #tpu.memory_space<vmem>> -> memref<1x1x40xi32, #tpu.memory_space<vmem>>
    %dma_start3A_38 = tpu.memref_squeeze %dma_start3A_37 : memref<1x1x40xi32, #tpu.memory_space<vmem>> -> memref<40xi32, #tpu.memory_space<vmem>>
    %dma_start3A_39 = arith.constant 0 : i32
    %dma_start3A_40 = arith.constant 0 : i32
    %dma_start3A_41 = tpu.memref_slice %arg2[%dma_start3A_39, %dma_start3A_40] : memref<10000x144xf32, #tpu.memory_space<hbm>> -> memref<10000x144xf32, #tpu.memory_space<hbm>>
    tpu.enqueue_indirect_dma source(%dma_start3A_41 : memref<10000x144xf32, #tpu.memory_space<hbm>>) target(%dma_start3A_35 : memref<40x144xf32, #tpu.memory_space<vmem>>) offsets(%dma_start3A_38 : memref<40xi32, #tpu.memory_space<vmem>>) semaphore(%arg17 : memref<!tpu.dma_semaphore, #tpu.memory_space<semaphore_mem>>)
    %dma_start3A_42 = arith.constant 1 : i32
    %dma_start3A_43 = arith.constant 0 : i32
    %dma_start3A_44 = arith.constant 0 : i32
    %dma_start3A_45 = arith.constant 0 : i32
    %dma_start3A_46 = tpu.memref_slice %arg12[%dma_start3A_44, %dma_start3A_45] : memref<80x16xf32, #tpu.memory_space<vmem>> -> memref<40x16xf32, #tpu.memory_space<vmem>>
    %dma_start3A_47 = arith.constant 0 : i32
    %dma_start3A_48 = tpu.memref_slice %arg6[%dma_start3A_42, %dma_start3A_43, %dma_start3A_47] : memref<2x2x40xi32, #tpu.memory_space<vmem>> -> memref<1x1x40xi32, #tpu.memory_space<vmem>>
    %dma_start3A_49 = tpu.memref_squeeze %dma_start3A_48 : memref<1x1x40xi32, #tpu.memory_space<vmem>> -> memref<40xi32, #tpu.memory_space<vmem>>
    %dma_start3A_50 = arith.constant 0 : i32
    %dma_start3A_51 = arith.constant 0 : i32
    %dma_start3A_52 = tpu.memref_slice %arg3[%dma_start3A_50, %dma_start3A_51] : memref<10000x16xf32, #tpu.memory_space<hbm>> -> memref<10000x16xf32, #tpu.memory_space<hbm>>
    tpu.enqueue_indirect_dma source(%dma_start3A_52 : memref<10000x16xf32, #tpu.memory_space<hbm>>) target(%dma_start3A_46 : memref<40x16xf32, #tpu.memory_space<vmem>>) offsets(%dma_start3A_49 : memref<40xi32, #tpu.memory_space<vmem>>) semaphore(%arg19 : memref<!tpu.dma_semaphore, #tpu.memory_space<semaphore_mem>>)
    %dma_start3A_53 = arith.constant 1 : i32
    %dma_start3A_54 = arith.constant 1 : i32
    %dma_start3A_55 = arith.constant 40 : i32
    %dma_start3A_56 = arith.constant 0 : i32
    %dma_start3A_57 = tpu.memref_slice %arg12[%dma_start3A_55, %dma_start3A_56] : memref<80x16xf32, #tpu.memory_space<vmem>> -> memref<40x16xf32, #tpu.memory_space<vmem>>
    %dma_start3A_58 = arith.constant 0 : i32
    %dma_start3A_59 = tpu.memref_slice %arg6[%dma_start3A_53, %dma_start3A_54, %dma_start3A_58] : memref<2x2x40xi32, #tpu.memory_space<vmem>> -> memref<1x1x40xi32, #tpu.memory_space<vmem>>
    %dma_start3A_60 = tpu.memref_squeeze %dma_start3A_59 : memref<1x1x40xi32, #tpu.memory_space<vmem>> -> memref<40xi32, #tpu.memory_space<vmem>>
    %dma_start3A_61 = arith.constant 0 : i32
    %dma_start3A_62 = arith.constant 0 : i32
    %dma_start3A_63 = tpu.memref_slice %arg3[%dma_start3A_61, %dma_start3A_62] : memref<10000x16xf32, #tpu.memory_space<hbm>> -> memref<10000x16xf32, #tpu.memory_space<hbm>>
    tpu.enqueue_indirect_dma source(%dma_start3A_63 : memref<10000x16xf32, #tpu.memory_space<hbm>>) target(%dma_start3A_57 : memref<40x16xf32, #tpu.memory_space<vmem>>) offsets(%dma_start3A_60 : memref<40xi32, #tpu.memory_space<vmem>>) semaphore(%arg19 : memref<!tpu.dma_semaphore, #tpu.memory_space<semaphore_mem>>)
    %run_scoped3A_64 = arith.constant 1 : i32
    "tpu.region"() ({
      %run_scoped3A_231 = tpu.sem_alloc : memref<!tpu.dma_semaphore, #tpu.memory_space<semaphore_mem>>
      %dma_start3A_232 = arith.constant 0 : i32
      %dma_start3A_233 = arith.constant 0 : i32
      %dma_start3A_234 = arith.constant 0 : i32
      %dma_start3A_235 = tpu.memref_slice %arg4[%dma_start3A_232, %add3A, %run_scoped3A_64, %dma_start3A_233, %dma_start3A_234] : memref<2x32x125x2x40xi32, #tpu.memory_space<hbm>> -> memref<2x1x1x2x40xi32, #tpu.memory_space<hbm>>
      %dma_start3A_236 = tpu.memref_squeeze %dma_start3A_235 : memref<2x1x1x2x40xi32, #tpu.memory_space<hbm>> -> memref<2x2x40xi32, #tpu.memory_space<hbm>>
      %dma_start3A_237 = arith.constant 0 : i32
      %dma_start3A_238 = arith.constant 0 : i32
      %dma_start3A_239 = arith.constant 0 : i32
      %dma_start3A_240 = tpu.memref_slice %arg4[%dma_start3A_237, %add3A, %run_scoped3A_64, %dma_start3A_238, %dma_start3A_239] : memref<2x32x125x2x40xi32, #tpu.memory_space<hbm>> -> memref<2x1x1x2x40xi32, #tpu.memory_space<hbm>>
      %dma_start3A_241 = tpu.memref_squeeze %dma_start3A_240 : memref<2x1x1x2x40xi32, #tpu.memory_space<hbm>> -> memref<2x2x40xi32, #tpu.memory_space<hbm>>
      tpu.enqueue_dma source(%dma_start3A_241 : memref<2x2x40xi32, #tpu.memory_space<hbm>>) target(%arg7 : memref<2x2x40xi32, #tpu.memory_space<vmem>>) target_semaphore(%run_scoped3A_231 : memref<!tpu.dma_semaphore, #tpu.memory_space<semaphore_mem>>)
      %dma_wait3A_242 = arith.constant 0 : i32
      %dma_wait3A_243 = arith.constant 0 : i32
      %dma_wait3A_244 = arith.constant 0 : i32
      %dma_wait3A_245 = tpu.memref_slice %arg4[%dma_wait3A_242, %add3A, %run_scoped3A_64, %dma_wait3A_243, %dma_wait3A_244] : memref<2x32x125x2x40xi32, #tpu.memory_space<hbm>> -> memref<2x1x1x2x40xi32, #tpu.memory_space<hbm>>
      %dma_wait3A_246 = tpu.memref_squeeze %dma_wait3A_245 : memref<2x1x1x2x40xi32, #tpu.memory_space<hbm>> -> memref<2x2x40xi32, #tpu.memory_space<hbm>>
      %dma_wait3A_247 = arith.constant 0 : i32
      %dma_wait3A_248 = arith.constant 0 : i32
      %dma_wait3A_249 = arith.constant 0 : i32
      %dma_wait3A_250 = tpu.memref_slice %arg4[%dma_wait3A_247, %add3A, %run_scoped3A_64, %dma_wait3A_248, %dma_wait3A_249] : memref<2x32x125x2x40xi32, #tpu.memory_space<hbm>> -> memref<2x1x1x2x40xi32, #tpu.memory_space<hbm>>
      %dma_wait3A_251 = tpu.memref_squeeze %dma_wait3A_250 : memref<2x1x1x2x40xi32, #tpu.memory_space<hbm>> -> memref<2x2x40xi32, #tpu.memory_space<hbm>>
      tpu.wait_dma2 semaphore(%run_scoped3A_231 : memref<!tpu.dma_semaphore, #tpu.memory_space<semaphore_mem>>) src(%dma_wait3A_251 : memref<2x2x40xi32, #tpu.memory_space<hbm>>) dst(%arg7 : memref<2x2x40xi32, #tpu.memory_space<vmem>>)
      tpu.yield
    }) : () -> ()
    %dma_start3A_65 = arith.constant 0 : i32
    %dma_start3A_66 = arith.constant 0 : i32
    %dma_start3A_67 = arith.constant 0 : i32
    %dma_start3A_68 = arith.constant 0 : i32
    %dma_start3A_69 = tpu.memref_slice %arg11[%dma_start3A_67, %dma_start3A_68] : memref<80x144xf32, #tpu.memory_space<vmem>> -> memref<40x144xf32, #tpu.memory_space<vmem>>
    %dma_start3A_70 = arith.constant 0 : i32
    %dma_start3A_71 = tpu.memref_slice %arg7[%dma_start3A_65, %dma_start3A_66, %dma_start3A_70] : memref<2x2x40xi32, #tpu.memory_space<vmem>> -> memref<1x1x40xi32, #tpu.memory_space<vmem>>
    %dma_start3A_72 = tpu.memref_squeeze %dma_start3A_71 : memref<1x1x40xi32, #tpu.memory_space<vmem>> -> memref<40xi32, #tpu.memory_space<vmem>>
    %dma_start3A_73 = arith.constant 0 : i32
    %dma_start3A_74 = arith.constant 0 : i32
    %dma_start3A_75 = tpu.memref_slice %arg2[%dma_start3A_73, %dma_start3A_74] : memref<10000x144xf32, #tpu.memory_space<hbm>> -> memref<10000x144xf32, #tpu.memory_space<hbm>>
    tpu.enqueue_indirect_dma source(%dma_start3A_75 : memref<10000x144xf32, #tpu.memory_space<hbm>>) target(%dma_start3A_69 : memref<40x144xf32, #tpu.memory_space<vmem>>) offsets(%dma_start3A_72 : memref<40xi32, #tpu.memory_space<vmem>>) semaphore(%arg18 : memref<!tpu.dma_semaphore, #tpu.memory_space<semaphore_mem>>)
    %dma_start3A_76 = arith.constant 0 : i32
    %dma_start3A_77 = arith.constant 1 : i32
    %dma_start3A_78 = arith.constant 40 : i32
    %dma_start3A_79 = arith.constant 0 : i32
    %dma_start3A_80 = tpu.memref_slice %arg11[%dma_start3A_78, %dma_start3A_79] : memref<80x144xf32, #tpu.memory_space<vmem>> -> memref<40x144xf32, #tpu.memory_space<vmem>>
    %dma_start3A_81 = arith.constant 0 : i32
    %dma_start3A_82 = tpu.memref_slice %arg7[%dma_start3A_76, %dma_start3A_77, %dma_start3A_81] : memref<2x2x40xi32, #tpu.memory_space<vmem>> -> memref<1x1x40xi32, #tpu.memory_space<vmem>>
    %dma_start3A_83 = tpu.memref_squeeze %dma_start3A_82 : memref<1x1x40xi32, #tpu.memory_space<vmem>> -> memref<40xi32, #tpu.memory_space<vmem>>
    %dma_start3A_84 = arith.constant 0 : i32
    %dma_start3A_85 = arith.constant 0 : i32
    %dma_start3A_86 = tpu.memref_slice %arg2[%dma_start3A_84, %dma_start3A_85] : memref<10000x144xf32, #tpu.memory_space<hbm>> -> memref<10000x144xf32, #tpu.memory_space<hbm>>
    tpu.enqueue_indirect_dma source(%dma_start3A_86 : memref<10000x144xf32, #tpu.memory_space<hbm>>) target(%dma_start3A_80 : memref<40x144xf32, #tpu.memory_space<vmem>>) offsets(%dma_start3A_83 : memref<40xi32, #tpu.memory_space<vmem>>) semaphore(%arg18 : memref<!tpu.dma_semaphore, #tpu.memory_space<semaphore_mem>>)
    %dma_start3A_87 = arith.constant 1 : i32
    %dma_start3A_88 = arith.constant 0 : i32
    %dma_start3A_89 = arith.constant 0 : i32
    %dma_start3A_90 = arith.constant 0 : i32
    %dma_start3A_91 = tpu.memref_slice %arg13[%dma_start3A_89, %dma_start3A_90] : memref<80x16xf32, #tpu.memory_space<vmem>> -> memref<40x16xf32, #tpu.memory_space<vmem>>
    %dma_start3A_92 = arith.constant 0 : i32
    %dma_start3A_93 = tpu.memref_slice %arg7[%dma_start3A_87, %dma_start3A_88, %dma_start3A_92] : memref<2x2x40xi32, #tpu.memory_space<vmem>> -> memref<1x1x40xi32, #tpu.memory_space<vmem>>
    %dma_start3A_94 = tpu.memref_squeeze %dma_start3A_93 : memref<1x1x40xi32, #tpu.memory_space<vmem>> -> memref<40xi32, #tpu.memory_space<vmem>>
    %dma_start3A_95 = arith.constant 0 : i32
    %dma_start3A_96 = arith.constant 0 : i32
    %dma_start3A_97 = tpu.memref_slice %arg3[%dma_start3A_95, %dma_start3A_96] : memref<10000x16xf32, #tpu.memory_space<hbm>> -> memref<10000x16xf32, #tpu.memory_space<hbm>>
    tpu.enqueue_indirect_dma source(%dma_start3A_97 : memref<10000x16xf32, #tpu.memory_space<hbm>>) target(%dma_start3A_91 : memref<40x16xf32, #tpu.memory_space<vmem>>) offsets(%dma_start3A_94 : memref<40xi32, #tpu.memory_space<vmem>>) semaphore(%arg20 : memref<!tpu.dma_semaphore, #tpu.memory_space<semaphore_mem>>)
    %dma_start3A_98 = arith.constant 1 : i32
    %dma_start3A_99 = arith.constant 1 : i32
    %dma_start3A_100 = arith.constant 40 : i32
    %dma_start3A_101 = arith.constant 0 : i32
    %dma_start3A_102 = tpu.memref_slice %arg13[%dma_start3A_100, %dma_start3A_101] : memref<80x16xf32, #tpu.memory_space<vmem>> -> memref<40x16xf32, #tpu.memory_space<vmem>>
    %dma_start3A_103 = arith.constant 0 : i32
    %dma_start3A_104 = tpu.memref_slice %arg7[%dma_start3A_98, %dma_start3A_99, %dma_start3A_103] : memref<2x2x40xi32, #tpu.memory_space<vmem>> -> memref<1x1x40xi32, #tpu.memory_space<vmem>>
    %dma_start3A_105 = tpu.memref_squeeze %dma_start3A_104 : memref<1x1x40xi32, #tpu.memory_space<vmem>> -> memref<40xi32, #tpu.memory_space<vmem>>
    %dma_start3A_106 = arith.constant 0 : i32
    %dma_start3A_107 = arith.constant 0 : i32
    %dma_start3A_108 = tpu.memref_slice %arg3[%dma_start3A_106, %dma_start3A_107] : memref<10000x16xf32, #tpu.memory_space<hbm>> -> memref<10000x16xf32, #tpu.memory_space<hbm>>
    tpu.enqueue_indirect_dma source(%dma_start3A_108 : memref<10000x16xf32, #tpu.memory_space<hbm>>) target(%dma_start3A_102 : memref<40x16xf32, #tpu.memory_space<vmem>>) offsets(%dma_start3A_105 : memref<40xi32, #tpu.memory_space<vmem>>) semaphore(%arg20 : memref<!tpu.dma_semaphore, #tpu.memory_space<semaphore_mem>>)
    %dma_wait3A = arith.constant 0 : i32
    %dma_wait3A_109 = arith.constant 0 : i32
    %dma_wait3A_110 = arith.constant 0 : i32
    %dma_wait3A_111 = arith.constant 0 : i32
    %dma_wait3A_112 = tpu.memref_slice %arg10[%dma_wait3A_110, %dma_wait3A_111] : memref<80x144xf32, #tpu.memory_space<vmem>> -> memref<40x144xf32, #tpu.memory_space<vmem>>
    %dma_wait3A_113 = arith.constant 0 : i32
    %dma_wait3A_114 = tpu.memref_slice %arg6[%dma_wait3A, %dma_wait3A_109, %dma_wait3A_113] : memref<2x2x40xi32, #tpu.memory_space<vmem>> -> memref<1x1x40xi32, #tpu.memory_space<vmem>>
    %dma_wait3A_115 = tpu.memref_squeeze %dma_wait3A_114 : memref<1x1x40xi32, #tpu.memory_space<vmem>> -> memref<40xi32, #tpu.memory_space<vmem>>
    %dma_wait3A_116 = arith.constant 0 : i32
    %dma_wait3A_117 = arith.constant 0 : i32
    %dma_wait3A_118 = tpu.memref_slice %arg2[%dma_wait3A_116, %dma_wait3A_117] : memref<10000x144xf32, #tpu.memory_space<hbm>> -> memref<10000x144xf32, #tpu.memory_space<hbm>>
    tpu.wait_indirect_dma semaphore(%arg17 : memref<!tpu.dma_semaphore, #tpu.memory_space<semaphore_mem>>) src(%dma_wait3A_118 : memref<10000x144xf32, #tpu.memory_space<hbm>>) dst(%dma_wait3A_112 : memref<40x144xf32, #tpu.memory_space<vmem>>)
    %dma_wait3A_119 = arith.constant 0 : i32
    %dma_wait3A_120 = arith.constant 1 : i32
    %dma_wait3A_121 = arith.constant 40 : i32
    %dma_wait3A_122 = arith.constant 0 : i32
    %dma_wait3A_123 = tpu.memref_slice %arg10[%dma_wait3A_121, %dma_wait3A_122] : memref<80x144xf32, #tpu.memory_space<vmem>> -> memref<40x144xf32, #tpu.memory_space<vmem>>
    %dma_wait3A_124 = arith.constant 0 : i32
    %dma_wait3A_125 = tpu.memref_slice %arg6[%dma_wait3A_119, %dma_wait3A_120, %dma_wait3A_124] : memref<2x2x40xi32, #tpu.memory_space<vmem>> -> memref<1x1x40xi32, #tpu.memory_space<vmem>>
    %dma_wait3A_126 = tpu.memref_squeeze %dma_wait3A_125 : memref<1x1x40xi32, #tpu.memory_space<vmem>> -> memref<40xi32, #tpu.memory_space<vmem>>
    %dma_wait3A_127 = arith.constant 0 : i32
    %dma_wait3A_128 = arith.constant 0 : i32
    %dma_wait3A_129 = tpu.memref_slice %arg2[%dma_wait3A_127, %dma_wait3A_128] : memref<10000x144xf32, #tpu.memory_space<hbm>> -> memref<10000x144xf32, #tpu.memory_space<hbm>>
    tpu.wait_indirect_dma semaphore(%arg17 : memref<!tpu.dma_semaphore, #tpu.memory_space<semaphore_mem>>) src(%dma_wait3A_129 : memref<10000x144xf32, #tpu.memory_space<hbm>>) dst(%dma_wait3A_123 : memref<40x144xf32, #tpu.memory_space<vmem>>)
    %dma_wait3A_130 = arith.constant 1 : i32
    %dma_wait3A_131 = arith.constant 0 : i32
    %dma_wait3A_132 = arith.constant 0 : i32
    %dma_wait3A_133 = arith.constant 0 : i32
    %dma_wait3A_134 = tpu.memref_slice %arg12[%dma_wait3A_132, %dma_wait3A_133] : memref<80x16xf32, #tpu.memory_space<vmem>> -> memref<40x16xf32, #tpu.memory_space<vmem>>
    %dma_wait3A_135 = arith.constant 0 : i32
    %dma_wait3A_136 = tpu.memref_slice %arg6[%dma_wait3A_130, %dma_wait3A_131, %dma_wait3A_135] : memref<2x2x40xi32, #tpu.memory_space<vmem>> -> memref<1x1x40xi32, #tpu.memory_space<vmem>>
    %dma_wait3A_137 = tpu.memref_squeeze %dma_wait3A_136 : memref<1x1x40xi32, #tpu.memory_space<vmem>> -> memref<40xi32, #tpu.memory_space<vmem>>
    %dma_wait3A_138 = arith.constant 0 : i32
    %dma_wait3A_139 = arith.constant 0 : i32
    %dma_wait3A_140 = tpu.memref_slice %arg3[%dma_wait3A_138, %dma_wait3A_139] : memref<10000x16xf32, #tpu.memory_space<hbm>> -> memref<10000x16xf32, #tpu.memory_space<hbm>>
    tpu.wait_indirect_dma semaphore(%arg19 : memref<!tpu.dma_semaphore, #tpu.memory_space<semaphore_mem>>) src(%dma_wait3A_140 : memref<10000x16xf32, #tpu.memory_space<hbm>>) dst(%dma_wait3A_134 : memref<40x16xf32, #tpu.memory_space<vmem>>)
    %dma_wait3A_141 = arith.constant 1 : i32
    %dma_wait3A_142 = arith.constant 1 : i32
    %dma_wait3A_143 = arith.constant 40 : i32
    %dma_wait3A_144 = arith.constant 0 : i32
    %dma_wait3A_145 = tpu.memref_slice %arg12[%dma_wait3A_143, %dma_wait3A_144] : memref<80x16xf32, #tpu.memory_space<vmem>> -> memref<40x16xf32, #tpu.memory_space<vmem>>
    %dma_wait3A_146 = arith.constant 0 : i32
    %dma_wait3A_147 = tpu.memref_slice %arg6[%dma_wait3A_141, %dma_wait3A_142, %dma_wait3A_146] : memref<2x2x40xi32, #tpu.memory_space<vmem>> -> memref<1x1x40xi32, #tpu.memory_space<vmem>>
    %dma_wait3A_148 = tpu.memref_squeeze %dma_wait3A_147 : memref<1x1x40xi32, #tpu.memory_space<vmem>> -> memref<40xi32, #tpu.memory_space<vmem>>
    %dma_wait3A_149 = arith.constant 0 : i32
    %dma_wait3A_150 = arith.constant 0 : i32
    %dma_wait3A_151 = tpu.memref_slice %arg3[%dma_wait3A_149, %dma_wait3A_150] : memref<10000x16xf32, #tpu.memory_space<hbm>> -> memref<10000x16xf32, #tpu.memory_space<hbm>>
    tpu.wait_indirect_dma semaphore(%arg19 : memref<!tpu.dma_semaphore, #tpu.memory_space<semaphore_mem>>) src(%dma_wait3A_151 : memref<10000x16xf32, #tpu.memory_space<hbm>>) dst(%dma_wait3A_145 : memref<40x16xf32, #tpu.memory_space<vmem>>)
    %scan3A_152 = arith.constant 0 : i32
    %scan3A_153 = arith.constant 0 : i32
    %scan3A_154 = arith.constant 40 : i32
    %scan3A_155 = arith.addi %scan3A_153, %scan3A_154 : i32
    %scan3A_156 = arith.constant 1 : i32
    %scan3A_157 = scf.for %scan3A_231 = %scan3A_153 to %scan3A_155 step %scan3A_156 iter_args(%scan3A_232 = %scan3A_152) -> (i32)  : i32 {
      %add3A_233 = arith.constant 0 : i32
      %add3A_234 = arith.addi %add3A_233, %scan3A_231 : i32
      %get3A = arith.index_cast %add3A_234 : i32 to index
      %get3A_235 = arith.constant 128 : index
      %get3A_236 = tpu.vector_load %arg10[%get3A, %get3A_235] {strides = array<i32>} : memref<80x144xf32, #tpu.memory_space<vmem>>, vector<1x16xf32>,
      %get3A_237 = vector.shape_cast %get3A_236 : vector<1x16xf32> to vector<16xf32>
      %get3A_238 = arith.index_cast %add3A_234 : i32 to index
      %get3A_239 = arith.constant 0 : index
      %get3A_240 = tpu.vector_load %arg12[%get3A_238, %get3A_239] {strides = array<i32>} : memref<80x16xf32, #tpu.memory_space<vmem>>, vector<1x16xf32>,
      %get3A_241 = vector.shape_cast %get3A_240 : vector<1x16xf32> to vector<16xf32>
      %add3A_242 = arith.addf %get3A_237, %get3A_241 : vector<16xf32>
      %mul3A_243 = arith.constant 2.000000e-01 : f32
      %mul3A_244 = vector.broadcast %mul3A_243 : f32 to vector<16xf32>
      %mul3A_245 = arith.mulf %mul3A_244, %add3A_242 : vector<16xf32>
      %max3A = arith.maximumf %add3A_242, %mul3A_245 : vector<16xf32>
      %exp3A = math.exp %max3A : vector<16xf32>
      %swap3A = arith.index_cast %scan3A_231 : i32 to index
      %swap3A_246 = arith.constant 128 : index
      %swap3A_247 = tpu.vector_load %arg14[%swap3A, %swap3A_246] {strides = array<i32>} : memref<40x144xf32, #tpu.memory_space<vmem>>, vector<1x16xf32>,
      %swap3A_248 = vector.shape_cast %swap3A_247 : vector<1x16xf32> to vector<16xf32>
      %swap3A_249 = vector.shape_cast %exp3A : vector<16xf32> to vector<1x16xf32>
      tpu.vector_store %arg14[%swap3A, %swap3A_246], %swap3A_249 {strides = array<i32>} : memref<40x144xf32, #tpu.memory_space<vmem>>, vector<1x16xf32>,
      %get3A_250 = arith.index_cast %add3A_234 : i32 to index
      %get3A_251 = arith.constant 0 : index
      %get3A_252 = tpu.vector_load %arg10[%get3A_250, %get3A_251] {strides = array<i32>} : memref<80x144xf32, #tpu.memory_space<vmem>>, vector<1x16xf32>,
      %get3A_253 = vector.shape_cast %get3A_252 : vector<1x16xf32> to vector<16xf32>
      %slice3A = vector.extract_strided_slice %exp3A {offsets = [0], sizes = [1], strides = [1]} : vector<16xf32> to vector<1xf32>
      %squeeze3A = vector.extract %slice3A[0] : f32 from vector<1xf32>
      %mul3A_254 = vector.broadcast %squeeze3A : f32 to vector<16xf32>
      %mul3A_255 = arith.mulf %get3A_253, %mul3A_254 : vector<16xf32>
      %swap3A_256 = arith.index_cast %scan3A_231 : i32 to index
      %swap3A_257 = arith.constant 0 : index
      %swap3A_258 = tpu.vector_load %arg14[%swap3A_256, %swap3A_257] {strides = array<i32>} : memref<40x144xf32, #tpu.memory_space<vmem>>, vector<1x16xf32>,
      %swap3A_259 = vector.shape_cast %swap3A_258 : vector<1x16xf32> to vector<16xf32>
      %swap3A_260 = vector.shape_cast %mul3A_255 : vector<16xf32> to vector<1x16xf32>
      tpu.vector_store %arg14[%swap3A_256, %swap3A_257], %swap3A_260 {strides = array<i32>} : memref<40x144xf32, #tpu.memory_space<vmem>>, vector<1x16xf32>,
      %get3A_261 = arith.index_cast %add3A_234 : i32 to index
      %get3A_262 = arith.constant 16 : index
      %get3A_263 = tpu.vector_load %arg10[%get3A_261, %get3A_262] {strides = array<i32>} : memref<80x144xf32, #tpu.memory_space<vmem>>, vector<1x16xf32>,
      %get3A_264 = vector.shape_cast %get3A_263 : vector<1x16xf32> to vector<16xf32>
      %slice3A_265 = vector.extract_strided_slice %exp3A {offsets = [1], sizes = [1], strides = [1]} : vector<16xf32> to vector<1xf32>
      %squeeze3A_266 = vector.extract %slice3A_265[0] : f32 from vector<1xf32>
      %mul3A_267 = vector.broadcast %squeeze3A_266 : f32 to vector<16xf32>
      %mul3A_268 = arith.mulf %get3A_264, %mul3A_267 : vector<16xf32>
      %swap3A_269 = arith.index_cast %scan3A_231 : i32 to index
      %swap3A_270 = arith.constant 16 : index
      %swap3A_271 = tpu.vector_load %arg14[%swap3A_269, %swap3A_270] {strides = array<i32>} : memref<40x144xf32, #tpu.memory_space<vmem>>, vector<1x16xf32>,
      %swap3A_272 = vector.shape_cast %swap3A_271 : vector<1x16xf32> to vector<16xf32>
      %swap3A_273 = vector.shape_cast %mul3A_268 : vector<16xf32> to vector<1x16xf32>
      tpu.vector_store %arg14[%swap3A_269, %swap3A_270], %swap3A_273 {strides = array<i32>} : memref<40x144xf32, #tpu.memory_space<vmem>>, vector<1x16xf32>,
      %get3A_274 = arith.index_cast %add3A_234 : i32 to index
      %get3A_275 = arith.constant 32 : index
      %get3A_276 = tpu.vector_load %arg10[%get3A_274, %get3A_275] {strides = array<i32>} : memref<80x144xf32, #tpu.memory_space<vmem>>, vector<1x16xf32>,
      %get3A_277 = vector.shape_cast %get3A_276 : vector<1x16xf32> to vector<16xf32>
      %slice3A_278 = vector.extract_strided_slice %exp3A {offsets = [2], sizes = [1], strides = [1]} : vector<16xf32> to vector<1xf32>
      %squeeze3A_279 = vector.extract %slice3A_278[0] : f32 from vector<1xf32>
      %mul3A_280 = vector.broadcast %squeeze3A_279 : f32 to vector<16xf32>
      %mul3A_281 = arith.mulf %get3A_277, %mul3A_280 : vector<16xf32>
      %swap3A_282 = arith.index_cast %scan3A_231 : i32 to index
      %swap3A_283 = arith.constant 32 : index
      %swap3A_284 = tpu.vector_load %arg14[%swap3A_282, %swap3A_283] {strides = array<i32>} : memref<40x144xf32, #tpu.memory_space<vmem>>, vector<1x16xf32>,
      %swap3A_285 = vector.shape_cast %swap3A_284 : vector<1x16xf32> to vector<16xf32>
      %swap3A_286 = vector.shape_cast %mul3A_281 : vector<16xf32> to vector<1x16xf32>
      tpu.vector_store %arg14[%swap3A_282, %swap3A_283], %swap3A_286 {strides = array<i32>} : memref<40x144xf32, #tpu.memory_space<vmem>>, vector<1x16xf32>,
      %get3A_287 = arith.index_cast %add3A_234 : i32 to index
      %get3A_288 = arith.constant 48 : index
      %get3A_289 = tpu.vector_load %arg10[%get3A_287, %get3A_288] {strides = array<i32>} : memref<80x144xf32, #tpu.memory_space<vmem>>, vector<1x16xf32>,
      %get3A_290 = vector.shape_cast %get3A_289 : vector<1x16xf32> to vector<16xf32>
      %slice3A_291 = vector.extract_strided_slice %exp3A {offsets = [3], sizes = [1], strides = [1]} : vector<16xf32> to vector<1xf32>
      %squeeze3A_292 = vector.extract %slice3A_291[0] : f32 from vector<1xf32>
      %mul3A_293 = vector.broadcast %squeeze3A_292 : f32 to vector<16xf32>
      %mul3A_294 = arith.mulf %get3A_290, %mul3A_293 : vector<16xf32>
      %swap3A_295 = arith.index_cast %scan3A_231 : i32 to index
      %swap3A_296 = arith.constant 48 : index
      %swap3A_297 = tpu.vector_load %arg14[%swap3A_295, %swap3A_296] {strides = array<i32>} : memref<40x144xf32, #tpu.memory_space<vmem>>, vector<1x16xf32>,
      %swap3A_298 = vector.shape_cast %swap3A_297 : vector<1x16xf32> to vector<16xf32>
      %swap3A_299 = vector.shape_cast %mul3A_294 : vector<16xf32> to vector<1x16xf32>
      tpu.vector_store %arg14[%swap3A_295, %swap3A_296], %swap3A_299 {strides = array<i32>} : memref<40x144xf32, #tpu.memory_space<vmem>>, vector<1x16xf32>,
      %get3A_300 = arith.index_cast %add3A_234 : i32 to index
      %get3A_301 = arith.constant 64 : index
      %get3A_302 = tpu.vector_load %arg10[%get3A_300, %get3A_301] {strides = array<i32>} : memref<80x144xf32, #tpu.memory_space<vmem>>, vector<1x16xf32>,
      %get3A_303 = vector.shape_cast %get3A_302 : vector<1x16xf32> to vector<16xf32>
      %slice3A_304 = vector.extract_strided_slice %exp3A {offsets = [4], sizes = [1], strides = [1]} : vector<16xf32> to vector<1xf32>
      %squeeze3A_305 = vector.extract %slice3A_304[0] : f32 from vector<1xf32>
      %mul3A_306 = vector.broadcast %squeeze3A_305 : f32 to vector<16xf32>
      %mul3A_307 = arith.mulf %get3A_303, %mul3A_306 : vector<16xf32>
      %swap3A_308 = arith.index_cast %scan3A_231 : i32 to index
      %swap3A_309 = arith.constant 64 : index
      %swap3A_310 = tpu.vector_load %arg14[%swap3A_308, %swap3A_309] {strides = array<i32>} : memref<40x144xf32, #tpu.memory_space<vmem>>, vector<1x16xf32>,
      %swap3A_311 = vector.shape_cast %swap3A_310 : vector<1x16xf32> to vector<16xf32>
      %swap3A_312 = vector.shape_cast %mul3A_307 : vector<16xf32> to vector<1x16xf32>
      tpu.vector_store %arg14[%swap3A_308, %swap3A_309], %swap3A_312 {strides = array<i32>} : memref<40x144xf32, #tpu.memory_space<vmem>>, vector<1x16xf32>,
      %get3A_313 = arith.index_cast %add3A_234 : i32 to index
      %get3A_314 = arith.constant 80 : index
      %get3A_315 = tpu.vector_load %arg10[%get3A_313, %get3A_314] {strides = array<i32>} : memref<80x144xf32, #tpu.memory_space<vmem>>, vector<1x16xf32>,
      %get3A_316 = vector.shape_cast %get3A_315 : vector<1x16xf32> to vector<16xf32>
      %slice3A_317 = vector.extract_strided_slice %exp3A {offsets = [5], sizes = [1], strides = [1]} : vector<16xf32> to vector<1xf32>
      %squeeze3A_318 = vector.extract %slice3A_317[0] : f32 from vector<1xf32>
      %mul3A_319 = vector.broadcast %squeeze3A_318 : f32 to vector<16xf32>
      %mul3A_320 = arith.mulf %get3A_316, %mul3A_319 : vector<16xf32>
      %swap3A_321 = arith.index_cast %scan3A_231 : i32 to index
      %swap3A_322 = arith.constant 80 : index
      %swap3A_323 = tpu.vector_load %arg14[%swap3A_321, %swap3A_322] {strides = array<i32>} : memref<40x144xf32, #tpu.memory_space<vmem>>, vector<1x16xf32>,
      %swap3A_324 = vector.shape_cast %swap3A_323 : vector<1x16xf32> to vector<16xf32>
      %swap3A_325 = vector.shape_cast %mul3A_320 : vector<16xf32> to vector<1x16xf32>
      tpu.vector_store %arg14[%swap3A_321, %swap3A_322], %swap3A_325 {strides = array<i32>} : memref<40x144xf32, #tpu.memory_space<vmem>>, vector<1x16xf32>,
      %get3A_326 = arith.index_cast %add3A_234 : i32 to index
      %get3A_327 = arith.constant 96 : index
      %get3A_328 = tpu.vector_load %arg10[%get3A_326, %get3A_327] {strides = array<i32>} : memref<80x144xf32, #tpu.memory_space<vmem>>, vector<1x16xf32>,
      %get3A_329 = vector.shape_cast %get3A_328 : vector<1x16xf32> to vector<16xf32>
      %slice3A_330 = vector.extract_strided_slice %exp3A {offsets = [6], sizes = [1], strides = [1]} : vector<16xf32> to vector<1xf32>
      %squeeze3A_331 = vector.extract %slice3A_330[0] : f32 from vector<1xf32>
      %mul3A_332 = vector.broadcast %squeeze3A_331 : f32 to vector<16xf32>
      %mul3A_333 = arith.mulf %get3A_329, %mul3A_332 : vector<16xf32>
      %swap3A_334 = arith.index_cast %scan3A_231 : i32 to index
      %swap3A_335 = arith.constant 96 : index
      %swap3A_336 = tpu.vector_load %arg14[%swap3A_334, %swap3A_335] {strides = array<i32>} : memref<40x144xf32, #tpu.memory_space<vmem>>, vector<1x16xf32>,
      %swap3A_337 = vector.shape_cast %swap3A_336 : vector<1x16xf32> to vector<16xf32>
      %swap3A_338 = vector.shape_cast %mul3A_333 : vector<16xf32> to vector<1x16xf32>
      tpu.vector_store %arg14[%swap3A_334, %swap3A_335], %swap3A_338 {strides = array<i32>} : memref<40x144xf32, #tpu.memory_space<vmem>>, vector<1x16xf32>,
      %get3A_339 = arith.index_cast %add3A_234 : i32 to index
      %get3A_340 = arith.constant 112 : index
      %get3A_341 = tpu.vector_load %arg10[%get3A_339, %get3A_340] {strides = array<i32>} : memref<80x144xf32, #tpu.memory_space<vmem>>, vector<1x16xf32>,
      %get3A_342 = vector.shape_cast %get3A_341 : vector<1x16xf32> to vector<16xf32>
      %slice3A_343 = vector.extract_strided_slice %exp3A {offsets = [7], sizes = [1], strides = [1]} : vector<16xf32> to vector<1xf32>
      %squeeze3A_344 = vector.extract %slice3A_343[0] : f32 from vector<1xf32>
      %mul3A_345 = vector.broadcast %squeeze3A_344 : f32 to vector<16xf32>
      %mul3A_346 = arith.mulf %get3A_342, %mul3A_345 : vector<16xf32>
      %swap3A_347 = arith.index_cast %scan3A_231 : i32 to index
      %swap3A_348 = arith.constant 112 : index
      %swap3A_349 = tpu.vector_load %arg14[%swap3A_347, %swap3A_348] {strides = array<i32>} : memref<40x144xf32, #tpu.memory_space<vmem>>, vector<1x16xf32>,
      %swap3A_350 = vector.shape_cast %swap3A_349 : vector<1x16xf32> to vector<16xf32>
      %swap3A_351 = vector.shape_cast %mul3A_346 : vector<16xf32> to vector<1x16xf32>
      tpu.vector_store %arg14[%swap3A_347, %swap3A_348], %swap3A_351 {strides = array<i32>} : memref<40x144xf32, #tpu.memory_space<vmem>>, vector<1x16xf32>,
      %scan3A_352 = arith.constant 0 : i32
      scf.yield %scan3A_352 : i32
    }
    %scan3A_158 = arith.constant 40 : i32
    %dma_start3A_159 = arith.constant 1 : i32
    %dma_start3A_160 = arith.constant 0 : i32
    %dma_start3A_161 = arith.constant 0 : i32
    %dma_start3A_162 = tpu.memref_slice %arg6[%dma_start3A_159, %dma_start3A_160, %dma_start3A_161] : memref<2x2x40xi32, #tpu.memory_space<vmem>> -> memref<1x1x40xi32, #tpu.memory_space<vmem>>
    %dma_start3A_163 = tpu.memref_squeeze %dma_start3A_162 : memref<1x1x40xi32, #tpu.memory_space<vmem>> -> memref<40xi32, #tpu.memory_space<vmem>>
    %dma_start3A_164 = arith.constant 0 : i32
    %dma_start3A_165 = arith.constant 0 : i32
    %dma_start3A_166 = tpu.memref_slice %arg16[%dma_start3A_164, %dma_start3A_165] : memref<10240x144xf32, #tpu.memory_space<vmem_shared>> -> memref<10240x144xf32, #tpu.memory_space<vmem_shared>>
    tpu.enqueue_indirect_dma source(%arg14 : memref<40x144xf32, #tpu.memory_space<vmem>>) target(%dma_start3A_166 : memref<10240x144xf32, #tpu.memory_space<vmem_shared>>) offsets(%dma_start3A_163 : memref<40xi32, #tpu.memory_space<vmem>>) semaphore(%arg21 : memref<!tpu.dma_semaphore, #tpu.memory_space<semaphore_mem>>) {add = true}
    %scan3A_167 = arith.constant 0 : i32
    %scan3A_168 = arith.constant 0 : i32
    %scan3A_169 = arith.constant 40 : i32
    %scan3A_170 = arith.addi %scan3A_168, %scan3A_169 : i32
    %scan3A_171 = arith.constant 1 : i32
    %scan3A_172 = scf.for %scan3A_231 = %scan3A_168 to %scan3A_170 step %scan3A_171 iter_args(%scan3A_232 = %scan3A_167) -> (i32)  : i32 {
      %add3A_233 = arith.constant 40 : i32
      %add3A_234 = arith.addi %add3A_233, %scan3A_231 : i32
      %get3A = arith.index_cast %add3A_234 : i32 to index
      %get3A_235 = arith.constant 128 : index
      %get3A_236 = tpu.vector_load %arg10[%get3A, %get3A_235] {strides = array<i32>} : memref<80x144xf32, #tpu.memory_space<vmem>>, vector<1x16xf32>,
      %get3A_237 = vector.shape_cast %get3A_236 : vector<1x16xf32> to vector<16xf32>
      %get3A_238 = arith.index_cast %add3A_234 : i32 to index
      %get3A_239 = arith.constant 0 : index
      %get3A_240 = tpu.vector_load %arg12[%get3A_238, %get3A_239] {strides = array<i32>} : memref<80x16xf32, #tpu.memory_space<vmem>>, vector<1x16xf32>,
      %get3A_241 = vector.shape_cast %get3A_240 : vector<1x16xf32> to vector<16xf32>
      %add3A_242 = arith.addf %get3A_237, %get3A_241 : vector<16xf32>
      %mul3A_243 = arith.constant 2.000000e-01 : f32
      %mul3A_244 = vector.broadcast %mul3A_243 : f32 to vector<16xf32>
      %mul3A_245 = arith.mulf %mul3A_244, %add3A_242 : vector<16xf32>
      %max3A = arith.maximumf %add3A_242, %mul3A_245 : vector<16xf32>
      %exp3A = math.exp %max3A : vector<16xf32>
      %swap3A = arith.index_cast %scan3A_231 : i32 to index
      %swap3A_246 = arith.constant 128 : index
      %swap3A_247 = tpu.vector_load %arg15[%swap3A, %swap3A_246] {strides = array<i32>} : memref<40x144xf32, #tpu.memory_space<vmem>>, vector<1x16xf32>,
      %swap3A_248 = vector.shape_cast %swap3A_247 : vector<1x16xf32> to vector<16xf32>
      %swap3A_249 = vector.shape_cast %exp3A : vector<16xf32> to vector<1x16xf32>
      tpu.vector_store %arg15[%swap3A, %swap3A_246], %swap3A_249 {strides = array<i32>} : memref<40x144xf32, #tpu.memory_space<vmem>>, vector<1x16xf32>,
      %get3A_250 = arith.index_cast %add3A_234 : i32 to index
      %get3A_251 = arith.constant 0 : index
      %get3A_252 = tpu.vector_load %arg10[%get3A_250, %get3A_251] {strides = array<i32>} : memref<80x144xf32, #tpu.memory_space<vmem>>, vector<1x16xf32>,
      %get3A_253 = vector.shape_cast %get3A_252 : vector<1x16xf32> to vector<16xf32>
      %slice3A = vector.extract_strided_slice %exp3A {offsets = [0], sizes = [1], strides = [1]} : vector<16xf32> to vector<1xf32>
      %squeeze3A = vector.extract %slice3A[0] : f32 from vector<1xf32>
      %mul3A_254 = vector.broadcast %squeeze3A : f32 to vector<16xf32>
      %mul3A_255 = arith.mulf %get3A_253, %mul3A_254 : vector<16xf32>
      %swap3A_256 = arith.index_cast %scan3A_231 : i32 to index
      %swap3A_257 = arith.constant 0 : index
      %swap3A_258 = tpu.vector_load %arg15[%swap3A_256, %swap3A_257] {strides = array<i32>} : memref<40x144xf32, #tpu.memory_space<vmem>>, vector<1x16xf32>,
      %swap3A_259 = vector.shape_cast %swap3A_258 : vector<1x16xf32> to vector<16xf32>
      %swap3A_260 = vector.shape_cast %mul3A_255 : vector<16xf32> to vector<1x16xf32>
      tpu.vector_store %arg15[%swap3A_256, %swap3A_257], %swap3A_260 {strides = array<i32>} : memref<40x144xf32, #tpu.memory_space<vmem>>, vector<1x16xf32>,
      %get3A_261 = arith.index_cast %add3A_234 : i32 to index
      %get3A_262 = arith.constant 16 : index
      %get3A_263 = tpu.vector_load %arg10[%get3A_261, %get3A_262] {strides = array<i32>} : memref<80x144xf32, #tpu.memory_space<vmem>>, vector<1x16xf32>,
      %get3A_264 = vector.shape_cast %get3A_263 : vector<1x16xf32> to vector<16xf32>
      %slice3A_265 = vector.extract_strided_slice %exp3A {offsets = [1], sizes = [1], strides = [1]} : vector<16xf32> to vector<1xf32>
      %squeeze3A_266 = vector.extract %slice3A_265[0] : f32 from vector<1xf32>
      %mul3A_267 = vector.broadcast %squeeze3A_266 : f32 to vector<16xf32>
      %mul3A_268 = arith.mulf %get3A_264, %mul3A_267 : vector<16xf32>
      %swap3A_269 = arith.index_cast %scan3A_231 : i32 to index
      %swap3A_270 = arith.constant 16 : index
      %swap3A_271 = tpu.vector_load %arg15[%swap3A_269, %swap3A_270] {strides = array<i32>} : memref<40x144xf32, #tpu.memory_space<vmem>>, vector<1x16xf32>,
      %swap3A_272 = vector.shape_cast %swap3A_271 : vector<1x16xf32> to vector<16xf32>
      %swap3A_273 = vector.shape_cast %mul3A_268 : vector<16xf32> to vector<1x16xf32>
      tpu.vector_store %arg15[%swap3A_269, %swap3A_270], %swap3A_273 {strides = array<i32>} : memref<40x144xf32, #tpu.memory_space<vmem>>, vector<1x16xf32>,
      %get3A_274 = arith.index_cast %add3A_234 : i32 to index
      %get3A_275 = arith.constant 32 : index
      %get3A_276 = tpu.vector_load %arg10[%get3A_274, %get3A_275] {strides = array<i32>} : memref<80x144xf32, #tpu.memory_space<vmem>>, vector<1x16xf32>,
      %get3A_277 = vector.shape_cast %get3A_276 : vector<1x16xf32> to vector<16xf32>
      %slice3A_278 = vector.extract_strided_slice %exp3A {offsets = [2], sizes = [1], strides = [1]} : vector<16xf32> to vector<1xf32>
      %squeeze3A_279 = vector.extract %slice3A_278[0] : f32 from vector<1xf32>
      %mul3A_280 = vector.broadcast %squeeze3A_279 : f32 to vector<16xf32>
      %mul3A_281 = arith.mulf %get3A_277, %mul3A_280 : vector<16xf32>
      %swap3A_282 = arith.index_cast %scan3A_231 : i32 to index
      %swap3A_283 = arith.constant 32 : index
      %swap3A_284 = tpu.vector_load %arg15[%swap3A_282, %swap3A_283] {strides = array<i32>} : memref<40x144xf32, #tpu.memory_space<vmem>>, vector<1x16xf32>,
      %swap3A_285 = vector.shape_cast %swap3A_284 : vector<1x16xf32> to vector<16xf32>
      %swap3A_286 = vector.shape_cast %mul3A_281 : vector<16xf32> to vector<1x16xf32>
      tpu.vector_store %arg15[%swap3A_282, %swap3A_283], %swap3A_286 {strides = array<i32>} : memref<40x144xf32, #tpu.memory_space<vmem>>, vector<1x16xf32>,
      %get3A_287 = arith.index_cast %add3A_234 : i32 to index
      %get3A_288 = arith.constant 48 : index
      %get3A_289 = tpu.vector_load %arg10[%get3A_287, %get3A_288] {strides = array<i32>} : memref<80x144xf32, #tpu.memory_space<vmem>>, vector<1x16xf32>,
      %get3A_290 = vector.shape_cast %get3A_289 : vector<1x16xf32> to vector<16xf32>
      %slice3A_291 = vector.extract_strided_slice %exp3A {offsets = [3], sizes = [1], strides = [1]} : vector<16xf32> to vector<1xf32>
      %squeeze3A_292 = vector.extract %slice3A_291[0] : f32 from vector<1xf32>
      %mul3A_293 = vector.broadcast %squeeze3A_292 : f32 to vector<16xf32>
      %mul3A_294 = arith.mulf %get3A_290, %mul3A_293 : vector<16xf32>
      %swap3A_295 = arith.index_cast %scan3A_231 : i32 to index
      %swap3A_296 = arith.constant 48 : index
      %swap3A_297 = tpu.vector_load %arg15[%swap3A_295, %swap3A_296] {strides = array<i32>} : memref<40x144xf32, #tpu.memory_space<vmem>>, vector<1x16xf32>,
      %swap3A_298 = vector.shape_cast %swap3A_297 : vector<1x16xf32> to vector<16xf32>
      %swap3A_299 = vector.shape_cast %mul3A_294 : vector<16xf32> to vector<1x16xf32>
      tpu.vector_store %arg15[%swap3A_295, %swap3A_296], %swap3A_299 {strides = array<i32>} : memref<40x144xf32, #tpu.memory_space<vmem>>, vector<1x16xf32>,
      %get3A_300 = arith.index_cast %add3A_234 : i32 to index
      %get3A_301 = arith.constant 64 : index
      %get3A_302 = tpu.vector_load %arg10[%get3A_300, %get3A_301] {strides = array<i32>} : memref<80x144xf32, #tpu.memory_space<vmem>>, vector<1x16xf32>,
      %get3A_303 = vector.shape_cast %get3A_302 : vector<1x16xf32> to vector<16xf32>
      %slice3A_304 = vector.extract_strided_slice %exp3A {offsets = [4], sizes = [1], strides = [1]} : vector<16xf32> to vector<1xf32>
      %squeeze3A_305 = vector.extract %slice3A_304[0] : f32 from vector<1xf32>
      %mul3A_306 = vector.broadcast %squeeze3A_305 : f32 to vector<16xf32>
      %mul3A_307 = arith.mulf %get3A_303, %mul3A_306 : vector<16xf32>
      %swap3A_308 = arith.index_cast %scan3A_231 : i32 to index
      %swap3A_309 = arith.constant 64 : index
      %swap3A_310 = tpu.vector_load %arg15[%swap3A_308, %swap3A_309] {strides = array<i32>} : memref<40x144xf32, #tpu.memory_space<vmem>>, vector<1x16xf32>,
      %swap3A_311 = vector.shape_cast %swap3A_310 : vector<1x16xf32> to vector<16xf32>
      %swap3A_312 = vector.shape_cast %mul3A_307 : vector<16xf32> to vector<1x16xf32>
      tpu.vector_store %arg15[%swap3A_308, %swap3A_309], %swap3A_312 {strides = array<i32>} : memref<40x144xf32, #tpu.memory_space<vmem>>, vector<1x16xf32>,
      %get3A_313 = arith.index_cast %add3A_234 : i32 to index
      %get3A_314 = arith.constant 80 : index
      %get3A_315 = tpu.vector_load %arg10[%get3A_313, %get3A_314] {strides = array<i32>} : memref<80x144xf32, #tpu.memory_space<vmem>>, vector<1x16xf32>,
      %get3A_316 = vector.shape_cast %get3A_315 : vector<1x16xf32> to vector<16xf32>
      %slice3A_317 = vector.extract_strided_slice %exp3A {offsets = [5], sizes = [1], strides = [1]} : vector<16xf32> to vector<1xf32>
      %squeeze3A_318 = vector.extract %slice3A_317[0] : f32 from vector<1xf32>
      %mul3A_319 = vector.broadcast %squeeze3A_318 : f32 to vector<16xf32>
      %mul3A_320 = arith.mulf %get3A_316, %mul3A_319 : vector<16xf32>
      %swap3A_321 = arith.index_cast %scan3A_231 : i32 to index
      %swap3A_322 = arith.constant 80 : index
      %swap3A_323 = tpu.vector_load %arg15[%swap3A_321, %swap3A_322] {strides = array<i32>} : memref<40x144xf32, #tpu.memory_space<vmem>>, vector<1x16xf32>,
      %swap3A_324 = vector.shape_cast %swap3A_323 : vector<1x16xf32> to vector<16xf32>
      %swap3A_325 = vector.shape_cast %mul3A_320 : vector<16xf32> to vector<1x16xf32>
      tpu.vector_store %arg15[%swap3A_321, %swap3A_322], %swap3A_325 {strides = array<i32>} : memref<40x144xf32, #tpu.memory_space<vmem>>, vector<1x16xf32>,
      %get3A_326 = arith.index_cast %add3A_234 : i32 to index
      %get3A_327 = arith.constant 96 : index
      %get3A_328 = tpu.vector_load %arg10[%get3A_326, %get3A_327] {strides = array<i32>} : memref<80x144xf32, #tpu.memory_space<vmem>>, vector<1x16xf32>,
      %get3A_329 = vector.shape_cast %get3A_328 : vector<1x16xf32> to vector<16xf32>
      %slice3A_330 = vector.extract_strided_slice %exp3A {offsets = [6], sizes = [1], strides = [1]} : vector<16xf32> to vector<1xf32>
      %squeeze3A_331 = vector.extract %slice3A_330[0] : f32 from vector<1xf32>
      %mul3A_332 = vector.broadcast %squeeze3A_331 : f32 to vector<16xf32>
      %mul3A_333 = arith.mulf %get3A_329, %mul3A_332 : vector<16xf32>
      %swap3A_334 = arith.index_cast %scan3A_231 : i32 to index
      %swap3A_335 = arith.constant 96 : index
      %swap3A_336 = tpu.vector_load %arg15[%swap3A_334, %swap3A_335] {strides = array<i32>} : memref<40x144xf32, #tpu.memory_space<vmem>>, vector<1x16xf32>,
      %swap3A_337 = vector.shape_cast %swap3A_336 : vector<1x16xf32> to vector<16xf32>
      %swap3A_338 = vector.shape_cast %mul3A_333 : vector<16xf32> to vector<1x16xf32>
      tpu.vector_store %arg15[%swap3A_334, %swap3A_335], %swap3A_338 {strides = array<i32>} : memref<40x144xf32, #tpu.memory_space<vmem>>, vector<1x16xf32>,
      %get3A_339 = arith.index_cast %add3A_234 : i32 to index
      %get3A_340 = arith.constant 112 : index
      %get3A_341 = tpu.vector_load %arg10[%get3A_339, %get3A_340] {strides = array<i32>} : memref<80x144xf32, #tpu.memory_space<vmem>>, vector<1x16xf32>,
      %get3A_342 = vector.shape_cast %get3A_341 : vector<1x16xf32> to vector<16xf32>
      %slice3A_343 = vector.extract_strided_slice %exp3A {offsets = [7], sizes = [1], strides = [1]} : vector<16xf32> to vector<1xf32>
      %squeeze3A_344 = vector.extract %slice3A_343[0] : f32 from vector<1xf32>
      %mul3A_345 = vector.broadcast %squeeze3A_344 : f32 to vector<16xf32>
      %mul3A_346 = arith.mulf %get3A_342, %mul3A_345 : vector<16xf32>
      %swap3A_347 = arith.index_cast %scan3A_231 : i32 to index
      %swap3A_348 = arith.constant 112 : index
      %swap3A_349 = tpu.vector_load %arg15[%swap3A_347, %swap3A_348] {strides = array<i32>} : memref<40x144xf32, #tpu.memory_space<vmem>>, vector<1x16xf32>,
      %swap3A_350 = vector.shape_cast %swap3A_349 : vector<1x16xf32> to vector<16xf32>
      %swap3A_351 = vector.shape_cast %mul3A_346 : vector<16xf32> to vector<1x16xf32>
      tpu.vector_store %arg15[%swap3A_347, %swap3A_348], %swap3A_351 {strides = array<i32>} : memref<40x144xf32, #tpu.memory_space<vmem>>, vector<1x16xf32>,
      %scan3A_352 = arith.constant 0 : i32
      scf.yield %scan3A_352 : i32
    }
    %scan3A_173 = arith.constant 40 : i32
    %dma_start3A_174 = arith.constant 1 : i32
    %dma_start3A_175 = arith.constant 1 : i32
    %dma_start3A_176 = arith.constant 0 : i32
    %dma_start3A_177 = tpu.memref_slice %arg6[%dma_start3A_174, %dma_start3A_175, %dma_start3A_176] : memref<2x2x40xi32, #tpu.memory_space<vmem>> -> memref<1x1x40xi32, #tpu.memory_space<vmem>>
    %dma_start3A_178 = tpu.memref_squeeze %dma_start3A_177 : memref<1x1x40xi32, #tpu.memory_space<vmem>> -> memref<40xi32, #tpu.memory_space<vmem>>
    %dma_start3A_179 = arith.constant 0 : i32
    %dma_start3A_180 = arith.constant 0 : i32
    %dma_start3A_181 = tpu.memref_slice %arg16[%dma_start3A_179, %dma_start3A_180] : memref<10240x144xf32, #tpu.memory_space<vmem_shared>> -> memref<10240x144xf32, #tpu.memory_space<vmem_shared>>
    tpu.enqueue_indirect_dma source(%arg15 : memref<40x144xf32, #tpu.memory_space<vmem>>) target(%dma_start3A_181 : memref<10240x144xf32, #tpu.memory_space<vmem_shared>>) offsets(%dma_start3A_178 : memref<40xi32, #tpu.memory_space<vmem>>) semaphore(%arg22 : memref<!tpu.dma_semaphore, #tpu.memory_space<semaphore_mem>>) {add = true}
    %scan3A_182 = arith.constant 0 : i32
    %scan3A_183 = arith.constant 0 : i32
    %scan3A_184 = arith.constant 31 : i32
    %scan3A_185 = arith.addi %scan3A_183, %scan3A_184 : i32
    %scan3A_186 = arith.constant 1 : i32
    %scan3A_187 = scf.for %scan3A_231 = %scan3A_183 to %scan3A_185 step %scan3A_186 iter_args(%scan3A_232 = %scan3A_182) -> (i32)  : i32 {
      %mul3A_233 = arith.constant 4 : i32
      %mul3A_234 = arith.muli %mul3A_233, %scan3A_231 : i32
      %add3A_235 = arith.constant 1 : i32
      %add3A_236 = arith.addi %mul3A_234, %add3A_235 : i32
      %add3A_237 = arith.constant 1 : i32
      %add3A_238 = arith.addi %add3A_236, %add3A_237 : i32
      %lt3A = arith.constant 125 : i32
      %lt3A_239 = arith.cmpi slt, %add3A_238, %lt3A : i32
      %convert_element_type3A = arith.extui %lt3A_239 : i1 to i32
      %cond3A = arith.constant 0 : i32
      %cond3A_240 = arith.cmpi ne, %convert_element_type3A, %cond3A : i32
      scf.if %cond3A_240 {
        "tpu.region"() ({
          %run_scoped3A_667 = tpu.sem_alloc : memref<!tpu.dma_semaphore, #tpu.memory_space<semaphore_mem>>
          %dma_start3A_668 = arith.constant 0 : i32
          %dma_start3A_669 = arith.constant 0 : i32
          %dma_start3A_670 = arith.constant 0 : i32
          %dma_start3A_671 = tpu.memref_slice %arg4[%dma_start3A_668, %add3A, %add3A_238, %dma_start3A_669, %dma_start3A_670] : memref<2x32x125x2x40xi32, #tpu.memory_space<hbm>> -> memref<2x1x1x2x40xi32, #tpu.memory_space<hbm>>
          %dma_start3A_672 = tpu.memref_squeeze %dma_start3A_671 : memref<2x1x1x2x40xi32, #tpu.memory_space<hbm>> -> memref<2x2x40xi32, #tpu.memory_space<hbm>>
          %dma_start3A_673 = arith.constant 0 : i32
          %dma_start3A_674 = arith.constant 0 : i32
          %dma_start3A_675 = arith.constant 0 : i32
          %dma_start3A_676 = tpu.memref_slice %arg4[%dma_start3A_673, %add3A, %add3A_238, %dma_start3A_674, %dma_start3A_675] : memref<2x32x125x2x40xi32, #tpu.memory_space<hbm>> -> memref<2x1x1x2x40xi32, #tpu.memory_space<hbm>>
          %dma_start3A_677 = tpu.memref_squeeze %dma_start3A_676 : memref<2x1x1x2x40xi32, #tpu.memory_space<hbm>> -> memref<2x2x40xi32, #tpu.memory_space<hbm>>
          tpu.enqueue_dma source(%dma_start3A_677 : memref<2x2x40xi32, #tpu.memory_space<hbm>>) target(%arg8 : memref<2x2x40xi32, #tpu.memory_space<vmem>>) target_semaphore(%run_scoped3A_667 : memref<!tpu.dma_semaphore, #tpu.memory_space<semaphore_mem>>)
          %dma_wait3A_678 = arith.constant 0 : i32
          %dma_wait3A_679 = arith.constant 0 : i32
          %dma_wait3A_680 = arith.constant 0 : i32
          %dma_wait3A_681 = tpu.memref_slice %arg4[%dma_wait3A_678, %add3A, %add3A_238, %dma_wait3A_679, %dma_wait3A_680] : memref<2x32x125x2x40xi32, #tpu.memory_space<hbm>> -> memref<2x1x1x2x40xi32, #tpu.memory_space<hbm>>
          %dma_wait3A_682 = tpu.memref_squeeze %dma_wait3A_681 : memref<2x1x1x2x40xi32, #tpu.memory_space<hbm>> -> memref<2x2x40xi32, #tpu.memory_space<hbm>>
          %dma_wait3A_683 = arith.constant 0 : i32
          %dma_wait3A_684 = arith.constant 0 : i32
          %dma_wait3A_685 = arith.constant 0 : i32
          %dma_wait3A_686 = tpu.memref_slice %arg4[%dma_wait3A_683, %add3A, %add3A_238, %dma_wait3A_684, %dma_wait3A_685] : memref<2x32x125x2x40xi32, #tpu.memory_space<hbm>> -> memref<2x1x1x2x40xi32, #tpu.memory_space<hbm>>
          %dma_wait3A_687 = tpu.memref_squeeze %dma_wait3A_686 : memref<2x1x1x2x40xi32, #tpu.memory_space<hbm>> -> memref<2x2x40xi32, #tpu.memory_space<hbm>>
          tpu.wait_dma2 semaphore(%run_scoped3A_667 : memref<!tpu.dma_semaphore, #tpu.memory_space<semaphore_mem>>) src(%dma_wait3A_687 : memref<2x2x40xi32, #tpu.memory_space<hbm>>) dst(%arg8 : memref<2x2x40xi32, #tpu.memory_space<vmem>>)
          tpu.yield
        }) : () -> ()
        %dma_start3A_623 = arith.constant 0 : i32
        %dma_start3A_624 = arith.constant 0 : i32
        %dma_start3A_625 = arith.constant 0 : i32
        %dma_start3A_626 = arith.constant 0 : i32
        %dma_start3A_627 = tpu.memref_slice %arg10[%dma_start3A_625, %dma_start3A_626] : memref<80x144xf32, #tpu.memory_space<vmem>> -> memref<40x144xf32, #tpu.memory_space<vmem>>
        %dma_start3A_628 = arith.constant 0 : i32
        %dma_start3A_629 = tpu.memref_slice %arg8[%dma_start3A_623, %dma_start3A_624, %dma_start3A_628] : memref<2x2x40xi32, #tpu.memory_space<vmem>> -> memref<1x1x40xi32, #tpu.memory_space<vmem>>
        %dma_start3A_630 = tpu.memref_squeeze %dma_start3A_629 : memref<1x1x40xi32, #tpu.memory_space<vmem>> -> memref<40xi32, #tpu.memory_space<vmem>>
        %dma_start3A_631 = arith.constant 0 : i32
        %dma_start3A_632 = arith.constant 0 : i32
        %dma_start3A_633 = tpu.memref_slice %arg2[%dma_start3A_631, %dma_start3A_632] : memref<10000x144xf32, #tpu.memory_space<hbm>> -> memref<10000x144xf32, #tpu.memory_space<hbm>>
        tpu.enqueue_indirect_dma source(%dma_start3A_633 : memref<10000x144xf32, #tpu.memory_space<hbm>>) target(%dma_start3A_627 : memref<40x144xf32, #tpu.memory_space<vmem>>) offsets(%dma_start3A_630 : memref<40xi32, #tpu.memory_space<vmem>>) semaphore(%arg17 : memref<!tpu.dma_semaphore, #tpu.memory_space<semaphore_mem>>)
        %dma_start3A_634 = arith.constant 0 : i32
        %dma_start3A_635 = arith.constant 1 : i32
        %dma_start3A_636 = arith.constant 40 : i32
        %dma_start3A_637 = arith.constant 0 : i32
        %dma_start3A_638 = tpu.memref_slice %arg10[%dma_start3A_636, %dma_start3A_637] : memref<80x144xf32, #tpu.memory_space<vmem>> -> memref<40x144xf32, #tpu.memory_space<vmem>>
        %dma_start3A_639 = arith.constant 0 : i32
        %dma_start3A_640 = tpu.memref_slice %arg8[%dma_start3A_634, %dma_start3A_635, %dma_start3A_639] : memref<2x2x40xi32, #tpu.memory_space<vmem>> -> memref<1x1x40xi32, #tpu.memory_space<vmem>>
        %dma_start3A_641 = tpu.memref_squeeze %dma_start3A_640 : memref<1x1x40xi32, #tpu.memory_space<vmem>> -> memref<40xi32, #tpu.memory_space<vmem>>
        %dma_start3A_642 = arith.constant 0 : i32
        %dma_start3A_643 = arith.constant 0 : i32
        %dma_start3A_644 = tpu.memref_slice %arg2[%dma_start3A_642, %dma_start3A_643] : memref<10000x144xf32, #tpu.memory_space<hbm>> -> memref<10000x144xf32, #tpu.memory_space<hbm>>
        tpu.enqueue_indirect_dma source(%dma_start3A_644 : memref<10000x144xf32, #tpu.memory_space<hbm>>) target(%dma_start3A_638 : memref<40x144xf32, #tpu.memory_space<vmem>>) offsets(%dma_start3A_641 : memref<40xi32, #tpu.memory_space<vmem>>) semaphore(%arg17 : memref<!tpu.dma_semaphore, #tpu.memory_space<semaphore_mem>>)
        %dma_start3A_645 = arith.constant 1 : i32
        %dma_start3A_646 = arith.constant 0 : i32
        %dma_start3A_647 = arith.constant 0 : i32
        %dma_start3A_648 = arith.constant 0 : i32
        %dma_start3A_649 = tpu.memref_slice %arg12[%dma_start3A_647, %dma_start3A_648] : memref<80x16xf32, #tpu.memory_space<vmem>> -> memref<40x16xf32, #tpu.memory_space<vmem>>
        %dma_start3A_650 = arith.constant 0 : i32
        %dma_start3A_651 = tpu.memref_slice %arg8[%dma_start3A_645, %dma_start3A_646, %dma_start3A_650] : memref<2x2x40xi32, #tpu.memory_space<vmem>> -> memref<1x1x40xi32, #tpu.memory_space<vmem>>
        %dma_start3A_652 = tpu.memref_squeeze %dma_start3A_651 : memref<1x1x40xi32, #tpu.memory_space<vmem>> -> memref<40xi32, #tpu.memory_space<vmem>>
        %dma_start3A_653 = arith.constant 0 : i32
        %dma_start3A_654 = arith.constant 0 : i32
        %dma_start3A_655 = tpu.memref_slice %arg3[%dma_start3A_653, %dma_start3A_654] : memref<10000x16xf32, #tpu.memory_space<hbm>> -> memref<10000x16xf32, #tpu.memory_space<hbm>>
        tpu.enqueue_indirect_dma source(%dma_start3A_655 : memref<10000x16xf32, #tpu.memory_space<hbm>>) target(%dma_start3A_649 : memref<40x16xf32, #tpu.memory_space<vmem>>) offsets(%dma_start3A_652 : memref<40xi32, #tpu.memory_space<vmem>>) semaphore(%arg19 : memref<!tpu.dma_semaphore, #tpu.memory_space<semaphore_mem>>)
        %dma_start3A_656 = arith.constant 1 : i32
        %dma_start3A_657 = arith.constant 1 : i32
        %dma_start3A_658 = arith.constant 40 : i32
        %dma_start3A_659 = arith.constant 0 : i32
        %dma_start3A_660 = tpu.memref_slice %arg12[%dma_start3A_658, %dma_start3A_659] : memref<80x16xf32, #tpu.memory_space<vmem>> -> memref<40x16xf32, #tpu.memory_space<vmem>>
        %dma_start3A_661 = arith.constant 0 : i32
        %dma_start3A_662 = tpu.memref_slice %arg8[%dma_start3A_656, %dma_start3A_657, %dma_start3A_661] : memref<2x2x40xi32, #tpu.memory_space<vmem>> -> memref<1x1x40xi32, #tpu.memory_space<vmem>>
        %dma_start3A_663 = tpu.memref_squeeze %dma_start3A_662 : memref<1x1x40xi32, #tpu.memory_space<vmem>> -> memref<40xi32, #tpu.memory_space<vmem>>
        %dma_start3A_664 = arith.constant 0 : i32
        %dma_start3A_665 = arith.constant 0 : i32
        %dma_start3A_666 = tpu.memref_slice %arg3[%dma_start3A_664, %dma_start3A_665] : memref<10000x16xf32, #tpu.memory_space<hbm>> -> memref<10000x16xf32, #tpu.memory_space<hbm>>
        tpu.enqueue_indirect_dma source(%dma_start3A_666 : memref<10000x16xf32, #tpu.memory_space<hbm>>) target(%dma_start3A_660 : memref<40x16xf32, #tpu.memory_space<vmem>>) offsets(%dma_start3A_663 : memref<40xi32, #tpu.memory_space<vmem>>) semaphore(%arg19 : memref<!tpu.dma_semaphore, #tpu.memory_space<semaphore_mem>>)
      } else {
      }
      %dma_wait3A_241 = arith.constant 0 : i32
      %dma_wait3A_242 = arith.constant 0 : i32
      %dma_wait3A_243 = arith.constant 0 : i32
      %dma_wait3A_244 = arith.constant 0 : i32
      %dma_wait3A_245 = tpu.memref_slice %arg11[%dma_wait3A_243, %dma_wait3A_244] : memref<80x144xf32, #tpu.memory_space<vmem>> -> memref<40x144xf32, #tpu.memory_space<vmem>>
      %dma_wait3A_246 = arith.constant 0 : i32
      %dma_wait3A_247 = tpu.memref_slice %arg7[%dma_wait3A_241, %dma_wait3A_242, %dma_wait3A_246] : memref<2x2x40xi32, #tpu.memory_space<vmem>> -> memref<1x1x40xi32, #tpu.memory_space<vmem>>
      %dma_wait3A_248 = tpu.memref_squeeze %dma_wait3A_247 : memref<1x1x40xi32, #tpu.memory_space<vmem>> -> memref<40xi32, #tpu.memory_space<vmem>>
      %dma_wait3A_249 = arith.constant 0 : i32
      %dma_wait3A_250 = arith.constant 0 : i32
      %dma_wait3A_251 = tpu.memref_slice %arg2[%dma_wait3A_249, %dma_wait3A_250] : memref<10000x144xf32, #tpu.memory_space<hbm>> -> memref<10000x144xf32, #tpu.memory_space<hbm>>
      tpu.wait_indirect_dma semaphore(%arg18 : memref<!tpu.dma_semaphore, #tpu.memory_space<semaphore_mem>>) src(%dma_wait3A_251 : memref<10000x144xf32, #tpu.memory_space<hbm>>) dst(%dma_wait3A_245 : memref<40x144xf32, #tpu.memory_space<vmem>>)
      %dma_wait3A_252 = arith.constant 0 : i32
      %dma_wait3A_253 = arith.constant 1 : i32
      %dma_wait3A_254 = arith.constant 40 : i32
      %dma_wait3A_255 = arith.constant 0 : i32
      %dma_wait3A_256 = tpu.memref_slice %arg11[%dma_wait3A_254, %dma_wait3A_255] : memref<80x144xf32, #tpu.memory_space<vmem>> -> memref<40x144xf32, #tpu.memory_space<vmem>>
      %dma_wait3A_257 = arith.constant 0 : i32
      %dma_wait3A_258 = tpu.memref_slice %arg7[%dma_wait3A_252, %dma_wait3A_253, %dma_wait3A_257] : memref<2x2x40xi32, #tpu.memory_space<vmem>> -> memref<1x1x40xi32, #tpu.memory_space<vmem>>
      %dma_wait3A_259 = tpu.memref_squeeze %dma_wait3A_258 : memref<1x1x40xi32, #tpu.memory_space<vmem>> -> memref<40xi32, #tpu.memory_space<vmem>>
      %dma_wait3A_260 = arith.constant 0 : i32
      %dma_wait3A_261 = arith.constant 0 : i32
      %dma_wait3A_262 = tpu.memref_slice %arg2[%dma_wait3A_260, %dma_wait3A_261] : memref<10000x144xf32, #tpu.memory_space<hbm>> -> memref<10000x144xf32, #tpu.memory_space<hbm>>
      tpu.wait_indirect_dma semaphore(%arg18 : memref<!tpu.dma_semaphore, #tpu.memory_space<semaphore_mem>>) src(%dma_wait3A_262 : memref<10000x144xf32, #tpu.memory_space<hbm>>) dst(%dma_wait3A_256 : memref<40x144xf32, #tpu.memory_space<vmem>>)
      %dma_wait3A_263 = arith.constant 1 : i32
      %dma_wait3A_264 = arith.constant 0 : i32
      %dma_wait3A_265 = arith.constant 0 : i32
      %dma_wait3A_266 = arith.constant 0 : i32
      %dma_wait3A_267 = tpu.memref_slice %arg13[%dma_wait3A_265, %dma_wait3A_266] : memref<80x16xf32, #tpu.memory_space<vmem>> -> memref<40x16xf32, #tpu.memory_space<vmem>>
      %dma_wait3A_268 = arith.constant 0 : i32
      %dma_wait3A_269 = tpu.memref_slice %arg7[%dma_wait3A_263, %dma_wait3A_264, %dma_wait3A_268] : memref<2x2x40xi32, #tpu.memory_space<vmem>> -> memref<1x1x40xi32, #tpu.memory_space<vmem>>
      %dma_wait3A_270 = tpu.memref_squeeze %dma_wait3A_269 : memref<1x1x40xi32, #tpu.memory_space<vmem>> -> memref<40xi32, #tpu.memory_space<vmem>>
      %dma_wait3A_271 = arith.constant 0 : i32
      %dma_wait3A_272 = arith.constant 0 : i32
      %dma_wait3A_273 = tpu.memref_slice %arg3[%dma_wait3A_271, %dma_wait3A_272] : memref<10000x16xf32, #tpu.memory_space<hbm>> -> memref<10000x16xf32, #tpu.memory_space<hbm>>
      tpu.wait_indirect_dma semaphore(%arg20 : memref<!tpu.dma_semaphore, #tpu.memory_space<semaphore_mem>>) src(%dma_wait3A_273 : memref<10000x16xf32, #tpu.memory_space<hbm>>) dst(%dma_wait3A_267 : memref<40x16xf32, #tpu.memory_space<vmem>>)
      %dma_wait3A_274 = arith.constant 1 : i32
      %dma_wait3A_275 = arith.constant 1 : i32
      %dma_wait3A_276 = arith.constant 40 : i32
      %dma_wait3A_277 = arith.constant 0 : i32
      %dma_wait3A_278 = tpu.memref_slice %arg13[%dma_wait3A_276, %dma_wait3A_277] : memref<80x16xf32, #tpu.memory_space<vmem>> -> memref<40x16xf32, #tpu.memory_space<vmem>>
      %dma_wait3A_279 = arith.constant 0 : i32
      %dma_wait3A_280 = tpu.memref_slice %arg7[%dma_wait3A_274, %dma_wait3A_275, %dma_wait3A_279] : memref<2x2x40xi32, #tpu.memory_space<vmem>> -> memref<1x1x40xi32, #tpu.memory_space<vmem>>
      %dma_wait3A_281 = tpu.memref_squeeze %dma_wait3A_280 : memref<1x1x40xi32, #tpu.memory_space<vmem>> -> memref<40xi32, #tpu.memory_space<vmem>>
      %dma_wait3A_282 = arith.constant 0 : i32
      %dma_wait3A_283 = arith.constant 0 : i32
      %dma_wait3A_284 = tpu.memref_slice %arg3[%dma_wait3A_282, %dma_wait3A_283] : memref<10000x16xf32, #tpu.memory_space<hbm>> -> memref<10000x16xf32, #tpu.memory_space<hbm>>
      tpu.wait_indirect_dma semaphore(%arg20 : memref<!tpu.dma_semaphore, #tpu.memory_space<semaphore_mem>>) src(%dma_wait3A_284 : memref<10000x16xf32, #tpu.memory_space<hbm>>) dst(%dma_wait3A_278 : memref<40x16xf32, #tpu.memory_space<vmem>>)
      %dma_wait3A_285 = arith.constant 1 : i32
      %dma_wait3A_286 = arith.constant 0 : i32
      %dma_wait3A_287 = arith.constant 0 : i32
      %dma_wait3A_288 = tpu.memref_slice %arg6[%dma_wait3A_285, %dma_wait3A_286, %dma_wait3A_287] : memref<2x2x40xi32, #tpu.memory_space<vmem>> -> memref<1x1x40xi32, #tpu.memory_space<vmem>>
      %dma_wait3A_289 = tpu.memref_squeeze %dma_wait3A_288 : memref<1x1x40xi32, #tpu.memory_space<vmem>> -> memref<40xi32, #tpu.memory_space<vmem>>
      %dma_wait3A_290 = arith.constant 0 : i32
      %dma_wait3A_291 = arith.constant 0 : i32
      %dma_wait3A_292 = tpu.memref_slice %arg16[%dma_wait3A_290, %dma_wait3A_291] : memref<10240x144xf32, #tpu.memory_space<vmem_shared>> -> memref<10240x144xf32, #tpu.memory_space<vmem_shared>>
      tpu.wait_indirect_dma semaphore(%arg21 : memref<!tpu.dma_semaphore, #tpu.memory_space<semaphore_mem>>) src(%arg14 : memref<40x144xf32, #tpu.memory_space<vmem>>) dst(%dma_wait3A_292 : memref<10240x144xf32, #tpu.memory_space<vmem_shared>>)
      %scan3A_293 = arith.constant 0 : i32
      %scan3A_294 = arith.constant 0 : i32
      %scan3A_295 = arith.constant 40 : i32
      %scan3A_296 = arith.addi %scan3A_294, %scan3A_295 : i32
      %scan3A_297 = arith.constant 1 : i32
      %scan3A_298 = scf.for %scan3A_623 = %scan3A_294 to %scan3A_296 step %scan3A_297 iter_args(%scan3A_624 = %scan3A_293) -> (i32)  : i32 {
        %add3A_625 = arith.constant 0 : i32
        %add3A_626 = arith.addi %add3A_625, %scan3A_623 : i32
        %get3A = arith.index_cast %add3A_626 : i32 to index
        %get3A_627 = arith.constant 128 : index
        %get3A_628 = tpu.vector_load %arg11[%get3A, %get3A_627] {strides = array<i32>} : memref<80x144xf32, #tpu.memory_space<vmem>>, vector<1x16xf32>,
        %get3A_629 = vector.shape_cast %get3A_628 : vector<1x16xf32> to vector<16xf32>
        %get3A_630 = arith.index_cast %add3A_626 : i32 to index
        %get3A_631 = arith.constant 0 : index
        %get3A_632 = tpu.vector_load %arg13[%get3A_630, %get3A_631] {strides = array<i32>} : memref<80x16xf32, #tpu.memory_space<vmem>>, vector<1x16xf32>,
        %get3A_633 = vector.shape_cast %get3A_632 : vector<1x16xf32> to vector<16xf32>
        %add3A_634 = arith.addf %get3A_629, %get3A_633 : vector<16xf32>
        %mul3A_635 = arith.constant 2.000000e-01 : f32
        %mul3A_636 = vector.broadcast %mul3A_635 : f32 to vector<16xf32>
        %mul3A_637 = arith.mulf %mul3A_636, %add3A_634 : vector<16xf32>
        %max3A = arith.maximumf %add3A_634, %mul3A_637 : vector<16xf32>
        %exp3A = math.exp %max3A : vector<16xf32>
        %swap3A = arith.index_cast %scan3A_623 : i32 to index
        %swap3A_638 = arith.constant 128 : index
        %swap3A_639 = tpu.vector_load %arg14[%swap3A, %swap3A_638] {strides = array<i32>} : memref<40x144xf32, #tpu.memory_space<vmem>>, vector<1x16xf32>,
        %swap3A_640 = vector.shape_cast %swap3A_639 : vector<1x16xf32> to vector<16xf32>
        %swap3A_641 = vector.shape_cast %exp3A : vector<16xf32> to vector<1x16xf32>
        tpu.vector_store %arg14[%swap3A, %swap3A_638], %swap3A_641 {strides = array<i32>} : memref<40x144xf32, #tpu.memory_space<vmem>>, vector<1x16xf32>,
        %get3A_642 = arith.index_cast %add3A_626 : i32 to index
        %get3A_643 = arith.constant 0 : index
        %get3A_644 = tpu.vector_load %arg11[%get3A_642, %get3A_643] {strides = array<i32>} : memref<80x144xf32, #tpu.memory_space<vmem>>, vector<1x16xf32>,
        %get3A_645 = vector.shape_cast %get3A_644 : vector<1x16xf32> to vector<16xf32>
        %slice3A = vector.extract_strided_slice %exp3A {offsets = [0], sizes = [1], strides = [1]} : vector<16xf32> to vector<1xf32>
        %squeeze3A = vector.extract %slice3A[0] : f32 from vector<1xf32>
        %mul3A_646 = vector.broadcast %squeeze3A : f32 to vector<16xf32>
        %mul3A_647 = arith.mulf %get3A_645, %mul3A_646 : vector<16xf32>
        %swap3A_648 = arith.index_cast %scan3A_623 : i32 to index
        %swap3A_649 = arith.constant 0 : index
        %swap3A_650 = tpu.vector_load %arg14[%swap3A_648, %swap3A_649] {strides = array<i32>} : memref<40x144xf32, #tpu.memory_space<vmem>>, vector<1x16xf32>,
        %swap3A_651 = vector.shape_cast %swap3A_650 : vector<1x16xf32> to vector<16xf32>
        %swap3A_652 = vector.shape_cast %mul3A_647 : vector<16xf32> to vector<1x16xf32>
        tpu.vector_store %arg14[%swap3A_648, %swap3A_649], %swap3A_652 {strides = array<i32>} : memref<40x144xf32, #tpu.memory_space<vmem>>, vector<1x16xf32>,
        %get3A_653 = arith.index_cast %add3A_626 : i32 to index
        %get3A_654 = arith.constant 16 : index
        %get3A_655 = tpu.vector_load %arg11[%get3A_653, %get3A_654] {strides = array<i32>} : memref<80x144xf32, #tpu.memory_space<vmem>>, vector<1x16xf32>,
        %get3A_656 = vector.shape_cast %get3A_655 : vector<1x16xf32> to vector<16xf32>
        %slice3A_657 = vector.extract_strided_slice %exp3A {offsets = [1], sizes = [1], strides = [1]} : vector<16xf32> to vector<1xf32>
        %squeeze3A_658 = vector.extract %slice3A_657[0] : f32 from vector<1xf32>
        %mul3A_659 = vector.broadcast %squeeze3A_658 : f32 to vector<16xf32>
        %mul3A_660 = arith.mulf %get3A_656, %mul3A_659 : vector<16xf32>
        %swap3A_661 = arith.index_cast %scan3A_623 : i32 to index
        %swap3A_662 = arith.constant 16 : index
        %swap3A_663 = tpu.vector_load %arg14[%swap3A_661, %swap3A_662] {strides = array<i32>} : memref<40x144xf32, #tpu.memory_space<vmem>>, vector<1x16xf32>,
        %swap3A_664 = vector.shape_cast %swap3A_663 : vector<1x16xf32> to vector<16xf32>
        %swap3A_665 = vector.shape_cast %mul3A_660 : vector<16xf32> to vector<1x16xf32>
        tpu.vector_store %arg14[%swap3A_661, %swap3A_662], %swap3A_665 {strides = array<i32>} : memref<40x144xf32, #tpu.memory_space<vmem>>, vector<1x16xf32>,
        %get3A_666 = arith.index_cast %add3A_626 : i32 to index
        %get3A_667 = arith.constant 32 : index
        %get3A_668 = tpu.vector_load %arg11[%get3A_666, %get3A_667] {strides = array<i32>} : memref<80x144xf32, #tpu.memory_space<vmem>>, vector<1x16xf32>,
        %get3A_669 = vector.shape_cast %get3A_668 : vector<1x16xf32> to vector<16xf32>
        %slice3A_670 = vector.extract_strided_slice %exp3A {offsets = [2], sizes = [1], strides = [1]} : vector<16xf32> to vector<1xf32>
        %squeeze3A_671 = vector.extract %slice3A_670[0] : f32 from vector<1xf32>
        %mul3A_672 = vector.broadcast %squeeze3A_671 : f32 to vector<16xf32>
        %mul3A_673 = arith.mulf %get3A_669, %mul3A_672 : vector<16xf32>
        %swap3A_674 = arith.index_cast %scan3A_623 : i32 to index
        %swap3A_675 = arith.constant 32 : index
        %swap3A_676 = tpu.vector_load %arg14[%swap3A_674, %swap3A_675] {strides = array<i32>} : memref<40x144xf32, #tpu.memory_space<vmem>>, vector<1x16xf32>,
        %swap3A_677 = vector.shape_cast %swap3A_676 : vector<1x16xf32> to vector<16xf32>
        %swap3A_678 = vector.shape_cast %mul3A_673 : vector<16xf32> to vector<1x16xf32>
        tpu.vector_store %arg14[%swap3A_674, %swap3A_675], %swap3A_678 {strides = array<i32>} : memref<40x144xf32, #tpu.memory_space<vmem>>, vector<1x16xf32>,
        %get3A_679 = arith.index_cast %add3A_626 : i32 to index
        %get3A_680 = arith.constant 48 : index
        %get3A_681 = tpu.vector_load %arg11[%get3A_679, %get3A_680] {strides = array<i32>} : memref<80x144xf32, #tpu.memory_space<vmem>>, vector<1x16xf32>,
        %get3A_682 = vector.shape_cast %get3A_681 : vector<1x16xf32> to vector<16xf32>
        %slice3A_683 = vector.extract_strided_slice %exp3A {offsets = [3], sizes = [1], strides = [1]} : vector<16xf32> to vector<1xf32>
        %squeeze3A_684 = vector.extract %slice3A_683[0] : f32 from vector<1xf32>
        %mul3A_685 = vector.broadcast %squeeze3A_684 : f32 to vector<16xf32>
        %mul3A_686 = arith.mulf %get3A_682, %mul3A_685 : vector<16xf32>
        %swap3A_687 = arith.index_cast %scan3A_623 : i32 to index
        %swap3A_688 = arith.constant 48 : index
        %swap3A_689 = tpu.vector_load %arg14[%swap3A_687, %swap3A_688] {strides = array<i32>} : memref<40x144xf32, #tpu.memory_space<vmem>>, vector<1x16xf32>,
        %swap3A_690 = vector.shape_cast %swap3A_689 : vector<1x16xf32> to vector<16xf32>
        %swap3A_691 = vector.shape_cast %mul3A_686 : vector<16xf32> to vector<1x16xf32>
        tpu.vector_store %arg14[%swap3A_687, %swap3A_688], %swap3A_691 {strides = array<i32>} : memref<40x144xf32, #tpu.memory_space<vmem>>, vector<1x16xf32>,
        %get3A_692 = arith.index_cast %add3A_626 : i32 to index
        %get3A_693 = arith.constant 64 : index
        %get3A_694 = tpu.vector_load %arg11[%get3A_692, %get3A_693] {strides = array<i32>} : memref<80x144xf32, #tpu.memory_space<vmem>>, vector<1x16xf32>,
        %get3A_695 = vector.shape_cast %get3A_694 : vector<1x16xf32> to vector<16xf32>
        %slice3A_696 = vector.extract_strided_slice %exp3A {offsets = [4], sizes = [1], strides = [1]} : vector<16xf32> to vector<1xf32>
        %squeeze3A_697 = vector.extract %slice3A_696[0] : f32 from vector<1xf32>
        %mul3A_698 = vector.broadcast %squeeze3A_697 : f32 to vector<16xf32>
        %mul3A_699 = arith.mulf %get3A_695, %mul3A_698 : vector<16xf32>
        %swap3A_700 = arith.index_cast %scan3A_623 : i32 to index
        %swap3A_701 = arith.constant 64 : index
        %swap3A_702 = tpu.vector_load %arg14[%swap3A_700, %swap3A_701] {strides = array<i32>} : memref<40x144xf32, #tpu.memory_space<vmem>>, vector<1x16xf32>,
        %swap3A_703 = vector.shape_cast %swap3A_702 : vector<1x16xf32> to vector<16xf32>
        %swap3A_704 = vector.shape_cast %mul3A_699 : vector<16xf32> to vector<1x16xf32>
        tpu.vector_store %arg14[%swap3A_700, %swap3A_701], %swap3A_704 {strides = array<i32>} : memref<40x144xf32, #tpu.memory_space<vmem>>, vector<1x16xf32>,
        %get3A_705 = arith.index_cast %add3A_626 : i32 to index
        %get3A_706 = arith.constant 80 : index
        %get3A_707 = tpu.vector_load %arg11[%get3A_705, %get3A_706] {strides = array<i32>} : memref<80x144xf32, #tpu.memory_space<vmem>>, vector<1x16xf32>,
        %get3A_708 = vector.shape_cast %get3A_707 : vector<1x16xf32> to vector<16xf32>
        %slice3A_709 = vector.extract_strided_slice %exp3A {offsets = [5], sizes = [1], strides = [1]} : vector<16xf32> to vector<1xf32>
        %squeeze3A_710 = vector.extract %slice3A_709[0] : f32 from vector<1xf32>
        %mul3A_711 = vector.broadcast %squeeze3A_710 : f32 to vector<16xf32>
        %mul3A_712 = arith.mulf %get3A_708, %mul3A_711 : vector<16xf32>
        %swap3A_713 = arith.index_cast %scan3A_623 : i32 to index
        %swap3A_714 = arith.constant 80 : index
        %swap3A_715 = tpu.vector_load %arg14[%swap3A_713, %swap3A_714] {strides = array<i32>} : memref<40x144xf32, #tpu.memory_space<vmem>>, vector<1x16xf32>,
        %swap3A_716 = vector.shape_cast %swap3A_715 : vector<1x16xf32> to vector<16xf32>
        %swap3A_717 = vector.shape_cast %mul3A_712 : vector<16xf32> to vector<1x16xf32>
        tpu.vector_store %arg14[%swap3A_713, %swap3A_714], %swap3A_717 {strides = array<i32>} : memref<40x144xf32, #tpu.memory_space<vmem>>, vector<1x16xf32>,
        %get3A_718 = arith.index_cast %add3A_626 : i32 to index
        %get3A_719 = arith.constant 96 : index
        %get3A_720 = tpu.vector_load %arg11[%get3A_718, %get3A_719] {strides = array<i32>} : memref<80x144xf32, #tpu.memory_space<vmem>>, vector<1x16xf32>,
        %get3A_721 = vector.shape_cast %get3A_720 : vector<1x16xf32> to vector<16xf32>
        %slice3A_722 = vector.extract_strided_slice %exp3A {offsets = [6], sizes = [1], strides = [1]} : vector<16xf32> to vector<1xf32>
        %squeeze3A_723 = vector.extract %slice3A_722[0] : f32 from vector<1xf32>
        %mul3A_724 = vector.broadcast %squeeze3A_723 : f32 to vector<16xf32>
        %mul3A_725 = arith.mulf %get3A_721, %mul3A_724 : vector<16xf32>
        %swap3A_726 = arith.index_cast %scan3A_623 : i32 to index
        %swap3A_727 = arith.constant 96 : index
        %swap3A_728 = tpu.vector_load %arg14[%swap3A_726, %swap3A_727] {strides = array<i32>} : memref<40x144xf32, #tpu.memory_space<vmem>>, vector<1x16xf32>,
        %swap3A_729 = vector.shape_cast %swap3A_728 : vector<1x16xf32> to vector<16xf32>
        %swap3A_730 = vector.shape_cast %mul3A_725 : vector<16xf32> to vector<1x16xf32>
        tpu.vector_store %arg14[%swap3A_726, %swap3A_727], %swap3A_730 {strides = array<i32>} : memref<40x144xf32, #tpu.memory_space<vmem>>, vector<1x16xf32>,
        %get3A_731 = arith.index_cast %add3A_626 : i32 to index
        %get3A_732 = arith.constant 112 : index
        %get3A_733 = tpu.vector_load %arg11[%get3A_731, %get3A_732] {strides = array<i32>} : memref<80x144xf32, #tpu.memory_space<vmem>>, vector<1x16xf32>,
        %get3A_734 = vector.shape_cast %get3A_733 : vector<1x16xf32> to vector<16xf32>
        %slice3A_735 = vector.extract_strided_slice %exp3A {offsets = [7], sizes = [1], strides = [1]} : vector<16xf32> to vector<1xf32>
        %squeeze3A_736 = vector.extract %slice3A_735[0] : f32 from vector<1xf32>
        %mul3A_737 = vector.broadcast %squeeze3A_736 : f32 to vector<16xf32>
        %mul3A_738 = arith.mulf %get3A_734, %mul3A_737 : vector<16xf32>
        %swap3A_739 = arith.index_cast %scan3A_623 : i32 to index
        %swap3A_740 = arith.constant 112 : index
        %swap3A_741 = tpu.vector_load %arg14[%swap3A_739, %swap3A_740] {strides = array<i32>} : memref<40x144xf32, #tpu.memory_space<vmem>>, vector<1x16xf32>,
        %swap3A_742 = vector.shape_cast %swap3A_741 : vector<1x16xf32> to vector<16xf32>
        %swap3A_743 = vector.shape_cast %mul3A_738 : vector<16xf32> to vector<1x16xf32>
        tpu.vector_store %arg14[%swap3A_739, %swap3A_740], %swap3A_743 {strides = array<i32>} : memref<40x144xf32, #tpu.memory_space<vmem>>, vector<1x16xf32>,
        %scan3A_744 = arith.constant 0 : i32
        scf.yield %scan3A_744 : i32
      }
      %scan3A_299 = arith.constant 40 : i32
      %dma_start3A_300 = arith.constant 1 : i32
      %dma_start3A_301 = arith.constant 0 : i32
      %dma_start3A_302 = arith.constant 0 : i32
      %dma_start3A_303 = tpu.memref_slice %arg7[%dma_start3A_300, %dma_start3A_301, %dma_start3A_302] : memref<2x2x40xi32, #tpu.memory_space<vmem>> -> memref<1x1x40xi32, #tpu.memory_space<vmem>>
      %dma_start3A_304 = tpu.memref_squeeze %dma_start3A_303 : memref<1x1x40xi32, #tpu.memory_space<vmem>> -> memref<40xi32, #tpu.memory_space<vmem>>
      %dma_start3A_305 = arith.constant 0 : i32
      %dma_start3A_306 = arith.constant 0 : i32
      %dma_start3A_307 = tpu.memref_slice %arg16[%dma_start3A_305, %dma_start3A_306] : memref<10240x144xf32, #tpu.memory_space<vmem_shared>> -> memref<10240x144xf32, #tpu.memory_space<vmem_shared>>
      tpu.enqueue_indirect_dma source(%arg14 : memref<40x144xf32, #tpu.memory_space<vmem>>) target(%dma_start3A_307 : memref<10240x144xf32, #tpu.memory_space<vmem_shared>>) offsets(%dma_start3A_304 : memref<40xi32, #tpu.memory_space<vmem>>) semaphore(%arg21 : memref<!tpu.dma_semaphore, #tpu.memory_space<semaphore_mem>>) {add = true}
      %dma_wait3A_308 = arith.constant 1 : i32
      %dma_wait3A_309 = arith.constant 1 : i32
      %dma_wait3A_310 = arith.constant 0 : i32
      %dma_wait3A_311 = tpu.memref_slice %arg6[%dma_wait3A_308, %dma_wait3A_309, %dma_wait3A_310] : memref<2x2x40xi32, #tpu.memory_space<vmem>> -> memref<1x1x40xi32, #tpu.memory_space<vmem>>
      %dma_wait3A_312 = tpu.memref_squeeze %dma_wait3A_311 : memref<1x1x40xi32, #tpu.memory_space<vmem>> -> memref<40xi32, #tpu.memory_space<vmem>>
      %dma_wait3A_313 = arith.constant 0 : i32
      %dma_wait3A_314 = arith.constant 0 : i32
      %dma_wait3A_315 = tpu.memref_slice %arg16[%dma_wait3A_313, %dma_wait3A_314] : memref<10240x144xf32, #tpu.memory_space<vmem_shared>> -> memref<10240x144xf32, #tpu.memory_space<vmem_shared>>
      tpu.wait_indirect_dma semaphore(%arg22 : memref<!tpu.dma_semaphore, #tpu.memory_space<semaphore_mem>>) src(%arg15 : memref<40x144xf32, #tpu.memory_space<vmem>>) dst(%dma_wait3A_315 : memref<10240x144xf32, #tpu.memory_space<vmem_shared>>)
      %scan3A_316 = arith.constant 0 : i32
      %scan3A_317 = arith.constant 0 : i32
      %scan3A_318 = arith.constant 40 : i32
      %scan3A_319 = arith.addi %scan3A_317, %scan3A_318 : i32
      %scan3A_320 = arith.constant 1 : i32
      %scan3A_321 = scf.for %scan3A_623 = %scan3A_317 to %scan3A_319 step %scan3A_320 iter_args(%scan3A_624 = %scan3A_316) -> (i32)  : i32 {
        %add3A_625 = arith.constant 40 : i32
        %add3A_626 = arith.addi %add3A_625, %scan3A_623 : i32
        %get3A = arith.index_cast %add3A_626 : i32 to index
        %get3A_627 = arith.constant 128 : index
        %get3A_628 = tpu.vector_load %arg11[%get3A, %get3A_627] {strides = array<i32>} : memref<80x144xf32, #tpu.memory_space<vmem>>, vector<1x16xf32>,
        %get3A_629 = vector.shape_cast %get3A_628 : vector<1x16xf32> to vector<16xf32>
        %get3A_630 = arith.index_cast %add3A_626 : i32 to index
        %get3A_631 = arith.constant 0 : index
        %get3A_632 = tpu.vector_load %arg13[%get3A_630, %get3A_631] {strides = array<i32>} : memref<80x16xf32, #tpu.memory_space<vmem>>, vector<1x16xf32>,
        %get3A_633 = vector.shape_cast %get3A_632 : vector<1x16xf32> to vector<16xf32>
        %add3A_634 = arith.addf %get3A_629, %get3A_633 : vector<16xf32>
        %mul3A_635 = arith.constant 2.000000e-01 : f32
        %mul3A_636 = vector.broadcast %mul3A_635 : f32 to vector<16xf32>
        %mul3A_637 = arith.mulf %mul3A_636, %add3A_634 : vector<16xf32>
        %max3A = arith.maximumf %add3A_634, %mul3A_637 : vector<16xf32>
        %exp3A = math.exp %max3A : vector<16xf32>
        %swap3A = arith.index_cast %scan3A_623 : i32 to index
        %swap3A_638 = arith.constant 128 : index
        %swap3A_639 = tpu.vector_load %arg15[%swap3A, %swap3A_638] {strides = array<i32>} : memref<40x144xf32, #tpu.memory_space<vmem>>, vector<1x16xf32>,
        %swap3A_640 = vector.shape_cast %swap3A_639 : vector<1x16xf32> to vector<16xf32>
        %swap3A_641 = vector.shape_cast %exp3A : vector<16xf32> to vector<1x16xf32>
        tpu.vector_store %arg15[%swap3A, %swap3A_638], %swap3A_641 {strides = array<i32>} : memref<40x144xf32, #tpu.memory_space<vmem>>, vector<1x16xf32>,
        %get3A_642 = arith.index_cast %add3A_626 : i32 to index
        %get3A_643 = arith.constant 0 : index
        %get3A_644 = tpu.vector_load %arg11[%get3A_642, %get3A_643] {strides = array<i32>} : memref<80x144xf32, #tpu.memory_space<vmem>>, vector<1x16xf32>,
        %get3A_645 = vector.shape_cast %get3A_644 : vector<1x16xf32> to vector<16xf32>
        %slice3A = vector.extract_strided_slice %exp3A {offsets = [0], sizes = [1], strides = [1]} : vector<16xf32> to vector<1xf32>
        %squeeze3A = vector.extract %slice3A[0] : f32 from vector<1xf32>
        %mul3A_646 = vector.broadcast %squeeze3A : f32 to vector<16xf32>
        %mul3A_647 = arith.mulf %get3A_645, %mul3A_646 : vector<16xf32>
        %swap3A_648 = arith.index_cast %scan3A_623 : i32 to index
        %swap3A_649 = arith.constant 0 : index
        %swap3A_650 = tpu.vector_load %arg15[%swap3A_648, %swap3A_649] {strides = array<i32>} : memref<40x144xf32, #tpu.memory_space<vmem>>, vector<1x16xf32>,
        %swap3A_651 = vector.shape_cast %swap3A_650 : vector<1x16xf32> to vector<16xf32>
        %swap3A_652 = vector.shape_cast %mul3A_647 : vector<16xf32> to vector<1x16xf32>
        tpu.vector_store %arg15[%swap3A_648, %swap3A_649], %swap3A_652 {strides = array<i32>} : memref<40x144xf32, #tpu.memory_space<vmem>>, vector<1x16xf32>,
        %get3A_653 = arith.index_cast %add3A_626 : i32 to index
        %get3A_654 = arith.constant 16 : index
        %get3A_655 = tpu.vector_load %arg11[%get3A_653, %get3A_654] {strides = array<i32>} : memref<80x144xf32, #tpu.memory_space<vmem>>, vector<1x16xf32>,
        %get3A_656 = vector.shape_cast %get3A_655 : vector<1x16xf32> to vector<16xf32>
        %slice3A_657 = vector.extract_strided_slice %exp3A {offsets = [1], sizes = [1], strides = [1]} : vector<16xf32> to vector<1xf32>
        %squeeze3A_658 = vector.extract %slice3A_657[0] : f32 from vector<1xf32>
        %mul3A_659 = vector.broadcast %squeeze3A_658 : f32 to vector<16xf32>
        %mul3A_660 = arith.mulf %get3A_656, %mul3A_659 : vector<16xf32>
        %swap3A_661 = arith.index_cast %scan3A_623 : i32 to index
        %swap3A_662 = arith.constant 16 : index
        %swap3A_663 = tpu.vector_load %arg15[%swap3A_661, %swap3A_662] {strides = array<i32>} : memref<40x144xf32, #tpu.memory_space<vmem>>, vector<1x16xf32>,
        %swap3A_664 = vector.shape_cast %swap3A_663 : vector<1x16xf32> to vector<16xf32>
        %swap3A_665 = vector.shape_cast %mul3A_660 : vector<16xf32> to vector<1x16xf32>
        tpu.vector_store %arg15[%swap3A_661, %swap3A_662], %swap3A_665 {strides = array<i32>} : memref<40x144xf32, #tpu.memory_space<vmem>>, vector<1x16xf32>,
        %get3A_666 = arith.index_cast %add3A_626 : i32 to index
        %get3A_667 = arith.constant 32 : index
        %get3A_668 = tpu.vector_load %arg11[%get3A_666, %get3A_667] {strides = array<i32>} : memref<80x144xf32, #tpu.memory_space<vmem>>, vector<1x16xf32>,
        %get3A_669 = vector.shape_cast %get3A_668 : vector<1x16xf32> to vector<16xf32>
        %slice3A_670 = vector.extract_strided_slice %exp3A {offsets = [2], sizes = [1], strides = [1]} : vector<16xf32> to vector<1xf32>
        %squeeze3A_671 = vector.extract %slice3A_670[0] : f32 from vector<1xf32>
        %mul3A_672 = vector.broadcast %squeeze3A_671 : f32 to vector<16xf32>
        %mul3A_673 = arith.mulf %get3A_669, %mul3A_672 : vector<16xf32>
        %swap3A_674 = arith.index_cast %scan3A_623 : i32 to index
        %swap3A_675 = arith.constant 32 : index
        %swap3A_676 = tpu.vector_load %arg15[%swap3A_674, %swap3A_675] {strides = array<i32>} : memref<40x144xf32, #tpu.memory_space<vmem>>, vector<1x16xf32>,
        %swap3A_677 = vector.shape_cast %swap3A_676 : vector<1x16xf32> to vector<16xf32>
        %swap3A_678 = vector.shape_cast %mul3A_673 : vector<16xf32> to vector<1x16xf32>
        tpu.vector_store %arg15[%swap3A_674, %swap3A_675], %swap3A_678 {strides = array<i32>} : memref<40x144xf32, #tpu.memory_space<vmem>>, vector<1x16xf32>,
        %get3A_679 = arith.index_cast %add3A_626 : i32 to index
        %get3A_680 = arith.constant 48 : index
        %get3A_681 = tpu.vector_load %arg11[%get3A_679, %get3A_680] {strides = array<i32>} : memref<80x144xf32, #tpu.memory_space<vmem>>, vector<1x16xf32>,
        %get3A_682 = vector.shape_cast %get3A_681 : vector<1x16xf32> to vector<16xf32>
        %slice3A_683 = vector.extract_strided_slice %exp3A {offsets = [3], sizes = [1], strides = [1]} : vector<16xf32> to vector<1xf32>
        %squeeze3A_684 = vector.extract %slice3A_683[0] : f32 from vector<1xf32>
        %mul3A_685 = vector.broadcast %squeeze3A_684 : f32 to vector<16xf32>
        %mul3A_686 = arith.mulf %get3A_682, %mul3A_685 : vector<16xf32>
        %swap3A_687 = arith.index_cast %scan3A_623 : i32 to index
        %swap3A_688 = arith.constant 48 : index
        %swap3A_689 = tpu.vector_load %arg15[%swap3A_687, %swap3A_688] {strides = array<i32>} : memref<40x144xf32, #tpu.memory_space<vmem>>, vector<1x16xf32>,
        %swap3A_690 = vector.shape_cast %swap3A_689 : vector<1x16xf32> to vector<16xf32>
        %swap3A_691 = vector.shape_cast %mul3A_686 : vector<16xf32> to vector<1x16xf32>
        tpu.vector_store %arg15[%swap3A_687, %swap3A_688], %swap3A_691 {strides = array<i32>} : memref<40x144xf32, #tpu.memory_space<vmem>>, vector<1x16xf32>,
        %get3A_692 = arith.index_cast %add3A_626 : i32 to index
        %get3A_693 = arith.constant 64 : index
        %get3A_694 = tpu.vector_load %arg11[%get3A_692, %get3A_693] {strides = array<i32>} : memref<80x144xf32, #tpu.memory_space<vmem>>, vector<1x16xf32>,
        %get3A_695 = vector.shape_cast %get3A_694 : vector<1x16xf32> to vector<16xf32>
        %slice3A_696 = vector.extract_strided_slice %exp3A {offsets = [4], sizes = [1], strides = [1]} : vector<16xf32> to vector<1xf32>
        %squeeze3A_697 = vector.extract %slice3A_696[0] : f32 from vector<1xf32>
        %mul3A_698 = vector.broadcast %squeeze3A_697 : f32 to vector<16xf32>
        %mul3A_699 = arith.mulf %get3A_695, %mul3A_698 : vector<16xf32>
        %swap3A_700 = arith.index_cast %scan3A_623 : i32 to index
        %swap3A_701 = arith.constant 64 : index
        %swap3A_702 = tpu.vector_load %arg15[%swap3A_700, %swap3A_701] {strides = array<i32>} : memref<40x144xf32, #tpu.memory_space<vmem>>, vector<1x16xf32>,
        %swap3A_703 = vector.shape_cast %swap3A_702 : vector<1x16xf32> to vector<16xf32>
        %swap3A_704 = vector.shape_cast %mul3A_699 : vector<16xf32> to vector<1x16xf32>
        tpu.vector_store %arg15[%swap3A_700, %swap3A_701], %swap3A_704 {strides = array<i32>} : memref<40x144xf32, #tpu.memory_space<vmem>>, vector<1x16xf32>,
        %get3A_705 = arith.index_cast %add3A_626 : i32 to index
        %get3A_706 = arith.constant 80 : index
        %get3A_707 = tpu.vector_load %arg11[%get3A_705, %get3A_706] {strides = array<i32>} : memref<80x144xf32, #tpu.memory_space<vmem>>, vector<1x16xf32>,
        %get3A_708 = vector.shape_cast %get3A_707 : vector<1x16xf32> to vector<16xf32>
        %slice3A_709 = vector.extract_strided_slice %exp3A {offsets = [5], sizes = [1], strides = [1]} : vector<16xf32> to vector<1xf32>
        %squeeze3A_710 = vector.extract %slice3A_709[0] : f32 from vector<1xf32>
        %mul3A_711 = vector.broadcast %squeeze3A_710 : f32 to vector<16xf32>
        %mul3A_712 = arith.mulf %get3A_708, %mul3A_711 : vector<16xf32>
        %swap3A_713 = arith.index_cast %scan3A_623 : i32 to index
        %swap3A_714 = arith.constant 80 : index
        %swap3A_715 = tpu.vector_load %arg15[%swap3A_713, %swap3A_714] {strides = array<i32>} : memref<40x144xf32, #tpu.memory_space<vmem>>, vector<1x16xf32>,
        %swap3A_716 = vector.shape_cast %swap3A_715 : vector<1x16xf32> to vector<16xf32>
        %swap3A_717 = vector.shape_cast %mul3A_712 : vector<16xf32> to vector<1x16xf32>
        tpu.vector_store %arg15[%swap3A_713, %swap3A_714], %swap3A_717 {strides = array<i32>} : memref<40x144xf32, #tpu.memory_space<vmem>>, vector<1x16xf32>,
        %get3A_718 = arith.index_cast %add3A_626 : i32 to index
        %get3A_719 = arith.constant 96 : index
        %get3A_720 = tpu.vector_load %arg11[%get3A_718, %get3A_719] {strides = array<i32>} : memref<80x144xf32, #tpu.memory_space<vmem>>, vector<1x16xf32>,
        %get3A_721 = vector.shape_cast %get3A_720 : vector<1x16xf32> to vector<16xf32>
        %slice3A_722 = vector.extract_strided_slice %exp3A {offsets = [6], sizes = [1], strides = [1]} : vector<16xf32> to vector<1xf32>
        %squeeze3A_723 = vector.extract %slice3A_722[0] : f32 from vector<1xf32>
        %mul3A_724 = vector.broadcast %squeeze3A_723 : f32 to vector<16xf32>
        %mul3A_725 = arith.mulf %get3A_721, %mul3A_724 : vector<16xf32>
        %swap3A_726 = arith.index_cast %scan3A_623 : i32 to index
        %swap3A_727 = arith.constant 96 : index
        %swap3A_728 = tpu.vector_load %arg15[%swap3A_726, %swap3A_727] {strides = array<i32>} : memref<40x144xf32, #tpu.memory_space<vmem>>, vector<1x16xf32>,
        %swap3A_729 = vector.shape_cast %swap3A_728 : vector<1x16xf32> to vector<16xf32>
        %swap3A_730 = vector.shape_cast %mul3A_725 : vector<16xf32> to vector<1x16xf32>
        tpu.vector_store %arg15[%swap3A_726, %swap3A_727], %swap3A_730 {strides = array<i32>} : memref<40x144xf32, #tpu.memory_space<vmem>>, vector<1x16xf32>,
        %get3A_731 = arith.index_cast %add3A_626 : i32 to index
        %get3A_732 = arith.constant 112 : index
        %get3A_733 = tpu.vector_load %arg11[%get3A_731, %get3A_732] {strides = array<i32>} : memref<80x144xf32, #tpu.memory_space<vmem>>, vector<1x16xf32>,
        %get3A_734 = vector.shape_cast %get3A_733 : vector<1x16xf32> to vector<16xf32>
        %slice3A_735 = vector.extract_strided_slice %exp3A {offsets = [7], sizes = [1], strides = [1]} : vector<16xf32> to vector<1xf32>
        %squeeze3A_736 = vector.extract %slice3A_735[0] : f32 from vector<1xf32>
        %mul3A_737 = vector.broadcast %squeeze3A_736 : f32 to vector<16xf32>
        %mul3A_738 = arith.mulf %get3A_734, %mul3A_737 : vector<16xf32>
        %swap3A_739 = arith.index_cast %scan3A_623 : i32 to index
        %swap3A_740 = arith.constant 112 : index
        %swap3A_741 = tpu.vector_load %arg15[%swap3A_739, %swap3A_740] {strides = array<i32>} : memref<40x144xf32, #tpu.memory_space<vmem>>, vector<1x16xf32>,
        %swap3A_742 = vector.shape_cast %swap3A_741 : vector<1x16xf32> to vector<16xf32>
        %swap3A_743 = vector.shape_cast %mul3A_738 : vector<16xf32> to vector<1x16xf32>
        tpu.vector_store %arg15[%swap3A_739, %swap3A_740], %swap3A_743 {strides = array<i32>} : memref<40x144xf32, #tpu.memory_space<vmem>>, vector<1x16xf32>,
        %scan3A_744 = arith.constant 0 : i32
        scf.yield %scan3A_744 : i32
      }
      %scan3A_322 = arith.constant 40 : i32
      %dma_start3A_323 = arith.constant 1 : i32
      %dma_start3A_324 = arith.constant 1 : i32
      %dma_start3A_325 = arith.constant 0 : i32
      %dma_start3A_326 = tpu.memref_slice %arg7[%dma_start3A_323, %dma_start3A_324, %dma_start3A_325] : memref<2x2x40xi32, #tpu.memory_space<vmem>> -> memref<1x1x40xi32, #tpu.memory_space<vmem>>
      %dma_start3A_327 = tpu.memref_squeeze %dma_start3A_326 : memref<1x1x40xi32, #tpu.memory_space<vmem>> -> memref<40xi32, #tpu.memory_space<vmem>>
      %dma_start3A_328 = arith.constant 0 : i32
      %dma_start3A_329 = arith.constant 0 : i32
      %dma_start3A_330 = tpu.memref_slice %arg16[%dma_start3A_328, %dma_start3A_329] : memref<10240x144xf32, #tpu.memory_space<vmem_shared>> -> memref<10240x144xf32, #tpu.memory_space<vmem_shared>>
      tpu.enqueue_indirect_dma source(%arg15 : memref<40x144xf32, #tpu.memory_space<vmem>>) target(%dma_start3A_330 : memref<10240x144xf32, #tpu.memory_space<vmem_shared>>) offsets(%dma_start3A_327 : memref<40xi32, #tpu.memory_space<vmem>>) semaphore(%arg22 : memref<!tpu.dma_semaphore, #tpu.memory_space<semaphore_mem>>) {add = true}
      %add3A_331 = arith.constant 2 : i32
      %add3A_332 = arith.addi %add3A_236, %add3A_331 : i32
      %lt3A_333 = arith.constant 125 : i32
      %lt3A_334 = arith.cmpi slt, %add3A_332, %lt3A_333 : i32
      %convert_element_type3A_335 = arith.extui %lt3A_334 : i1 to i32
      %cond3A_336 = arith.constant 0 : i32
      %cond3A_337 = arith.cmpi ne, %convert_element_type3A_335, %cond3A_336 : i32
      scf.if %cond3A_337 {
        "tpu.region"() ({
          %run_scoped3A_667 = tpu.sem_alloc : memref<!tpu.dma_semaphore, #tpu.memory_space<semaphore_mem>>
          %dma_start3A_668 = arith.constant 0 : i32
          %dma_start3A_669 = arith.constant 0 : i32
          %dma_start3A_670 = arith.constant 0 : i32
          %dma_start3A_671 = tpu.memref_slice %arg4[%dma_start3A_668, %add3A, %add3A_332, %dma_start3A_669, %dma_start3A_670] : memref<2x32x125x2x40xi32, #tpu.memory_space<hbm>> -> memref<2x1x1x2x40xi32, #tpu.memory_space<hbm>>
          %dma_start3A_672 = tpu.memref_squeeze %dma_start3A_671 : memref<2x1x1x2x40xi32, #tpu.memory_space<hbm>> -> memref<2x2x40xi32, #tpu.memory_space<hbm>>
          %dma_start3A_673 = arith.constant 0 : i32
          %dma_start3A_674 = arith.constant 0 : i32
          %dma_start3A_675 = arith.constant 0 : i32
          %dma_start3A_676 = tpu.memref_slice %arg4[%dma_start3A_673, %add3A, %add3A_332, %dma_start3A_674, %dma_start3A_675] : memref<2x32x125x2x40xi32, #tpu.memory_space<hbm>> -> memref<2x1x1x2x40xi32, #tpu.memory_space<hbm>>
          %dma_start3A_677 = tpu.memref_squeeze %dma_start3A_676 : memref<2x1x1x2x40xi32, #tpu.memory_space<hbm>> -> memref<2x2x40xi32, #tpu.memory_space<hbm>>
          tpu.enqueue_dma source(%dma_start3A_677 : memref<2x2x40xi32, #tpu.memory_space<hbm>>) target(%arg9 : memref<2x2x40xi32, #tpu.memory_space<vmem>>) target_semaphore(%run_scoped3A_667 : memref<!tpu.dma_semaphore, #tpu.memory_space<semaphore_mem>>)
          %dma_wait3A_678 = arith.constant 0 : i32
          %dma_wait3A_679 = arith.constant 0 : i32
          %dma_wait3A_680 = arith.constant 0 : i32
          %dma_wait3A_681 = tpu.memref_slice %arg4[%dma_wait3A_678, %add3A, %add3A_332, %dma_wait3A_679, %dma_wait3A_680] : memref<2x32x125x2x40xi32, #tpu.memory_space<hbm>> -> memref<2x1x1x2x40xi32, #tpu.memory_space<hbm>>
          %dma_wait3A_682 = tpu.memref_squeeze %dma_wait3A_681 : memref<2x1x1x2x40xi32, #tpu.memory_space<hbm>> -> memref<2x2x40xi32, #tpu.memory_space<hbm>>
          %dma_wait3A_683 = arith.constant 0 : i32
          %dma_wait3A_684 = arith.constant 0 : i32
          %dma_wait3A_685 = arith.constant 0 : i32
          %dma_wait3A_686 = tpu.memref_slice %arg4[%dma_wait3A_683, %add3A, %add3A_332, %dma_wait3A_684, %dma_wait3A_685] : memref<2x32x125x2x40xi32, #tpu.memory_space<hbm>> -> memref<2x1x1x2x40xi32, #tpu.memory_space<hbm>>
          %dma_wait3A_687 = tpu.memref_squeeze %dma_wait3A_686 : memref<2x1x1x2x40xi32, #tpu.memory_space<hbm>> -> memref<2x2x40xi32, #tpu.memory_space<hbm>>
          tpu.wait_dma2 semaphore(%run_scoped3A_667 : memref<!tpu.dma_semaphore, #tpu.memory_space<semaphore_mem>>) src(%dma_wait3A_687 : memref<2x2x40xi32, #tpu.memory_space<hbm>>) dst(%arg9 : memref<2x2x40xi32, #tpu.memory_space<vmem>>)
          tpu.yield
        }) : () -> ()
        %dma_start3A_623 = arith.constant 0 : i32
        %dma_start3A_624 = arith.constant 0 : i32
        %dma_start3A_625 = arith.constant 0 : i32
        %dma_start3A_626 = arith.constant 0 : i32
        %dma_start3A_627 = tpu.memref_slice %arg11[%dma_start3A_625, %dma_start3A_626] : memref<80x144xf32, #tpu.memory_space<vmem>> -> memref<40x144xf32, #tpu.memory_space<vmem>>
        %dma_start3A_628 = arith.constant 0 : i32
        %dma_start3A_629 = tpu.memref_slice %arg9[%dma_start3A_623, %dma_start3A_624, %dma_start3A_628] : memref<2x2x40xi32, #tpu.memory_space<vmem>> -> memref<1x1x40xi32, #tpu.memory_space<vmem>>
        %dma_start3A_630 = tpu.memref_squeeze %dma_start3A_629 : memref<1x1x40xi32, #tpu.memory_space<vmem>> -> memref<40xi32, #tpu.memory_space<vmem>>
        %dma_start3A_631 = arith.constant 0 : i32
        %dma_start3A_632 = arith.constant 0 : i32
        %dma_start3A_633 = tpu.memref_slice %arg2[%dma_start3A_631, %dma_start3A_632] : memref<10000x144xf32, #tpu.memory_space<hbm>> -> memref<10000x144xf32, #tpu.memory_space<hbm>>
        tpu.enqueue_indirect_dma source(%dma_start3A_633 : memref<10000x144xf32, #tpu.memory_space<hbm>>) target(%dma_start3A_627 : memref<40x144xf32, #tpu.memory_space<vmem>>) offsets(%dma_start3A_630 : memref<40xi32, #tpu.memory_space<vmem>>) semaphore(%arg18 : memref<!tpu.dma_semaphore, #tpu.memory_space<semaphore_mem>>)
        %dma_start3A_634 = arith.constant 0 : i32
        %dma_start3A_635 = arith.constant 1 : i32
        %dma_start3A_636 = arith.constant 40 : i32
        %dma_start3A_637 = arith.constant 0 : i32
        %dma_start3A_638 = tpu.memref_slice %arg11[%dma_start3A_636, %dma_start3A_637] : memref<80x144xf32, #tpu.memory_space<vmem>> -> memref<40x144xf32, #tpu.memory_space<vmem>>
        %dma_start3A_639 = arith.constant 0 : i32
        %dma_start3A_640 = tpu.memref_slice %arg9[%dma_start3A_634, %dma_start3A_635, %dma_start3A_639] : memref<2x2x40xi32, #tpu.memory_space<vmem>> -> memref<1x1x40xi32, #tpu.memory_space<vmem>>
        %dma_start3A_641 = tpu.memref_squeeze %dma_start3A_640 : memref<1x1x40xi32, #tpu.memory_space<vmem>> -> memref<40xi32, #tpu.memory_space<vmem>>
        %dma_start3A_642 = arith.constant 0 : i32
        %dma_start3A_643 = arith.constant 0 : i32
        %dma_start3A_644 = tpu.memref_slice %arg2[%dma_start3A_642, %dma_start3A_643] : memref<10000x144xf32, #tpu.memory_space<hbm>> -> memref<10000x144xf32, #tpu.memory_space<hbm>>
        tpu.enqueue_indirect_dma source(%dma_start3A_644 : memref<10000x144xf32, #tpu.memory_space<hbm>>) target(%dma_start3A_638 : memref<40x144xf32, #tpu.memory_space<vmem>>) offsets(%dma_start3A_641 : memref<40xi32, #tpu.memory_space<vmem>>) semaphore(%arg18 : memref<!tpu.dma_semaphore, #tpu.memory_space<semaphore_mem>>)
        %dma_start3A_645 = arith.constant 1 : i32
        %dma_start3A_646 = arith.constant 0 : i32
        %dma_start3A_647 = arith.constant 0 : i32
        %dma_start3A_648 = arith.constant 0 : i32
        %dma_start3A_649 = tpu.memref_slice %arg13[%dma_start3A_647, %dma_start3A_648] : memref<80x16xf32, #tpu.memory_space<vmem>> -> memref<40x16xf32, #tpu.memory_space<vmem>>
        %dma_start3A_650 = arith.constant 0 : i32
        %dma_start3A_651 = tpu.memref_slice %arg9[%dma_start3A_645, %dma_start3A_646, %dma_start3A_650] : memref<2x2x40xi32, #tpu.memory_space<vmem>> -> memref<1x1x40xi32, #tpu.memory_space<vmem>>
        %dma_start3A_652 = tpu.memref_squeeze %dma_start3A_651 : memref<1x1x40xi32, #tpu.memory_space<vmem>> -> memref<40xi32, #tpu.memory_space<vmem>>
        %dma_start3A_653 = arith.constant 0 : i32
        %dma_start3A_654 = arith.constant 0 : i32
        %dma_start3A_655 = tpu.memref_slice %arg3[%dma_start3A_653, %dma_start3A_654] : memref<10000x16xf32, #tpu.memory_space<hbm>> -> memref<10000x16xf32, #tpu.memory_space<hbm>>
        tpu.enqueue_indirect_dma source(%dma_start3A_655 : memref<10000x16xf32, #tpu.memory_space<hbm>>) target(%dma_start3A_649 : memref<40x16xf32, #tpu.memory_space<vmem>>) offsets(%dma_start3A_652 : memref<40xi32, #tpu.memory_space<vmem>>) semaphore(%arg20 : memref<!tpu.dma_semaphore, #tpu.memory_space<semaphore_mem>>)
        %dma_start3A_656 = arith.constant 1 : i32
        %dma_start3A_657 = arith.constant 1 : i32
        %dma_start3A_658 = arith.constant 40 : i32
        %dma_start3A_659 = arith.constant 0 : i32
        %dma_start3A_660 = tpu.memref_slice %arg13[%dma_start3A_658, %dma_start3A_659] : memref<80x16xf32, #tpu.memory_space<vmem>> -> memref<40x16xf32, #tpu.memory_space<vmem>>
        %dma_start3A_661 = arith.constant 0 : i32
        %dma_start3A_662 = tpu.memref_slice %arg9[%dma_start3A_656, %dma_start3A_657, %dma_start3A_661] : memref<2x2x40xi32, #tpu.memory_space<vmem>> -> memref<1x1x40xi32, #tpu.memory_space<vmem>>
        %dma_start3A_663 = tpu.memref_squeeze %dma_start3A_662 : memref<1x1x40xi32, #tpu.memory_space<vmem>> -> memref<40xi32, #tpu.memory_space<vmem>>
        %dma_start3A_664 = arith.constant 0 : i32
        %dma_start3A_665 = arith.constant 0 : i32
        %dma_start3A_666 = tpu.memref_slice %arg3[%dma_start3A_664, %dma_start3A_665] : memref<10000x16xf32, #tpu.memory_space<hbm>> -> memref<10000x16xf32, #tpu.memory_space<hbm>>
        tpu.enqueue_indirect_dma source(%dma_start3A_666 : memref<10000x16xf32, #tpu.memory_space<hbm>>) target(%dma_start3A_660 : memref<40x16xf32, #tpu.memory_space<vmem>>) offsets(%dma_start3A_663 : memref<40xi32, #tpu.memory_space<vmem>>) semaphore(%arg20 : memref<!tpu.dma_semaphore, #tpu.memory_space<semaphore_mem>>)
      } else {
      }
      %dma_wait3A_338 = arith.constant 0 : i32
      %dma_wait3A_339 = arith.constant 0 : i32
      %dma_wait3A_340 = arith.constant 0 : i32
      %dma_wait3A_341 = arith.constant 0 : i32
      %dma_wait3A_342 = tpu.memref_slice %arg10[%dma_wait3A_340, %dma_wait3A_341] : memref<80x144xf32, #tpu.memory_space<vmem>> -> memref<40x144xf32, #tpu.memory_space<vmem>>
      %dma_wait3A_343 = arith.constant 0 : i32
      %dma_wait3A_344 = tpu.memref_slice %arg8[%dma_wait3A_338, %dma_wait3A_339, %dma_wait3A_343] : memref<2x2x40xi32, #tpu.memory_space<vmem>> -> memref<1x1x40xi32, #tpu.memory_space<vmem>>
      %dma_wait3A_345 = tpu.memref_squeeze %dma_wait3A_344 : memref<1x1x40xi32, #tpu.memory_space<vmem>> -> memref<40xi32, #tpu.memory_space<vmem>>
      %dma_wait3A_346 = arith.constant 0 : i32
      %dma_wait3A_347 = arith.constant 0 : i32
      %dma_wait3A_348 = tpu.memref_slice %arg2[%dma_wait3A_346, %dma_wait3A_347] : memref<10000x144xf32, #tpu.memory_space<hbm>> -> memref<10000x144xf32, #tpu.memory_space<hbm>>
      tpu.wait_indirect_dma semaphore(%arg17 : memref<!tpu.dma_semaphore, #tpu.memory_space<semaphore_mem>>) src(%dma_wait3A_348 : memref<10000x144xf32, #tpu.memory_space<hbm>>) dst(%dma_wait3A_342 : memref<40x144xf32, #tpu.memory_space<vmem>>)
      %dma_wait3A_349 = arith.constant 0 : i32
      %dma_wait3A_350 = arith.constant 1 : i32
      %dma_wait3A_351 = arith.constant 40 : i32
      %dma_wait3A_352 = arith.constant 0 : i32
      %dma_wait3A_353 = tpu.memref_slice %arg10[%dma_wait3A_351, %dma_wait3A_352] : memref<80x144xf32, #tpu.memory_space<vmem>> -> memref<40x144xf32, #tpu.memory_space<vmem>>
      %dma_wait3A_354 = arith.constant 0 : i32
      %dma_wait3A_355 = tpu.memref_slice %arg8[%dma_wait3A_349, %dma_wait3A_350, %dma_wait3A_354] : memref<2x2x40xi32, #tpu.memory_space<vmem>> -> memref<1x1x40xi32, #tpu.memory_space<vmem>>
      %dma_wait3A_356 = tpu.memref_squeeze %dma_wait3A_355 : memref<1x1x40xi32, #tpu.memory_space<vmem>> -> memref<40xi32, #tpu.memory_space<vmem>>
      %dma_wait3A_357 = arith.constant 0 : i32
      %dma_wait3A_358 = arith.constant 0 : i32
      %dma_wait3A_359 = tpu.memref_slice %arg2[%dma_wait3A_357, %dma_wait3A_358] : memref<10000x144xf32, #tpu.memory_space<hbm>> -> memref<10000x144xf32, #tpu.memory_space<hbm>>
      tpu.wait_indirect_dma semaphore(%arg17 : memref<!tpu.dma_semaphore, #tpu.memory_space<semaphore_mem>>) src(%dma_wait3A_359 : memref<10000x144xf32, #tpu.memory_space<hbm>>) dst(%dma_wait3A_353 : memref<40x144xf32, #tpu.memory_space<vmem>>)
      %dma_wait3A_360 = arith.constant 1 : i32
      %dma_wait3A_361 = arith.constant 0 : i32
      %dma_wait3A_362 = arith.constant 0 : i32
      %dma_wait3A_363 = arith.constant 0 : i32
      %dma_wait3A_364 = tpu.memref_slice %arg12[%dma_wait3A_362, %dma_wait3A_363] : memref<80x16xf32, #tpu.memory_space<vmem>> -> memref<40x16xf32, #tpu.memory_space<vmem>>
      %dma_wait3A_365 = arith.constant 0 : i32
      %dma_wait3A_366 = tpu.memref_slice %arg8[%dma_wait3A_360, %dma_wait3A_361, %dma_wait3A_365] : memref<2x2x40xi32, #tpu.memory_space<vmem>> -> memref<1x1x40xi32, #tpu.memory_space<vmem>>
      %dma_wait3A_367 = tpu.memref_squeeze %dma_wait3A_366 : memref<1x1x40xi32, #tpu.memory_space<vmem>> -> memref<40xi32, #tpu.memory_space<vmem>>
      %dma_wait3A_368 = arith.constant 0 : i32
      %dma_wait3A_369 = arith.constant 0 : i32
      %dma_wait3A_370 = tpu.memref_slice %arg3[%dma_wait3A_368, %dma_wait3A_369] : memref<10000x16xf32, #tpu.memory_space<hbm>> -> memref<10000x16xf32, #tpu.memory_space<hbm>>
      tpu.wait_indirect_dma semaphore(%arg19 : memref<!tpu.dma_semaphore, #tpu.memory_space<semaphore_mem>>) src(%dma_wait3A_370 : memref<10000x16xf32, #tpu.memory_space<hbm>>) dst(%dma_wait3A_364 : memref<40x16xf32, #tpu.memory_space<vmem>>)
      %dma_wait3A_371 = arith.constant 1 : i32
      %dma_wait3A_372 = arith.constant 1 : i32
      %dma_wait3A_373 = arith.constant 40 : i32
      %dma_wait3A_374 = arith.constant 0 : i32
      %dma_wait3A_375 = tpu.memref_slice %arg12[%dma_wait3A_373, %dma_wait3A_374] : memref<80x16xf32, #tpu.memory_space<vmem>> -> memref<40x16xf32, #tpu.memory_space<vmem>>
      %dma_wait3A_376 = arith.constant 0 : i32
      %dma_wait3A_377 = tpu.memref_slice %arg8[%dma_wait3A_371, %dma_wait3A_372, %dma_wait3A_376] : memref<2x2x40xi32, #tpu.memory_space<vmem>> -> memref<1x1x40xi32, #tpu.memory_space<vmem>>
      %dma_wait3A_378 = tpu.memref_squeeze %dma_wait3A_377 : memref<1x1x40xi32, #tpu.memory_space<vmem>> -> memref<40xi32, #tpu.memory_space<vmem>>
      %dma_wait3A_379 = arith.constant 0 : i32
      %dma_wait3A_380 = arith.constant 0 : i32
      %dma_wait3A_381 = tpu.memref_slice %arg3[%dma_wait3A_379, %dma_wait3A_380] : memref<10000x16xf32, #tpu.memory_space<hbm>> -> memref<10000x16xf32, #tpu.memory_space<hbm>>
      tpu.wait_indirect_dma semaphore(%arg19 : memref<!tpu.dma_semaphore, #tpu.memory_space<semaphore_mem>>) src(%dma_wait3A_381 : memref<10000x16xf32, #tpu.memory_space<hbm>>) dst(%dma_wait3A_375 : memref<40x16xf32, #tpu.memory_space<vmem>>)
      %dma_wait3A_382 = arith.constant 1 : i32
      %dma_wait3A_383 = arith.constant 0 : i32
      %dma_wait3A_384 = arith.constant 0 : i32
      %dma_wait3A_385 = tpu.memref_slice %arg7[%dma_wait3A_382, %dma_wait3A_383, %dma_wait3A_384] : memref<2x2x40xi32, #tpu.memory_space<vmem>> -> memref<1x1x40xi32, #tpu.memory_space<vmem>>
      %dma_wait3A_386 = tpu.memref_squeeze %dma_wait3A_385 : memref<1x1x40xi32, #tpu.memory_space<vmem>> -> memref<40xi32, #tpu.memory_space<vmem>>
      %dma_wait3A_387 = arith.constant 0 : i32
      %dma_wait3A_388 = arith.constant 0 : i32
      %dma_wait3A_389 = tpu.memref_slice %arg16[%dma_wait3A_387, %dma_wait3A_388] : memref<10240x144xf32, #tpu.memory_space<vmem_shared>> -> memref<10240x144xf32, #tpu.memory_space<vmem_shared>>
      tpu.wait_indirect_dma semaphore(%arg21 : memref<!tpu.dma_semaphore, #tpu.memory_space<semaphore_mem>>) src(%arg14 : memref<40x144xf32, #tpu.memory_space<vmem>>) dst(%dma_wait3A_389 : memref<10240x144xf32, #tpu.memory_space<vmem_shared>>)
      %scan3A_390 = arith.constant 0 : i32
      %scan3A_391 = arith.constant 0 : i32
      %scan3A_392 = arith.constant 40 : i32
      %scan3A_393 = arith.addi %scan3A_391, %scan3A_392 : i32
      %scan3A_394 = arith.constant 1 : i32
      %scan3A_395 = scf.for %scan3A_623 = %scan3A_391 to %scan3A_393 step %scan3A_394 iter_args(%scan3A_624 = %scan3A_390) -> (i32)  : i32 {
        %add3A_625 = arith.constant 0 : i32
        %add3A_626 = arith.addi %add3A_625, %scan3A_623 : i32
        %get3A = arith.index_cast %add3A_626 : i32 to index
        %get3A_627 = arith.constant 128 : index
        %get3A_628 = tpu.vector_load %arg10[%get3A, %get3A_627] {strides = array<i32>} : memref<80x144xf32, #tpu.memory_space<vmem>>, vector<1x16xf32>,
        %get3A_629 = vector.shape_cast %get3A_628 : vector<1x16xf32> to vector<16xf32>
        %get3A_630 = arith.index_cast %add3A_626 : i32 to index
        %get3A_631 = arith.constant 0 : index
        %get3A_632 = tpu.vector_load %arg12[%get3A_630, %get3A_631] {strides = array<i32>} : memref<80x16xf32, #tpu.memory_space<vmem>>, vector<1x16xf32>,
        %get3A_633 = vector.shape_cast %get3A_632 : vector<1x16xf32> to vector<16xf32>
        %add3A_634 = arith.addf %get3A_629, %get3A_633 : vector<16xf32>
        %mul3A_635 = arith.constant 2.000000e-01 : f32
        %mul3A_636 = vector.broadcast %mul3A_635 : f32 to vector<16xf32>
        %mul3A_637 = arith.mulf %mul3A_636, %add3A_634 : vector<16xf32>
        %max3A = arith.maximumf %add3A_634, %mul3A_637 : vector<16xf32>
        %exp3A = math.exp %max3A : vector<16xf32>
        %swap3A = arith.index_cast %scan3A_623 : i32 to index
        %swap3A_638 = arith.constant 128 : index
        %swap3A_639 = tpu.vector_load %arg14[%swap3A, %swap3A_638] {strides = array<i32>} : memref<40x144xf32, #tpu.memory_space<vmem>>, vector<1x16xf32>,
        %swap3A_640 = vector.shape_cast %swap3A_639 : vector<1x16xf32> to vector<16xf32>
        %swap3A_641 = vector.shape_cast %exp3A : vector<16xf32> to vector<1x16xf32>
        tpu.vector_store %arg14[%swap3A, %swap3A_638], %swap3A_641 {strides = array<i32>} : memref<40x144xf32, #tpu.memory_space<vmem>>, vector<1x16xf32>,
        %get3A_642 = arith.index_cast %add3A_626 : i32 to index
        %get3A_643 = arith.constant 0 : index
        %get3A_644 = tpu.vector_load %arg10[%get3A_642, %get3A_643] {strides = array<i32>} : memref<80x144xf32, #tpu.memory_space<vmem>>, vector<1x16xf32>,
        %get3A_645 = vector.shape_cast %get3A_644 : vector<1x16xf32> to vector<16xf32>
        %slice3A = vector.extract_strided_slice %exp3A {offsets = [0], sizes = [1], strides = [1]} : vector<16xf32> to vector<1xf32>
        %squeeze3A = vector.extract %slice3A[0] : f32 from vector<1xf32>
        %mul3A_646 = vector.broadcast %squeeze3A : f32 to vector<16xf32>
        %mul3A_647 = arith.mulf %get3A_645, %mul3A_646 : vector<16xf32>
        %swap3A_648 = arith.index_cast %scan3A_623 : i32 to index
        %swap3A_649 = arith.constant 0 : index
        %swap3A_650 = tpu.vector_load %arg14[%swap3A_648, %swap3A_649] {strides = array<i32>} : memref<40x144xf32, #tpu.memory_space<vmem>>, vector<1x16xf32>,
        %swap3A_651 = vector.shape_cast %swap3A_650 : vector<1x16xf32> to vector<16xf32>
        %swap3A_652 = vector.shape_cast %mul3A_647 : vector<16xf32> to vector<1x16xf32>
        tpu.vector_store %arg14[%swap3A_648, %swap3A_649], %swap3A_652 {strides = array<i32>} : memref<40x144xf32, #tpu.memory_space<vmem>>, vector<1x16xf32>,
        %get3A_653 = arith.index_cast %add3A_626 : i32 to index
        %get3A_654 = arith.constant 16 : index
        %get3A_655 = tpu.vector_load %arg10[%get3A_653, %get3A_654] {strides = array<i32>} : memref<80x144xf32, #tpu.memory_space<vmem>>, vector<1x16xf32>,
        %get3A_656 = vector.shape_cast %get3A_655 : vector<1x16xf32> to vector<16xf32>
        %slice3A_657 = vector.extract_strided_slice %exp3A {offsets = [1], sizes = [1], strides = [1]} : vector<16xf32> to vector<1xf32>
        %squeeze3A_658 = vector.extract %slice3A_657[0] : f32 from vector<1xf32>
        %mul3A_659 = vector.broadcast %squeeze3A_658 : f32 to vector<16xf32>
        %mul3A_660 = arith.mulf %get3A_656, %mul3A_659 : vector<16xf32>
        %swap3A_661 = arith.index_cast %scan3A_623 : i32 to index
        %swap3A_662 = arith.constant 16 : index
        %swap3A_663 = tpu.vector_load %arg14[%swap3A_661, %swap3A_662] {strides = array<i32>} : memref<40x144xf32, #tpu.memory_space<vmem>>, vector<1x16xf32>,
        %swap3A_664 = vector.shape_cast %swap3A_663 : vector<1x16xf32> to vector<16xf32>
        %swap3A_665 = vector.shape_cast %mul3A_660 : vector<16xf32> to vector<1x16xf32>
        tpu.vector_store %arg14[%swap3A_661, %swap3A_662], %swap3A_665 {strides = array<i32>} : memref<40x144xf32, #tpu.memory_space<vmem>>, vector<1x16xf32>,
        %get3A_666 = arith.index_cast %add3A_626 : i32 to index
        %get3A_667 = arith.constant 32 : index
        %get3A_668 = tpu.vector_load %arg10[%get3A_666, %get3A_667] {strides = array<i32>} : memref<80x144xf32, #tpu.memory_space<vmem>>, vector<1x16xf32>,
        %get3A_669 = vector.shape_cast %get3A_668 : vector<1x16xf32> to vector<16xf32>
        %slice3A_670 = vector.extract_strided_slice %exp3A {offsets = [2], sizes = [1], strides = [1]} : vector<16xf32> to vector<1xf32>
        %squeeze3A_671 = vector.extract %slice3A_670[0] : f32 from vector<1xf32>
        %mul3A_672 = vector.broadcast %squeeze3A_671 : f32 to vector<16xf32>
        %mul3A_673 = arith.mulf %get3A_669, %mul3A_672 : vector<16xf32>
        %swap3A_674 = arith.index_cast %scan3A_623 : i32 to index
        %swap3A_675 = arith.constant 32 : index
        %swap3A_676 = tpu.vector_load %arg14[%swap3A_674, %swap3A_675] {strides = array<i32>} : memref<40x144xf32, #tpu.memory_space<vmem>>, vector<1x16xf32>,
        %swap3A_677 = vector.shape_cast %swap3A_676 : vector<1x16xf32> to vector<16xf32>
        %swap3A_678 = vector.shape_cast %mul3A_673 : vector<16xf32> to vector<1x16xf32>
        tpu.vector_store %arg14[%swap3A_674, %swap3A_675], %swap3A_678 {strides = array<i32>} : memref<40x144xf32, #tpu.memory_space<vmem>>, vector<1x16xf32>,
        %get3A_679 = arith.index_cast %add3A_626 : i32 to index
        %get3A_680 = arith.constant 48 : index
        %get3A_681 = tpu.vector_load %arg10[%get3A_679, %get3A_680] {strides = array<i32>} : memref<80x144xf32, #tpu.memory_space<vmem>>, vector<1x16xf32>,
        %get3A_682 = vector.shape_cast %get3A_681 : vector<1x16xf32> to vector<16xf32>
        %slice3A_683 = vector.extract_strided_slice %exp3A {offsets = [3], sizes = [1], strides = [1]} : vector<16xf32> to vector<1xf32>
        %squeeze3A_684 = vector.extract %slice3A_683[0] : f32 from vector<1xf32>
        %mul3A_685 = vector.broadcast %squeeze3A_684 : f32 to vector<16xf32>
        %mul3A_686 = arith.mulf %get3A_682, %mul3A_685 : vector<16xf32>
        %swap3A_687 = arith.index_cast %scan3A_623 : i32 to index
        %swap3A_688 = arith.constant 48 : index
        %swap3A_689 = tpu.vector_load %arg14[%swap3A_687, %swap3A_688] {strides = array<i32>} : memref<40x144xf32, #tpu.memory_space<vmem>>, vector<1x16xf32>,
        %swap3A_690 = vector.shape_cast %swap3A_689 : vector<1x16xf32> to vector<16xf32>
        %swap3A_691 = vector.shape_cast %mul3A_686 : vector<16xf32> to vector<1x16xf32>
        tpu.vector_store %arg14[%swap3A_687, %swap3A_688], %swap3A_691 {strides = array<i32>} : memref<40x144xf32, #tpu.memory_space<vmem>>, vector<1x16xf32>,
        %get3A_692 = arith.index_cast %add3A_626 : i32 to index
        %get3A_693 = arith.constant 64 : index
        %get3A_694 = tpu.vector_load %arg10[%get3A_692, %get3A_693] {strides = array<i32>} : memref<80x144xf32, #tpu.memory_space<vmem>>, vector<1x16xf32>,
        %get3A_695 = vector.shape_cast %get3A_694 : vector<1x16xf32> to vector<16xf32>
        %slice3A_696 = vector.extract_strided_slice %exp3A {offsets = [4], sizes = [1], strides = [1]} : vector<16xf32> to vector<1xf32>
        %squeeze3A_697 = vector.extract %slice3A_696[0] : f32 from vector<1xf32>
        %mul3A_698 = vector.broadcast %squeeze3A_697 : f32 to vector<16xf32>
        %mul3A_699 = arith.mulf %get3A_695, %mul3A_698 : vector<16xf32>
        %swap3A_700 = arith.index_cast %scan3A_623 : i32 to index
        %swap3A_701 = arith.constant 64 : index
        %swap3A_702 = tpu.vector_load %arg14[%swap3A_700, %swap3A_701] {strides = array<i32>} : memref<40x144xf32, #tpu.memory_space<vmem>>, vector<1x16xf32>,
        %swap3A_703 = vector.shape_cast %swap3A_702 : vector<1x16xf32> to vector<16xf32>
        %swap3A_704 = vector.shape_cast %mul3A_699 : vector<16xf32> to vector<1x16xf32>
        tpu.vector_store %arg14[%swap3A_700, %swap3A_701], %swap3A_704 {strides = array<i32>} : memref<40x144xf32, #tpu.memory_space<vmem>>, vector<1x16xf32>,
        %get3A_705 = arith.index_cast %add3A_626 : i32 to index
        %get3A_706 = arith.constant 80 : index
        %get3A_707 = tpu.vector_load %arg10[%get3A_705, %get3A_706] {strides = array<i32>} : memref<80x144xf32, #tpu.memory_space<vmem>>, vector<1x16xf32>,
        %get3A_708 = vector.shape_cast %get3A_707 : vector<1x16xf32> to vector<16xf32>
        %slice3A_709 = vector.extract_strided_slice %exp3A {offsets = [5], sizes = [1], strides = [1]} : vector<16xf32> to vector<1xf32>
        %squeeze3A_710 = vector.extract %slice3A_709[0] : f32 from vector<1xf32>
        %mul3A_711 = vector.broadcast %squeeze3A_710 : f32 to vector<16xf32>
        %mul3A_712 = arith.mulf %get3A_708, %mul3A_711 : vector<16xf32>
        %swap3A_713 = arith.index_cast %scan3A_623 : i32 to index
        %swap3A_714 = arith.constant 80 : index
        %swap3A_715 = tpu.vector_load %arg14[%swap3A_713, %swap3A_714] {strides = array<i32>} : memref<40x144xf32, #tpu.memory_space<vmem>>, vector<1x16xf32>,
        %swap3A_716 = vector.shape_cast %swap3A_715 : vector<1x16xf32> to vector<16xf32>
        %swap3A_717 = vector.shape_cast %mul3A_712 : vector<16xf32> to vector<1x16xf32>
        tpu.vector_store %arg14[%swap3A_713, %swap3A_714], %swap3A_717 {strides = array<i32>} : memref<40x144xf32, #tpu.memory_space<vmem>>, vector<1x16xf32>,
        %get3A_718 = arith.index_cast %add3A_626 : i32 to index
        %get3A_719 = arith.constant 96 : index
        %get3A_720 = tpu.vector_load %arg10[%get3A_718, %get3A_719] {strides = array<i32>} : memref<80x144xf32, #tpu.memory_space<vmem>>, vector<1x16xf32>,
        %get3A_721 = vector.shape_cast %get3A_720 : vector<1x16xf32> to vector<16xf32>
        %slice3A_722 = vector.extract_strided_slice %exp3A {offsets = [6], sizes = [1], strides = [1]} : vector<16xf32> to vector<1xf32>
        %squeeze3A_723 = vector.extract %slice3A_722[0] : f32 from vector<1xf32>
        %mul3A_724 = vector.broadcast %squeeze3A_723 : f32 to vector<16xf32>
        %mul3A_725 = arith.mulf %get3A_721, %mul3A_724 : vector<16xf32>
        %swap3A_726 = arith.index_cast %scan3A_623 : i32 to index
        %swap3A_727 = arith.constant 96 : index
        %swap3A_728 = tpu.vector_load %arg14[%swap3A_726, %swap3A_727] {strides = array<i32>} : memref<40x144xf32, #tpu.memory_space<vmem>>, vector<1x16xf32>,
        %swap3A_729 = vector.shape_cast %swap3A_728 : vector<1x16xf32> to vector<16xf32>
        %swap3A_730 = vector.shape_cast %mul3A_725 : vector<16xf32> to vector<1x16xf32>
        tpu.vector_store %arg14[%swap3A_726, %swap3A_727], %swap3A_730 {strides = array<i32>} : memref<40x144xf32, #tpu.memory_space<vmem>>, vector<1x16xf32>,
        %get3A_731 = arith.index_cast %add3A_626 : i32 to index
        %get3A_732 = arith.constant 112 : index
        %get3A_733 = tpu.vector_load %arg10[%get3A_731, %get3A_732] {strides = array<i32>} : memref<80x144xf32, #tpu.memory_space<vmem>>, vector<1x16xf32>,
        %get3A_734 = vector.shape_cast %get3A_733 : vector<1x16xf32> to vector<16xf32>
        %slice3A_735 = vector.extract_strided_slice %exp3A {offsets = [7], sizes = [1], strides = [1]} : vector<16xf32> to vector<1xf32>
        %squeeze3A_736 = vector.extract %slice3A_735[0] : f32 from vector<1xf32>
        %mul3A_737 = vector.broadcast %squeeze3A_736 : f32 to vector<16xf32>
        %mul3A_738 = arith.mulf %get3A_734, %mul3A_737 : vector<16xf32>
        %swap3A_739 = arith.index_cast %scan3A_623 : i32 to index
        %swap3A_740 = arith.constant 112 : index
        %swap3A_741 = tpu.vector_load %arg14[%swap3A_739, %swap3A_740] {strides = array<i32>} : memref<40x144xf32, #tpu.memory_space<vmem>>, vector<1x16xf32>,
        %swap3A_742 = vector.shape_cast %swap3A_741 : vector<1x16xf32> to vector<16xf32>
        %swap3A_743 = vector.shape_cast %mul3A_738 : vector<16xf32> to vector<1x16xf32>
        tpu.vector_store %arg14[%swap3A_739, %swap3A_740], %swap3A_743 {strides = array<i32>} : memref<40x144xf32, #tpu.memory_space<vmem>>, vector<1x16xf32>,
        %scan3A_744 = arith.constant 0 : i32
        scf.yield %scan3A_744 : i32
      }
      %scan3A_396 = arith.constant 40 : i32
      %dma_start3A_397 = arith.constant 1 : i32
      %dma_start3A_398 = arith.constant 0 : i32
      %dma_start3A_399 = arith.constant 0 : i32
      %dma_start3A_400 = tpu.memref_slice %arg8[%dma_start3A_397, %dma_start3A_398, %dma_start3A_399] : memref<2x2x40xi32, #tpu.memory_space<vmem>> -> memref<1x1x40xi32, #tpu.memory_space<vmem>>
      %dma_start3A_401 = tpu.memref_squeeze %dma_start3A_400 : memref<1x1x40xi32, #tpu.memory_space<vmem>> -> memref<40xi32, #tpu.memory_space<vmem>>
      %dma_start3A_402 = arith.constant 0 : i32
      %dma_start3A_403 = arith.constant 0 : i32
      %dma_start3A_404 = tpu.memref_slice %arg16[%dma_start3A_402, %dma_start3A_403] : memref<10240x144xf32, #tpu.memory_space<vmem_shared>> -> memref<10240x144xf32, #tpu.memory_space<vmem_shared>>
      tpu.enqueue_indirect_dma source(%arg14 : memref<40x144xf32, #tpu.memory_space<vmem>>) target(%dma_start3A_404 : memref<10240x144xf32, #tpu.memory_space<vmem_shared>>) offsets(%dma_start3A_401 : memref<40xi32, #tpu.memory_space<vmem>>) semaphore(%arg21 : memref<!tpu.dma_semaphore, #tpu.memory_space<semaphore_mem>>) {add = true}
      %dma_wait3A_405 = arith.constant 1 : i32
      %dma_wait3A_406 = arith.constant 1 : i32
      %dma_wait3A_407 = arith.constant 0 : i32
      %dma_wait3A_408 = tpu.memref_slice %arg7[%dma_wait3A_405, %dma_wait3A_406, %dma_wait3A_407] : memref<2x2x40xi32, #tpu.memory_space<vmem>> -> memref<1x1x40xi32, #tpu.memory_space<vmem>>
      %dma_wait3A_409 = tpu.memref_squeeze %dma_wait3A_408 : memref<1x1x40xi32, #tpu.memory_space<vmem>> -> memref<40xi32, #tpu.memory_space<vmem>>
      %dma_wait3A_410 = arith.constant 0 : i32
      %dma_wait3A_411 = arith.constant 0 : i32
      %dma_wait3A_412 = tpu.memref_slice %arg16[%dma_wait3A_410, %dma_wait3A_411] : memref<10240x144xf32, #tpu.memory_space<vmem_shared>> -> memref<10240x144xf32, #tpu.memory_space<vmem_shared>>
      tpu.wait_indirect_dma semaphore(%arg22 : memref<!tpu.dma_semaphore, #tpu.memory_space<semaphore_mem>>) src(%arg15 : memref<40x144xf32, #tpu.memory_space<vmem>>) dst(%dma_wait3A_412 : memref<10240x144xf32, #tpu.memory_space<vmem_shared>>)
      %scan3A_413 = arith.constant 0 : i32
      %scan3A_414 = arith.constant 0 : i32
      %scan3A_415 = arith.constant 40 : i32
      %scan3A_416 = arith.addi %scan3A_414, %scan3A_415 : i32
      %scan3A_417 = arith.constant 1 : i32
      %scan3A_418 = scf.for %scan3A_623 = %scan3A_414 to %scan3A_416 step %scan3A_417 iter_args(%scan3A_624 = %scan3A_413) -> (i32)  : i32 {
        %add3A_625 = arith.constant 40 : i32
        %add3A_626 = arith.addi %add3A_625, %scan3A_623 : i32
        %get3A = arith.index_cast %add3A_626 : i32 to index
        %get3A_627 = arith.constant 128 : index
        %get3A_628 = tpu.vector_load %arg10[%get3A, %get3A_627] {strides = array<i32>} : memref<80x144xf32, #tpu.memory_space<vmem>>, vector<1x16xf32>,
        %get3A_629 = vector.shape_cast %get3A_628 : vector<1x16xf32> to vector<16xf32>
        %get3A_630 = arith.index_cast %add3A_626 : i32 to index
        %get3A_631 = arith.constant 0 : index
        %get3A_632 = tpu.vector_load %arg12[%get3A_630, %get3A_631] {strides = array<i32>} : memref<80x16xf32, #tpu.memory_space<vmem>>, vector<1x16xf32>,
        %get3A_633 = vector.shape_cast %get3A_632 : vector<1x16xf32> to vector<16xf32>
        %add3A_634 = arith.addf %get3A_629, %get3A_633 : vector<16xf32>
        %mul3A_635 = arith.constant 2.000000e-01 : f32
        %mul3A_636 = vector.broadcast %mul3A_635 : f32 to vector<16xf32>
        %mul3A_637 = arith.mulf %mul3A_636, %add3A_634 : vector<16xf32>
        %max3A = arith.maximumf %add3A_634, %mul3A_637 : vector<16xf32>
        %exp3A = math.exp %max3A : vector<16xf32>
        %swap3A = arith.index_cast %scan3A_623 : i32 to index
        %swap3A_638 = arith.constant 128 : index
        %swap3A_639 = tpu.vector_load %arg15[%swap3A, %swap3A_638] {strides = array<i32>} : memref<40x144xf32, #tpu.memory_space<vmem>>, vector<1x16xf32>,
        %swap3A_640 = vector.shape_cast %swap3A_639 : vector<1x16xf32> to vector<16xf32>
        %swap3A_641 = vector.shape_cast %exp3A : vector<16xf32> to vector<1x16xf32>
        tpu.vector_store %arg15[%swap3A, %swap3A_638], %swap3A_641 {strides = array<i32>} : memref<40x144xf32, #tpu.memory_space<vmem>>, vector<1x16xf32>,
        %get3A_642 = arith.index_cast %add3A_626 : i32 to index
        %get3A_643 = arith.constant 0 : index
        %get3A_644 = tpu.vector_load %arg10[%get3A_642, %get3A_643] {strides = array<i32>} : memref<80x144xf32, #tpu.memory_space<vmem>>, vector<1x16xf32>,
        %get3A_645 = vector.shape_cast %get3A_644 : vector<1x16xf32> to vector<16xf32>
        %slice3A = vector.extract_strided_slice %exp3A {offsets = [0], sizes = [1], strides = [1]} : vector<16xf32> to vector<1xf32>
        %squeeze3A = vector.extract %slice3A[0] : f32 from vector<1xf32>
        %mul3A_646 = vector.broadcast %squeeze3A : f32 to vector<16xf32>
        %mul3A_647 = arith.mulf %get3A_645, %mul3A_646 : vector<16xf32>
        %swap3A_648 = arith.index_cast %scan3A_623 : i32 to index
        %swap3A_649 = arith.constant 0 : index
        %swap3A_650 = tpu.vector_load %arg15[%swap3A_648, %swap3A_649] {strides = array<i32>} : memref<40x144xf32, #tpu.memory_space<vmem>>, vector<1x16xf32>,
        %swap3A_651 = vector.shape_cast %swap3A_650 : vector<1x16xf32> to vector<16xf32>
        %swap3A_652 = vector.shape_cast %mul3A_647 : vector<16xf32> to vector<1x16xf32>
        tpu.vector_store %arg15[%swap3A_648, %swap3A_649], %swap3A_652 {strides = array<i32>} : memref<40x144xf32, #tpu.memory_space<vmem>>, vector<1x16xf32>,
        %get3A_653 = arith.index_cast %add3A_626 : i32 to index
        %get3A_654 = arith.constant 16 : index
        %get3A_655 = tpu.vector_load %arg10[%get3A_653, %get3A_654] {strides = array<i32>} : memref<80x144xf32, #tpu.memory_space<vmem>>, vector<1x16xf32>,
        %get3A_656 = vector.shape_cast %get3A_655 : vector<1x16xf32> to vector<16xf32>
        %slice3A_657 = vector.extract_strided_slice %exp3A {offsets = [1], sizes = [1], strides = [1]} : vector<16xf32> to vector<1xf32>
        %squeeze3A_658 = vector.extract %slice3A_657[0] : f32 from vector<1xf32>
        %mul3A_659 = vector.broadcast %squeeze3A_658 : f32 to vector<16xf32>
        %mul3A_660 = arith.mulf %get3A_656, %mul3A_659 : vector<16xf32>
        %swap3A_661 = arith.index_cast %scan3A_623 : i32 to index
        %swap3A_662 = arith.constant 16 : index
        %swap3A_663 = tpu.vector_load %arg15[%swap3A_661, %swap3A_662] {strides = array<i32>} : memref<40x144xf32, #tpu.memory_space<vmem>>, vector<1x16xf32>,
        %swap3A_664 = vector.shape_cast %swap3A_663 : vector<1x16xf32> to vector<16xf32>
        %swap3A_665 = vector.shape_cast %mul3A_660 : vector<16xf32> to vector<1x16xf32>
        tpu.vector_store %arg15[%swap3A_661, %swap3A_662], %swap3A_665 {strides = array<i32>} : memref<40x144xf32, #tpu.memory_space<vmem>>, vector<1x16xf32>,
        %get3A_666 = arith.index_cast %add3A_626 : i32 to index
        %get3A_667 = arith.constant 32 : index
        %get3A_668 = tpu.vector_load %arg10[%get3A_666, %get3A_667] {strides = array<i32>} : memref<80x144xf32, #tpu.memory_space<vmem>>, vector<1x16xf32>,
        %get3A_669 = vector.shape_cast %get3A_668 : vector<1x16xf32> to vector<16xf32>
        %slice3A_670 = vector.extract_strided_slice %exp3A {offsets = [2], sizes = [1], strides = [1]} : vector<16xf32> to vector<1xf32>
        %squeeze3A_671 = vector.extract %slice3A_670[0] : f32 from vector<1xf32>
        %mul3A_672 = vector.broadcast %squeeze3A_671 : f32 to vector<16xf32>
        %mul3A_673 = arith.mulf %get3A_669, %mul3A_672 : vector<16xf32>
        %swap3A_674 = arith.index_cast %scan3A_623 : i32 to index
        %swap3A_675 = arith.constant 32 : index
        %swap3A_676 = tpu.vector_load %arg15[%swap3A_674, %swap3A_675] {strides = array<i32>} : memref<40x144xf32, #tpu.memory_space<vmem>>, vector<1x16xf32>,
        %swap3A_677 = vector.shape_cast %swap3A_676 : vector<1x16xf32> to vector<16xf32>
        %swap3A_678 = vector.shape_cast %mul3A_673 : vector<16xf32> to vector<1x16xf32>
        tpu.vector_store %arg15[%swap3A_674, %swap3A_675], %swap3A_678 {strides = array<i32>} : memref<40x144xf32, #tpu.memory_space<vmem>>, vector<1x16xf32>,
        %get3A_679 = arith.index_cast %add3A_626 : i32 to index
        %get3A_680 = arith.constant 48 : index
        %get3A_681 = tpu.vector_load %arg10[%get3A_679, %get3A_680] {strides = array<i32>} : memref<80x144xf32, #tpu.memory_space<vmem>>, vector<1x16xf32>,
        %get3A_682 = vector.shape_cast %get3A_681 : vector<1x16xf32> to vector<16xf32>
        %slice3A_683 = vector.extract_strided_slice %exp3A {offsets = [3], sizes = [1], strides = [1]} : vector<16xf32> to vector<1xf32>
        %squeeze3A_684 = vector.extract %slice3A_683[0] : f32 from vector<1xf32>
        %mul3A_685 = vector.broadcast %squeeze3A_684 : f32 to vector<16xf32>
        %mul3A_686 = arith.mulf %get3A_682, %mul3A_685 : vector<16xf32>
        %swap3A_687 = arith.index_cast %scan3A_623 : i32 to index
        %swap3A_688 = arith.constant 48 : index
        %swap3A_689 = tpu.vector_load %arg15[%swap3A_687, %swap3A_688] {strides = array<i32>} : memref<40x144xf32, #tpu.memory_space<vmem>>, vector<1x16xf32>,
        %swap3A_690 = vector.shape_cast %swap3A_689 : vector<1x16xf32> to vector<16xf32>
        %swap3A_691 = vector.shape_cast %mul3A_686 : vector<16xf32> to vector<1x16xf32>
        tpu.vector_store %arg15[%swap3A_687, %swap3A_688], %swap3A_691 {strides = array<i32>} : memref<40x144xf32, #tpu.memory_space<vmem>>, vector<1x16xf32>,
        %get3A_692 = arith.index_cast %add3A_626 : i32 to index
        %get3A_693 = arith.constant 64 : index
        %get3A_694 = tpu.vector_load %arg10[%get3A_692, %get3A_693] {strides = array<i32>} : memref<80x144xf32, #tpu.memory_space<vmem>>, vector<1x16xf32>,
        %get3A_695 = vector.shape_cast %get3A_694 : vector<1x16xf32> to vector<16xf32>
        %slice3A_696 = vector.extract_strided_slice %exp3A {offsets = [4], sizes = [1], strides = [1]} : vector<16xf32> to vector<1xf32>
        %squeeze3A_697 = vector.extract %slice3A_696[0] : f32 from vector<1xf32>
        %mul3A_698 = vector.broadcast %squeeze3A_697 : f32 to vector<16xf32>
        %mul3A_699 = arith.mulf %get3A_695, %mul3A_698 : vector<16xf32>
        %swap3A_700 = arith.index_cast %scan3A_623 : i32 to index
        %swap3A_701 = arith.constant 64 : index
        %swap3A_702 = tpu.vector_load %arg15[%swap3A_700, %swap3A_701] {strides = array<i32>} : memref<40x144xf32, #tpu.memory_space<vmem>>, vector<1x16xf32>,
        %swap3A_703 = vector.shape_cast %swap3A_702 : vector<1x16xf32> to vector<16xf32>
        %swap3A_704 = vector.shape_cast %mul3A_699 : vector<16xf32> to vector<1x16xf32>
        tpu.vector_store %arg15[%swap3A_700, %swap3A_701], %swap3A_704 {strides = array<i32>} : memref<40x144xf32, #tpu.memory_space<vmem>>, vector<1x16xf32>,
        %get3A_705 = arith.index_cast %add3A_626 : i32 to index
        %get3A_706 = arith.constant 80 : index
        %get3A_707 = tpu.vector_load %arg10[%get3A_705, %get3A_706] {strides = array<i32>} : memref<80x144xf32, #tpu.memory_space<vmem>>, vector<1x16xf32>,
        %get3A_708 = vector.shape_cast %get3A_707 : vector<1x16xf32> to vector<16xf32>
        %slice3A_709 = vector.extract_strided_slice %exp3A {offsets = [5], sizes = [1], strides = [1]} : vector<16xf32> to vector<1xf32>
        %squeeze3A_710 = vector.extract %slice3A_709[0] : f32 from vector<1xf32>
        %mul3A_711 = vector.broadcast %squeeze3A_710 : f32 to vector<16xf32>
        %mul3A_712 = arith.mulf %get3A_708, %mul3A_711 : vector<16xf32>
        %swap3A_713 = arith.index_cast %scan3A_623 : i32 to index
        %swap3A_714 = arith.constant 80 : index
        %swap3A_715 = tpu.vector_load %arg15[%swap3A_713, %swap3A_714] {strides = array<i32>} : memref<40x144xf32, #tpu.memory_space<vmem>>, vector<1x16xf32>,
        %swap3A_716 = vector.shape_cast %swap3A_715 : vector<1x16xf32> to vector<16xf32>
        %swap3A_717 = vector.shape_cast %mul3A_712 : vector<16xf32> to vector<1x16xf32>
        tpu.vector_store %arg15[%swap3A_713, %swap3A_714], %swap3A_717 {strides = array<i32>} : memref<40x144xf32, #tpu.memory_space<vmem>>, vector<1x16xf32>,
        %get3A_718 = arith.index_cast %add3A_626 : i32 to index
        %get3A_719 = arith.constant 96 : index
        %get3A_720 = tpu.vector_load %arg10[%get3A_718, %get3A_719] {strides = array<i32>} : memref<80x144xf32, #tpu.memory_space<vmem>>, vector<1x16xf32>,
        %get3A_721 = vector.shape_cast %get3A_720 : vector<1x16xf32> to vector<16xf32>
        %slice3A_722 = vector.extract_strided_slice %exp3A {offsets = [6], sizes = [1], strides = [1]} : vector<16xf32> to vector<1xf32>
        %squeeze3A_723 = vector.extract %slice3A_722[0] : f32 from vector<1xf32>
        %mul3A_724 = vector.broadcast %squeeze3A_723 : f32 to vector<16xf32>
        %mul3A_725 = arith.mulf %get3A_721, %mul3A_724 : vector<16xf32>
        %swap3A_726 = arith.index_cast %scan3A_623 : i32 to index
        %swap3A_727 = arith.constant 96 : index
        %swap3A_728 = tpu.vector_load %arg15[%swap3A_726, %swap3A_727] {strides = array<i32>} : memref<40x144xf32, #tpu.memory_space<vmem>>, vector<1x16xf32>,
        %swap3A_729 = vector.shape_cast %swap3A_728 : vector<1x16xf32> to vector<16xf32>
        %swap3A_730 = vector.shape_cast %mul3A_725 : vector<16xf32> to vector<1x16xf32>
        tpu.vector_store %arg15[%swap3A_726, %swap3A_727], %swap3A_730 {strides = array<i32>} : memref<40x144xf32, #tpu.memory_space<vmem>>, vector<1x16xf32>,
        %get3A_731 = arith.index_cast %add3A_626 : i32 to index
        %get3A_732 = arith.constant 112 : index
        %get3A_733 = tpu.vector_load %arg10[%get3A_731, %get3A_732] {strides = array<i32>} : memref<80x144xf32, #tpu.memory_space<vmem>>, vector<1x16xf32>,
        %get3A_734 = vector.shape_cast %get3A_733 : vector<1x16xf32> to vector<16xf32>
        %slice3A_735 = vector.extract_strided_slice %exp3A {offsets = [7], sizes = [1], strides = [1]} : vector<16xf32> to vector<1xf32>
        %squeeze3A_736 = vector.extract %slice3A_735[0] : f32 from vector<1xf32>
        %mul3A_737 = vector.broadcast %squeeze3A_736 : f32 to vector<16xf32>
        %mul3A_738 = arith.mulf %get3A_734, %mul3A_737 : vector<16xf32>
        %swap3A_739 = arith.index_cast %scan3A_623 : i32 to index
        %swap3A_740 = arith.constant 112 : index
        %swap3A_741 = tpu.vector_load %arg15[%swap3A_739, %swap3A_740] {strides = array<i32>} : memref<40x144xf32, #tpu.memory_space<vmem>>, vector<1x16xf32>,
        %swap3A_742 = vector.shape_cast %swap3A_741 : vector<1x16xf32> to vector<16xf32>
        %swap3A_743 = vector.shape_cast %mul3A_738 : vector<16xf32> to vector<1x16xf32>
        tpu.vector_store %arg15[%swap3A_739, %swap3A_740], %swap3A_743 {strides = array<i32>} : memref<40x144xf32, #tpu.memory_space<vmem>>, vector<1x16xf32>,
        %scan3A_744 = arith.constant 0 : i32
        scf.yield %scan3A_744 : i32
      }
      %scan3A_419 = arith.constant 40 : i32
      %dma_start3A_420 = arith.constant 1 : i32
      %dma_start3A_421 = arith.constant 1 : i32
      %dma_start3A_422 = arith.constant 0 : i32
      %dma_start3A_423 = tpu.memref_slice %arg8[%dma_start3A_420, %dma_start3A_421, %dma_start3A_422] : memref<2x2x40xi32, #tpu.memory_space<vmem>> -> memref<1x1x40xi32, #tpu.memory_space<vmem>>
      %dma_start3A_424 = tpu.memref_squeeze %dma_start3A_423 : memref<1x1x40xi32, #tpu.memory_space<vmem>> -> memref<40xi32, #tpu.memory_space<vmem>>
      %dma_start3A_425 = arith.constant 0 : i32
      %dma_start3A_426 = arith.constant 0 : i32
      %dma_start3A_427 = tpu.memref_slice %arg16[%dma_start3A_425, %dma_start3A_426] : memref<10240x144xf32, #tpu.memory_space<vmem_shared>> -> memref<10240x144xf32, #tpu.memory_space<vmem_shared>>
      tpu.enqueue_indirect_dma source(%arg15 : memref<40x144xf32, #tpu.memory_space<vmem>>) target(%dma_start3A_427 : memref<10240x144xf32, #tpu.memory_space<vmem_shared>>) offsets(%dma_start3A_424 : memref<40xi32, #tpu.memory_space<vmem>>) semaphore(%arg22 : memref<!tpu.dma_semaphore, #tpu.memory_space<semaphore_mem>>) {add = true}
      %add3A_428 = arith.constant 3 : i32
      %add3A_429 = arith.addi %add3A_236, %add3A_428 : i32
      %lt3A_430 = arith.constant 125 : i32
      %lt3A_431 = arith.cmpi slt, %add3A_429, %lt3A_430 : i32
      %convert_element_type3A_432 = arith.extui %lt3A_431 : i1 to i32
      %cond3A_433 = arith.constant 0 : i32
      %cond3A_434 = arith.cmpi ne, %convert_element_type3A_432, %cond3A_433 : i32
      scf.if %cond3A_434 {
        "tpu.region"() ({
          %run_scoped3A_667 = tpu.sem_alloc : memref<!tpu.dma_semaphore, #tpu.memory_space<semaphore_mem>>
          %dma_start3A_668 = arith.constant 0 : i32
          %dma_start3A_669 = arith.constant 0 : i32
          %dma_start3A_670 = arith.constant 0 : i32
          %dma_start3A_671 = tpu.memref_slice %arg4[%dma_start3A_668, %add3A, %add3A_429, %dma_start3A_669, %dma_start3A_670] : memref<2x32x125x2x40xi32, #tpu.memory_space<hbm>> -> memref<2x1x1x2x40xi32, #tpu.memory_space<hbm>>
          %dma_start3A_672 = tpu.memref_squeeze %dma_start3A_671 : memref<2x1x1x2x40xi32, #tpu.memory_space<hbm>> -> memref<2x2x40xi32, #tpu.memory_space<hbm>>
          %dma_start3A_673 = arith.constant 0 : i32
          %dma_start3A_674 = arith.constant 0 : i32
          %dma_start3A_675 = arith.constant 0 : i32
          %dma_start3A_676 = tpu.memref_slice %arg4[%dma_start3A_673, %add3A, %add3A_429, %dma_start3A_674, %dma_start3A_675] : memref<2x32x125x2x40xi32, #tpu.memory_space<hbm>> -> memref<2x1x1x2x40xi32, #tpu.memory_space<hbm>>
          %dma_start3A_677 = tpu.memref_squeeze %dma_start3A_676 : memref<2x1x1x2x40xi32, #tpu.memory_space<hbm>> -> memref<2x2x40xi32, #tpu.memory_space<hbm>>
          tpu.enqueue_dma source(%dma_start3A_677 : memref<2x2x40xi32, #tpu.memory_space<hbm>>) target(%arg6 : memref<2x2x40xi32, #tpu.memory_space<vmem>>) target_semaphore(%run_scoped3A_667 : memref<!tpu.dma_semaphore, #tpu.memory_space<semaphore_mem>>)
          %dma_wait3A_678 = arith.constant 0 : i32
          %dma_wait3A_679 = arith.constant 0 : i32
          %dma_wait3A_680 = arith.constant 0 : i32
          %dma_wait3A_681 = tpu.memref_slice %arg4[%dma_wait3A_678, %add3A, %add3A_429, %dma_wait3A_679, %dma_wait3A_680] : memref<2x32x125x2x40xi32, #tpu.memory_space<hbm>> -> memref<2x1x1x2x40xi32, #tpu.memory_space<hbm>>
          %dma_wait3A_682 = tpu.memref_squeeze %dma_wait3A_681 : memref<2x1x1x2x40xi32, #tpu.memory_space<hbm>> -> memref<2x2x40xi32, #tpu.memory_space<hbm>>
          %dma_wait3A_683 = arith.constant 0 : i32
          %dma_wait3A_684 = arith.constant 0 : i32
          %dma_wait3A_685 = arith.constant 0 : i32
          %dma_wait3A_686 = tpu.memref_slice %arg4[%dma_wait3A_683, %add3A, %add3A_429, %dma_wait3A_684, %dma_wait3A_685] : memref<2x32x125x2x40xi32, #tpu.memory_space<hbm>> -> memref<2x1x1x2x40xi32, #tpu.memory_space<hbm>>
          %dma_wait3A_687 = tpu.memref_squeeze %dma_wait3A_686 : memref<2x1x1x2x40xi32, #tpu.memory_space<hbm>> -> memref<2x2x40xi32, #tpu.memory_space<hbm>>
          tpu.wait_dma2 semaphore(%run_scoped3A_667 : memref<!tpu.dma_semaphore, #tpu.memory_space<semaphore_mem>>) src(%dma_wait3A_687 : memref<2x2x40xi32, #tpu.memory_space<hbm>>) dst(%arg6 : memref<2x2x40xi32, #tpu.memory_space<vmem>>)
          tpu.yield
        }) : () -> ()
        %dma_start3A_623 = arith.constant 0 : i32
        %dma_start3A_624 = arith.constant 0 : i32
        %dma_start3A_625 = arith.constant 0 : i32
        %dma_start3A_626 = arith.constant 0 : i32
        %dma_start3A_627 = tpu.memref_slice %arg10[%dma_start3A_625, %dma_start3A_626] : memref<80x144xf32, #tpu.memory_space<vmem>> -> memref<40x144xf32, #tpu.memory_space<vmem>>
        %dma_start3A_628 = arith.constant 0 : i32
        %dma_start3A_629 = tpu.memref_slice %arg6[%dma_start3A_623, %dma_start3A_624, %dma_start3A_628] : memref<2x2x40xi32, #tpu.memory_space<vmem>> -> memref<1x1x40xi32, #tpu.memory_space<vmem>>
        %dma_start3A_630 = tpu.memref_squeeze %dma_start3A_629 : memref<1x1x40xi32, #tpu.memory_space<vmem>> -> memref<40xi32, #tpu.memory_space<vmem>>
        %dma_start3A_631 = arith.constant 0 : i32
        %dma_start3A_632 = arith.constant 0 : i32
        %dma_start3A_633 = tpu.memref_slice %arg2[%dma_start3A_631, %dma_start3A_632] : memref<10000x144xf32, #tpu.memory_space<hbm>> -> memref<10000x144xf32, #tpu.memory_space<hbm>>
        tpu.enqueue_indirect_dma source(%dma_start3A_633 : memref<10000x144xf32, #tpu.memory_space<hbm>>) target(%dma_start3A_627 : memref<40x144xf32, #tpu.memory_space<vmem>>) offsets(%dma_start3A_630 : memref<40xi32, #tpu.memory_space<vmem>>) semaphore(%arg17 : memref<!tpu.dma_semaphore, #tpu.memory_space<semaphore_mem>>)
        %dma_start3A_634 = arith.constant 0 : i32
        %dma_start3A_635 = arith.constant 1 : i32
        %dma_start3A_636 = arith.constant 40 : i32
        %dma_start3A_637 = arith.constant 0 : i32
        %dma_start3A_638 = tpu.memref_slice %arg10[%dma_start3A_636, %dma_start3A_637] : memref<80x144xf32, #tpu.memory_space<vmem>> -> memref<40x144xf32, #tpu.memory_space<vmem>>
        %dma_start3A_639 = arith.constant 0 : i32
        %dma_start3A_640 = tpu.memref_slice %arg6[%dma_start3A_634, %dma_start3A_635, %dma_start3A_639] : memref<2x2x40xi32, #tpu.memory_space<vmem>> -> memref<1x1x40xi32, #tpu.memory_space<vmem>>
        %dma_start3A_641 = tpu.memref_squeeze %dma_start3A_640 : memref<1x1x40xi32, #tpu.memory_space<vmem>> -> memref<40xi32, #tpu.memory_space<vmem>>
        %dma_start3A_642 = arith.constant 0 : i32
        %dma_start3A_643 = arith.constant 0 : i32
        %dma_start3A_644 = tpu.memref_slice %arg2[%dma_start3A_642, %dma_start3A_643] : memref<10000x144xf32, #tpu.memory_space<hbm>> -> memref<10000x144xf32, #tpu.memory_space<hbm>>
        tpu.enqueue_indirect_dma source(%dma_start3A_644 : memref<10000x144xf32, #tpu.memory_space<hbm>>) target(%dma_start3A_638 : memref<40x144xf32, #tpu.memory_space<vmem>>) offsets(%dma_start3A_641 : memref<40xi32, #tpu.memory_space<vmem>>) semaphore(%arg17 : memref<!tpu.dma_semaphore, #tpu.memory_space<semaphore_mem>>)
        %dma_start3A_645 = arith.constant 1 : i32
        %dma_start3A_646 = arith.constant 0 : i32
        %dma_start3A_647 = arith.constant 0 : i32
        %dma_start3A_648 = arith.constant 0 : i32
        %dma_start3A_649 = tpu.memref_slice %arg12[%dma_start3A_647, %dma_start3A_648] : memref<80x16xf32, #tpu.memory_space<vmem>> -> memref<40x16xf32, #tpu.memory_space<vmem>>
        %dma_start3A_650 = arith.constant 0 : i32
        %dma_start3A_651 = tpu.memref_slice %arg6[%dma_start3A_645, %dma_start3A_646, %dma_start3A_650] : memref<2x2x40xi32, #tpu.memory_space<vmem>> -> memref<1x1x40xi32, #tpu.memory_space<vmem>>
        %dma_start3A_652 = tpu.memref_squeeze %dma_start3A_651 : memref<1x1x40xi32, #tpu.memory_space<vmem>> -> memref<40xi32, #tpu.memory_space<vmem>>
        %dma_start3A_653 = arith.constant 0 : i32
        %dma_start3A_654 = arith.constant 0 : i32
        %dma_start3A_655 = tpu.memref_slice %arg3[%dma_start3A_653, %dma_start3A_654] : memref<10000x16xf32, #tpu.memory_space<hbm>> -> memref<10000x16xf32, #tpu.memory_space<hbm>>
        tpu.enqueue_indirect_dma source(%dma_start3A_655 : memref<10000x16xf32, #tpu.memory_space<hbm>>) target(%dma_start3A_649 : memref<40x16xf32, #tpu.memory_space<vmem>>) offsets(%dma_start3A_652 : memref<40xi32, #tpu.memory_space<vmem>>) semaphore(%arg19 : memref<!tpu.dma_semaphore, #tpu.memory_space<semaphore_mem>>)
        %dma_start3A_656 = arith.constant 1 : i32
        %dma_start3A_657 = arith.constant 1 : i32
        %dma_start3A_658 = arith.constant 40 : i32
        %dma_start3A_659 = arith.constant 0 : i32
        %dma_start3A_660 = tpu.memref_slice %arg12[%dma_start3A_658, %dma_start3A_659] : memref<80x16xf32, #tpu.memory_space<vmem>> -> memref<40x16xf32, #tpu.memory_space<vmem>>
        %dma_start3A_661 = arith.constant 0 : i32
        %dma_start3A_662 = tpu.memref_slice %arg6[%dma_start3A_656, %dma_start3A_657, %dma_start3A_661] : memref<2x2x40xi32, #tpu.memory_space<vmem>> -> memref<1x1x40xi32, #tpu.memory_space<vmem>>
        %dma_start3A_663 = tpu.memref_squeeze %dma_start3A_662 : memref<1x1x40xi32, #tpu.memory_space<vmem>> -> memref<40xi32, #tpu.memory_space<vmem>>
        %dma_start3A_664 = arith.constant 0 : i32
        %dma_start3A_665 = arith.constant 0 : i32
        %dma_start3A_666 = tpu.memref_slice %arg3[%dma_start3A_664, %dma_start3A_665] : memref<10000x16xf32, #tpu.memory_space<hbm>> -> memref<10000x16xf32, #tpu.memory_space<hbm>>
        tpu.enqueue_indirect_dma source(%dma_start3A_666 : memref<10000x16xf32, #tpu.memory_space<hbm>>) target(%dma_start3A_660 : memref<40x16xf32, #tpu.memory_space<vmem>>) offsets(%dma_start3A_663 : memref<40xi32, #tpu.memory_space<vmem>>) semaphore(%arg19 : memref<!tpu.dma_semaphore, #tpu.memory_space<semaphore_mem>>)
      } else {
      }
      %dma_wait3A_435 = arith.constant 0 : i32
      %dma_wait3A_436 = arith.constant 0 : i32
      %dma_wait3A_437 = arith.constant 0 : i32
      %dma_wait3A_438 = arith.constant 0 : i32
      %dma_wait3A_439 = tpu.memref_slice %arg11[%dma_wait3A_437, %dma_wait3A_438] : memref<80x144xf32, #tpu.memory_space<vmem>> -> memref<40x144xf32, #tpu.memory_space<vmem>>
      %dma_wait3A_440 = arith.constant 0 : i32
      %dma_wait3A_441 = tpu.memref_slice %arg9[%dma_wait3A_435, %dma_wait3A_436, %dma_wait3A_440] : memref<2x2x40xi32, #tpu.memory_space<vmem>> -> memref<1x1x40xi32, #tpu.memory_space<vmem>>
      %dma_wait3A_442 = tpu.memref_squeeze %dma_wait3A_441 : memref<1x1x40xi32, #tpu.memory_space<vmem>> -> memref<40xi32, #tpu.memory_space<vmem>>
      %dma_wait3A_443 = arith.constant 0 : i32
      %dma_wait3A_444 = arith.constant 0 : i32
      %dma_wait3A_445 = tpu.memref_slice %arg2[%dma_wait3A_443, %dma_wait3A_444] : memref<10000x144xf32, #tpu.memory_space<hbm>> -> memref<10000x144xf32, #tpu.memory_space<hbm>>
      tpu.wait_indirect_dma semaphore(%arg18 : memref<!tpu.dma_semaphore, #tpu.memory_space<semaphore_mem>>) src(%dma_wait3A_445 : memref<10000x144xf32, #tpu.memory_space<hbm>>) dst(%dma_wait3A_439 : memref<40x144xf32, #tpu.memory_space<vmem>>)
      %dma_wait3A_446 = arith.constant 0 : i32
      %dma_wait3A_447 = arith.constant 1 : i32
      %dma_wait3A_448 = arith.constant 40 : i32
      %dma_wait3A_449 = arith.constant 0 : i32
      %dma_wait3A_450 = tpu.memref_slice %arg11[%dma_wait3A_448, %dma_wait3A_449] : memref<80x144xf32, #tpu.memory_space<vmem>> -> memref<40x144xf32, #tpu.memory_space<vmem>>
      %dma_wait3A_451 = arith.constant 0 : i32
      %dma_wait3A_452 = tpu.memref_slice %arg9[%dma_wait3A_446, %dma_wait3A_447, %dma_wait3A_451] : memref<2x2x40xi32, #tpu.memory_space<vmem>> -> memref<1x1x40xi32, #tpu.memory_space<vmem>>
      %dma_wait3A_453 = tpu.memref_squeeze %dma_wait3A_452 : memref<1x1x40xi32, #tpu.memory_space<vmem>> -> memref<40xi32, #tpu.memory_space<vmem>>
      %dma_wait3A_454 = arith.constant 0 : i32
      %dma_wait3A_455 = arith.constant 0 : i32
      %dma_wait3A_456 = tpu.memref_slice %arg2[%dma_wait3A_454, %dma_wait3A_455] : memref<10000x144xf32, #tpu.memory_space<hbm>> -> memref<10000x144xf32, #tpu.memory_space<hbm>>
      tpu.wait_indirect_dma semaphore(%arg18 : memref<!tpu.dma_semaphore, #tpu.memory_space<semaphore_mem>>) src(%dma_wait3A_456 : memref<10000x144xf32, #tpu.memory_space<hbm>>) dst(%dma_wait3A_450 : memref<40x144xf32, #tpu.memory_space<vmem>>)
      %dma_wait3A_457 = arith.constant 1 : i32
      %dma_wait3A_458 = arith.constant 0 : i32
      %dma_wait3A_459 = arith.constant 0 : i32
      %dma_wait3A_460 = arith.constant 0 : i32
      %dma_wait3A_461 = tpu.memref_slice %arg13[%dma_wait3A_459, %dma_wait3A_460] : memref<80x16xf32, #tpu.memory_space<vmem>> -> memref<40x16xf32, #tpu.memory_space<vmem>>
      %dma_wait3A_462 = arith.constant 0 : i32
      %dma_wait3A_463 = tpu.memref_slice %arg9[%dma_wait3A_457, %dma_wait3A_458, %dma_wait3A_462] : memref<2x2x40xi32, #tpu.memory_space<vmem>> -> memref<1x1x40xi32, #tpu.memory_space<vmem>>
      %dma_wait3A_464 = tpu.memref_squeeze %dma_wait3A_463 : memref<1x1x40xi32, #tpu.memory_space<vmem>> -> memref<40xi32, #tpu.memory_space<vmem>>
      %dma_wait3A_465 = arith.constant 0 : i32
      %dma_wait3A_466 = arith.constant 0 : i32
      %dma_wait3A_467 = tpu.memref_slice %arg3[%dma_wait3A_465, %dma_wait3A_466] : memref<10000x16xf32, #tpu.memory_space<hbm>> -> memref<10000x16xf32, #tpu.memory_space<hbm>>
      tpu.wait_indirect_dma semaphore(%arg20 : memref<!tpu.dma_semaphore, #tpu.memory_space<semaphore_mem>>) src(%dma_wait3A_467 : memref<10000x16xf32, #tpu.memory_space<hbm>>) dst(%dma_wait3A_461 : memref<40x16xf32, #tpu.memory_space<vmem>>)
      %dma_wait3A_468 = arith.constant 1 : i32
      %dma_wait3A_469 = arith.constant 1 : i32
      %dma_wait3A_470 = arith.constant 40 : i32
      %dma_wait3A_471 = arith.constant 0 : i32
      %dma_wait3A_472 = tpu.memref_slice %arg13[%dma_wait3A_470, %dma_wait3A_471] : memref<80x16xf32, #tpu.memory_space<vmem>> -> memref<40x16xf32, #tpu.memory_space<vmem>>
      %dma_wait3A_473 = arith.constant 0 : i32
      %dma_wait3A_474 = tpu.memref_slice %arg9[%dma_wait3A_468, %dma_wait3A_469, %dma_wait3A_473] : memref<2x2x40xi32, #tpu.memory_space<vmem>> -> memref<1x1x40xi32, #tpu.memory_space<vmem>>
      %dma_wait3A_475 = tpu.memref_squeeze %dma_wait3A_474 : memref<1x1x40xi32, #tpu.memory_space<vmem>> -> memref<40xi32, #tpu.memory_space<vmem>>
      %dma_wait3A_476 = arith.constant 0 : i32
      %dma_wait3A_477 = arith.constant 0 : i32
      %dma_wait3A_478 = tpu.memref_slice %arg3[%dma_wait3A_476, %dma_wait3A_477] : memref<10000x16xf32, #tpu.memory_space<hbm>> -> memref<10000x16xf32, #tpu.memory_space<hbm>>
      tpu.wait_indirect_dma semaphore(%arg20 : memref<!tpu.dma_semaphore, #tpu.memory_space<semaphore_mem>>) src(%dma_wait3A_478 : memref<10000x16xf32, #tpu.memory_space<hbm>>) dst(%dma_wait3A_472 : memref<40x16xf32, #tpu.memory_space<vmem>>)
      %dma_wait3A_479 = arith.constant 1 : i32
      %dma_wait3A_480 = arith.constant 0 : i32
      %dma_wait3A_481 = arith.constant 0 : i32
      %dma_wait3A_482 = tpu.memref_slice %arg8[%dma_wait3A_479, %dma_wait3A_480, %dma_wait3A_481] : memref<2x2x40xi32, #tpu.memory_space<vmem>> -> memref<1x1x40xi32, #tpu.memory_space<vmem>>
      %dma_wait3A_483 = tpu.memref_squeeze %dma_wait3A_482 : memref<1x1x40xi32, #tpu.memory_space<vmem>> -> memref<40xi32, #tpu.memory_space<vmem>>
      %dma_wait3A_484 = arith.constant 0 : i32
      %dma_wait3A_485 = arith.constant 0 : i32
      %dma_wait3A_486 = tpu.memref_slice %arg16[%dma_wait3A_484, %dma_wait3A_485] : memref<10240x144xf32, #tpu.memory_space<vmem_shared>> -> memref<10240x144xf32, #tpu.memory_space<vmem_shared>>
      tpu.wait_indirect_dma semaphore(%arg21 : memref<!tpu.dma_semaphore, #tpu.memory_space<semaphore_mem>>) src(%arg14 : memref<40x144xf32, #tpu.memory_space<vmem>>) dst(%dma_wait3A_486 : memref<10240x144xf32, #tpu.memory_space<vmem_shared>>)
      %scan3A_487 = arith.constant 0 : i32
      %scan3A_488 = arith.constant 0 : i32
      %scan3A_489 = arith.constant 40 : i32
      %scan3A_490 = arith.addi %scan3A_488, %scan3A_489 : i32
      %scan3A_491 = arith.constant 1 : i32
      %scan3A_492 = scf.for %scan3A_623 = %scan3A_488 to %scan3A_490 step %scan3A_491 iter_args(%scan3A_624 = %scan3A_487) -> (i32)  : i32 {
        %add3A_625 = arith.constant 0 : i32
        %add3A_626 = arith.addi %add3A_625, %scan3A_623 : i32
        %get3A = arith.index_cast %add3A_626 : i32 to index
        %get3A_627 = arith.constant 128 : index
        %get3A_628 = tpu.vector_load %arg11[%get3A, %get3A_627] {strides = array<i32>} : memref<80x144xf32, #tpu.memory_space<vmem>>, vector<1x16xf32>,
        %get3A_629 = vector.shape_cast %get3A_628 : vector<1x16xf32> to vector<16xf32>
        %get3A_630 = arith.index_cast %add3A_626 : i32 to index
        %get3A_631 = arith.constant 0 : index
        %get3A_632 = tpu.vector_load %arg13[%get3A_630, %get3A_631] {strides = array<i32>} : memref<80x16xf32, #tpu.memory_space<vmem>>, vector<1x16xf32>,
        %get3A_633 = vector.shape_cast %get3A_632 : vector<1x16xf32> to vector<16xf32>
        %add3A_634 = arith.addf %get3A_629, %get3A_633 : vector<16xf32>
        %mul3A_635 = arith.constant 2.000000e-01 : f32
        %mul3A_636 = vector.broadcast %mul3A_635 : f32 to vector<16xf32>
        %mul3A_637 = arith.mulf %mul3A_636, %add3A_634 : vector<16xf32>
        %max3A = arith.maximumf %add3A_634, %mul3A_637 : vector<16xf32>
        %exp3A = math.exp %max3A : vector<16xf32>
        %swap3A = arith.index_cast %scan3A_623 : i32 to index
        %swap3A_638 = arith.constant 128 : index
        %swap3A_639 = tpu.vector_load %arg14[%swap3A, %swap3A_638] {strides = array<i32>} : memref<40x144xf32, #tpu.memory_space<vmem>>, vector<1x16xf32>,
        %swap3A_640 = vector.shape_cast %swap3A_639 : vector<1x16xf32> to vector<16xf32>
        %swap3A_641 = vector.shape_cast %exp3A : vector<16xf32> to vector<1x16xf32>
        tpu.vector_store %arg14[%swap3A, %swap3A_638], %swap3A_641 {strides = array<i32>} : memref<40x144xf32, #tpu.memory_space<vmem>>, vector<1x16xf32>,
        %get3A_642 = arith.index_cast %add3A_626 : i32 to index
        %get3A_643 = arith.constant 0 : index
        %get3A_644 = tpu.vector_load %arg11[%get3A_642, %get3A_643] {strides = array<i32>} : memref<80x144xf32, #tpu.memory_space<vmem>>, vector<1x16xf32>,
        %get3A_645 = vector.shape_cast %get3A_644 : vector<1x16xf32> to vector<16xf32>
        %slice3A = vector.extract_strided_slice %exp3A {offsets = [0], sizes = [1], strides = [1]} : vector<16xf32> to vector<1xf32>
        %squeeze3A = vector.extract %slice3A[0] : f32 from vector<1xf32>
        %mul3A_646 = vector.broadcast %squeeze3A : f32 to vector<16xf32>
        %mul3A_647 = arith.mulf %get3A_645, %mul3A_646 : vector<16xf32>
        %swap3A_648 = arith.index_cast %scan3A_623 : i32 to index
        %swap3A_649 = arith.constant 0 : index
        %swap3A_650 = tpu.vector_load %arg14[%swap3A_648, %swap3A_649] {strides = array<i32>} : memref<40x144xf32, #tpu.memory_space<vmem>>, vector<1x16xf32>,
        %swap3A_651 = vector.shape_cast %swap3A_650 : vector<1x16xf32> to vector<16xf32>
        %swap3A_652 = vector.shape_cast %mul3A_647 : vector<16xf32> to vector<1x16xf32>
        tpu.vector_store %arg14[%swap3A_648, %swap3A_649], %swap3A_652 {strides = array<i32>} : memref<40x144xf32, #tpu.memory_space<vmem>>, vector<1x16xf32>,
        %get3A_653 = arith.index_cast %add3A_626 : i32 to index
        %get3A_654 = arith.constant 16 : index
        %get3A_655 = tpu.vector_load %arg11[%get3A_653, %get3A_654] {strides = array<i32>} : memref<80x144xf32, #tpu.memory_space<vmem>>, vector<1x16xf32>,
        %get3A_656 = vector.shape_cast %get3A_655 : vector<1x16xf32> to vector<16xf32>
        %slice3A_657 = vector.extract_strided_slice %exp3A {offsets = [1], sizes = [1], strides = [1]} : vector<16xf32> to vector<1xf32>
        %squeeze3A_658 = vector.extract %slice3A_657[0] : f32 from vector<1xf32>
        %mul3A_659 = vector.broadcast %squeeze3A_658 : f32 to vector<16xf32>
        %mul3A_660 = arith.mulf %get3A_656, %mul3A_659 : vector<16xf32>
        %swap3A_661 = arith.index_cast %scan3A_623 : i32 to index
        %swap3A_662 = arith.constant 16 : index
        %swap3A_663 = tpu.vector_load %arg14[%swap3A_661, %swap3A_662] {strides = array<i32>} : memref<40x144xf32, #tpu.memory_space<vmem>>, vector<1x16xf32>,
        %swap3A_664 = vector.shape_cast %swap3A_663 : vector<1x16xf32> to vector<16xf32>
        %swap3A_665 = vector.shape_cast %mul3A_660 : vector<16xf32> to vector<1x16xf32>
        tpu.vector_store %arg14[%swap3A_661, %swap3A_662], %swap3A_665 {strides = array<i32>} : memref<40x144xf32, #tpu.memory_space<vmem>>, vector<1x16xf32>,
        %get3A_666 = arith.index_cast %add3A_626 : i32 to index
        %get3A_667 = arith.constant 32 : index
        %get3A_668 = tpu.vector_load %arg11[%get3A_666, %get3A_667] {strides = array<i32>} : memref<80x144xf32, #tpu.memory_space<vmem>>, vector<1x16xf32>,
        %get3A_669 = vector.shape_cast %get3A_668 : vector<1x16xf32> to vector<16xf32>
        %slice3A_670 = vector.extract_strided_slice %exp3A {offsets = [2], sizes = [1], strides = [1]} : vector<16xf32> to vector<1xf32>
        %squeeze3A_671 = vector.extract %slice3A_670[0] : f32 from vector<1xf32>
        %mul3A_672 = vector.broadcast %squeeze3A_671 : f32 to vector<16xf32>
        %mul3A_673 = arith.mulf %get3A_669, %mul3A_672 : vector<16xf32>
        %swap3A_674 = arith.index_cast %scan3A_623 : i32 to index
        %swap3A_675 = arith.constant 32 : index
        %swap3A_676 = tpu.vector_load %arg14[%swap3A_674, %swap3A_675] {strides = array<i32>} : memref<40x144xf32, #tpu.memory_space<vmem>>, vector<1x16xf32>,
        %swap3A_677 = vector.shape_cast %swap3A_676 : vector<1x16xf32> to vector<16xf32>
        %swap3A_678 = vector.shape_cast %mul3A_673 : vector<16xf32> to vector<1x16xf32>
        tpu.vector_store %arg14[%swap3A_674, %swap3A_675], %swap3A_678 {strides = array<i32>} : memref<40x144xf32, #tpu.memory_space<vmem>>, vector<1x16xf32>,
        %get3A_679 = arith.index_cast %add3A_626 : i32 to index
        %get3A_680 = arith.constant 48 : index
        %get3A_681 = tpu.vector_load %arg11[%get3A_679, %get3A_680] {strides = array<i32>} : memref<80x144xf32, #tpu.memory_space<vmem>>, vector<1x16xf32>,
        %get3A_682 = vector.shape_cast %get3A_681 : vector<1x16xf32> to vector<16xf32>
        %slice3A_683 = vector.extract_strided_slice %exp3A {offsets = [3], sizes = [1], strides = [1]} : vector<16xf32> to vector<1xf32>
        %squeeze3A_684 = vector.extract %slice3A_683[0] : f32 from vector<1xf32>
        %mul3A_685 = vector.broadcast %squeeze3A_684 : f32 to vector<16xf32>
        %mul3A_686 = arith.mulf %get3A_682, %mul3A_685 : vector<16xf32>
        %swap3A_687 = arith.index_cast %scan3A_623 : i32 to index
        %swap3A_688 = arith.constant 48 : index
        %swap3A_689 = tpu.vector_load %arg14[%swap3A_687, %swap3A_688] {strides = array<i32>} : memref<40x144xf32, #tpu.memory_space<vmem>>, vector<1x16xf32>,
        %swap3A_690 = vector.shape_cast %swap3A_689 : vector<1x16xf32> to vector<16xf32>
        %swap3A_691 = vector.shape_cast %mul3A_686 : vector<16xf32> to vector<1x16xf32>
        tpu.vector_store %arg14[%swap3A_687, %swap3A_688], %swap3A_691 {strides = array<i32>} : memref<40x144xf32, #tpu.memory_space<vmem>>, vector<1x16xf32>,
        %get3A_692 = arith.index_cast %add3A_626 : i32 to index
        %get3A_693 = arith.constant 64 : index
        %get3A_694 = tpu.vector_load %arg11[%get3A_692, %get3A_693] {strides = array<i32>} : memref<80x144xf32, #tpu.memory_space<vmem>>, vector<1x16xf32>,
        %get3A_695 = vector.shape_cast %get3A_694 : vector<1x16xf32> to vector<16xf32>
        %slice3A_696 = vector.extract_strided_slice %exp3A {offsets = [4], sizes = [1], strides = [1]} : vector<16xf32> to vector<1xf32>
        %squeeze3A_697 = vector.extract %slice3A_696[0] : f32 from vector<1xf32>
        %mul3A_698 = vector.broadcast %squeeze3A_697 : f32 to vector<16xf32>
        %mul3A_699 = arith.mulf %get3A_695, %mul3A_698 : vector<16xf32>
        %swap3A_700 = arith.index_cast %scan3A_623 : i32 to index
        %swap3A_701 = arith.constant 64 : index
        %swap3A_702 = tpu.vector_load %arg14[%swap3A_700, %swap3A_701] {strides = array<i32>} : memref<40x144xf32, #tpu.memory_space<vmem>>, vector<1x16xf32>,
        %swap3A_703 = vector.shape_cast %swap3A_702 : vector<1x16xf32> to vector<16xf32>
        %swap3A_704 = vector.shape_cast %mul3A_699 : vector<16xf32> to vector<1x16xf32>
        tpu.vector_store %arg14[%swap3A_700, %swap3A_701], %swap3A_704 {strides = array<i32>} : memref<40x144xf32, #tpu.memory_space<vmem>>, vector<1x16xf32>,
        %get3A_705 = arith.index_cast %add3A_626 : i32 to index
        %get3A_706 = arith.constant 80 : index
        %get3A_707 = tpu.vector_load %arg11[%get3A_705, %get3A_706] {strides = array<i32>} : memref<80x144xf32, #tpu.memory_space<vmem>>, vector<1x16xf32>,
        %get3A_708 = vector.shape_cast %get3A_707 : vector<1x16xf32> to vector<16xf32>
        %slice3A_709 = vector.extract_strided_slice %exp3A {offsets = [5], sizes = [1], strides = [1]} : vector<16xf32> to vector<1xf32>
        %squeeze3A_710 = vector.extract %slice3A_709[0] : f32 from vector<1xf32>
        %mul3A_711 = vector.broadcast %squeeze3A_710 : f32 to vector<16xf32>
        %mul3A_712 = arith.mulf %get3A_708, %mul3A_711 : vector<16xf32>
        %swap3A_713 = arith.index_cast %scan3A_623 : i32 to index
        %swap3A_714 = arith.constant 80 : index
        %swap3A_715 = tpu.vector_load %arg14[%swap3A_713, %swap3A_714] {strides = array<i32>} : memref<40x144xf32, #tpu.memory_space<vmem>>, vector<1x16xf32>,
        %swap3A_716 = vector.shape_cast %swap3A_715 : vector<1x16xf32> to vector<16xf32>
        %swap3A_717 = vector.shape_cast %mul3A_712 : vector<16xf32> to vector<1x16xf32>
        tpu.vector_store %arg14[%swap3A_713, %swap3A_714], %swap3A_717 {strides = array<i32>} : memref<40x144xf32, #tpu.memory_space<vmem>>, vector<1x16xf32>,
        %get3A_718 = arith.index_cast %add3A_626 : i32 to index
        %get3A_719 = arith.constant 96 : index
        %get3A_720 = tpu.vector_load %arg11[%get3A_718, %get3A_719] {strides = array<i32>} : memref<80x144xf32, #tpu.memory_space<vmem>>, vector<1x16xf32>,
        %get3A_721 = vector.shape_cast %get3A_720 : vector<1x16xf32> to vector<16xf32>
        %slice3A_722 = vector.extract_strided_slice %exp3A {offsets = [6], sizes = [1], strides = [1]} : vector<16xf32> to vector<1xf32>
        %squeeze3A_723 = vector.extract %slice3A_722[0] : f32 from vector<1xf32>
        %mul3A_724 = vector.broadcast %squeeze3A_723 : f32 to vector<16xf32>
        %mul3A_725 = arith.mulf %get3A_721, %mul3A_724 : vector<16xf32>
        %swap3A_726 = arith.index_cast %scan3A_623 : i32 to index
        %swap3A_727 = arith.constant 96 : index
        %swap3A_728 = tpu.vector_load %arg14[%swap3A_726, %swap3A_727] {strides = array<i32>} : memref<40x144xf32, #tpu.memory_space<vmem>>, vector<1x16xf32>,
        %swap3A_729 = vector.shape_cast %swap3A_728 : vector<1x16xf32> to vector<16xf32>
        %swap3A_730 = vector.shape_cast %mul3A_725 : vector<16xf32> to vector<1x16xf32>
        tpu.vector_store %arg14[%swap3A_726, %swap3A_727], %swap3A_730 {strides = array<i32>} : memref<40x144xf32, #tpu.memory_space<vmem>>, vector<1x16xf32>,
        %get3A_731 = arith.index_cast %add3A_626 : i32 to index
        %get3A_732 = arith.constant 112 : index
        %get3A_733 = tpu.vector_load %arg11[%get3A_731, %get3A_732] {strides = array<i32>} : memref<80x144xf32, #tpu.memory_space<vmem>>, vector<1x16xf32>,
        %get3A_734 = vector.shape_cast %get3A_733 : vector<1x16xf32> to vector<16xf32>
        %slice3A_735 = vector.extract_strided_slice %exp3A {offsets = [7], sizes = [1], strides = [1]} : vector<16xf32> to vector<1xf32>
        %squeeze3A_736 = vector.extract %slice3A_735[0] : f32 from vector<1xf32>
        %mul3A_737 = vector.broadcast %squeeze3A_736 : f32 to vector<16xf32>
        %mul3A_738 = arith.mulf %get3A_734, %mul3A_737 : vector<16xf32>
        %swap3A_739 = arith.index_cast %scan3A_623 : i32 to index
        %swap3A_740 = arith.constant 112 : index
        %swap3A_741 = tpu.vector_load %arg14[%swap3A_739, %swap3A_740] {strides = array<i32>} : memref<40x144xf32, #tpu.memory_space<vmem>>, vector<1x16xf32>,
        %swap3A_742 = vector.shape_cast %swap3A_741 : vector<1x16xf32> to vector<16xf32>
        %swap3A_743 = vector.shape_cast %mul3A_738 : vector<16xf32> to vector<1x16xf32>
        tpu.vector_store %arg14[%swap3A_739, %swap3A_740], %swap3A_743 {strides = array<i32>} : memref<40x144xf32, #tpu.memory_space<vmem>>, vector<1x16xf32>,
        %scan3A_744 = arith.constant 0 : i32
        scf.yield %scan3A_744 : i32
      }
      %scan3A_493 = arith.constant 40 : i32
      %dma_start3A_494 = arith.constant 1 : i32
      %dma_start3A_495 = arith.constant 0 : i32
      %dma_start3A_496 = arith.constant 0 : i32
      %dma_start3A_497 = tpu.memref_slice %arg9[%dma_start3A_494, %dma_start3A_495, %dma_start3A_496] : memref<2x2x40xi32, #tpu.memory_space<vmem>> -> memref<1x1x40xi32, #tpu.memory_space<vmem>>
      %dma_start3A_498 = tpu.memref_squeeze %dma_start3A_497 : memref<1x1x40xi32, #tpu.memory_space<vmem>> -> memref<40xi32, #tpu.memory_space<vmem>>
      %dma_start3A_499 = arith.constant 0 : i32
      %dma_start3A_500 = arith.constant 0 : i32
      %dma_start3A_501 = tpu.memref_slice %arg16[%dma_start3A_499, %dma_start3A_500] : memref<10240x144xf32, #tpu.memory_space<vmem_shared>> -> memref<10240x144xf32, #tpu.memory_space<vmem_shared>>
      tpu.enqueue_indirect_dma source(%arg14 : memref<40x144xf32, #tpu.memory_space<vmem>>) target(%dma_start3A_501 : memref<10240x144xf32, #tpu.memory_space<vmem_shared>>) offsets(%dma_start3A_498 : memref<40xi32, #tpu.memory_space<vmem>>) semaphore(%arg21 : memref<!tpu.dma_semaphore, #tpu.memory_space<semaphore_mem>>) {add = true}
      %dma_wait3A_502 = arith.constant 1 : i32
      %dma_wait3A_503 = arith.constant 1 : i32
      %dma_wait3A_504 = arith.constant 0 : i32
      %dma_wait3A_505 = tpu.memref_slice %arg8[%dma_wait3A_502, %dma_wait3A_503, %dma_wait3A_504] : memref<2x2x40xi32, #tpu.memory_space<vmem>> -> memref<1x1x40xi32, #tpu.memory_space<vmem>>
      %dma_wait3A_506 = tpu.memref_squeeze %dma_wait3A_505 : memref<1x1x40xi32, #tpu.memory_space<vmem>> -> memref<40xi32, #tpu.memory_space<vmem>>
      %dma_wait3A_507 = arith.constant 0 : i32
      %dma_wait3A_508 = arith.constant 0 : i32
      %dma_wait3A_509 = tpu.memref_slice %arg16[%dma_wait3A_507, %dma_wait3A_508] : memref<10240x144xf32, #tpu.memory_space<vmem_shared>> -> memref<10240x144xf32, #tpu.memory_space<vmem_shared>>
      tpu.wait_indirect_dma semaphore(%arg22 : memref<!tpu.dma_semaphore, #tpu.memory_space<semaphore_mem>>) src(%arg15 : memref<40x144xf32, #tpu.memory_space<vmem>>) dst(%dma_wait3A_509 : memref<10240x144xf32, #tpu.memory_space<vmem_shared>>)
      %scan3A_510 = arith.constant 0 : i32
      %scan3A_511 = arith.constant 0 : i32
      %scan3A_512 = arith.constant 40 : i32
      %scan3A_513 = arith.addi %scan3A_511, %scan3A_512 : i32
      %scan3A_514 = arith.constant 1 : i32
      %scan3A_515 = scf.for %scan3A_623 = %scan3A_511 to %scan3A_513 step %scan3A_514 iter_args(%scan3A_624 = %scan3A_510) -> (i32)  : i32 {
        %add3A_625 = arith.constant 40 : i32
        %add3A_626 = arith.addi %add3A_625, %scan3A_623 : i32
        %get3A = arith.index_cast %add3A_626 : i32 to index
        %get3A_627 = arith.constant 128 : index
        %get3A_628 = tpu.vector_load %arg11[%get3A, %get3A_627] {strides = array<i32>} : memref<80x144xf32, #tpu.memory_space<vmem>>, vector<1x16xf32>,
        %get3A_629 = vector.shape_cast %get3A_628 : vector<1x16xf32> to vector<16xf32>
        %get3A_630 = arith.index_cast %add3A_626 : i32 to index
        %get3A_631 = arith.constant 0 : index
        %get3A_632 = tpu.vector_load %arg13[%get3A_630, %get3A_631] {strides = array<i32>} : memref<80x16xf32, #tpu.memory_space<vmem>>, vector<1x16xf32>,
        %get3A_633 = vector.shape_cast %get3A_632 : vector<1x16xf32> to vector<16xf32>
        %add3A_634 = arith.addf %get3A_629, %get3A_633 : vector<16xf32>
        %mul3A_635 = arith.constant 2.000000e-01 : f32
        %mul3A_636 = vector.broadcast %mul3A_635 : f32 to vector<16xf32>
        %mul3A_637 = arith.mulf %mul3A_636, %add3A_634 : vector<16xf32>
        %max3A = arith.maximumf %add3A_634, %mul3A_637 : vector<16xf32>
        %exp3A = math.exp %max3A : vector<16xf32>
        %swap3A = arith.index_cast %scan3A_623 : i32 to index
        %swap3A_638 = arith.constant 128 : index
        %swap3A_639 = tpu.vector_load %arg15[%swap3A, %swap3A_638] {strides = array<i32>} : memref<40x144xf32, #tpu.memory_space<vmem>>, vector<1x16xf32>,
        %swap3A_640 = vector.shape_cast %swap3A_639 : vector<1x16xf32> to vector<16xf32>
        %swap3A_641 = vector.shape_cast %exp3A : vector<16xf32> to vector<1x16xf32>
        tpu.vector_store %arg15[%swap3A, %swap3A_638], %swap3A_641 {strides = array<i32>} : memref<40x144xf32, #tpu.memory_space<vmem>>, vector<1x16xf32>,
        %get3A_642 = arith.index_cast %add3A_626 : i32 to index
        %get3A_643 = arith.constant 0 : index
        %get3A_644 = tpu.vector_load %arg11[%get3A_642, %get3A_643] {strides = array<i32>} : memref<80x144xf32, #tpu.memory_space<vmem>>, vector<1x16xf32>,
        %get3A_645 = vector.shape_cast %get3A_644 : vector<1x16xf32> to vector<16xf32>
        %slice3A = vector.extract_strided_slice %exp3A {offsets = [0], sizes = [1], strides = [1]} : vector<16xf32> to vector<1xf32>
        %squeeze3A = vector.extract %slice3A[0] : f32 from vector<1xf32>
        %mul3A_646 = vector.broadcast %squeeze3A : f32 to vector<16xf32>
        %mul3A_647 = arith.mulf %get3A_645, %mul3A_646 : vector<16xf32>
        %swap3A_648 = arith.index_cast %scan3A_623 : i32 to index
        %swap3A_649 = arith.constant 0 : index
        %swap3A_650 = tpu.vector_load %arg15[%swap3A_648, %swap3A_649] {strides = array<i32>} : memref<40x144xf32, #tpu.memory_space<vmem>>, vector<1x16xf32>,
        %swap3A_651 = vector.shape_cast %swap3A_650 : vector<1x16xf32> to vector<16xf32>
        %swap3A_652 = vector.shape_cast %mul3A_647 : vector<16xf32> to vector<1x16xf32>
        tpu.vector_store %arg15[%swap3A_648, %swap3A_649], %swap3A_652 {strides = array<i32>} : memref<40x144xf32, #tpu.memory_space<vmem>>, vector<1x16xf32>,
        %get3A_653 = arith.index_cast %add3A_626 : i32 to index
        %get3A_654 = arith.constant 16 : index
        %get3A_655 = tpu.vector_load %arg11[%get3A_653, %get3A_654] {strides = array<i32>} : memref<80x144xf32, #tpu.memory_space<vmem>>, vector<1x16xf32>,
        %get3A_656 = vector.shape_cast %get3A_655 : vector<1x16xf32> to vector<16xf32>
        %slice3A_657 = vector.extract_strided_slice %exp3A {offsets = [1], sizes = [1], strides = [1]} : vector<16xf32> to vector<1xf32>
        %squeeze3A_658 = vector.extract %slice3A_657[0] : f32 from vector<1xf32>
        %mul3A_659 = vector.broadcast %squeeze3A_658 : f32 to vector<16xf32>
        %mul3A_660 = arith.mulf %get3A_656, %mul3A_659 : vector<16xf32>
        %swap3A_661 = arith.index_cast %scan3A_623 : i32 to index
        %swap3A_662 = arith.constant 16 : index
        %swap3A_663 = tpu.vector_load %arg15[%swap3A_661, %swap3A_662] {strides = array<i32>} : memref<40x144xf32, #tpu.memory_space<vmem>>, vector<1x16xf32>,
        %swap3A_664 = vector.shape_cast %swap3A_663 : vector<1x16xf32> to vector<16xf32>
        %swap3A_665 = vector.shape_cast %mul3A_660 : vector<16xf32> to vector<1x16xf32>
        tpu.vector_store %arg15[%swap3A_661, %swap3A_662], %swap3A_665 {strides = array<i32>} : memref<40x144xf32, #tpu.memory_space<vmem>>, vector<1x16xf32>,
        %get3A_666 = arith.index_cast %add3A_626 : i32 to index
        %get3A_667 = arith.constant 32 : index
        %get3A_668 = tpu.vector_load %arg11[%get3A_666, %get3A_667] {strides = array<i32>} : memref<80x144xf32, #tpu.memory_space<vmem>>, vector<1x16xf32>,
        %get3A_669 = vector.shape_cast %get3A_668 : vector<1x16xf32> to vector<16xf32>
        %slice3A_670 = vector.extract_strided_slice %exp3A {offsets = [2], sizes = [1], strides = [1]} : vector<16xf32> to vector<1xf32>
        %squeeze3A_671 = vector.extract %slice3A_670[0] : f32 from vector<1xf32>
        %mul3A_672 = vector.broadcast %squeeze3A_671 : f32 to vector<16xf32>
        %mul3A_673 = arith.mulf %get3A_669, %mul3A_672 : vector<16xf32>
        %swap3A_674 = arith.index_cast %scan3A_623 : i32 to index
        %swap3A_675 = arith.constant 32 : index
        %swap3A_676 = tpu.vector_load %arg15[%swap3A_674, %swap3A_675] {strides = array<i32>} : memref<40x144xf32, #tpu.memory_space<vmem>>, vector<1x16xf32>,
        %swap3A_677 = vector.shape_cast %swap3A_676 : vector<1x16xf32> to vector<16xf32>
        %swap3A_678 = vector.shape_cast %mul3A_673 : vector<16xf32> to vector<1x16xf32>
        tpu.vector_store %arg15[%swap3A_674, %swap3A_675], %swap3A_678 {strides = array<i32>} : memref<40x144xf32, #tpu.memory_space<vmem>>, vector<1x16xf32>,
        %get3A_679 = arith.index_cast %add3A_626 : i32 to index
        %get3A_680 = arith.constant 48 : index
        %get3A_681 = tpu.vector_load %arg11[%get3A_679, %get3A_680] {strides = array<i32>} : memref<80x144xf32, #tpu.memory_space<vmem>>, vector<1x16xf32>,
        %get3A_682 = vector.shape_cast %get3A_681 : vector<1x16xf32> to vector<16xf32>
        %slice3A_683 = vector.extract_strided_slice %exp3A {offsets = [3], sizes = [1], strides = [1]} : vector<16xf32> to vector<1xf32>
        %squeeze3A_684 = vector.extract %slice3A_683[0] : f32 from vector<1xf32>
        %mul3A_685 = vector.broadcast %squeeze3A_684 : f32 to vector<16xf32>
        %mul3A_686 = arith.mulf %get3A_682, %mul3A_685 : vector<16xf32>
        %swap3A_687 = arith.index_cast %scan3A_623 : i32 to index
        %swap3A_688 = arith.constant 48 : index
        %swap3A_689 = tpu.vector_load %arg15[%swap3A_687, %swap3A_688] {strides = array<i32>} : memref<40x144xf32, #tpu.memory_space<vmem>>, vector<1x16xf32>,
        %swap3A_690 = vector.shape_cast %swap3A_689 : vector<1x16xf32> to vector<16xf32>
        %swap3A_691 = vector.shape_cast %mul3A_686 : vector<16xf32> to vector<1x16xf32>
        tpu.vector_store %arg15[%swap3A_687, %swap3A_688], %swap3A_691 {strides = array<i32>} : memref<40x144xf32, #tpu.memory_space<vmem>>, vector<1x16xf32>,
        %get3A_692 = arith.index_cast %add3A_626 : i32 to index
        %get3A_693 = arith.constant 64 : index
        %get3A_694 = tpu.vector_load %arg11[%get3A_692, %get3A_693] {strides = array<i32>} : memref<80x144xf32, #tpu.memory_space<vmem>>, vector<1x16xf32>,
        %get3A_695 = vector.shape_cast %get3A_694 : vector<1x16xf32> to vector<16xf32>
        %slice3A_696 = vector.extract_strided_slice %exp3A {offsets = [4], sizes = [1], strides = [1]} : vector<16xf32> to vector<1xf32>
        %squeeze3A_697 = vector.extract %slice3A_696[0] : f32 from vector<1xf32>
        %mul3A_698 = vector.broadcast %squeeze3A_697 : f32 to vector<16xf32>
        %mul3A_699 = arith.mulf %get3A_695, %mul3A_698 : vector<16xf32>
        %swap3A_700 = arith.index_cast %scan3A_623 : i32 to index
        %swap3A_701 = arith.constant 64 : index
        %swap3A_702 = tpu.vector_load %arg15[%swap3A_700, %swap3A_701] {strides = array<i32>} : memref<40x144xf32, #tpu.memory_space<vmem>>, vector<1x16xf32>,
        %swap3A_703 = vector.shape_cast %swap3A_702 : vector<1x16xf32> to vector<16xf32>
        %swap3A_704 = vector.shape_cast %mul3A_699 : vector<16xf32> to vector<1x16xf32>
        tpu.vector_store %arg15[%swap3A_700, %swap3A_701], %swap3A_704 {strides = array<i32>} : memref<40x144xf32, #tpu.memory_space<vmem>>, vector<1x16xf32>,
        %get3A_705 = arith.index_cast %add3A_626 : i32 to index
        %get3A_706 = arith.constant 80 : index
        %get3A_707 = tpu.vector_load %arg11[%get3A_705, %get3A_706] {strides = array<i32>} : memref<80x144xf32, #tpu.memory_space<vmem>>, vector<1x16xf32>,
        %get3A_708 = vector.shape_cast %get3A_707 : vector<1x16xf32> to vector<16xf32>
        %slice3A_709 = vector.extract_strided_slice %exp3A {offsets = [5], sizes = [1], strides = [1]} : vector<16xf32> to vector<1xf32>
        %squeeze3A_710 = vector.extract %slice3A_709[0] : f32 from vector<1xf32>
        %mul3A_711 = vector.broadcast %squeeze3A_710 : f32 to vector<16xf32>
        %mul3A_712 = arith.mulf %get3A_708, %mul3A_711 : vector<16xf32>
        %swap3A_713 = arith.index_cast %scan3A_623 : i32 to index
        %swap3A_714 = arith.constant 80 : index
        %swap3A_715 = tpu.vector_load %arg15[%swap3A_713, %swap3A_714] {strides = array<i32>} : memref<40x144xf32, #tpu.memory_space<vmem>>, vector<1x16xf32>,
        %swap3A_716 = vector.shape_cast %swap3A_715 : vector<1x16xf32> to vector<16xf32>
        %swap3A_717 = vector.shape_cast %mul3A_712 : vector<16xf32> to vector<1x16xf32>
        tpu.vector_store %arg15[%swap3A_713, %swap3A_714], %swap3A_717 {strides = array<i32>} : memref<40x144xf32, #tpu.memory_space<vmem>>, vector<1x16xf32>,
        %get3A_718 = arith.index_cast %add3A_626 : i32 to index
        %get3A_719 = arith.constant 96 : index
        %get3A_720 = tpu.vector_load %arg11[%get3A_718, %get3A_719] {strides = array<i32>} : memref<80x144xf32, #tpu.memory_space<vmem>>, vector<1x16xf32>,
        %get3A_721 = vector.shape_cast %get3A_720 : vector<1x16xf32> to vector<16xf32>
        %slice3A_722 = vector.extract_strided_slice %exp3A {offsets = [6], sizes = [1], strides = [1]} : vector<16xf32> to vector<1xf32>
        %squeeze3A_723 = vector.extract %slice3A_722[0] : f32 from vector<1xf32>
        %mul3A_724 = vector.broadcast %squeeze3A_723 : f32 to vector<16xf32>
        %mul3A_725 = arith.mulf %get3A_721, %mul3A_724 : vector<16xf32>
        %swap3A_726 = arith.index_cast %scan3A_623 : i32 to index
        %swap3A_727 = arith.constant 96 : index
        %swap3A_728 = tpu.vector_load %arg15[%swap3A_726, %swap3A_727] {strides = array<i32>} : memref<40x144xf32, #tpu.memory_space<vmem>>, vector<1x16xf32>,
        %swap3A_729 = vector.shape_cast %swap3A_728 : vector<1x16xf32> to vector<16xf32>
        %swap3A_730 = vector.shape_cast %mul3A_725 : vector<16xf32> to vector<1x16xf32>
        tpu.vector_store %arg15[%swap3A_726, %swap3A_727], %swap3A_730 {strides = array<i32>} : memref<40x144xf32, #tpu.memory_space<vmem>>, vector<1x16xf32>,
        %get3A_731 = arith.index_cast %add3A_626 : i32 to index
        %get3A_732 = arith.constant 112 : index
        %get3A_733 = tpu.vector_load %arg11[%get3A_731, %get3A_732] {strides = array<i32>} : memref<80x144xf32, #tpu.memory_space<vmem>>, vector<1x16xf32>,
        %get3A_734 = vector.shape_cast %get3A_733 : vector<1x16xf32> to vector<16xf32>
        %slice3A_735 = vector.extract_strided_slice %exp3A {offsets = [7], sizes = [1], strides = [1]} : vector<16xf32> to vector<1xf32>
        %squeeze3A_736 = vector.extract %slice3A_735[0] : f32 from vector<1xf32>
        %mul3A_737 = vector.broadcast %squeeze3A_736 : f32 to vector<16xf32>
        %mul3A_738 = arith.mulf %get3A_734, %mul3A_737 : vector<16xf32>
        %swap3A_739 = arith.index_cast %scan3A_623 : i32 to index
        %swap3A_740 = arith.constant 112 : index
        %swap3A_741 = tpu.vector_load %arg15[%swap3A_739, %swap3A_740] {strides = array<i32>} : memref<40x144xf32, #tpu.memory_space<vmem>>, vector<1x16xf32>,
        %swap3A_742 = vector.shape_cast %swap3A_741 : vector<1x16xf32> to vector<16xf32>
        %swap3A_743 = vector.shape_cast %mul3A_738 : vector<16xf32> to vector<1x16xf32>
        tpu.vector_store %arg15[%swap3A_739, %swap3A_740], %swap3A_743 {strides = array<i32>} : memref<40x144xf32, #tpu.memory_space<vmem>>, vector<1x16xf32>,
        %scan3A_744 = arith.constant 0 : i32
        scf.yield %scan3A_744 : i32
      }
      %scan3A_516 = arith.constant 40 : i32
      %dma_start3A_517 = arith.constant 1 : i32
      %dma_start3A_518 = arith.constant 1 : i32
      %dma_start3A_519 = arith.constant 0 : i32
      %dma_start3A_520 = tpu.memref_slice %arg9[%dma_start3A_517, %dma_start3A_518, %dma_start3A_519] : memref<2x2x40xi32, #tpu.memory_space<vmem>> -> memref<1x1x40xi32, #tpu.memory_space<vmem>>
      %dma_start3A_521 = tpu.memref_squeeze %dma_start3A_520 : memref<1x1x40xi32, #tpu.memory_space<vmem>> -> memref<40xi32, #tpu.memory_space<vmem>>
      %dma_start3A_522 = arith.constant 0 : i32
      %dma_start3A_523 = arith.constant 0 : i32
      %dma_start3A_524 = tpu.memref_slice %arg16[%dma_start3A_522, %dma_start3A_523] : memref<10240x144xf32, #tpu.memory_space<vmem_shared>> -> memref<10240x144xf32, #tpu.memory_space<vmem_shared>>
      tpu.enqueue_indirect_dma source(%arg15 : memref<40x144xf32, #tpu.memory_space<vmem>>) target(%dma_start3A_524 : memref<10240x144xf32, #tpu.memory_space<vmem_shared>>) offsets(%dma_start3A_521 : memref<40xi32, #tpu.memory_space<vmem>>) semaphore(%arg22 : memref<!tpu.dma_semaphore, #tpu.memory_space<semaphore_mem>>) {add = true}
      %add3A_525 = arith.constant 4 : i32
      %add3A_526 = arith.addi %add3A_236, %add3A_525 : i32
      %lt3A_527 = arith.constant 125 : i32
      %lt3A_528 = arith.cmpi slt, %add3A_526, %lt3A_527 : i32
      %convert_element_type3A_529 = arith.extui %lt3A_528 : i1 to i32
      %cond3A_530 = arith.constant 0 : i32
      %cond3A_531 = arith.cmpi ne, %convert_element_type3A_529, %cond3A_530 : i32
      scf.if %cond3A_531 {
        "tpu.region"() ({
          %run_scoped3A_667 = tpu.sem_alloc : memref<!tpu.dma_semaphore, #tpu.memory_space<semaphore_mem>>
          %dma_start3A_668 = arith.constant 0 : i32
          %dma_start3A_669 = arith.constant 0 : i32
          %dma_start3A_670 = arith.constant 0 : i32
          %dma_start3A_671 = tpu.memref_slice %arg4[%dma_start3A_668, %add3A, %add3A_526, %dma_start3A_669, %dma_start3A_670] : memref<2x32x125x2x40xi32, #tpu.memory_space<hbm>> -> memref<2x1x1x2x40xi32, #tpu.memory_space<hbm>>
          %dma_start3A_672 = tpu.memref_squeeze %dma_start3A_671 : memref<2x1x1x2x40xi32, #tpu.memory_space<hbm>> -> memref<2x2x40xi32, #tpu.memory_space<hbm>>
          %dma_start3A_673 = arith.constant 0 : i32
          %dma_start3A_674 = arith.constant 0 : i32
          %dma_start3A_675 = arith.constant 0 : i32
          %dma_start3A_676 = tpu.memref_slice %arg4[%dma_start3A_673, %add3A, %add3A_526, %dma_start3A_674, %dma_start3A_675] : memref<2x32x125x2x40xi32, #tpu.memory_space<hbm>> -> memref<2x1x1x2x40xi32, #tpu.memory_space<hbm>>
          %dma_start3A_677 = tpu.memref_squeeze %dma_start3A_676 : memref<2x1x1x2x40xi32, #tpu.memory_space<hbm>> -> memref<2x2x40xi32, #tpu.memory_space<hbm>>
          tpu.enqueue_dma source(%dma_start3A_677 : memref<2x2x40xi32, #tpu.memory_space<hbm>>) target(%arg7 : memref<2x2x40xi32, #tpu.memory_space<vmem>>) target_semaphore(%run_scoped3A_667 : memref<!tpu.dma_semaphore, #tpu.memory_space<semaphore_mem>>)
          %dma_wait3A_678 = arith.constant 0 : i32
          %dma_wait3A_679 = arith.constant 0 : i32
          %dma_wait3A_680 = arith.constant 0 : i32
          %dma_wait3A_681 = tpu.memref_slice %arg4[%dma_wait3A_678, %add3A, %add3A_526, %dma_wait3A_679, %dma_wait3A_680] : memref<2x32x125x2x40xi32, #tpu.memory_space<hbm>> -> memref<2x1x1x2x40xi32, #tpu.memory_space<hbm>>
          %dma_wait3A_682 = tpu.memref_squeeze %dma_wait3A_681 : memref<2x1x1x2x40xi32, #tpu.memory_space<hbm>> -> memref<2x2x40xi32, #tpu.memory_space<hbm>>
          %dma_wait3A_683 = arith.constant 0 : i32
          %dma_wait3A_684 = arith.constant 0 : i32
          %dma_wait3A_685 = arith.constant 0 : i32
          %dma_wait3A_686 = tpu.memref_slice %arg4[%dma_wait3A_683, %add3A, %add3A_526, %dma_wait3A_684, %dma_wait3A_685] : memref<2x32x125x2x40xi32, #tpu.memory_space<hbm>> -> memref<2x1x1x2x40xi32, #tpu.memory_space<hbm>>
          %dma_wait3A_687 = tpu.memref_squeeze %dma_wait3A_686 : memref<2x1x1x2x40xi32, #tpu.memory_space<hbm>> -> memref<2x2x40xi32, #tpu.memory_space<hbm>>
          tpu.wait_dma2 semaphore(%run_scoped3A_667 : memref<!tpu.dma_semaphore, #tpu.memory_space<semaphore_mem>>) src(%dma_wait3A_687 : memref<2x2x40xi32, #tpu.memory_space<hbm>>) dst(%arg7 : memref<2x2x40xi32, #tpu.memory_space<vmem>>)
          tpu.yield
        }) : () -> ()
        %dma_start3A_623 = arith.constant 0 : i32
        %dma_start3A_624 = arith.constant 0 : i32
        %dma_start3A_625 = arith.constant 0 : i32
        %dma_start3A_626 = arith.constant 0 : i32
        %dma_start3A_627 = tpu.memref_slice %arg11[%dma_start3A_625, %dma_start3A_626] : memref<80x144xf32, #tpu.memory_space<vmem>> -> memref<40x144xf32, #tpu.memory_space<vmem>>
        %dma_start3A_628 = arith.constant 0 : i32
        %dma_start3A_629 = tpu.memref_slice %arg7[%dma_start3A_623, %dma_start3A_624, %dma_start3A_628] : memref<2x2x40xi32, #tpu.memory_space<vmem>> -> memref<1x1x40xi32, #tpu.memory_space<vmem>>
        %dma_start3A_630 = tpu.memref_squeeze %dma_start3A_629 : memref<1x1x40xi32, #tpu.memory_space<vmem>> -> memref<40xi32, #tpu.memory_space<vmem>>
        %dma_start3A_631 = arith.constant 0 : i32
        %dma_start3A_632 = arith.constant 0 : i32
        %dma_start3A_633 = tpu.memref_slice %arg2[%dma_start3A_631, %dma_start3A_632] : memref<10000x144xf32, #tpu.memory_space<hbm>> -> memref<10000x144xf32, #tpu.memory_space<hbm>>
        tpu.enqueue_indirect_dma source(%dma_start3A_633 : memref<10000x144xf32, #tpu.memory_space<hbm>>) target(%dma_start3A_627 : memref<40x144xf32, #tpu.memory_space<vmem>>) offsets(%dma_start3A_630 : memref<40xi32, #tpu.memory_space<vmem>>) semaphore(%arg18 : memref<!tpu.dma_semaphore, #tpu.memory_space<semaphore_mem>>)
        %dma_start3A_634 = arith.constant 0 : i32
        %dma_start3A_635 = arith.constant 1 : i32
        %dma_start3A_636 = arith.constant 40 : i32
        %dma_start3A_637 = arith.constant 0 : i32
        %dma_start3A_638 = tpu.memref_slice %arg11[%dma_start3A_636, %dma_start3A_637] : memref<80x144xf32, #tpu.memory_space<vmem>> -> memref<40x144xf32, #tpu.memory_space<vmem>>
        %dma_start3A_639 = arith.constant 0 : i32
        %dma_start3A_640 = tpu.memref_slice %arg7[%dma_start3A_634, %dma_start3A_635, %dma_start3A_639] : memref<2x2x40xi32, #tpu.memory_space<vmem>> -> memref<1x1x40xi32, #tpu.memory_space<vmem>>
        %dma_start3A_641 = tpu.memref_squeeze %dma_start3A_640 : memref<1x1x40xi32, #tpu.memory_space<vmem>> -> memref<40xi32, #tpu.memory_space<vmem>>
        %dma_start3A_642 = arith.constant 0 : i32
        %dma_start3A_643 = arith.constant 0 : i32
        %dma_start3A_644 = tpu.memref_slice %arg2[%dma_start3A_642, %dma_start3A_643] : memref<10000x144xf32, #tpu.memory_space<hbm>> -> memref<10000x144xf32, #tpu.memory_space<hbm>>
        tpu.enqueue_indirect_dma source(%dma_start3A_644 : memref<10000x144xf32, #tpu.memory_space<hbm>>) target(%dma_start3A_638 : memref<40x144xf32, #tpu.memory_space<vmem>>) offsets(%dma_start3A_641 : memref<40xi32, #tpu.memory_space<vmem>>) semaphore(%arg18 : memref<!tpu.dma_semaphore, #tpu.memory_space<semaphore_mem>>)
        %dma_start3A_645 = arith.constant 1 : i32
        %dma_start3A_646 = arith.constant 0 : i32
        %dma_start3A_647 = arith.constant 0 : i32
        %dma_start3A_648 = arith.constant 0 : i32
        %dma_start3A_649 = tpu.memref_slice %arg13[%dma_start3A_647, %dma_start3A_648] : memref<80x16xf32, #tpu.memory_space<vmem>> -> memref<40x16xf32, #tpu.memory_space<vmem>>
        %dma_start3A_650 = arith.constant 0 : i32
        %dma_start3A_651 = tpu.memref_slice %arg7[%dma_start3A_645, %dma_start3A_646, %dma_start3A_650] : memref<2x2x40xi32, #tpu.memory_space<vmem>> -> memref<1x1x40xi32, #tpu.memory_space<vmem>>
        %dma_start3A_652 = tpu.memref_squeeze %dma_start3A_651 : memref<1x1x40xi32, #tpu.memory_space<vmem>> -> memref<40xi32, #tpu.memory_space<vmem>>
        %dma_start3A_653 = arith.constant 0 : i32
        %dma_start3A_654 = arith.constant 0 : i32
        %dma_start3A_655 = tpu.memref_slice %arg3[%dma_start3A_653, %dma_start3A_654] : memref<10000x16xf32, #tpu.memory_space<hbm>> -> memref<10000x16xf32, #tpu.memory_space<hbm>>
        tpu.enqueue_indirect_dma source(%dma_start3A_655 : memref<10000x16xf32, #tpu.memory_space<hbm>>) target(%dma_start3A_649 : memref<40x16xf32, #tpu.memory_space<vmem>>) offsets(%dma_start3A_652 : memref<40xi32, #tpu.memory_space<vmem>>) semaphore(%arg20 : memref<!tpu.dma_semaphore, #tpu.memory_space<semaphore_mem>>)
        %dma_start3A_656 = arith.constant 1 : i32
        %dma_start3A_657 = arith.constant 1 : i32
        %dma_start3A_658 = arith.constant 40 : i32
        %dma_start3A_659 = arith.constant 0 : i32
        %dma_start3A_660 = tpu.memref_slice %arg13[%dma_start3A_658, %dma_start3A_659] : memref<80x16xf32, #tpu.memory_space<vmem>> -> memref<40x16xf32, #tpu.memory_space<vmem>>
        %dma_start3A_661 = arith.constant 0 : i32
        %dma_start3A_662 = tpu.memref_slice %arg7[%dma_start3A_656, %dma_start3A_657, %dma_start3A_661] : memref<2x2x40xi32, #tpu.memory_space<vmem>> -> memref<1x1x40xi32, #tpu.memory_space<vmem>>
        %dma_start3A_663 = tpu.memref_squeeze %dma_start3A_662 : memref<1x1x40xi32, #tpu.memory_space<vmem>> -> memref<40xi32, #tpu.memory_space<vmem>>
        %dma_start3A_664 = arith.constant 0 : i32
        %dma_start3A_665 = arith.constant 0 : i32
        %dma_start3A_666 = tpu.memref_slice %arg3[%dma_start3A_664, %dma_start3A_665] : memref<10000x16xf32, #tpu.memory_space<hbm>> -> memref<10000x16xf32, #tpu.memory_space<hbm>>
        tpu.enqueue_indirect_dma source(%dma_start3A_666 : memref<10000x16xf32, #tpu.memory_space<hbm>>) target(%dma_start3A_660 : memref<40x16xf32, #tpu.memory_space<vmem>>) offsets(%dma_start3A_663 : memref<40xi32, #tpu.memory_space<vmem>>) semaphore(%arg20 : memref<!tpu.dma_semaphore, #tpu.memory_space<semaphore_mem>>)
      } else {
      }
      %dma_wait3A_532 = arith.constant 0 : i32
      %dma_wait3A_533 = arith.constant 0 : i32
      %dma_wait3A_534 = arith.constant 0 : i32
      %dma_wait3A_535 = arith.constant 0 : i32
      %dma_wait3A_536 = tpu.memref_slice %arg10[%dma_wait3A_534, %dma_wait3A_535] : memref<80x144xf32, #tpu.memory_space<vmem>> -> memref<40x144xf32, #tpu.memory_space<vmem>>
      %dma_wait3A_537 = arith.constant 0 : i32
      %dma_wait3A_538 = tpu.memref_slice %arg6[%dma_wait3A_532, %dma_wait3A_533, %dma_wait3A_537] : memref<2x2x40xi32, #tpu.memory_space<vmem>> -> memref<1x1x40xi32, #tpu.memory_space<vmem>>
      %dma_wait3A_539 = tpu.memref_squeeze %dma_wait3A_538 : memref<1x1x40xi32, #tpu.memory_space<vmem>> -> memref<40xi32, #tpu.memory_space<vmem>>
      %dma_wait3A_540 = arith.constant 0 : i32
      %dma_wait3A_541 = arith.constant 0 : i32
      %dma_wait3A_542 = tpu.memref_slice %arg2[%dma_wait3A_540, %dma_wait3A_541] : memref<10000x144xf32, #tpu.memory_space<hbm>> -> memref<10000x144xf32, #tpu.memory_space<hbm>>
      tpu.wait_indirect_dma semaphore(%arg17 : memref<!tpu.dma_semaphore, #tpu.memory_space<semaphore_mem>>) src(%dma_wait3A_542 : memref<10000x144xf32, #tpu.memory_space<hbm>>) dst(%dma_wait3A_536 : memref<40x144xf32, #tpu.memory_space<vmem>>)
      %dma_wait3A_543 = arith.constant 0 : i32
      %dma_wait3A_544 = arith.constant 1 : i32
      %dma_wait3A_545 = arith.constant 40 : i32
      %dma_wait3A_546 = arith.constant 0 : i32
      %dma_wait3A_547 = tpu.memref_slice %arg10[%dma_wait3A_545, %dma_wait3A_546] : memref<80x144xf32, #tpu.memory_space<vmem>> -> memref<40x144xf32, #tpu.memory_space<vmem>>
      %dma_wait3A_548 = arith.constant 0 : i32
      %dma_wait3A_549 = tpu.memref_slice %arg6[%dma_wait3A_543, %dma_wait3A_544, %dma_wait3A_548] : memref<2x2x40xi32, #tpu.memory_space<vmem>> -> memref<1x1x40xi32, #tpu.memory_space<vmem>>
      %dma_wait3A_550 = tpu.memref_squeeze %dma_wait3A_549 : memref<1x1x40xi32, #tpu.memory_space<vmem>> -> memref<40xi32, #tpu.memory_space<vmem>>
      %dma_wait3A_551 = arith.constant 0 : i32
      %dma_wait3A_552 = arith.constant 0 : i32
      %dma_wait3A_553 = tpu.memref_slice %arg2[%dma_wait3A_551, %dma_wait3A_552] : memref<10000x144xf32, #tpu.memory_space<hbm>> -> memref<10000x144xf32, #tpu.memory_space<hbm>>
      tpu.wait_indirect_dma semaphore(%arg17 : memref<!tpu.dma_semaphore, #tpu.memory_space<semaphore_mem>>) src(%dma_wait3A_553 : memref<10000x144xf32, #tpu.memory_space<hbm>>) dst(%dma_wait3A_547 : memref<40x144xf32, #tpu.memory_space<vmem>>)
      %dma_wait3A_554 = arith.constant 1 : i32
      %dma_wait3A_555 = arith.constant 0 : i32
      %dma_wait3A_556 = arith.constant 0 : i32
      %dma_wait3A_557 = arith.constant 0 : i32
      %dma_wait3A_558 = tpu.memref_slice %arg12[%dma_wait3A_556, %dma_wait3A_557] : memref<80x16xf32, #tpu.memory_space<vmem>> -> memref<40x16xf32, #tpu.memory_space<vmem>>
      %dma_wait3A_559 = arith.constant 0 : i32
      %dma_wait3A_560 = tpu.memref_slice %arg6[%dma_wait3A_554, %dma_wait3A_555, %dma_wait3A_559] : memref<2x2x40xi32, #tpu.memory_space<vmem>> -> memref<1x1x40xi32, #tpu.memory_space<vmem>>
      %dma_wait3A_561 = tpu.memref_squeeze %dma_wait3A_560 : memref<1x1x40xi32, #tpu.memory_space<vmem>> -> memref<40xi32, #tpu.memory_space<vmem>>
      %dma_wait3A_562 = arith.constant 0 : i32
      %dma_wait3A_563 = arith.constant 0 : i32
      %dma_wait3A_564 = tpu.memref_slice %arg3[%dma_wait3A_562, %dma_wait3A_563] : memref<10000x16xf32, #tpu.memory_space<hbm>> -> memref<10000x16xf32, #tpu.memory_space<hbm>>
      tpu.wait_indirect_dma semaphore(%arg19 : memref<!tpu.dma_semaphore, #tpu.memory_space<semaphore_mem>>) src(%dma_wait3A_564 : memref<10000x16xf32, #tpu.memory_space<hbm>>) dst(%dma_wait3A_558 : memref<40x16xf32, #tpu.memory_space<vmem>>)
      %dma_wait3A_565 = arith.constant 1 : i32
      %dma_wait3A_566 = arith.constant 1 : i32
      %dma_wait3A_567 = arith.constant 40 : i32
      %dma_wait3A_568 = arith.constant 0 : i32
      %dma_wait3A_569 = tpu.memref_slice %arg12[%dma_wait3A_567, %dma_wait3A_568] : memref<80x16xf32, #tpu.memory_space<vmem>> -> memref<40x16xf32, #tpu.memory_space<vmem>>
      %dma_wait3A_570 = arith.constant 0 : i32
      %dma_wait3A_571 = tpu.memref_slice %arg6[%dma_wait3A_565, %dma_wait3A_566, %dma_wait3A_570] : memref<2x2x40xi32, #tpu.memory_space<vmem>> -> memref<1x1x40xi32, #tpu.memory_space<vmem>>
      %dma_wait3A_572 = tpu.memref_squeeze %dma_wait3A_571 : memref<1x1x40xi32, #tpu.memory_space<vmem>> -> memref<40xi32, #tpu.memory_space<vmem>>
      %dma_wait3A_573 = arith.constant 0 : i32
      %dma_wait3A_574 = arith.constant 0 : i32
      %dma_wait3A_575 = tpu.memref_slice %arg3[%dma_wait3A_573, %dma_wait3A_574] : memref<10000x16xf32, #tpu.memory_space<hbm>> -> memref<10000x16xf32, #tpu.memory_space<hbm>>
      tpu.wait_indirect_dma semaphore(%arg19 : memref<!tpu.dma_semaphore, #tpu.memory_space<semaphore_mem>>) src(%dma_wait3A_575 : memref<10000x16xf32, #tpu.memory_space<hbm>>) dst(%dma_wait3A_569 : memref<40x16xf32, #tpu.memory_space<vmem>>)
      %dma_wait3A_576 = arith.constant 1 : i32
      %dma_wait3A_577 = arith.constant 0 : i32
      %dma_wait3A_578 = arith.constant 0 : i32
      %dma_wait3A_579 = tpu.memref_slice %arg9[%dma_wait3A_576, %dma_wait3A_577, %dma_wait3A_578] : memref<2x2x40xi32, #tpu.memory_space<vmem>> -> memref<1x1x40xi32, #tpu.memory_space<vmem>>
      %dma_wait3A_580 = tpu.memref_squeeze %dma_wait3A_579 : memref<1x1x40xi32, #tpu.memory_space<vmem>> -> memref<40xi32, #tpu.memory_space<vmem>>
      %dma_wait3A_581 = arith.constant 0 : i32
      %dma_wait3A_582 = arith.constant 0 : i32
      %dma_wait3A_583 = tpu.memref_slice %arg16[%dma_wait3A_581, %dma_wait3A_582] : memref<10240x144xf32, #tpu.memory_space<vmem_shared>> -> memref<10240x144xf32, #tpu.memory_space<vmem_shared>>
      tpu.wait_indirect_dma semaphore(%arg21 : memref<!tpu.dma_semaphore, #tpu.memory_space<semaphore_mem>>) src(%arg14 : memref<40x144xf32, #tpu.memory_space<vmem>>) dst(%dma_wait3A_583 : memref<10240x144xf32, #tpu.memory_space<vmem_shared>>)
      %scan3A_584 = arith.constant 0 : i32
      %scan3A_585 = arith.constant 0 : i32
      %scan3A_586 = arith.constant 40 : i32
      %scan3A_587 = arith.addi %scan3A_585, %scan3A_586 : i32
      %scan3A_588 = arith.constant 1 : i32
      %scan3A_589 = scf.for %scan3A_623 = %scan3A_585 to %scan3A_587 step %scan3A_588 iter_args(%scan3A_624 = %scan3A_584) -> (i32)  : i32 {
        %add3A_625 = arith.constant 0 : i32
        %add3A_626 = arith.addi %add3A_625, %scan3A_623 : i32
        %get3A = arith.index_cast %add3A_626 : i32 to index
        %get3A_627 = arith.constant 128 : index
        %get3A_628 = tpu.vector_load %arg10[%get3A, %get3A_627] {strides = array<i32>} : memref<80x144xf32, #tpu.memory_space<vmem>>, vector<1x16xf32>,
        %get3A_629 = vector.shape_cast %get3A_628 : vector<1x16xf32> to vector<16xf32>
        %get3A_630 = arith.index_cast %add3A_626 : i32 to index
        %get3A_631 = arith.constant 0 : index
        %get3A_632 = tpu.vector_load %arg12[%get3A_630, %get3A_631] {strides = array<i32>} : memref<80x16xf32, #tpu.memory_space<vmem>>, vector<1x16xf32>,
        %get3A_633 = vector.shape_cast %get3A_632 : vector<1x16xf32> to vector<16xf32>
        %add3A_634 = arith.addf %get3A_629, %get3A_633 : vector<16xf32>
        %mul3A_635 = arith.constant 2.000000e-01 : f32
        %mul3A_636 = vector.broadcast %mul3A_635 : f32 to vector<16xf32>
        %mul3A_637 = arith.mulf %mul3A_636, %add3A_634 : vector<16xf32>
        %max3A = arith.maximumf %add3A_634, %mul3A_637 : vector<16xf32>
        %exp3A = math.exp %max3A : vector<16xf32>
        %swap3A = arith.index_cast %scan3A_623 : i32 to index
        %swap3A_638 = arith.constant 128 : index
        %swap3A_639 = tpu.vector_load %arg14[%swap3A, %swap3A_638] {strides = array<i32>} : memref<40x144xf32, #tpu.memory_space<vmem>>, vector<1x16xf32>,
        %swap3A_640 = vector.shape_cast %swap3A_639 : vector<1x16xf32> to vector<16xf32>
        %swap3A_641 = vector.shape_cast %exp3A : vector<16xf32> to vector<1x16xf32>
        tpu.vector_store %arg14[%swap3A, %swap3A_638], %swap3A_641 {strides = array<i32>} : memref<40x144xf32, #tpu.memory_space<vmem>>, vector<1x16xf32>,
        %get3A_642 = arith.index_cast %add3A_626 : i32 to index
        %get3A_643 = arith.constant 0 : index
        %get3A_644 = tpu.vector_load %arg10[%get3A_642, %get3A_643] {strides = array<i32>} : memref<80x144xf32, #tpu.memory_space<vmem>>, vector<1x16xf32>,
        %get3A_645 = vector.shape_cast %get3A_644 : vector<1x16xf32> to vector<16xf32>
        %slice3A = vector.extract_strided_slice %exp3A {offsets = [0], sizes = [1], strides = [1]} : vector<16xf32> to vector<1xf32>
        %squeeze3A = vector.extract %slice3A[0] : f32 from vector<1xf32>
        %mul3A_646 = vector.broadcast %squeeze3A : f32 to vector<16xf32>
        %mul3A_647 = arith.mulf %get3A_645, %mul3A_646 : vector<16xf32>
        %swap3A_648 = arith.index_cast %scan3A_623 : i32 to index
        %swap3A_649 = arith.constant 0 : index
        %swap3A_650 = tpu.vector_load %arg14[%swap3A_648, %swap3A_649] {strides = array<i32>} : memref<40x144xf32, #tpu.memory_space<vmem>>, vector<1x16xf32>,
        %swap3A_651 = vector.shape_cast %swap3A_650 : vector<1x16xf32> to vector<16xf32>
        %swap3A_652 = vector.shape_cast %mul3A_647 : vector<16xf32> to vector<1x16xf32>
        tpu.vector_store %arg14[%swap3A_648, %swap3A_649], %swap3A_652 {strides = array<i32>} : memref<40x144xf32, #tpu.memory_space<vmem>>, vector<1x16xf32>,
        %get3A_653 = arith.index_cast %add3A_626 : i32 to index
        %get3A_654 = arith.constant 16 : index
        %get3A_655 = tpu.vector_load %arg10[%get3A_653, %get3A_654] {strides = array<i32>} : memref<80x144xf32, #tpu.memory_space<vmem>>, vector<1x16xf32>,
        %get3A_656 = vector.shape_cast %get3A_655 : vector<1x16xf32> to vector<16xf32>
        %slice3A_657 = vector.extract_strided_slice %exp3A {offsets = [1], sizes = [1], strides = [1]} : vector<16xf32> to vector<1xf32>
        %squeeze3A_658 = vector.extract %slice3A_657[0] : f32 from vector<1xf32>
        %mul3A_659 = vector.broadcast %squeeze3A_658 : f32 to vector<16xf32>
        %mul3A_660 = arith.mulf %get3A_656, %mul3A_659 : vector<16xf32>
        %swap3A_661 = arith.index_cast %scan3A_623 : i32 to index
        %swap3A_662 = arith.constant 16 : index
        %swap3A_663 = tpu.vector_load %arg14[%swap3A_661, %swap3A_662] {strides = array<i32>} : memref<40x144xf32, #tpu.memory_space<vmem>>, vector<1x16xf32>,
        %swap3A_664 = vector.shape_cast %swap3A_663 : vector<1x16xf32> to vector<16xf32>
        %swap3A_665 = vector.shape_cast %mul3A_660 : vector<16xf32> to vector<1x16xf32>
        tpu.vector_store %arg14[%swap3A_661, %swap3A_662], %swap3A_665 {strides = array<i32>} : memref<40x144xf32, #tpu.memory_space<vmem>>, vector<1x16xf32>,
        %get3A_666 = arith.index_cast %add3A_626 : i32 to index
        %get3A_667 = arith.constant 32 : index
        %get3A_668 = tpu.vector_load %arg10[%get3A_666, %get3A_667] {strides = array<i32>} : memref<80x144xf32, #tpu.memory_space<vmem>>, vector<1x16xf32>,
        %get3A_669 = vector.shape_cast %get3A_668 : vector<1x16xf32> to vector<16xf32>
        %slice3A_670 = vector.extract_strided_slice %exp3A {offsets = [2], sizes = [1], strides = [1]} : vector<16xf32> to vector<1xf32>
        %squeeze3A_671 = vector.extract %slice3A_670[0] : f32 from vector<1xf32>
        %mul3A_672 = vector.broadcast %squeeze3A_671 : f32 to vector<16xf32>
        %mul3A_673 = arith.mulf %get3A_669, %mul3A_672 : vector<16xf32>
        %swap3A_674 = arith.index_cast %scan3A_623 : i32 to index
        %swap3A_675 = arith.constant 32 : index
        %swap3A_676 = tpu.vector_load %arg14[%swap3A_674, %swap3A_675] {strides = array<i32>} : memref<40x144xf32, #tpu.memory_space<vmem>>, vector<1x16xf32>,
        %swap3A_677 = vector.shape_cast %swap3A_676 : vector<1x16xf32> to vector<16xf32>
        %swap3A_678 = vector.shape_cast %mul3A_673 : vector<16xf32> to vector<1x16xf32>
        tpu.vector_store %arg14[%swap3A_674, %swap3A_675], %swap3A_678 {strides = array<i32>} : memref<40x144xf32, #tpu.memory_space<vmem>>, vector<1x16xf32>,
        %get3A_679 = arith.index_cast %add3A_626 : i32 to index
        %get3A_680 = arith.constant 48 : index
        %get3A_681 = tpu.vector_load %arg10[%get3A_679, %get3A_680] {strides = array<i32>} : memref<80x144xf32, #tpu.memory_space<vmem>>, vector<1x16xf32>,
        %get3A_682 = vector.shape_cast %get3A_681 : vector<1x16xf32> to vector<16xf32>
        %slice3A_683 = vector.extract_strided_slice %exp3A {offsets = [3], sizes = [1], strides = [1]} : vector<16xf32> to vector<1xf32>
        %squeeze3A_684 = vector.extract %slice3A_683[0] : f32 from vector<1xf32>
        %mul3A_685 = vector.broadcast %squeeze3A_684 : f32 to vector<16xf32>
        %mul3A_686 = arith.mulf %get3A_682, %mul3A_685 : vector<16xf32>
        %swap3A_687 = arith.index_cast %scan3A_623 : i32 to index
        %swap3A_688 = arith.constant 48 : index
        %swap3A_689 = tpu.vector_load %arg14[%swap3A_687, %swap3A_688] {strides = array<i32>} : memref<40x144xf32, #tpu.memory_space<vmem>>, vector<1x16xf32>,
        %swap3A_690 = vector.shape_cast %swap3A_689 : vector<1x16xf32> to vector<16xf32>
        %swap3A_691 = vector.shape_cast %mul3A_686 : vector<16xf32> to vector<1x16xf32>
        tpu.vector_store %arg14[%swap3A_687, %swap3A_688], %swap3A_691 {strides = array<i32>} : memref<40x144xf32, #tpu.memory_space<vmem>>, vector<1x16xf32>,
        %get3A_692 = arith.index_cast %add3A_626 : i32 to index
        %get3A_693 = arith.constant 64 : index
        %get3A_694 = tpu.vector_load %arg10[%get3A_692, %get3A_693] {strides = array<i32>} : memref<80x144xf32, #tpu.memory_space<vmem>>, vector<1x16xf32>,
        %get3A_695 = vector.shape_cast %get3A_694 : vector<1x16xf32> to vector<16xf32>
        %slice3A_696 = vector.extract_strided_slice %exp3A {offsets = [4], sizes = [1], strides = [1]} : vector<16xf32> to vector<1xf32>
        %squeeze3A_697 = vector.extract %slice3A_696[0] : f32 from vector<1xf32>
        %mul3A_698 = vector.broadcast %squeeze3A_697 : f32 to vector<16xf32>
        %mul3A_699 = arith.mulf %get3A_695, %mul3A_698 : vector<16xf32>
        %swap3A_700 = arith.index_cast %scan3A_623 : i32 to index
        %swap3A_701 = arith.constant 64 : index
        %swap3A_702 = tpu.vector_load %arg14[%swap3A_700, %swap3A_701] {strides = array<i32>} : memref<40x144xf32, #tpu.memory_space<vmem>>, vector<1x16xf32>,
        %swap3A_703 = vector.shape_cast %swap3A_702 : vector<1x16xf32> to vector<16xf32>
        %swap3A_704 = vector.shape_cast %mul3A_699 : vector<16xf32> to vector<1x16xf32>
        tpu.vector_store %arg14[%swap3A_700, %swap3A_701], %swap3A_704 {strides = array<i32>} : memref<40x144xf32, #tpu.memory_space<vmem>>, vector<1x16xf32>,
        %get3A_705 = arith.index_cast %add3A_626 : i32 to index
        %get3A_706 = arith.constant 80 : index
        %get3A_707 = tpu.vector_load %arg10[%get3A_705, %get3A_706] {strides = array<i32>} : memref<80x144xf32, #tpu.memory_space<vmem>>, vector<1x16xf32>,
        %get3A_708 = vector.shape_cast %get3A_707 : vector<1x16xf32> to vector<16xf32>
        %slice3A_709 = vector.extract_strided_slice %exp3A {offsets = [5], sizes = [1], strides = [1]} : vector<16xf32> to vector<1xf32>
        %squeeze3A_710 = vector.extract %slice3A_709[0] : f32 from vector<1xf32>
        %mul3A_711 = vector.broadcast %squeeze3A_710 : f32 to vector<16xf32>
        %mul3A_712 = arith.mulf %get3A_708, %mul3A_711 : vector<16xf32>
        %swap3A_713 = arith.index_cast %scan3A_623 : i32 to index
        %swap3A_714 = arith.constant 80 : index
        %swap3A_715 = tpu.vector_load %arg14[%swap3A_713, %swap3A_714] {strides = array<i32>} : memref<40x144xf32, #tpu.memory_space<vmem>>, vector<1x16xf32>,
        %swap3A_716 = vector.shape_cast %swap3A_715 : vector<1x16xf32> to vector<16xf32>
        %swap3A_717 = vector.shape_cast %mul3A_712 : vector<16xf32> to vector<1x16xf32>
        tpu.vector_store %arg14[%swap3A_713, %swap3A_714], %swap3A_717 {strides = array<i32>} : memref<40x144xf32, #tpu.memory_space<vmem>>, vector<1x16xf32>,
        %get3A_718 = arith.index_cast %add3A_626 : i32 to index
        %get3A_719 = arith.constant 96 : index
        %get3A_720 = tpu.vector_load %arg10[%get3A_718, %get3A_719] {strides = array<i32>} : memref<80x144xf32, #tpu.memory_space<vmem>>, vector<1x16xf32>,
        %get3A_721 = vector.shape_cast %get3A_720 : vector<1x16xf32> to vector<16xf32>
        %slice3A_722 = vector.extract_strided_slice %exp3A {offsets = [6], sizes = [1], strides = [1]} : vector<16xf32> to vector<1xf32>
        %squeeze3A_723 = vector.extract %slice3A_722[0] : f32 from vector<1xf32>
        %mul3A_724 = vector.broadcast %squeeze3A_723 : f32 to vector<16xf32>
        %mul3A_725 = arith.mulf %get3A_721, %mul3A_724 : vector<16xf32>
        %swap3A_726 = arith.index_cast %scan3A_623 : i32 to index
        %swap3A_727 = arith.constant 96 : index
        %swap3A_728 = tpu.vector_load %arg14[%swap3A_726, %swap3A_727] {strides = array<i32>} : memref<40x144xf32, #tpu.memory_space<vmem>>, vector<1x16xf32>,
        %swap3A_729 = vector.shape_cast %swap3A_728 : vector<1x16xf32> to vector<16xf32>
        %swap3A_730 = vector.shape_cast %mul3A_725 : vector<16xf32> to vector<1x16xf32>
        tpu.vector_store %arg14[%swap3A_726, %swap3A_727], %swap3A_730 {strides = array<i32>} : memref<40x144xf32, #tpu.memory_space<vmem>>, vector<1x16xf32>,
        %get3A_731 = arith.index_cast %add3A_626 : i32 to index
        %get3A_732 = arith.constant 112 : index
        %get3A_733 = tpu.vector_load %arg10[%get3A_731, %get3A_732] {strides = array<i32>} : memref<80x144xf32, #tpu.memory_space<vmem>>, vector<1x16xf32>,
        %get3A_734 = vector.shape_cast %get3A_733 : vector<1x16xf32> to vector<16xf32>
        %slice3A_735 = vector.extract_strided_slice %exp3A {offsets = [7], sizes = [1], strides = [1]} : vector<16xf32> to vector<1xf32>
        %squeeze3A_736 = vector.extract %slice3A_735[0] : f32 from vector<1xf32>
        %mul3A_737 = vector.broadcast %squeeze3A_736 : f32 to vector<16xf32>
        %mul3A_738 = arith.mulf %get3A_734, %mul3A_737 : vector<16xf32>
        %swap3A_739 = arith.index_cast %scan3A_623 : i32 to index
        %swap3A_740 = arith.constant 112 : index
        %swap3A_741 = tpu.vector_load %arg14[%swap3A_739, %swap3A_740] {strides = array<i32>} : memref<40x144xf32, #tpu.memory_space<vmem>>, vector<1x16xf32>,
        %swap3A_742 = vector.shape_cast %swap3A_741 : vector<1x16xf32> to vector<16xf32>
        %swap3A_743 = vector.shape_cast %mul3A_738 : vector<16xf32> to vector<1x16xf32>
        tpu.vector_store %arg14[%swap3A_739, %swap3A_740], %swap3A_743 {strides = array<i32>} : memref<40x144xf32, #tpu.memory_space<vmem>>, vector<1x16xf32>,
        %scan3A_744 = arith.constant 0 : i32
        scf.yield %scan3A_744 : i32
      }
      %scan3A_590 = arith.constant 40 : i32
      %dma_start3A_591 = arith.constant 1 : i32
      %dma_start3A_592 = arith.constant 0 : i32
      %dma_start3A_593 = arith.constant 0 : i32
      %dma_start3A_594 = tpu.memref_slice %arg6[%dma_start3A_591, %dma_start3A_592, %dma_start3A_593] : memref<2x2x40xi32, #tpu.memory_space<vmem>> -> memref<1x1x40xi32, #tpu.memory_space<vmem>>
      %dma_start3A_595 = tpu.memref_squeeze %dma_start3A_594 : memref<1x1x40xi32, #tpu.memory_space<vmem>> -> memref<40xi32, #tpu.memory_space<vmem>>
      %dma_start3A_596 = arith.constant 0 : i32
      %dma_start3A_597 = arith.constant 0 : i32
      %dma_start3A_598 = tpu.memref_slice %arg16[%dma_start3A_596, %dma_start3A_597] : memref<10240x144xf32, #tpu.memory_space<vmem_shared>> -> memref<10240x144xf32, #tpu.memory_space<vmem_shared>>
      tpu.enqueue_indirect_dma source(%arg14 : memref<40x144xf32, #tpu.memory_space<vmem>>) target(%dma_start3A_598 : memref<10240x144xf32, #tpu.memory_space<vmem_shared>>) offsets(%dma_start3A_595 : memref<40xi32, #tpu.memory_space<vmem>>) semaphore(%arg21 : memref<!tpu.dma_semaphore, #tpu.memory_space<semaphore_mem>>) {add = true}
      %dma_wait3A_599 = arith.constant 1 : i32
      %dma_wait3A_600 = arith.constant 1 : i32
      %dma_wait3A_601 = arith.constant 0 : i32
      %dma_wait3A_602 = tpu.memref_slice %arg9[%dma_wait3A_599, %dma_wait3A_600, %dma_wait3A_601] : memref<2x2x40xi32, #tpu.memory_space<vmem>> -> memref<1x1x40xi32, #tpu.memory_space<vmem>>
      %dma_wait3A_603 = tpu.memref_squeeze %dma_wait3A_602 : memref<1x1x40xi32, #tpu.memory_space<vmem>> -> memref<40xi32, #tpu.memory_space<vmem>>
      %dma_wait3A_604 = arith.constant 0 : i32
      %dma_wait3A_605 = arith.constant 0 : i32
      %dma_wait3A_606 = tpu.memref_slice %arg16[%dma_wait3A_604, %dma_wait3A_605] : memref<10240x144xf32, #tpu.memory_space<vmem_shared>> -> memref<10240x144xf32, #tpu.memory_space<vmem_shared>>
      tpu.wait_indirect_dma semaphore(%arg22 : memref<!tpu.dma_semaphore, #tpu.memory_space<semaphore_mem>>) src(%arg15 : memref<40x144xf32, #tpu.memory_space<vmem>>) dst(%dma_wait3A_606 : memref<10240x144xf32, #tpu.memory_space<vmem_shared>>)
      %scan3A_607 = arith.constant 0 : i32
      %scan3A_608 = arith.constant 0 : i32
      %scan3A_609 = arith.constant 40 : i32
      %scan3A_610 = arith.addi %scan3A_608, %scan3A_609 : i32
      %scan3A_611 = arith.constant 1 : i32
      %scan3A_612 = scf.for %scan3A_623 = %scan3A_608 to %scan3A_610 step %scan3A_611 iter_args(%scan3A_624 = %scan3A_607) -> (i32)  : i32 {
        %add3A_625 = arith.constant 40 : i32
        %add3A_626 = arith.addi %add3A_625, %scan3A_623 : i32
        %get3A = arith.index_cast %add3A_626 : i32 to index
        %get3A_627 = arith.constant 128 : index
        %get3A_628 = tpu.vector_load %arg10[%get3A, %get3A_627] {strides = array<i32>} : memref<80x144xf32, #tpu.memory_space<vmem>>, vector<1x16xf32>,
        %get3A_629 = vector.shape_cast %get3A_628 : vector<1x16xf32> to vector<16xf32>
        %get3A_630 = arith.index_cast %add3A_626 : i32 to index
        %get3A_631 = arith.constant 0 : index
        %get3A_632 = tpu.vector_load %arg12[%get3A_630, %get3A_631] {strides = array<i32>} : memref<80x16xf32, #tpu.memory_space<vmem>>, vector<1x16xf32>,
        %get3A_633 = vector.shape_cast %get3A_632 : vector<1x16xf32> to vector<16xf32>
        %add3A_634 = arith.addf %get3A_629, %get3A_633 : vector<16xf32>
        %mul3A_635 = arith.constant 2.000000e-01 : f32
        %mul3A_636 = vector.broadcast %mul3A_635 : f32 to vector<16xf32>
        %mul3A_637 = arith.mulf %mul3A_636, %add3A_634 : vector<16xf32>
        %max3A = arith.maximumf %add3A_634, %mul3A_637 : vector<16xf32>
        %exp3A = math.exp %max3A : vector<16xf32>
        %swap3A = arith.index_cast %scan3A_623 : i32 to index
        %swap3A_638 = arith.constant 128 : index
        %swap3A_639 = tpu.vector_load %arg15[%swap3A, %swap3A_638] {strides = array<i32>} : memref<40x144xf32, #tpu.memory_space<vmem>>, vector<1x16xf32>,
        %swap3A_640 = vector.shape_cast %swap3A_639 : vector<1x16xf32> to vector<16xf32>
        %swap3A_641 = vector.shape_cast %exp3A : vector<16xf32> to vector<1x16xf32>
        tpu.vector_store %arg15[%swap3A, %swap3A_638], %swap3A_641 {strides = array<i32>} : memref<40x144xf32, #tpu.memory_space<vmem>>, vector<1x16xf32>,
        %get3A_642 = arith.index_cast %add3A_626 : i32 to index
        %get3A_643 = arith.constant 0 : index
        %get3A_644 = tpu.vector_load %arg10[%get3A_642, %get3A_643] {strides = array<i32>} : memref<80x144xf32, #tpu.memory_space<vmem>>, vector<1x16xf32>,
        %get3A_645 = vector.shape_cast %get3A_644 : vector<1x16xf32> to vector<16xf32>
        %slice3A = vector.extract_strided_slice %exp3A {offsets = [0], sizes = [1], strides = [1]} : vector<16xf32> to vector<1xf32>
        %squeeze3A = vector.extract %slice3A[0] : f32 from vector<1xf32>
        %mul3A_646 = vector.broadcast %squeeze3A : f32 to vector<16xf32>
        %mul3A_647 = arith.mulf %get3A_645, %mul3A_646 : vector<16xf32>
        %swap3A_648 = arith.index_cast %scan3A_623 : i32 to index
        %swap3A_649 = arith.constant 0 : index
        %swap3A_650 = tpu.vector_load %arg15[%swap3A_648, %swap3A_649] {strides = array<i32>} : memref<40x144xf32, #tpu.memory_space<vmem>>, vector<1x16xf32>,
        %swap3A_651 = vector.shape_cast %swap3A_650 : vector<1x16xf32> to vector<16xf32>
        %swap3A_652 = vector.shape_cast %mul3A_647 : vector<16xf32> to vector<1x16xf32>
        tpu.vector_store %arg15[%swap3A_648, %swap3A_649], %swap3A_652 {strides = array<i32>} : memref<40x144xf32, #tpu.memory_space<vmem>>, vector<1x16xf32>,
        %get3A_653 = arith.index_cast %add3A_626 : i32 to index
        %get3A_654 = arith.constant 16 : index
        %get3A_655 = tpu.vector_load %arg10[%get3A_653, %get3A_654] {strides = array<i32>} : memref<80x144xf32, #tpu.memory_space<vmem>>, vector<1x16xf32>,
        %get3A_656 = vector.shape_cast %get3A_655 : vector<1x16xf32> to vector<16xf32>
        %slice3A_657 = vector.extract_strided_slice %exp3A {offsets = [1], sizes = [1], strides = [1]} : vector<16xf32> to vector<1xf32>
        %squeeze3A_658 = vector.extract %slice3A_657[0] : f32 from vector<1xf32>
        %mul3A_659 = vector.broadcast %squeeze3A_658 : f32 to vector<16xf32>
        %mul3A_660 = arith.mulf %get3A_656, %mul3A_659 : vector<16xf32>
        %swap3A_661 = arith.index_cast %scan3A_623 : i32 to index
        %swap3A_662 = arith.constant 16 : index
        %swap3A_663 = tpu.vector_load %arg15[%swap3A_661, %swap3A_662] {strides = array<i32>} : memref<40x144xf32, #tpu.memory_space<vmem>>, vector<1x16xf32>,
        %swap3A_664 = vector.shape_cast %swap3A_663 : vector<1x16xf32> to vector<16xf32>
        %swap3A_665 = vector.shape_cast %mul3A_660 : vector<16xf32> to vector<1x16xf32>
        tpu.vector_store %arg15[%swap3A_661, %swap3A_662], %swap3A_665 {strides = array<i32>} : memref<40x144xf32, #tpu.memory_space<vmem>>, vector<1x16xf32>,
        %get3A_666 = arith.index_cast %add3A_626 : i32 to index
        %get3A_667 = arith.constant 32 : index
        %get3A_668 = tpu.vector_load %arg10[%get3A_666, %get3A_667] {strides = array<i32>} : memref<80x144xf32, #tpu.memory_space<vmem>>, vector<1x16xf32>,
        %get3A_669 = vector.shape_cast %get3A_668 : vector<1x16xf32> to vector<16xf32>
        %slice3A_670 = vector.extract_strided_slice %exp3A {offsets = [2], sizes = [1], strides = [1]} : vector<16xf32> to vector<1xf32>
        %squeeze3A_671 = vector.extract %slice3A_670[0] : f32 from vector<1xf32>
        %mul3A_672 = vector.broadcast %squeeze3A_671 : f32 to vector<16xf32>
        %mul3A_673 = arith.mulf %get3A_669, %mul3A_672 : vector<16xf32>
        %swap3A_674 = arith.index_cast %scan3A_623 : i32 to index
        %swap3A_675 = arith.constant 32 : index
        %swap3A_676 = tpu.vector_load %arg15[%swap3A_674, %swap3A_675] {strides = array<i32>} : memref<40x144xf32, #tpu.memory_space<vmem>>, vector<1x16xf32>,
        %swap3A_677 = vector.shape_cast %swap3A_676 : vector<1x16xf32> to vector<16xf32>
        %swap3A_678 = vector.shape_cast %mul3A_673 : vector<16xf32> to vector<1x16xf32>
        tpu.vector_store %arg15[%swap3A_674, %swap3A_675], %swap3A_678 {strides = array<i32>} : memref<40x144xf32, #tpu.memory_space<vmem>>, vector<1x16xf32>,
        %get3A_679 = arith.index_cast %add3A_626 : i32 to index
        %get3A_680 = arith.constant 48 : index
        %get3A_681 = tpu.vector_load %arg10[%get3A_679, %get3A_680] {strides = array<i32>} : memref<80x144xf32, #tpu.memory_space<vmem>>, vector<1x16xf32>,
        %get3A_682 = vector.shape_cast %get3A_681 : vector<1x16xf32> to vector<16xf32>
        %slice3A_683 = vector.extract_strided_slice %exp3A {offsets = [3], sizes = [1], strides = [1]} : vector<16xf32> to vector<1xf32>
        %squeeze3A_684 = vector.extract %slice3A_683[0] : f32 from vector<1xf32>
        %mul3A_685 = vector.broadcast %squeeze3A_684 : f32 to vector<16xf32>
        %mul3A_686 = arith.mulf %get3A_682, %mul3A_685 : vector<16xf32>
        %swap3A_687 = arith.index_cast %scan3A_623 : i32 to index
        %swap3A_688 = arith.constant 48 : index
        %swap3A_689 = tpu.vector_load %arg15[%swap3A_687, %swap3A_688] {strides = array<i32>} : memref<40x144xf32, #tpu.memory_space<vmem>>, vector<1x16xf32>,
        %swap3A_690 = vector.shape_cast %swap3A_689 : vector<1x16xf32> to vector<16xf32>
        %swap3A_691 = vector.shape_cast %mul3A_686 : vector<16xf32> to vector<1x16xf32>
        tpu.vector_store %arg15[%swap3A_687, %swap3A_688], %swap3A_691 {strides = array<i32>} : memref<40x144xf32, #tpu.memory_space<vmem>>, vector<1x16xf32>,
        %get3A_692 = arith.index_cast %add3A_626 : i32 to index
        %get3A_693 = arith.constant 64 : index
        %get3A_694 = tpu.vector_load %arg10[%get3A_692, %get3A_693] {strides = array<i32>} : memref<80x144xf32, #tpu.memory_space<vmem>>, vector<1x16xf32>,
        %get3A_695 = vector.shape_cast %get3A_694 : vector<1x16xf32> to vector<16xf32>
        %slice3A_696 = vector.extract_strided_slice %exp3A {offsets = [4], sizes = [1], strides = [1]} : vector<16xf32> to vector<1xf32>
        %squeeze3A_697 = vector.extract %slice3A_696[0] : f32 from vector<1xf32>
        %mul3A_698 = vector.broadcast %squeeze3A_697 : f32 to vector<16xf32>
        %mul3A_699 = arith.mulf %get3A_695, %mul3A_698 : vector<16xf32>
        %swap3A_700 = arith.index_cast %scan3A_623 : i32 to index
        %swap3A_701 = arith.constant 64 : index
        %swap3A_702 = tpu.vector_load %arg15[%swap3A_700, %swap3A_701] {strides = array<i32>} : memref<40x144xf32, #tpu.memory_space<vmem>>, vector<1x16xf32>,
        %swap3A_703 = vector.shape_cast %swap3A_702 : vector<1x16xf32> to vector<16xf32>
        %swap3A_704 = vector.shape_cast %mul3A_699 : vector<16xf32> to vector<1x16xf32>
        tpu.vector_store %arg15[%swap3A_700, %swap3A_701], %swap3A_704 {strides = array<i32>} : memref<40x144xf32, #tpu.memory_space<vmem>>, vector<1x16xf32>,
        %get3A_705 = arith.index_cast %add3A_626 : i32 to index
        %get3A_706 = arith.constant 80 : index
        %get3A_707 = tpu.vector_load %arg10[%get3A_705, %get3A_706] {strides = array<i32>} : memref<80x144xf32, #tpu.memory_space<vmem>>, vector<1x16xf32>,
        %get3A_708 = vector.shape_cast %get3A_707 : vector<1x16xf32> to vector<16xf32>
        %slice3A_709 = vector.extract_strided_slice %exp3A {offsets = [5], sizes = [1], strides = [1]} : vector<16xf32> to vector<1xf32>
        %squeeze3A_710 = vector.extract %slice3A_709[0] : f32 from vector<1xf32>
        %mul3A_711 = vector.broadcast %squeeze3A_710 : f32 to vector<16xf32>
        %mul3A_712 = arith.mulf %get3A_708, %mul3A_711 : vector<16xf32>
        %swap3A_713 = arith.index_cast %scan3A_623 : i32 to index
        %swap3A_714 = arith.constant 80 : index
        %swap3A_715 = tpu.vector_load %arg15[%swap3A_713, %swap3A_714] {strides = array<i32>} : memref<40x144xf32, #tpu.memory_space<vmem>>, vector<1x16xf32>,
        %swap3A_716 = vector.shape_cast %swap3A_715 : vector<1x16xf32> to vector<16xf32>
        %swap3A_717 = vector.shape_cast %mul3A_712 : vector<16xf32> to vector<1x16xf32>
        tpu.vector_store %arg15[%swap3A_713, %swap3A_714], %swap3A_717 {strides = array<i32>} : memref<40x144xf32, #tpu.memory_space<vmem>>, vector<1x16xf32>,
        %get3A_718 = arith.index_cast %add3A_626 : i32 to index
        %get3A_719 = arith.constant 96 : index
        %get3A_720 = tpu.vector_load %arg10[%get3A_718, %get3A_719] {strides = array<i32>} : memref<80x144xf32, #tpu.memory_space<vmem>>, vector<1x16xf32>,
        %get3A_721 = vector.shape_cast %get3A_720 : vector<1x16xf32> to vector<16xf32>
        %slice3A_722 = vector.extract_strided_slice %exp3A {offsets = [6], sizes = [1], strides = [1]} : vector<16xf32> to vector<1xf32>
        %squeeze3A_723 = vector.extract %slice3A_722[0] : f32 from vector<1xf32>
        %mul3A_724 = vector.broadcast %squeeze3A_723 : f32 to vector<16xf32>
        %mul3A_725 = arith.mulf %get3A_721, %mul3A_724 : vector<16xf32>
        %swap3A_726 = arith.index_cast %scan3A_623 : i32 to index
        %swap3A_727 = arith.constant 96 : index
        %swap3A_728 = tpu.vector_load %arg15[%swap3A_726, %swap3A_727] {strides = array<i32>} : memref<40x144xf32, #tpu.memory_space<vmem>>, vector<1x16xf32>,
        %swap3A_729 = vector.shape_cast %swap3A_728 : vector<1x16xf32> to vector<16xf32>
        %swap3A_730 = vector.shape_cast %mul3A_725 : vector<16xf32> to vector<1x16xf32>
        tpu.vector_store %arg15[%swap3A_726, %swap3A_727], %swap3A_730 {strides = array<i32>} : memref<40x144xf32, #tpu.memory_space<vmem>>, vector<1x16xf32>,
        %get3A_731 = arith.index_cast %add3A_626 : i32 to index
        %get3A_732 = arith.constant 112 : index
        %get3A_733 = tpu.vector_load %arg10[%get3A_731, %get3A_732] {strides = array<i32>} : memref<80x144xf32, #tpu.memory_space<vmem>>, vector<1x16xf32>,
        %get3A_734 = vector.shape_cast %get3A_733 : vector<1x16xf32> to vector<16xf32>
        %slice3A_735 = vector.extract_strided_slice %exp3A {offsets = [7], sizes = [1], strides = [1]} : vector<16xf32> to vector<1xf32>
        %squeeze3A_736 = vector.extract %slice3A_735[0] : f32 from vector<1xf32>
        %mul3A_737 = vector.broadcast %squeeze3A_736 : f32 to vector<16xf32>
        %mul3A_738 = arith.mulf %get3A_734, %mul3A_737 : vector<16xf32>
        %swap3A_739 = arith.index_cast %scan3A_623 : i32 to index
        %swap3A_740 = arith.constant 112 : index
        %swap3A_741 = tpu.vector_load %arg15[%swap3A_739, %swap3A_740] {strides = array<i32>} : memref<40x144xf32, #tpu.memory_space<vmem>>, vector<1x16xf32>,
        %swap3A_742 = vector.shape_cast %swap3A_741 : vector<1x16xf32> to vector<16xf32>
        %swap3A_743 = vector.shape_cast %mul3A_738 : vector<16xf32> to vector<1x16xf32>
        tpu.vector_store %arg15[%swap3A_739, %swap3A_740], %swap3A_743 {strides = array<i32>} : memref<40x144xf32, #tpu.memory_space<vmem>>, vector<1x16xf32>,
        %scan3A_744 = arith.constant 0 : i32
        scf.yield %scan3A_744 : i32
      }
      %scan3A_613 = arith.constant 40 : i32
      %dma_start3A_614 = arith.constant 1 : i32
      %dma_start3A_615 = arith.constant 1 : i32
      %dma_start3A_616 = arith.constant 0 : i32
      %dma_start3A_617 = tpu.memref_slice %arg6[%dma_start3A_614, %dma_start3A_615, %dma_start3A_616] : memref<2x2x40xi32, #tpu.memory_space<vmem>> -> memref<1x1x40xi32, #tpu.memory_space<vmem>>
      %dma_start3A_618 = tpu.memref_squeeze %dma_start3A_617 : memref<1x1x40xi32, #tpu.memory_space<vmem>> -> memref<40xi32, #tpu.memory_space<vmem>>
      %dma_start3A_619 = arith.constant 0 : i32
      %dma_start3A_620 = arith.constant 0 : i32
      %dma_start3A_621 = tpu.memref_slice %arg16[%dma_start3A_619, %dma_start3A_620] : memref<10240x144xf32, #tpu.memory_space<vmem_shared>> -> memref<10240x144xf32, #tpu.memory_space<vmem_shared>>
      tpu.enqueue_indirect_dma source(%arg15 : memref<40x144xf32, #tpu.memory_space<vmem>>) target(%dma_start3A_621 : memref<10240x144xf32, #tpu.memory_space<vmem_shared>>) offsets(%dma_start3A_618 : memref<40xi32, #tpu.memory_space<vmem>>) semaphore(%arg22 : memref<!tpu.dma_semaphore, #tpu.memory_space<semaphore_mem>>) {add = true}
      %scan3A_622 = arith.constant 0 : i32
      scf.yield %scan3A_622 : i32
    }
    %scan3A_188 = arith.constant 31 : i32
    %dma_wait3A_189 = arith.constant 1 : i32
    %dma_wait3A_190 = arith.constant 0 : i32
    %dma_wait3A_191 = arith.constant 0 : i32
    %dma_wait3A_192 = tpu.memref_slice %arg6[%dma_wait3A_189, %dma_wait3A_190, %dma_wait3A_191] : memref<2x2x40xi32, #tpu.memory_space<vmem>> -> memref<1x1x40xi32, #tpu.memory_space<vmem>>
    %dma_wait3A_193 = tpu.memref_squeeze %dma_wait3A_192 : memref<1x1x40xi32, #tpu.memory_space<vmem>> -> memref<40xi32, #tpu.memory_space<vmem>>
    %dma_wait3A_194 = arith.constant 0 : i32
    %dma_wait3A_195 = arith.constant 0 : i32
    %dma_wait3A_196 = tpu.memref_slice %arg16[%dma_wait3A_194, %dma_wait3A_195] : memref<10240x144xf32, #tpu.memory_space<vmem_shared>> -> memref<10240x144xf32, #tpu.memory_space<vmem_shared>>
    tpu.wait_indirect_dma semaphore(%arg21 : memref<!tpu.dma_semaphore, #tpu.memory_space<semaphore_mem>>) src(%arg14 : memref<40x144xf32, #tpu.memory_space<vmem>>) dst(%dma_wait3A_196 : memref<10240x144xf32, #tpu.memory_space<vmem_shared>>)
    %dma_wait3A_197 = arith.constant 1 : i32
    %dma_wait3A_198 = arith.constant 1 : i32
    %dma_wait3A_199 = arith.constant 0 : i32
    %dma_wait3A_200 = tpu.memref_slice %arg6[%dma_wait3A_197, %dma_wait3A_198, %dma_wait3A_199] : memref<2x2x40xi32, #tpu.memory_space<vmem>> -> memref<1x1x40xi32, #tpu.memory_space<vmem>>
    %dma_wait3A_201 = tpu.memref_squeeze %dma_wait3A_200 : memref<1x1x40xi32, #tpu.memory_space<vmem>> -> memref<40xi32, #tpu.memory_space<vmem>>
    %dma_wait3A_202 = arith.constant 0 : i32
    %dma_wait3A_203 = arith.constant 0 : i32
    %dma_wait3A_204 = tpu.memref_slice %arg16[%dma_wait3A_202, %dma_wait3A_203] : memref<10240x144xf32, #tpu.memory_space<vmem_shared>> -> memref<10240x144xf32, #tpu.memory_space<vmem_shared>>
    tpu.wait_indirect_dma semaphore(%arg22 : memref<!tpu.dma_semaphore, #tpu.memory_space<semaphore_mem>>) src(%arg15 : memref<40x144xf32, #tpu.memory_space<vmem>>) dst(%dma_wait3A_204 : memref<10240x144xf32, #tpu.memory_space<vmem_shared>>)
    %barrier3A_205 = arith.constant 0 : index
    tpu.barrier barrier_id(%barrier3A_205)
    %mul3A_206 = arith.constant 640 : i32
    %mul3A_207 = arith.muli %arg1, %mul3A_206 : i32
    %add3A_208 = arith.constant 0 : i32
    %add3A_209 = arith.addi %mul3A_207, %add3A_208 : i32
    %dma_start3A_210 = arith.constant 0 : i32
    %dma_start3A_211 = tpu.memref_slice %arg16[%add3A_209, %dma_start3A_210] : memref<10240x144xf32, #tpu.memory_space<vmem_shared>> -> memref<40x144xf32, #tpu.memory_space<vmem_shared>>
    %dma_start3A_212 = arith.constant 0 : i32
    %dma_start3A_213 = tpu.memref_slice %arg16[%add3A_209, %dma_start3A_212] : memref<10240x144xf32, #tpu.memory_space<vmem_shared>> -> memref<40x144xf32, #tpu.memory_space<vmem_shared>>
    tpu.enqueue_dma source(%dma_start3A_213 : memref<40x144xf32, #tpu.memory_space<vmem_shared>>) target(%arg14 : memref<40x144xf32, #tpu.memory_space<vmem>>) target_semaphore(%arg19 : memref<!tpu.dma_semaphore, #tpu.memory_space<semaphore_mem>>)
    %scan3A_214 = arith.constant 0 : i32
    %scan3A_215 = arith.constant 0 : i32
    %scan3A_216 = arith.constant 8 : i32
    %scan3A_217 = arith.addi %scan3A_215, %scan3A_216 : i32
    %scan3A_218 = arith.constant 1 : i32
    %scan3A_219 = scf.for %scan3A_231 = %scan3A_215 to %scan3A_217 step %scan3A_218 iter_args(%scan3A_232 = %scan3A_214) -> (i32)  : i32 {
      %mul3A_233 = arith.constant 2 : i32
      %mul3A_234 = arith.muli %mul3A_233, %scan3A_231 : i32
      %mul3A_235 = arith.constant 640 : i32
      %mul3A_236 = arith.muli %arg1, %mul3A_235 : i32
      %mul3A_237 = arith.constant 40 : i32
      %mul3A_238 = arith.muli %mul3A_234, %mul3A_237 : i32
      %add3A_239 = arith.addi %mul3A_236, %mul3A_238 : i32
      %dma_wait3A_240 = arith.constant 0 : i32
      %dma_wait3A_241 = tpu.memref_slice %arg16[%add3A_239, %dma_wait3A_240] : memref<10240x144xf32, #tpu.memory_space<vmem_shared>> -> memref<40x144xf32, #tpu.memory_space<vmem_shared>>
      %dma_wait3A_242 = arith.constant 0 : i32
      %dma_wait3A_243 = tpu.memref_slice %arg16[%add3A_239, %dma_wait3A_242] : memref<10240x144xf32, #tpu.memory_space<vmem_shared>> -> memref<40x144xf32, #tpu.memory_space<vmem_shared>>
      tpu.wait_dma2 semaphore(%arg19 : memref<!tpu.dma_semaphore, #tpu.memory_space<semaphore_mem>>) src(%dma_wait3A_243 : memref<40x144xf32, #tpu.memory_space<vmem_shared>>) dst(%arg14 : memref<40x144xf32, #tpu.memory_space<vmem>>)
      %gt3A = arith.constant 0 : i32
      %gt3A_244 = arith.cmpi sgt, %scan3A_231, %gt3A : i32
      %convert_element_type3A = arith.extui %gt3A_244 : i1 to i32
      %cond3A = arith.constant 0 : i32
      %cond3A_245 = arith.cmpi ne, %convert_element_type3A, %cond3A : i32
      scf.if %cond3A_245 {
        %sub3A = arith.constant 1 : i32
        %sub3A_310 = arith.subi %mul3A_234, %sub3A : i32
        %mul3A_311 = arith.constant 640 : i32
        %mul3A_312 = arith.muli %arg1, %mul3A_311 : i32
        %mul3A_313 = arith.constant 40 : i32
        %mul3A_314 = arith.muli %sub3A_310, %mul3A_313 : i32
        %add3A_315 = arith.addi %mul3A_312, %mul3A_314 : i32
        %dma_wait3A_316 = arith.constant 0 : i32
        %dma_wait3A_317 = tpu.memref_slice %arg5[%arg0, %add3A_315, %dma_wait3A_316] : memref<2x10240x144xf32, #tpu.memory_space<hbm>> -> memref<1x40x144xf32, #tpu.memory_space<hbm>>
        %dma_wait3A_318 = tpu.memref_squeeze %dma_wait3A_317 : memref<1x40x144xf32, #tpu.memory_space<hbm>> -> memref<40x144xf32, #tpu.memory_space<hbm>>
        %dma_wait3A_319 = arith.constant 0 : i32
        %dma_wait3A_320 = tpu.memref_slice %arg5[%arg0, %add3A_315, %dma_wait3A_319] : memref<2x10240x144xf32, #tpu.memory_space<hbm>> -> memref<1x40x144xf32, #tpu.memory_space<hbm>>
        %dma_wait3A_321 = tpu.memref_squeeze %dma_wait3A_320 : memref<1x40x144xf32, #tpu.memory_space<hbm>> -> memref<40x144xf32, #tpu.memory_space<hbm>>
        tpu.wait_dma2 semaphore(%arg22 : memref<!tpu.dma_semaphore, #tpu.memory_space<semaphore_mem>>) src(%arg15 : memref<40x144xf32, #tpu.memory_space<vmem>>) dst(%dma_wait3A_321 : memref<40x144xf32, #tpu.memory_space<hbm>>)
      } else {
      }
      %add3A_246 = arith.constant 1 : i32
      %add3A_247 = arith.addi %mul3A_234, %add3A_246 : i32
      %mul3A_248 = arith.constant 640 : i32
      %mul3A_249 = arith.muli %arg1, %mul3A_248 : i32
      %mul3A_250 = arith.constant 40 : i32
      %mul3A_251 = arith.muli %add3A_247, %mul3A_250 : i32
      %add3A_252 = arith.addi %mul3A_249, %mul3A_251 : i32
      %dma_start3A_253 = arith.constant 0 : i32
      %dma_start3A_254 = tpu.memref_slice %arg16[%add3A_252, %dma_start3A_253] : memref<10240x144xf32, #tpu.memory_space<vmem_shared>> -> memref<40x144xf32, #tpu.memory_space<vmem_shared>>
      %dma_start3A_255 = arith.constant 0 : i32
      %dma_start3A_256 = tpu.memref_slice %arg16[%add3A_252, %dma_start3A_255] : memref<10240x144xf32, #tpu.memory_space<vmem_shared>> -> memref<40x144xf32, #tpu.memory_space<vmem_shared>>
      tpu.enqueue_dma source(%dma_start3A_256 : memref<40x144xf32, #tpu.memory_space<vmem_shared>>) target(%arg15 : memref<40x144xf32, #tpu.memory_space<vmem>>) target_semaphore(%arg20 : memref<!tpu.dma_semaphore, #tpu.memory_space<semaphore_mem>>)
      %mul3A_257 = arith.constant 640 : i32
      %mul3A_258 = arith.muli %arg1, %mul3A_257 : i32
      %mul3A_259 = arith.constant 40 : i32
      %mul3A_260 = arith.muli %mul3A_234, %mul3A_259 : i32
      %add3A_261 = arith.addi %mul3A_258, %mul3A_260 : i32
      %dma_start3A_262 = arith.constant 0 : i32
      %dma_start3A_263 = tpu.memref_slice %arg5[%arg0, %add3A_261, %dma_start3A_262] : memref<2x10240x144xf32, #tpu.memory_space<hbm>> -> memref<1x40x144xf32, #tpu.memory_space<hbm>>
      %dma_start3A_264 = tpu.memref_squeeze %dma_start3A_263 : memref<1x40x144xf32, #tpu.memory_space<hbm>> -> memref<40x144xf32, #tpu.memory_space<hbm>>
      %dma_start3A_265 = arith.constant 0 : i32
      %dma_start3A_266 = tpu.memref_slice %arg5[%arg0, %add3A_261, %dma_start3A_265] : memref<2x10240x144xf32, #tpu.memory_space<hbm>> -> memref<1x40x144xf32, #tpu.memory_space<hbm>>
      %dma_start3A_267 = tpu.memref_squeeze %dma_start3A_266 : memref<1x40x144xf32, #tpu.memory_space<hbm>> -> memref<40x144xf32, #tpu.memory_space<hbm>>
      tpu.enqueue_dma source(%arg14 : memref<40x144xf32, #tpu.memory_space<vmem>>) target(%dma_start3A_267 : memref<40x144xf32, #tpu.memory_space<hbm>>) target_semaphore(%arg21 : memref<!tpu.dma_semaphore, #tpu.memory_space<semaphore_mem>>)
      %add3A_268 = arith.constant 1 : i32
      %add3A_269 = arith.addi %mul3A_234, %add3A_268 : i32
      %mul3A_270 = arith.constant 640 : i32
      %mul3A_271 = arith.muli %arg1, %mul3A_270 : i32
      %mul3A_272 = arith.constant 40 : i32
      %mul3A_273 = arith.muli %add3A_269, %mul3A_272 : i32
      %add3A_274 = arith.addi %mul3A_271, %mul3A_273 : i32
      %dma_wait3A_275 = arith.constant 0 : i32
      %dma_wait3A_276 = tpu.memref_slice %arg16[%add3A_274, %dma_wait3A_275] : memref<10240x144xf32, #tpu.memory_space<vmem_shared>> -> memref<40x144xf32, #tpu.memory_space<vmem_shared>>
      %dma_wait3A_277 = arith.constant 0 : i32
      %dma_wait3A_278 = tpu.memref_slice %arg16[%add3A_274, %dma_wait3A_277] : memref<10240x144xf32, #tpu.memory_space<vmem_shared>> -> memref<40x144xf32, #tpu.memory_space<vmem_shared>>
      tpu.wait_dma2 semaphore(%arg20 : memref<!tpu.dma_semaphore, #tpu.memory_space<semaphore_mem>>) src(%dma_wait3A_278 : memref<40x144xf32, #tpu.memory_space<vmem_shared>>) dst(%arg15 : memref<40x144xf32, #tpu.memory_space<vmem>>)
      %mul3A_279 = arith.constant 640 : i32
      %mul3A_280 = arith.muli %arg1, %mul3A_279 : i32
      %mul3A_281 = arith.constant 40 : i32
      %mul3A_282 = arith.muli %mul3A_234, %mul3A_281 : i32
      %add3A_283 = arith.addi %mul3A_280, %mul3A_282 : i32
      %dma_wait3A_284 = arith.constant 0 : i32
      %dma_wait3A_285 = tpu.memref_slice %arg5[%arg0, %add3A_283, %dma_wait3A_284] : memref<2x10240x144xf32, #tpu.memory_space<hbm>> -> memref<1x40x144xf32, #tpu.memory_space<hbm>>
      %dma_wait3A_286 = tpu.memref_squeeze %dma_wait3A_285 : memref<1x40x144xf32, #tpu.memory_space<hbm>> -> memref<40x144xf32, #tpu.memory_space<hbm>>
      %dma_wait3A_287 = arith.constant 0 : i32
      %dma_wait3A_288 = tpu.memref_slice %arg5[%arg0, %add3A_283, %dma_wait3A_287] : memref<2x10240x144xf32, #tpu.memory_space<hbm>> -> memref<1x40x144xf32, #tpu.memory_space<hbm>>
      %dma_wait3A_289 = tpu.memref_squeeze %dma_wait3A_288 : memref<1x40x144xf32, #tpu.memory_space<hbm>> -> memref<40x144xf32, #tpu.memory_space<hbm>>
      tpu.wait_dma2 semaphore(%arg21 : memref<!tpu.dma_semaphore, #tpu.memory_space<semaphore_mem>>) src(%arg14 : memref<40x144xf32, #tpu.memory_space<vmem>>) dst(%dma_wait3A_289 : memref<40x144xf32, #tpu.memory_space<hbm>>)
      %add3A_290 = arith.constant 2 : i32
      %add3A_291 = arith.addi %mul3A_234, %add3A_290 : i32
      %lt3A = arith.constant 16 : i32
      %lt3A_292 = arith.cmpi slt, %add3A_291, %lt3A : i32
      %convert_element_type3A_293 = arith.extui %lt3A_292 : i1 to i32
      %cond3A_294 = arith.constant 0 : i32
      %cond3A_295 = arith.cmpi ne, %convert_element_type3A_293, %cond3A_294 : i32
      scf.if %cond3A_295 {
        %add3A_310 = arith.constant 2 : i32
        %add3A_311 = arith.addi %mul3A_234, %add3A_310 : i32
        %mul3A_312 = arith.constant 640 : i32
        %mul3A_313 = arith.muli %arg1, %mul3A_312 : i32
        %mul3A_314 = arith.constant 40 : i32
        %mul3A_315 = arith.muli %add3A_311, %mul3A_314 : i32
        %add3A_316 = arith.addi %mul3A_313, %mul3A_315 : i32
        %dma_start3A_317 = arith.constant 0 : i32
        %dma_start3A_318 = tpu.memref_slice %arg16[%add3A_316, %dma_start3A_317] : memref<10240x144xf32, #tpu.memory_space<vmem_shared>> -> memref<40x144xf32, #tpu.memory_space<vmem_shared>>
        %dma_start3A_319 = arith.constant 0 : i32
        %dma_start3A_320 = tpu.memref_slice %arg16[%add3A_316, %dma_start3A_319] : memref<10240x144xf32, #tpu.memory_space<vmem_shared>> -> memref<40x144xf32, #tpu.memory_space<vmem_shared>>
        tpu.enqueue_dma source(%dma_start3A_320 : memref<40x144xf32, #tpu.memory_space<vmem_shared>>) target(%arg14 : memref<40x144xf32, #tpu.memory_space<vmem>>) target_semaphore(%arg19 : memref<!tpu.dma_semaphore, #tpu.memory_space<semaphore_mem>>)
      } else {
      }
      %add3A_296 = arith.constant 1 : i32
      %add3A_297 = arith.addi %mul3A_234, %add3A_296 : i32
      %mul3A_298 = arith.constant 640 : i32
      %mul3A_299 = arith.muli %arg1, %mul3A_298 : i32
      %mul3A_300 = arith.constant 40 : i32
      %mul3A_301 = arith.muli %add3A_297, %mul3A_300 : i32
      %add3A_302 = arith.addi %mul3A_299, %mul3A_301 : i32
      %dma_start3A_303 = arith.constant 0 : i32
      %dma_start3A_304 = tpu.memref_slice %arg5[%arg0, %add3A_302, %dma_start3A_303] : memref<2x10240x144xf32, #tpu.memory_space<hbm>> -> memref<1x40x144xf32, #tpu.memory_space<hbm>>
      %dma_start3A_305 = tpu.memref_squeeze %dma_start3A_304 : memref<1x40x144xf32, #tpu.memory_space<hbm>> -> memref<40x144xf32, #tpu.memory_space<hbm>>
      %dma_start3A_306 = arith.constant 0 : i32
      %dma_start3A_307 = tpu.memref_slice %arg5[%arg0, %add3A_302, %dma_start3A_306] : memref<2x10240x144xf32, #tpu.memory_space<hbm>> -> memref<1x40x144xf32, #tpu.memory_space<hbm>>
      %dma_start3A_308 = tpu.memref_squeeze %dma_start3A_307 : memref<1x40x144xf32, #tpu.memory_space<hbm>> -> memref<40x144xf32, #tpu.memory_space<hbm>>
      tpu.enqueue_dma source(%arg15 : memref<40x144xf32, #tpu.memory_space<vmem>>) target(%dma_start3A_308 : memref<40x144xf32, #tpu.memory_space<hbm>>) target_semaphore(%arg22 : memref<!tpu.dma_semaphore, #tpu.memory_space<semaphore_mem>>)
      %scan3A_309 = arith.constant 0 : i32
      scf.yield %scan3A_309 : i32
    }
    %scan3A_220 = arith.constant 8 : i32
    %mul3A_221 = arith.constant 640 : i32
    %mul3A_222 = arith.muli %arg1, %mul3A_221 : i32
    %add3A_223 = arith.constant 600 : i32
    %add3A_224 = arith.addi %mul3A_222, %add3A_223 : i32
    %dma_wait3A_225 = arith.constant 0 : i32
    %dma_wait3A_226 = tpu.memref_slice %arg5[%arg0, %add3A_224, %dma_wait3A_225] : memref<2x10240x144xf32, #tpu.memory_space<hbm>> -> memref<1x40x144xf32, #tpu.memory_space<hbm>>
    %dma_wait3A_227 = tpu.memref_squeeze %dma_wait3A_226 : memref<1x40x144xf32, #tpu.memory_space<hbm>> -> memref<40x144xf32, #tpu.memory_space<hbm>>
    %dma_wait3A_228 = arith.constant 0 : i32
    %dma_wait3A_229 = tpu.memref_slice %arg5[%arg0, %add3A_224, %dma_wait3A_228] : memref<2x10240x144xf32, #tpu.memory_space<hbm>> -> memref<1x40x144xf32, #tpu.memory_space<hbm>>
    %dma_wait3A_230 = tpu.memref_squeeze %dma_wait3A_229 : memref<1x40x144xf32, #tpu.memory_space<hbm>> -> memref<40x144xf32, #tpu.memory_space<hbm>>
    tpu.wait_dma2 semaphore(%arg22 : memref<!tpu.dma_semaphore, #tpu.memory_space<semaphore_mem>>) src(%arg15 : memref<40x144xf32, #tpu.memory_space<vmem>>) dst(%dma_wait3A_230 : memref<40x144xf32, #tpu.memory_space<hbm>>)
    return
  }
}

module attributes {stable_mosaic.version = 14 : i64} {
  func.func @_proj_body(%arg0: i32, %arg1: memref<2000x128xf32, #tpu.memory_space<vmem>>, %arg2: memref<128x128xf32, #tpu.memory_space<vmem>>, %arg3: memref<1x128xf32, #tpu.memory_space<vmem>>, %arg4: memref<1x128xf32, #tpu.memory_space<vmem>>, %arg5: memref<2000x144xf32, #tpu.memory_space<vmem>>, %arg6: memref<2000x16xf32, #tpu.memory_space<vmem>>) attributes {dimension_semantics = [#tpu.dimension_semantics<arbitrary>], iteration_bounds = array<i64: 5>, scalar_prefetch = 0 : i64, scratch_operands = 0 : i64, tpu.core_type = #tpu.core_type<tc>, window_params = [{transform_indices = @transform_0, window_bounds = array<i64: 2000, 128>}, {pipeline_mode = #tpu.pipeline_mode<synchronous>, transform_indices = @transform_1, window_bounds = array<i64: 128, 128>}, {pipeline_mode = #tpu.pipeline_mode<synchronous>, transform_indices = @transform_2, window_bounds = array<i64: 1, 128>}, {pipeline_mode = #tpu.pipeline_mode<synchronous>, transform_indices = @transform_3, window_bounds = array<i64: 1, 128>}, {transform_indices = @transform_4, window_bounds = array<i64: 2000, 144>}, {transform_indices = @transform_5, window_bounds = array<i64: 2000, 16>}]} {
    %get3A = arith.constant 0 : index
    %get3A_0 = arith.constant 0 : index
    %get3A_1 = vector.load %arg1[%get3A, %get3A_0] : memref<2000x128xf32, #tpu.memory_space<vmem>>, vector<2000x128xf32>
    %get3A_2 = arith.constant 0 : index
    %get3A_3 = arith.constant 0 : index
    %get3A_4 = vector.load %arg2[%get3A_2, %get3A_3] : memref<128x128xf32, #tpu.memory_space<vmem>>, vector<128x128xf32>
    %dot_general3A = arith.constant dense<0.000000e+00> : vector<2000x128xf32>
    %dot_general3A_5 = tpu.matmul %get3A_1, %get3A_4, %dot_general3A {dimension_numbers = #tpu.dot_dimension_numbers<[1], [0], [0], [1], [0, 0, 1, 1], [], []>, transpose_lhs_hint = false} : vector<2000x128xf32>, vector<128x128xf32>, vector<2000x128xf32> -> vector<2000x128xf32>
    %iota3A = tpu.iota {dimensions = array<i32: 0>} : vector<128x16xi32>
    %iota3A_6 = tpu.iota {dimensions = array<i32: 1>} : vector<128x16xi32>
    %jit3A = arith.constant 16 : i32
    %div3A = vector.broadcast %jit3A : i32 to vector<128x16xi32>
    %div3A_7 = arith.divsi %iota3A, %div3A : vector<128x16xi32>
    %sign3A = arith.constant 0 : i32
    %sign3A_8 = vector.broadcast %sign3A : i32 to vector<128x16xi32>
    %sign3A_9 = arith.cmpi sgt, %iota3A, %sign3A_8 : vector<128x16xi32>
    %sign3A_10 = arith.extui %sign3A_9 : vector<128x16xi1> to vector<128x16xi32>
    %sign3A_11 = arith.constant 0 : i32
    %sign3A_12 = vector.broadcast %sign3A_11 : i32 to vector<128x16xi32>
    %sign3A_13 = arith.cmpi slt, %iota3A, %sign3A_12 : vector<128x16xi32>
    %sign3A_14 = arith.extui %sign3A_13 : vector<128x16xi1> to vector<128x16xi32>
    %sign3A_15 = arith.subi %sign3A_10, %sign3A_14 : vector<128x16xi32>
    %sign3A_16 = arith.constant 0 : i32
    %sign3A_17 = arith.cmpi sgt, %jit3A, %sign3A_16 : i32
    %sign3A_18 = arith.extui %sign3A_17 : i1 to i32
    %sign3A_19 = arith.constant 0 : i32
    %sign3A_20 = arith.cmpi slt, %jit3A, %sign3A_19 : i32
    %sign3A_21 = arith.extui %sign3A_20 : i1 to i32
    %sign3A_22 = arith.subi %sign3A_18, %sign3A_21 : i32
    %ne3A = vector.broadcast %sign3A_22 : i32 to vector<128x16xi32>
    %ne3A_23 = arith.cmpi ne, %sign3A_15, %ne3A : vector<128x16xi32>
    %rem3A = vector.broadcast %jit3A : i32 to vector<128x16xi32>
    %rem3A_24 = arith.remsi %iota3A, %rem3A : vector<128x16xi32>
    %ne3A_25 = arith.constant 0 : i32
    %ne3A_26 = vector.broadcast %ne3A_25 : i32 to vector<128x16xi32>
    %ne3A_27 = arith.cmpi ne, %rem3A_24, %ne3A_26 : vector<128x16xi32>
    %and3A = arith.andi %ne3A_23, %ne3A_27 : vector<128x16xi1>
    %sub3A = arith.constant 1 : i32
    %sub3A_28 = vector.broadcast %sub3A : i32 to vector<128x16xi32>
    %sub3A_29 = arith.subi %div3A_7, %sub3A_28 : vector<128x16xi32>
    %select_n3A = arith.select %and3A, %sub3A_29, %div3A_7 : vector<128x16xi1>, vector<128x16xi32>
    %eq3A = arith.cmpi eq, %select_n3A, %iota3A_6 : vector<128x16xi32>
    %jit3A_30 = arith.constant 1.000000e+00 : f32
    %jit3A_31 = arith.constant 0.000000e+00 : f32
    %broadcast_in_dim3A = vector.broadcast %jit3A_30 : f32 to vector<128x16xf32>
    %broadcast_in_dim3A_32 = vector.broadcast %jit3A_31 : f32 to vector<128x16xf32>
    %select_n3A_33 = arith.select %eq3A, %broadcast_in_dim3A, %broadcast_in_dim3A_32 : vector<128x16xi1>, vector<128x16xf32>
    %swap3A = arith.constant 0 : index
    %swap3A_34 = arith.constant 0 : index
    %swap3A_35 = vector.load %arg5[%swap3A, %swap3A_34] : memref<2000x144xf32, #tpu.memory_space<vmem>>, vector<2000x128xf32>
    tpu.vector_store %arg5[%swap3A, %swap3A_34], %dot_general3A_5 {strides = array<i32>} : memref<2000x144xf32, #tpu.memory_space<vmem>>, vector<2000x128xf32>,
    %get3A_36 = arith.constant 0 : index
    %get3A_37 = arith.constant 0 : index
    %get3A_38 = vector.load %arg3[%get3A_36, %get3A_37] : memref<1x128xf32, #tpu.memory_space<vmem>>, vector<1x128xf32>
    %mul3A = vector.broadcast %get3A_38 : vector<1x128xf32> to vector<2000x128xf32>
    %mul3A_39 = arith.mulf %dot_general3A_5, %mul3A : vector<2000x128xf32>
    %dot_general3A_40 = arith.constant dense<0.000000e+00> : vector<2000x16xf32>
    %dot_general3A_41 = tpu.matmul %mul3A_39, %select_n3A_33, %dot_general3A_40 {dimension_numbers = #tpu.dot_dimension_numbers<[1], [0], [0], [1], [0, 0, 1, 1], [], []>, transpose_lhs_hint = false} : vector<2000x128xf32>, vector<128x16xf32>, vector<2000x16xf32> -> vector<2000x16xf32>
    %swap3A_42 = arith.constant 0 : index
    %swap3A_43 = arith.constant 128 : index
    %swap3A_44 = vector.load %arg5[%swap3A_42, %swap3A_43] : memref<2000x144xf32, #tpu.memory_space<vmem>>, vector<2000x16xf32>
    tpu.vector_store %arg5[%swap3A_42, %swap3A_43], %dot_general3A_41 {strides = array<i32>} : memref<2000x144xf32, #tpu.memory_space<vmem>>, vector<2000x16xf32>,
    %get3A_45 = arith.constant 0 : index
    %get3A_46 = arith.constant 0 : index
    %get3A_47 = vector.load %arg4[%get3A_45, %get3A_46] : memref<1x128xf32, #tpu.memory_space<vmem>>, vector<1x128xf32>
    %mul3A_48 = vector.broadcast %get3A_47 : vector<1x128xf32> to vector<2000x128xf32>
    %mul3A_49 = arith.mulf %dot_general3A_5, %mul3A_48 : vector<2000x128xf32>
    %dot_general3A_50 = arith.constant dense<0.000000e+00> : vector<2000x16xf32>
    %dot_general3A_51 = tpu.matmul %mul3A_49, %select_n3A_33, %dot_general3A_50 {dimension_numbers = #tpu.dot_dimension_numbers<[1], [0], [0], [1], [0, 0, 1, 1], [], []>, transpose_lhs_hint = false} : vector<2000x128xf32>, vector<128x16xf32>, vector<2000x16xf32> -> vector<2000x16xf32>
    %swap3A_52 = arith.constant 0 : index
    %swap3A_53 = arith.constant 0 : index
    %swap3A_54 = vector.load %arg6[%swap3A_52, %swap3A_53] : memref<2000x16xf32, #tpu.memory_space<vmem>>, vector<2000x16xf32>
    tpu.vector_store %arg6[%swap3A_52, %swap3A_53], %dot_general3A_51 {strides = array<i32>} : memref<2000x16xf32, #tpu.memory_space<vmem>>, vector<2000x16xf32>,
    return
  }
  func.func @transform_0(%arg0: i32) -> (i32, i32) {
    %c0_i32 = arith.constant 0 : i32
    %c0_i32_0 = arith.constant 0 : i32
    return %arg0, %c0_i32 : i32, i32
  }
  func.func @transform_1(%arg0: i32) -> (i32, i32) {
    %c0_i32 = arith.constant 0 : i32
    %c0_i32_0 = arith.constant 0 : i32
    %c0_i32_1 = arith.constant 0 : i32
    return %c0_i32, %c0_i32_0 : i32, i32
  }
  func.func @transform_2(%arg0: i32) -> (i32, i32) {
    %c0_i32 = arith.constant 0 : i32
    %c0_i32_0 = arith.constant 0 : i32
    %c0_i32_1 = arith.constant 0 : i32
    return %c0_i32, %c0_i32_0 : i32, i32
  }
  func.func @transform_3(%arg0: i32) -> (i32, i32) {
    %c0_i32 = arith.constant 0 : i32
    %c0_i32_0 = arith.constant 0 : i32
    %c0_i32_1 = arith.constant 0 : i32
    return %c0_i32, %c0_i32_0 : i32, i32
  }
  func.func @transform_4(%arg0: i32) -> (i32, i32) {
    %c0_i32 = arith.constant 0 : i32
    %c0_i32_0 = arith.constant 0 : i32
    return %arg0, %c0_i32 : i32, i32
  }
  func.func @transform_5(%arg0: i32) -> (i32, i32) {
    %c0_i32 = arith.constant 0 : i32
    %c0_i32_0 = arith.constant 0 : i32
    return %arg0, %c0_i32 : i32, i32
  }
}

module attributes {stable_mosaic.version = 14 : i64} {
  func.func @_combine_body(%arg0: i32, %arg1: memref<2x2000x144xf32, #tpu.memory_space<vmem>>, %arg2: memref<2000x128xf32, #tpu.memory_space<vmem>>, %arg3: memref<1x128xf32, #tpu.memory_space<vmem>>, %arg4: memref<2000x128xf32, #tpu.memory_space<vmem>>) attributes {dimension_semantics = [#tpu.dimension_semantics<arbitrary>], iteration_bounds = array<i64: 5>, scalar_prefetch = 0 : i64, scratch_operands = 0 : i64, tpu.core_type = #tpu.core_type<tc>, window_params = [{transform_indices = @transform_0, window_bounds = array<i64: 2, 2000, 144>}, {transform_indices = @transform_1, window_bounds = array<i64: 2000, 128>}, {pipeline_mode = #tpu.pipeline_mode<synchronous>, transform_indices = @transform_2, window_bounds = array<i64: 1, 128>}, {transform_indices = @transform_3, window_bounds = array<i64: 2000, 128>}]} {
    %get3A = arith.constant 0 : index
    %get3A_0 = arith.constant 0 : index
    %get3A_1 = arith.constant 0 : index
    %get3A_2 = vector.load %arg1[%get3A, %get3A_0, %get3A_1] : memref<2x2000x144xf32, #tpu.memory_space<vmem>>, vector<1x2000x128xf32>
    %get3A_3 = vector.shape_cast %get3A_2 : vector<1x2000x128xf32> to vector<2000x128xf32>
    %get3A_4 = arith.constant 1 : index
    %get3A_5 = arith.constant 0 : index
    %get3A_6 = arith.constant 0 : index
    %get3A_7 = vector.load %arg1[%get3A_4, %get3A_5, %get3A_6] : memref<2x2000x144xf32, #tpu.memory_space<vmem>>, vector<1x2000x128xf32>
    %get3A_8 = vector.shape_cast %get3A_7 : vector<1x2000x128xf32> to vector<2000x128xf32>
    %add3A = arith.addf %get3A_3, %get3A_8 : vector<2000x128xf32>
    %get3A_9 = arith.constant 0 : index
    %get3A_10 = arith.constant 0 : index
    %get3A_11 = arith.constant 128 : index
    %get3A_12 = vector.load %arg1[%get3A_9, %get3A_10, %get3A_11] : memref<2x2000x144xf32, #tpu.memory_space<vmem>>, vector<1x2000x8xf32>
    %get3A_13 = vector.shape_cast %get3A_12 : vector<1x2000x8xf32> to vector<2000x8xf32>
    %get3A_14 = arith.constant 1 : index
    %get3A_15 = arith.constant 0 : index
    %get3A_16 = arith.constant 128 : index
    %get3A_17 = vector.load %arg1[%get3A_14, %get3A_15, %get3A_16] : memref<2x2000x144xf32, #tpu.memory_space<vmem>>, vector<1x2000x8xf32>
    %get3A_18 = vector.shape_cast %get3A_17 : vector<1x2000x8xf32> to vector<2000x8xf32>
    %add3A_19 = arith.addf %get3A_13, %get3A_18 : vector<2000x8xf32>
    %max3A = arith.constant 1.000000e-30 : f32
    %max3A_20 = vector.broadcast %max3A : f32 to vector<2000x8xf32>
    %max3A_21 = arith.maximumf %add3A_19, %max3A_20 : vector<2000x8xf32>
    %div3A = arith.constant 1.000000e+00 : f32
    %div3A_22 = vector.broadcast %div3A : f32 to vector<2000x8xf32>
    %div3A_23 = arith.divf %div3A_22, %max3A_21 : vector<2000x8xf32>
    %iota3A = tpu.iota {dimensions = array<i32: 1>} : vector<8x128xi32>
    %iota3A_24 = tpu.iota {dimensions = array<i32: 0>} : vector<8x128xi32>
    %jit3A = arith.constant 16 : i32
    %div3A_25 = vector.broadcast %jit3A : i32 to vector<8x128xi32>
    %div3A_26 = arith.divsi %iota3A, %div3A_25 : vector<8x128xi32>
    %sign3A = arith.constant 0 : i32
    %sign3A_27 = vector.broadcast %sign3A : i32 to vector<8x128xi32>
    %sign3A_28 = arith.cmpi sgt, %iota3A, %sign3A_27 : vector<8x128xi32>
    %sign3A_29 = arith.extui %sign3A_28 : vector<8x128xi1> to vector<8x128xi32>
    %sign3A_30 = arith.constant 0 : i32
    %sign3A_31 = vector.broadcast %sign3A_30 : i32 to vector<8x128xi32>
    %sign3A_32 = arith.cmpi slt, %iota3A, %sign3A_31 : vector<8x128xi32>
    %sign3A_33 = arith.extui %sign3A_32 : vector<8x128xi1> to vector<8x128xi32>
    %sign3A_34 = arith.subi %sign3A_29, %sign3A_33 : vector<8x128xi32>
    %sign3A_35 = arith.constant 0 : i32
    %sign3A_36 = arith.cmpi sgt, %jit3A, %sign3A_35 : i32
    %sign3A_37 = arith.extui %sign3A_36 : i1 to i32
    %sign3A_38 = arith.constant 0 : i32
    %sign3A_39 = arith.cmpi slt, %jit3A, %sign3A_38 : i32
    %sign3A_40 = arith.extui %sign3A_39 : i1 to i32
    %sign3A_41 = arith.subi %sign3A_37, %sign3A_40 : i32
    %ne3A = vector.broadcast %sign3A_41 : i32 to vector<8x128xi32>
    %ne3A_42 = arith.cmpi ne, %sign3A_34, %ne3A : vector<8x128xi32>
    %rem3A = vector.broadcast %jit3A : i32 to vector<8x128xi32>
    %rem3A_43 = arith.remsi %iota3A, %rem3A : vector<8x128xi32>
    %ne3A_44 = arith.constant 0 : i32
    %ne3A_45 = vector.broadcast %ne3A_44 : i32 to vector<8x128xi32>
    %ne3A_46 = arith.cmpi ne, %rem3A_43, %ne3A_45 : vector<8x128xi32>
    %and3A = arith.andi %ne3A_42, %ne3A_46 : vector<8x128xi1>
    %sub3A = arith.constant 1 : i32
    %sub3A_47 = vector.broadcast %sub3A : i32 to vector<8x128xi32>
    %sub3A_48 = arith.subi %div3A_26, %sub3A_47 : vector<8x128xi32>
    %select_n3A = arith.select %and3A, %sub3A_48, %div3A_26 : vector<8x128xi1>, vector<8x128xi32>
    %eq3A = arith.cmpi eq, %select_n3A, %iota3A_24 : vector<8x128xi32>
    %jit3A_49 = arith.constant 1.000000e+00 : f32
    %jit3A_50 = arith.constant 0.000000e+00 : f32
    %broadcast_in_dim3A = vector.broadcast %jit3A_49 : f32 to vector<8x128xf32>
    %broadcast_in_dim3A_51 = vector.broadcast %jit3A_50 : f32 to vector<8x128xf32>
    %select_n3A_52 = arith.select %eq3A, %broadcast_in_dim3A, %broadcast_in_dim3A_51 : vector<8x128xi1>, vector<8x128xf32>
    %dot_general3A = arith.constant dense<0.000000e+00> : vector<2000x128xf32>
    %dot_general3A_53 = tpu.matmul %div3A_23, %select_n3A_52, %dot_general3A {dimension_numbers = #tpu.dot_dimension_numbers<[1], [0], [0], [1], [0, 0, 1, 1], [], []>, transpose_lhs_hint = false} : vector<2000x8xf32>, vector<8x128xf32>, vector<2000x128xf32> -> vector<2000x128xf32>
    %mul3A = arith.mulf %add3A, %dot_general3A_53 : vector<2000x128xf32>
    %get3A_54 = arith.constant 0 : index
    %get3A_55 = arith.constant 0 : index
    %get3A_56 = vector.load %arg3[%get3A_54, %get3A_55] : memref<1x128xf32, #tpu.memory_space<vmem>>, vector<1x128xf32>
    %add3A_57 = vector.broadcast %get3A_56 : vector<1x128xf32> to vector<2000x128xf32>
    %add3A_58 = arith.addf %mul3A, %add3A_57 : vector<2000x128xf32>
    %max3A_59 = arith.constant 0.000000e+00 : f32
    %max3A_60 = vector.broadcast %max3A_59 : f32 to vector<2000x128xf32>
    %max3A_61 = arith.maximumf %add3A_58, %max3A_60 : vector<2000x128xf32>
    %get3A_62 = arith.constant 0 : index
    %get3A_63 = arith.constant 0 : index
    %get3A_64 = vector.load %arg2[%get3A_62, %get3A_63] : memref<2000x128xf32, #tpu.memory_space<vmem>>, vector<2000x128xf32>
    %add3A_65 = arith.addf %get3A_64, %max3A_61 : vector<2000x128xf32>
    %swap3A = arith.constant 0 : index
    %swap3A_66 = arith.constant 0 : index
    %swap3A_67 = vector.load %arg4[%swap3A, %swap3A_66] : memref<2000x128xf32, #tpu.memory_space<vmem>>, vector<2000x128xf32>
    tpu.vector_store %arg4[%swap3A, %swap3A_66], %add3A_65 {strides = array<i32>} : memref<2000x128xf32, #tpu.memory_space<vmem>>, vector<2000x128xf32>,
    return
  }
  func.func @transform_0(%arg0: i32) -> (i32, i32, i32) {
    %c0_i32 = arith.constant 0 : i32
    %c0_i32_0 = arith.constant 0 : i32
    %c0_i32_1 = arith.constant 0 : i32
    return %c0_i32, %arg0, %c0_i32_0 : i32, i32, i32
  }
  func.func @transform_1(%arg0: i32) -> (i32, i32) {
    %c0_i32 = arith.constant 0 : i32
    %c0_i32_0 = arith.constant 0 : i32
    return %arg0, %c0_i32 : i32, i32
  }
  func.func @transform_2(%arg0: i32) -> (i32, i32) {
    %c0_i32 = arith.constant 0 : i32
    %c0_i32_0 = arith.constant 0 : i32
    %c0_i32_1 = arith.constant 0 : i32
    return %c0_i32, %c0_i32_0 : i32, i32
  }
  func.func @transform_3(%arg0: i32) -> (i32, i32) {
    %c0_i32 = arith.constant 0 : i32
    %c0_i32_0 = arith.constant 0 : i32
    return %arg0, %c0_i32 : i32, i32
  }
}

</mosaic_0001>

<sc_bundles>
// kernel: kernel.5.cloned.1.call-start
scs
__scs_entry_jumppad:
0x0: {  	(pc) =	sbr.rel $0x88, $3  }
0x1: {  	(tag) =	ssettag $0x0;
	lr =	simm.s32 $0x1  }
0x2: {  	[smem:$0x3F9B] =	sst lr;
	_ =	strace $0xD0000000  }
0x3: {  	_ = 	snop  }
0x4: {  	_ = 	snop  }
0x5: {  	_ = 	snop  }
0x6: {  	_ = 	snop  }
0x7: {  	_ = 	snop  }
__scs_overlays_trampoline_lowered:
0x8: {  	[smem:$0x3FAA] =	sst s0  }
0x9: {  	[smem:$0x3FAB] =	sst s1  }
0xa: {  	[smem:$0x3FAC] =	sst s2  }
0xb: {  	[smem:$0x3FAD] =	sst s3  }
0xc: {  	[smem:$0x3FAE] =	sst s4  }
0xd: {  	[smem:$0x3FAF] =	sst s5  }
0xe: {  	[smem:$0x3FB0] =	sst s6  }
0xf: {  	[smem:$0x3FB1] =	sst s7  }
0x10: {  	[smem:$0x3FB2] =	sst s8  }
0x11: {  	[smem:$0x3FB3] =	sst s9;
	s0 =	simm.s32 @!p0 $0x0  }
0x12: {  	s1 =	sld [smem:$0x3F99];
	s0 =	simm.s32 @p0 $0x1  }
0x13: {  	[smem:$0x3FB4] =	sst s0;
	s0 =	simm.s32 @!p1 $0x0  }
0x14: {  	s2 =	sld [smem:$0x3F98];
	s0 =	simm.s32 @p1 $0x1  }
0x15: {  	[smem:$0x3FB5] =	sst s0;
	s0 =	simm.s32 @!p2 $0x0  }
0x16: {  	s3 =	sld [smem:$0x3FDB];
	s0 =	simm.s32 @p2 $0x1  }
0x17: {  	s4 =	simm.s32 $0x1BF5;
	[smem:$0x3FB7] =	sst s0  }
0x18: {  	s0 =	sld [smem:$0x3F9A];
	_ =	swait.ge [sflag:s4], $0x0  }
0x19: {  	s7 =	sld [smem:$0x3F9B]  }
0x1a: {  	s8 =	sadd.s32 $0xFFFFE003, lr  }
0x1b: {  	s9 =	sadd.s32 $0xFFFFFEF7, lr;
	s5 =	simm.s32 $0xFFFFFFFF;
	p2 =	slt.u32 s8, $0xFFFFF086  }
0x1c: {  	p1 =	slt.u32 s9, $0xF7A;
	s5 =	simm.s32 @!p2 $0x0  }
0x1d: {  	s5 =	simm.s32 @p1 $0x1;
	p0 =	seq.s32 s7, s2  }
0x1e: {  	s7 =	smul.u32 @!p0 $0xF7A, s2;
	p2 =	seq.s32 @!p0 s5, $0x0  }
0x1f: {  	s9 =	smul.u32 $0xF7A, s1;
	s8 =	simm.s32 @!p0 $0x1BF5;
	p2 =	por !p2, p0  }
0x20: {  	[sflag:s8] =	ssyncset.s32 @!p0 $0xFFFFF086;
	s6 =	sadd.s32 @!p0 s3, s7;
	s7 =	simm.s32 @!p0 $0x108  }
0x21: {  	s3 =	sadd.s32 s3, s9;
	s6 =	sadd.s32 @!p0 $0x88, s6;
	s7 =	simm.s32 @p2 $0x1082  }
0x22: {  	[simem:s7], [sflag:s8] =	dma.local @!p0 [hbm:s6], $0xF7A  }
0x23: {  	s9 =	sor.u32 $0xD0000000, s2;
	s6 =	simm.s32 $0x108;
	_ =	swait.ge @!p0 [sflag:s8], $0x0  }
0x24: {  	s3 =	sadd.s32 $0x88, s3;
	s6 =	simm.s32 @!p1 $0x1082;
	[sflag:s4] =	ssyncset.s32 $0xFFFFF086  }
0x25: {  	[simem:s6], [sflag:s4] =	dma.local [hbm:s3], $0xF7A  }
0x26: {  	[smem:$0x3F9B] =	sst s1;
	(tag) =	ssettag s2;
	_ =	strace s9  }
0x27: {  	s1 =	sld [smem:$0x3FAB]  }
0x28: {  	s2 =	sld [smem:$0x3FAC]  }
0x29: {  	s4 =	sld [smem:$0x3FAE]  }
0x2a: {  	p0 =	seq.s32 s5, $0x0;
	s5 =	sld [smem:$0x3FAF]  }
0x2b: {  	s6 =	sld [smem:$0x3FB0]  }
0x2c: {  	s7 =	sld [smem:$0x3FB1]  }
0x2d: {  	s3 =	simm.s32 $0x108;
	s8 =	sld [smem:$0x3FB2]  }
0x2e: {  	s3 =	simm.s32 @!p0 $0x1082;
	s9 =	sld [smem:$0x3FB3]  }
0x2f: {  	lr =	sadd.s32 s0, s3;
	s0 =	sld [smem:$0x3FAA]  }
0x30: {  	s3 =	sld [smem:$0x3FAD]  }
0x31: {  	[smem:$0x3FB6] =	sst s10  }
0x32: {  	s10 =	sld [smem:$0x3FB4];
	_ =	sdelay $0x3  }
0x33: {  	p0 =	seq.s32 s10, $0x1;
	s10 =	sld [smem:$0x3FB6];
	_ =	sdelay $0x3  }
0x34: {  	[smem:$0x3FB6] =	sst s10  }
0x35: {  	s10 =	sld [smem:$0x3FB5];
	_ =	sdelay $0x3  }
0x36: {  	p1 =	seq.s32 s10, $0x1;
	s10 =	sld [smem:$0x3FB6];
	_ =	sdelay $0x3  }
0x37: {  	[smem:$0x3FB6] =	sst s10  }
0x38: {  	s10 =	sld [smem:$0x3FB7]  }
0x39: {  	_ = 	snop;
	(pc) =	sbr.ind lr, $3  }
0x3a: {  	_ = 	snop  }
0x3b: {  	_ = 	snop  }
0x3c: {  	p2 =	seq.s32 s10, $0x1;
	s10 =	sld [smem:$0x3FB6]  }
0x3d: {  	_ =	shalt  }
0x3e: {  	_ =	shalt  }
0x3f: {  	_ =	shalt  }
0x40: {  	_ =	shalt  }
0x41: {  	_ =	shalt  }
0x42: {  	_ =	shalt  }
0x43: {  	_ =	shalt  }
0x44: {  	_ =	shalt  }
0x45: {  	_ =	shalt  }
0x46: {  	_ =	shalt  }
0x47: {  	_ =	shalt  }
0x48: {  	_ =	shalt  }
0x49: {  	_ =	shalt  }
0x4a: {  	_ =	shalt  }
0x4b: {  	_ =	shalt  }
0x4c: {  	_ =	shalt  }
0x4d: {  	_ =	shalt  }
0x4e: {  	_ =	shalt  }
0x4f: {  	_ =	shalt  }
0x50: {  	_ =	shalt  }
0x51: {  	_ =	shalt  }
0x52: {  	_ =	shalt  }
0x53: {  	_ =	shalt  }
0x54: {  	_ =	shalt  }
0x55: {  	_ =	shalt  }
0x56: {  	_ =	shalt  }
0x57: {  	_ =	shalt  }
0x58: {  	_ =	shalt  }
0x59: {  	_ =	shalt  }
0x5a: {  	_ =	shalt  }
0x5b: {  	_ =	shalt  }
0x5c: {  	_ =	shalt  }
0x5d: {  	_ =	shalt  }
0x5e: {  	_ =	shalt  }
0x5f: {  	_ =	shalt  }
0x60: {  	_ =	shalt  }
0x61: {  	_ =	shalt  }
0x62: {  	_ =	shalt  }
0x63: {  	_ =	shalt  }
0x64: {  	_ =	shalt  }
0x65: {  	_ =	shalt  }
0x66: {  	_ =	shalt  }
0x67: {  	_ =	shalt  }
0x68: {  	_ =	shalt  }
0x69: {  	_ =	shalt  }
0x6a: {  	_ =	shalt  }
0x6b: {  	_ =	shalt  }
0x6c: {  	_ =	shalt  }
0x6d: {  	_ =	shalt  }
0x6e: {  	_ =	shalt  }
0x6f: {  	_ =	shalt  }
0x70: {  	_ =	shalt  }
0x71: {  	_ =	shalt  }
0x72: {  	_ =	shalt  }
0x73: {  	_ =	shalt  }
0x74: {  	_ =	shalt  }
0x75: {  	_ =	shalt  }
0x76: {  	_ =	shalt  }
0x77: {  	_ =	shalt  }
0x78: {  	_ =	shalt  }
0x79: {  	_ =	shalt  }
0x7a: {  	_ =	shalt  }
0x7b: {  	_ =	shalt  }
0x7c: {  	_ =	shalt  }
0x7d: {  	_ =	shalt  }
0x7e: {  	_ =	shalt  }
0x7f: {  	_ =	shalt  }
0x80: {  	_ =	shalt  }
0x81: {  	_ =	shalt  }
0x82: {  	_ =	shalt  }
0x83: {  	_ =	shalt  }
0x84: {  	_ =	shalt  }
0x85: {  	_ =	shalt  }
0x86: {  	_ =	shalt  }
0x87: {  	_ =	shalt  }
.Lfunc_end0:
.L_simem_size_0:
called_computation_lowered:
.L_overlay_start_0:
0x88: {  	s2 =	sld [smem:$0x3FD9]  }
0x89: {  	s3 =	sld [smem:$0x3FFE];
	_ =	sdelay $0x1  }
0x8a: {  	s1 =	srdreg.scid  }
0x8b: {  	s0 =	sand.u32 $0x1, s1  }
0x8c: {  	s17 =	sshll.u32 s0, $0xA;
	s2 =	sadd.s32 s3, s2  }
0x8d: {  	s2 =	sadd.s32 s2, s17  }
0x8e: {  	[smem:$0x3FC2] =	sst s2  }
0x8f: {  	_ = 	snop  }
0x90: {  	s2 =	sld [smem:$0x3FD0];
	(tm) =	ssettm $0x1  }
0x91: {  	s18 =	sld [smem:$0x3FFB];
	_ =	sdelay $0x3  }
0x92: {  	_ =	strace s18  }
0x93: {  	s3 =	sld [smem:$0x3FFC];
	_ =	sdelay $0x3  }
0x94: {  	_ =	strace s3  }
0x95: {  	s3 =	sld [smem:$0x3FFD];
	_ =	sdelay $0x3  }
0x96: {  	_ =	strace s3  }
0x97: {  	_ =	strace $0x8FFFFFFF  }
0x98: {  	s19 =	sld [smem:$0x3FDB];
	_ =	sdelay $0x1  }
0x99: {  	s4 =	simm.s32 $_scs_section_size  }
0x9a: {  	s5 =	simm.s32 $_size__tile_overlayer_lowered;
	s6 =	simm.s32 $_tile_overlayer_lowered  }
0x9b: {  	s22 =	simm.s32 $0x1BFF;
	s21 =	sshll.u32 s6, $0x1;
	s3 =	sadd.s32 s4, s19  }
0x9c: {  	s7 =	simm.s32 $0x0;
	s20 =	sshll.u32 s5, $0x1;
	s5 =	sadd.s32 s21, s3  }
0x9d: {  	[timem:s7], [sflag:s22] =	dma.local [hbm:s5], s20  }
0x9e: {  	_ =	swait.ge [sflag:s22], s20  }
0x9f: {  	s4 =	ssub.s32 $0x0, s20;
	[sflag:s22] =	ssyncset.done $0x0  }
0xa0: {  	[sflag:s22] =	ssyncadd.s32 s4;
	_ =	sdelay $0x1  }
0xa1: {  	s23 =	simm.s32 $0x1B8B  }
0xa2: {  	_ =	swait.ge [sflag:s23], $0x1  }
0xa3: {  	[sflag:s23] =	ssyncset.done $0x0  }
0xa4: {  	s25 =	simm.s32 $0x1B8E;
	s24 =	sld [smem:$0x3FFE];
	[sflag:s23] =	ssyncadd.s32 $0xFFFFFFFF  }
0xa5: {  	s26 =	simm.s32 $execute0_lowered;
	[smem:$0x3FD2] =	sst s25  }
0xa6: {  	s5 =	sshll.u32 s26, $0x1;
	_ =	strace $0x80000046;
	[dreg:$0x1] =	wrdreg $0xFFFFFFFF  }
0xa7: {  	s28 =	simm.s32 $_size_execute0_lowered;
	s3 =	sadd.s32 s3, s5;
	[dreg:$0x0] =	wrdreg $0x0  }
0xa8: {  	s5 =	sshll.u32 s28, $0x1;
	[dreg:$0x2] =	wrdreg s3  }
0xa9: {  	[dreg:$0x3] =	wrdreg s5  }
0xaa: {  	[dreg:$0x4] =	wrdreg $0xC0  }
0xab: {  	_ =	task [dreg:s7], $0x5FFFF  }
0xac: {  	[dreg:$0x1] =	wrdreg $0xFFFFFFFF  }
0xad: {  	[dreg:$0x0] =	wrdreg $0x60  }
0xae: {  	[dreg:$0x2] =	wrdreg s24  }
0xaf: {  	[dreg:$0x3] =	wrdreg s2  }
0xb0: {  	[dreg:$0x4] =	wrdreg $0x93800  }
0xb1: {  	[dreg:$0x5] =	wrdreg $0x9  }
0xb2: {  	_ =	task.clear_ibuf [dreg:s7], $0x6FFFF;
	_ =	strace $0x90000046  }
0xb3: {  	s29 =	simm.s32 $0x9;
	_ =	strace $0x80000048  }
0xb4: {  	_ =	swait.ge [sflag:s29], $0x1  }
0xb5: {  	[sflag:s29] =	ssyncadd.s32 $0xFFFFFFFF  }
0xb6: {  	_ =	strace $0x90000048  }
0xb7: {  	_ =	sfence  }
0xb8: {  	s30 =	sld [smem:$0x0];
	_ =	sdelay $0x2  }
0xb9: {  	s31 =	sshll.u32 s1, $0xD;
	s1 =	sshrl.u32 s1, $0x2  }
0xba: {  	s3 =	sand.u32 $0x4000, s31;
	s1 =	sadd.s32 s1, s30  }
0xbb: {  	s0 =	sor.u32 s3, s0;
	s1 =	sshll.u32 s1, $0x11  }
0xbc: {  	s0 =	sor.u32 s1, s0  }
0xbd: {  	s0 =	sadd.s32 $0x8F2B, s0  }
0xbe: {  	[sflag:s0] =	ssyncadd.remote.s32 $0x1  }
0xbf: {  	_ =	sfence.sel $0xFFFF  }
0xc0: {  	[dreg:$0x0] =	wrdreg $0xFFFFFFFF;
	(pc) =	sbr.abs _section_cstart, $3  }
0xc1: {  	[dreg:$0x1] =	wrdreg $0xFFFFFFFF  }
0xc2: {  	_ =	task.clear_ibuf [dreg:s7], $0x2FFFF;
	_ =	strace $0x9FFFFFFF  }
0xc3: {  	(tm) =	ssettm $0x7FFFFFFF  }
tec
execute0_lowered:
.L_overlay_start_1:
0x0: {  	(tag) =	ssettag $0x1  }
0x1: {  	s0 =	rddreg [dreg:$0x0]  }
0x2: {  	s1 =	rddreg [dreg:$0x1]  }
0x3: {  	s2 =	rddreg [dreg:$0x2]  }
0x4: {  	s3 =	srdreg.scid;
	s12 =	stileid.u32  }
0x5: {  	s4 =	simm.s32 $0x0;
	s3 =	sand.u32 $0x1, s3;
	s10 =	smul.u32 $0x280, s12  }
0x6: {  	[smem:$0x7FF] =	sst s4;
	s7 =	sadd.s32 $0x31800, s0;
	s13 =	smul.u32 $0x5A000, s12  }
0x7: {  	s18 =	smul.u32 $0x16800, s12;
	s5 =	sshll.u32 s3, $0x4;
	_ =	strace $0x80000047  }
0x8: {  	s26 =	ssub.s32 $0x2, s3;
	s3 =	smul.u32 $0x168000, s3;
	s6 =	sor.u32 s12, s5  }
0x9: {  	s5 =	sadd.s32 $0x800, s0;
	s9 =	sshrl.u32 s26, $0x1;
	s16 =	sor.u32 $0x28, s10  }
0xa: {  	s8 =	smul.u32 $0x2710, s6;
	s6 =	sadd.s32 $0x2C800, s0;
	s0 =	ssub.s32 s26, s9  }
0xb: {  	s10 =	sor.u32 $0x50, s10;
	s9 =	sshrl.u32 s13, $0x2;
	s0 =	smax.u32 s0, $0x1  }
0xc: {  	s17 =	smul.u32 $0x90, s16;
	s14 =	sadd.s32 $0xA0, s8;
	[dreg:$0xa] =	wrdreg s0  }
0xd: {  	s10 =	smul.u32 $0x240, s10;
	s15 =	sadd.s32 $0x140, s8;
	[dreg:$0x6] =	wrdreg s14  }
0xe: {  	s11 =	sshrl.u32 s8, $0x3;
	s13 =	sadd.s32 $0x190, s8;
	[dreg:$0x7] =	wrdreg s15  }
0xf: {  	s8 =	sadd.s32 $0xF0, s8;
	s0 =	sadd.s32 s3, s18;
	[dreg:$0x8] =	wrdreg s13  }
0x10: {  	s22 =	sadd.s32 s17, s2;
	s10 =	sshrl.u32 s10, $0x2;
	[dreg:$0xe] =	wrdreg s8  }
0x11: {  	s11 =	sadd.s32 s1, s11;
	[dreg:$0xf] =	wrdreg s22;
	s23 =	sshrl.u32 s0, $0x3  }
0x12: {  	s24 =	sadd.s32 s10, s2;
	s25 =	sadd.s32 $0x7080, s0;
	[dreg:$0x4] =	wrdreg s11  }
0x13: {  	s26 =	sadd.s32 $0x4380, s0;
	s0 =	sadd.s32 $0x2D00, s0;
	[dreg:$0x11] =	wrdreg s24  }
0x14: {  	s13 =	sadd.s32 s9, s2;
	[dreg:$0x14] =	wrdreg s0  }
0x15: {  	s11 =	sadd.s32 $0xA, s11;
	[dreg:$0x9] =	wrdreg s13  }
0x16: {  	s28 =	simm.s32 $0x4E200;
	s19 =	sadd.s32 $0x1680, s13;
	[dreg:$0x5] =	wrdreg s11  }
0x17: {  	s3 =	sadd.s32 s3, s17;
	s20 =	sadd.s32 $0x2D00, s13;
	[dreg:$0xb] =	wrdreg s19  }
0x18: {  	s3 =	sshrl.u32 s3, $0x3;
	s21 =	sadd.s32 $0x4380, s13;
	[dreg:$0xc] =	wrdreg s20  }
0x19: {  	s29 =	simm.s32 $0x7;
	s3 =	sadd.s32 s7, s3;
	[dreg:$0xd] =	wrdreg s21  }
0x1a: {  	s30 =	simm.s32 $0x28;
	s12 =	sadd.s32 $0x5A00, s13;
	[dreg:$0x12] =	wrdreg s3  }
0x1b: {  	s31 =	simm.s32 $0x1900;
	s14 =	sadd.s32 $0x7080, s13;
	[dreg:$0x15] =	wrdreg s12  }
0x1c: {  	s8 =	sshrl.u32 s25, $0x3;
	s15 =	sadd.s32 $0x8700, s13;
	[dreg:$0x16] =	wrdreg s14  }
0x1d: {  	s9 =	sshrl.u32 s26, $0x3;
	s16 =	sadd.s32 $0x9D80, s13;
	[dreg:$0x17] =	wrdreg s15  }
0x1e: {  	s17 =	sadd.s32 $0xB400, s13;
	s18 =	sadd.s32 $0xCA80, s13;
	[dreg:$0x18] =	wrdreg s16  }
0x1f: {  	s22 =	sadd.s32 $0x12480, s13;
	s25 =	sadd.s32 $0x15180, s13;
	[dreg:$0x19] =	wrdreg s17  }
0x20: {  	s0 =	simm.s32 $0x78;
	s11 =	sadd.s32 s7, s23;
	[dreg:$0x1a] =	wrdreg s18  }
0x21: {  	s8 =	sadd.s32 s8, s7;
	s24 =	sadd.s32 s9, s7;
	[dreg:$0x1e] =	wrdreg s22  }
0x22: {  	s19 =	sadd.s32 $0xE100, s13;
	s20 =	sadd.s32 $0xF780, s13;
	[smem:$0x7FC] =	sst s25  }
0x23: {  	s21 =	sadd.s32 $0x10E00, s13;
	s23 =	sadd.s32 $0x13B00, s13;
	[dreg:$0x1b] =	wrdreg s19  }
0x24: {  	s22 =	simm.s32 $0x280;
	s3 =	simm.s32 $0x5F00;
	[dreg:$0x1c] =	wrdreg s20  }
0x25: {  	s25 =	simm.s32 $0x7D00;
	s15 =	simm.s32 $0x2;
	[dreg:$0x1d] =	wrdreg s21  }
0x26: {  	s16 =	simm.s32 $0x4;
	s12 =	simm.s32 $0x258;
	[dreg:$0x1f] =	wrdreg s23  }
0x27: {  	s10 =	sadd.s32 $0xFFFFFA60, s8;
	[dreg:$0x10] =	wrdreg s11;
	s26 =	sadd.s32 $0x2760, s11  }
0x28: {  	s23 =	simm.s32 $0x1;
	s8 =	simm.s32 $0x3;
	s20 =	simm.s32 $0x6680  }
0x29: {  	s19 =	simm.s32 $0x5;
	s21 =	simm.s32 $0x6;
	[dreg:$0x13] =	wrdreg s10  }
0x2a: {  	v0 =	vimm.f32 $0.0e+00;
	[smem:$0x7FD] =	sst s26;
	s26 =	simm.s32 $0x50;
	s10 =	simm.s32 $0x0  }
.LBB2_1:
0x2b: {  	s9 =	smul.u32 $0xE38F, s4;
	_ =	sdelay $0x1  }
0x2c: {  	[smem:$0x7FB] =	sst s10;
	s13 =	sshrl.u32 s9, $0x13  }
0x2d: {  	s14 =	simm.s32 $0x0;
	s9 =	simm.s32 $0x1;
	s17 =	smul.u32 $0x9, s13  }
.LBB2_2:
0x2e: {  	s18 =	smul.u32 $0xE38F, s9  }
0x2f: {  	s10 =	smov.u32 s9;
	s13 =	smul.u32 $0x240, s13;
	p0 =	sne.s32 s9, $0x167  }
.Ltmp0:
0x30: {  	s14 =	ssub.s32 s14, s17;
	(pc) =	sbr.rel @p0 .LBB2_2-.Ltmp0, $4  }
0x31: {  	s9 =	sadd.s32 $0x1, s9;
	s14 =	sand.u32 $0xFFFF, s14  }
0x32: {  	s17 =	sshrl.u32 s13, $0x2;
	s11 =	sshll.u32 s14, $0x4;
	s14 =	smov.u32 s10  }
0x33: {  	s13 =	sshrl.u32 s18, $0x13;
	s10 =	sadd.s32 s11, s17  }
0x34: {  	s17 =	smul.u32 $0x9, s13;
	[tilespmem:s10+$0x280] =	vst v0  }
0x35: {  	_ = 	snop  }
0x36: {  	s10 =	smul.u32 $0x240, s13;
	s9 =	ssub.s32 s14, s17  }
0x37: {  	s9 =	sand.u32 $0xFFFF, s9  }
0x38: {  	s10 =	sshrl.u32 s10, $0x2;
	s9 =	sshll.u32 s9, $0x4  }
0x39: {  	s11 =	rddreg [dreg:$0xb];
	s9 =	sadd.s32 s9, s10  }
0x3a: {  	s10 =	rddreg [dreg:$0x9];
	[tilespmem:s9+$0x280] =	vst v0  }
0x3b: {  	[spmem:s10] =	stream.linear.scatter [tilespmem:s22], [sflag:$0x1], $0x1680, $0x38;
	[tilespmem:$0x1FB80] =	vst v63  }
0x3c: {  	s13 =	rddreg [dreg:$0xc]  }
0x3d: {  	[spmem:s11] =	stream.linear.scatter [tilespmem:s22], [sflag:$0x1], $0x1680, $0x38;
	[tilespmem:$0x1FB80] =	vst v63  }
0x3e: {  	s18 =	rddreg [dreg:$0x16]  }
0x3f: {  	[spmem:s13] =	stream.linear.scatter [tilespmem:s22], [sflag:$0x1], $0x1680, $0x38;
	[tilespmem:$0x1FB80] =	vst v63  }
0x40: {  	s14 =	rddreg [dreg:$0xd]  }
0x41: {  	[spmem:s14] =	stream.linear.scatter [tilespmem:s22], [sflag:$0x1], $0x1680, $0x38;
	[tilespmem:$0x1FB80] =	vst v63  }
0x42: {  	s17 =	rddreg [dreg:$0x15]  }
0x43: {  	[spmem:s17] =	stream.linear.scatter [tilespmem:s22], [sflag:$0x1], $0x1680, $0x38;
	[tilespmem:$0x1FB80] =	vst v63  }
0x44: {  	s10 =	rddreg [dreg:$0x17]  }
0x45: {  	[spmem:s18] =	stream.linear.scatter [tilespmem:s22], [sflag:$0x1], $0x1680, $0x38;
	[tilespmem:$0x1FB80] =	vst v63  }
0x46: {  	s11 =	rddreg [dreg:$0x18]  }
0x47: {  	[spmem:s10] =	stream.linear.scatter [tilespmem:s22], [sflag:$0x1], $0x1680, $0x38;
	[tilespmem:$0x1FB80] =	vst v63  }
0x48: {  	s13 =	rddreg [dreg:$0x19]  }
0x49: {  	[spmem:s11] =	stream.linear.scatter [tilespmem:s22], [sflag:$0x1], $0x1680, $0x38;
	[tilespmem:$0x1FB80] =	vst v63  }
0x4a: {  	s14 =	rddreg [dreg:$0x1a]  }
0x4b: {  	[spmem:s13] =	stream.linear.scatter [tilespmem:s22], [sflag:$0x1], $0x1680, $0x38;
	[tilespmem:$0x1FB80] =	vst v63  }
0x4c: {  	s17 =	rddreg [dreg:$0x1b]  }
0x4d: {  	[spmem:s14] =	stream.linear.scatter [tilespmem:s22], [sflag:$0x1], $0x1680, $0x38;
	[tilespmem:$0x1FB80] =	vst v63  }
0x4e: {  	s18 =	rddreg [dreg:$0x1c]  }
0x4f: {  	[spmem:s17] =	stream.linear.scatter [tilespmem:s22], [sflag:$0x1], $0x1680, $0x38;
	[tilespmem:$0x1FB80] =	vst v63  }
0x50: {  	s10 =	rddreg [dreg:$0x1d]  }
0x51: {  	[spmem:s18] =	stream.linear.scatter [tilespmem:s22], [sflag:$0x1], $0x1680, $0x38;
	[tilespmem:$0x1FB80] =	vst v63  }
0x52: {  	s11 =	rddreg [dreg:$0x1e]  }
0x53: {  	[spmem:s10] =	stream.linear.scatter [tilespmem:s22], [sflag:$0x1], $0x1680, $0x38;
	[tilespmem:$0x1FB80] =	vst v63  }
0x54: {  	s13 =	rddreg [dreg:$0x1f]  }
0x55: {  	[spmem:s11] =	stream.linear.scatter [tilespmem:s22], [sflag:$0x1], $0x1680, $0x38;
	[tilespmem:$0x1FB80] =	vst v63  }
0x56: {  	s14 =	sld [smem:$0x7FC]  }
0x57: {  	[spmem:s13] =	stream.linear.scatter [tilespmem:s22], [sflag:$0x1], $0x1680, $0x38;
	[tilespmem:$0x1FB80] =	vst v63  }
0x58: {  	_ = 	snop  }
0x59: {  	[spmem:s14] =	stream.linear.scatter [tilespmem:s22], [sflag:$0x1], $0x1680, $0x38;
	[tilespmem:$0x1FB80] =	vst v63  }
0x5a: {  	_ =	swait.ge [sflag:s23], $0x1680  }
0x5b: {  	[sflag:s23] =	ssyncset.done $0x0  }
0x5c: {  	[sflag:s23] =	ssyncadd.s32 $0xFFFFE980  }
0x5d: {  	_ =	swait.ge [sflag:s23], $0x1680  }
0x5e: {  	[sflag:s23] =	ssyncset.done $0x0  }
0x5f: {  	[sflag:s23] =	ssyncadd.s32 $0xFFFFE980  }
0x60: {  	_ =	swait.ge [sflag:s23], $0x1680  }
0x61: {  	[sflag:s23] =	ssyncset.done $0x0  }
0x62: {  	[sflag:s23] =	ssyncadd.s32 $0xFFFFE980  }
0x63: {  	_ =	swait.ge [sflag:s23], $0x1680  }
0x64: {  	[sflag:s23] =	ssyncset.done $0x0  }
0x65: {  	[sflag:s23] =	ssyncadd.s32 $0xFFFFE980  }
0x66: {  	_ =	swait.ge [sflag:s23], $0x1680  }
0x67: {  	[sflag:s23] =	ssyncset.done $0x0  }
0x68: {  	[sflag:s23] =	ssyncadd.s32 $0xFFFFE980  }
0x69: {  	_ =	swait.ge [sflag:s23], $0x1680  }
0x6a: {  	[sflag:s23] =	ssyncset.done $0x0  }
0x6b: {  	[sflag:s23] =	ssyncadd.s32 $0xFFFFE980  }
0x6c: {  	_ =	swait.ge [sflag:s23], $0x1680  }
0x6d: {  	[sflag:s23] =	ssyncset.done $0x0  }
0x6e: {  	[sflag:s23] =	ssyncadd.s32 $0xFFFFE980  }
0x6f: {  	_ =	swait.ge [sflag:s23], $0x1680  }
0x70: {  	[sflag:s23] =	ssyncset.done $0x0  }
0x71: {  	[sflag:s23] =	ssyncadd.s32 $0xFFFFE980  }
0x72: {  	_ =	swait.ge [sflag:s23], $0x1680  }
0x73: {  	[sflag:s23] =	ssyncset.done $0x0  }
0x74: {  	[sflag:s23] =	ssyncadd.s32 $0xFFFFE980  }
0x75: {  	_ =	swait.ge [sflag:s23], $0x1680  }
0x76: {  	[sflag:s23] =	ssyncset.done $0x0  }
0x77: {  	[sflag:s23] =	ssyncadd.s32 $0xFFFFE980  }
0x78: {  	_ =	swait.ge [sflag:s23], $0x1680  }
0x79: {  	[sflag:s23] =	ssyncset.done $0x0  }
0x7a: {  	[sflag:s23] =	ssyncadd.s32 $0xFFFFE980  }
0x7b: {  	_ =	swait.ge [sflag:s23], $0x1680  }
0x7c: {  	[sflag:s23] =	ssyncset.done $0x0  }
0x7d: {  	[sflag:s23] =	ssyncadd.s32 $0xFFFFE980  }
0x7e: {  	_ =	swait.ge [sflag:s23], $0x1680  }
0x7f: {  	[sflag:s23] =	ssyncset.done $0x0  }
0x80: {  	[sflag:s23] =	ssyncadd.s32 $0xFFFFE980  }
0x81: {  	_ =	swait.ge [sflag:s23], $0x1680  }
0x82: {  	[sflag:s23] =	ssyncset.done $0x0  }
0x83: {  	[sflag:s23] =	ssyncadd.s32 $0xFFFFE980  }
0x84: {  	_ =	swait.ge [sflag:s23], $0x1680  }
0x85: {  	[sflag:s23] =	ssyncset.done $0x0  }
0x86: {  	[sflag:s23] =	ssyncadd.s32 $0xFFFFE980  }
0x87: {  	_ =	swait.ge [sflag:s23], $0x1680  }
0x88: {  	[sflag:s23] =	ssyncset.done $0x0  }
0x89: {  	[sflag:s23] =	ssyncadd.s32 $0xFFFFE980  }
0x8a: {  	[bflag:$0x0] =	sbarrier.arrive $0xFFFF  }
0x8b: {  	s17 =	simm.s32 $0x0;
	s18 =	rddreg [dreg:$0x4]  }
0x8c: {  	[tilespmem:s17], [sflag:$0x7] =	stream.strided.gather [hbm4b:s18+s26], $0xA0, s28, s26, $0x38;
	[tilespmem:$0x1FB80] =	vst v63  }
0x8d: {  	_ =	swait.ge [sflag:s29], $0xA0  }
0x8e: {  	[sflag:s29] =	ssyncset.done $0x0  }
0x8f: {  	[sflag:s29] =	ssyncadd.s32 $0xFFFFFF60  }
0x90: {  	[tilespmem:s22], [sflag:$0x1] =	stream.indirect.gather [hbm4b:s5+s30], $0x90, s17, s30, $0xb8;
	[tilespmem:$0x1FB80] =	vst v63  }
0x91: {  	_ = 	snop  }
0x92: {  	[tilespmem:s31], [sflag:$0x1] =	stream.indirect.gather [hbm4b:s5+s30], $0x90, s30, s30, $0xb8;
	[tilespmem:$0x1FB80] =	vst v63  }
0x93: {  	s17 =	simm.s32 $0x5C80  }
0x94: {  	[tilespmem:s17], [sflag:$0x3] =	stream.indirect.gather [hbm4b:s6+s30], $0x10, s26, s30, $0xb8;
	[tilespmem:$0x1FB80] =	vst v63  }
0x95: {  	_ = 	snop  }
0x96: {  	[tilespmem:s3], [sflag:$0x3] =	stream.indirect.gather [hbm4b:s6+s30], $0x10, s0, s30, $0xb8;
	[tilespmem:$0x1FB80] =	vst v63  }
0x97: {  	s11 =	simm.s32 $0xA0;
	s10 =	rddreg [dreg:$0x5]  }
0x98: {  	[tilespmem:s11], [sflag:$0x7] =	stream.strided.gather [hbm4b:s10+s26], $0xA0, s28, s26, $0x38;
	[tilespmem:$0x1FB80] =	vst v63  }
0x99: {  	_ =	swait.ge [sflag:s29], $0xA0  }
0x9a: {  	[sflag:s29] =	ssyncset.done $0x0  }
0x9b: {  	s13 =	simm.s32 $0x2F80;
	[sflag:s29] =	ssyncadd.s32 $0xFFFFFF60  }
0x9c: {  	[tilespmem:s13], [sflag:$0x2] =	stream.indirect.gather [hbm4b:s5+s30], $0x90, s11, s30, $0xb8;
	[tilespmem:$0x1FB80] =	vst v63  }
0x9d: {  	s14 =	simm.s32 $0xC8;
	s18 =	simm.s32 $0x4600  }
0x9e: {  	[tilespmem:s18], [sflag:$0x2] =	stream.indirect.gather [hbm4b:s5+s30], $0x90, s14, s30, $0xb8;
	[tilespmem:$0x1FB80] =	vst v63  }
0x9f: {  	s11 =	simm.s32 $0xF0;
	s13 =	simm.s32 $0x6180  }
0xa0: {  	[tilespmem:s13], [sflag:$0x4] =	stream.indirect.gather [hbm4b:s6+s30], $0x10, s11, s30, $0xb8;
	[tilespmem:$0x1FB80] =	vst v63  }
0xa1: {  	s14 =	simm.s32 $0x118;
	s18 =	simm.s32 $0x6400  }
0xa2: {  	[tilespmem:s18], [sflag:$0x4] =	stream.indirect.gather [hbm4b:s6+s30], $0x10, s14, s30, $0xb8;
	[tilespmem:$0x1FB80] =	vst v63  }
0xa3: {  	_ =	swait.ge [sflag:s23], $0x1680  }
0xa4: {  	[sflag:s23] =	ssyncset.done $0x0  }
0xa5: {  	[sflag:s23] =	ssyncadd.s32 $0xFFFFE980  }
0xa6: {  	_ =	swait.ge [sflag:s23], $0x1680  }
0xa7: {  	[sflag:s23] =	ssyncset.done $0x0  }
0xa8: {  	[sflag:s23] =	ssyncadd.s32 $0xFFFFE980  }
0xa9: {  	_ =	swait.ge [sflag:s8], $0x280  }
0xaa: {  	[sflag:s8] =	ssyncset.done $0x0  }
0xab: {  	[sflag:s8] =	ssyncadd.s32 $0xFFFFFD80  }
0xac: {  	_ =	swait.ge [sflag:s8], $0x280  }
0xad: {  	[sflag:s8] =	ssyncset.done $0x0  }
0xae: {  	s13 =	simm.s32 $0x0;
	[sflag:s8] =	ssyncadd.s32 $0xFFFFFD80  }
0xaf: {  	s9 =	simm.s32 $0x240;
	v1 =	vld [tilespmem:s13+$0x300]  }
.LBB2_4:
0xb0: {  	p0 =	sne.s32 s9, $0x57C0;
	v2 =	vld [tilespmem:s17+$0x0];
	_ =	sdelay $0x4  }
0xb1: {  	v1 =	vadd.f32 v2, v1;
	_ =	sdelay $0x1  }
0xb2: {  	v2 =	vmul.f32 $2.000000030e-01, v1;
	_ =	sdelay $0x1  }
0xb3: {  	v1 =	vmax.f32 v1, v2  }
0xb4: {  	v1 =	vmul.f32 $1.442695020e+00, v1;
	_ =	sdelay $0x1  }
0xb5: {  	(erf) = vpow2.f32 v1;
	_ =	sdelay $0x4  }
0xb6: {  	v1 =	vld [tilespmem:s13+$0x280]  }
0xb7: {  	v2 =	vld [tilespmem:s13+$0x290]  }
0xb8: {  	v3 =	vld [tilespmem:s13+$0x2A0]  }
0xb9: {  	v4 =	vld [tilespmem:s13+$0x2B0]  }
0xba: {  	v5 =	vld [tilespmem:s13+$0x2C0];
	v6 =	vpop (erf)  }
0xbb: {  	[tilespmem:s13+$0x6700] =	vst v6;
	v7 =	vbroadcast v6, $0x0;
	v8 =	vbroadcast v6, $0x1;
	v9 =	vld [tilespmem:s13+$0x2D0]  }
0xbc: {  	v10 =	vbroadcast v6, $0x2;
	v11 =	vbroadcast v6, $0x3;
	v12 =	vld [tilespmem:s13+$0x2E0]  }
0xbd: {  	v1 =	vmul.f32 v7, v1;
	v2 =	vmul.f32 v8, v2;
	v7 =	vld [tilespmem:s13+$0x2F0]  }
0xbe: {  	v3 =	vmul.f32 v10, v3;
	v4 =	vmul.f32 v4, v11  }
0xbf: {  	v8 =	vbroadcast v6, $0x5;
	[tilespmem:s13+$0x6680] =	vst v1;
	v1 =	vbroadcast v6, $0x4  }
0xc0: {  	[tilespmem:s13+$0x6690] =	vst v2;
	v2 =	vbroadcast v6, $0x6;
	v6 =	vbroadcast v6, $0x7  }
0xc1: {  	[tilespmem:s13+$0x66A0] =	vst v3;
	v1 =	vmul.f32 v5, v1;
	v3 =	vmul.f32 v9, v8  }
.Ltmp1:
0xc2: {  	[tilespmem:s13+$0x66B0] =	vst v4;
	v2 =	vmul.f32 v12, v2;
	v4 =	vmul.f32 v7, v6;
	(pc) =	sbr.rel @p0 .LBB2_4-.Ltmp1, $4  }
0xc3: {  	[tilespmem:s13+$0x66C0] =	vst v1  }
0xc4: {  	[tilespmem:s13+$0x66D0] =	vst v3  }
0xc5: {  	s10 =	sshra.s32 s9, $0x2;
	[tilespmem:s13+$0x66E0] =	vst v2  }
0xc6: {  	s9 =	sadd.s32 $0x240, s9;
	s17 =	sadd.s32 $0x10, s17;
	v1 =	vld [tilespmem:s10+$0x300];
	[tilespmem:s13+$0x66F0] =	vst v4;
	s13 =	smov.u32 s10  }
0xc7: {  	v2 =	vld [tilespmem:s17+$0x0];
	_ =	sdelay $0x4  }
0xc8: {  	v1 =	vadd.f32 v2, v1;
	_ =	sdelay $0x1  }
0xc9: {  	v2 =	vmul.f32 $2.000000030e-01, v1;
	_ =	sdelay $0x1  }
0xca: {  	v1 =	vmax.f32 v1, v2  }
0xcb: {  	v1 =	vmul.f32 $1.442695020e+00, v1;
	_ =	sdelay $0x1  }
0xcc: {  	(erf) = vpow2.f32 v1;
	_ =	sdelay $0x6  }
0xcd: {  	v1 =	vld [tilespmem:s13+$0x280]  }
0xce: {  	v2 =	vld [tilespmem:s13+$0x290]  }
0xcf: {  	v3 =	vld [tilespmem:s13+$0x2A0];
	v6 =	vpop (erf)  }
0xd0: {  	v4 =	vld [tilespmem:s13+$0x2B0];
	v7 =	vbroadcast v6, $0x0  }
0xd1: {  	v9 =	vld [tilespmem:s13+$0x2D0];
	v8 =	vbroadcast v6, $0x1  }
0xd2: {  	v5 =	vld [tilespmem:s13+$0x2C0];
	v10 =	vbroadcast v6, $0x2;
	v1 =	vmul.f32 v7, v1  }
0xd3: {  	v11 =	vld [tilespmem:s13+$0x2E0];
	[tilespmem:s13+$0x6700] =	vst v6;
	v60 =	vbroadcast v6, $0x3;
	v2 =	vmul.f32 v8, v2  }
0xd4: {  	v61 =	vld [tilespmem:s13+$0x2F0];
	v62 =	vbroadcast v6, $0x5;
	v3 =	vmul.f32 v10, v3;
	[tilespmem:s13+$0x6680] =	vst v1  }
0xd5: {  	v4 =	vmul.f32 v4, v60;
	v1 =	vbroadcast v6, $0x4;
	[tilespmem:s13+$0x6690] =	vst v2  }
0xd6: {  	v63 =	vmul.f32 v9, v62;
	v2 =	vbroadcast v6, $0x6;
	[tilespmem:s13+$0x66A0] =	vst v3  }
0xd7: {  	v3 =	vbroadcast v6, $0x7;
	[tilespmem:s13+$0x66B0] =	vst v4;
	v1 =	vmul.f32 v5, v1  }
0xd8: {  	[tilespmem:s13+$0x66D0] =	vst v63;
	v2 =	vmul.f32 v11, v2  }
0xd9: {  	[tilespmem:s13+$0x66C0] =	vst v1;
	v1 =	vmul.f32 v61, v3  }
0xda: {  	[tilespmem:s13+$0x66E0] =	vst v2  }
0xdb: {  	[tilespmem:s13+$0x66F0] =	vst v1;
	s13 =	simm.s32 $0x0  }
0xdc: {  	[spmem:s2] =	stream.indirect.scatter.add.f32 [tilespmem:s20], [sflag:$0x5], $0x90, s26, s30, $0xb8;
	[tilespmem:$0x1FB80] =	vst v63  }
0xdd: {  	s17 =	simm.s32 $0x5F00;
	s9 =	simm.s32 $0x240;
	v1 =	vld [tilespmem:s13+$0x1980]  }
.LBB2_6:
0xde: {  	p0 =	sne.s32 s9, $0x57C0;
	v2 =	vld [tilespmem:s17+$0x0];
	_ =	sdelay $0x4  }
0xdf: {  	v1 =	vadd.f32 v2, v1;
	_ =	sdelay $0x1  }
0xe0: {  	v2 =	vmul.f32 $2.000000030e-01, v1;
	_ =	sdelay $0x1  }
0xe1: {  	v1 =	vmax.f32 v1, v2  }
0xe2: {  	v1 =	vmul.f32 $1.442695020e+00, v1;
	_ =	sdelay $0x1  }
0xe3: {  	(erf) = vpow2.f32 v1;
	_ =	sdelay $0x4  }
0xe4: {  	v1 =	vld [tilespmem:s13+$0x1900]  }
0xe5: {  	v2 =	vld [tilespmem:s13+$0x1910]  }
0xe6: {  	v3 =	vld [tilespmem:s13+$0x1920]  }
0xe7: {  	v4 =	vld [tilespmem:s13+$0x1930]  }
0xe8: {  	v5 =	vld [tilespmem:s13+$0x1940];
	v6 =	vpop (erf)  }
0xe9: {  	[tilespmem:s13+$0x7D80] =	vst v6;
	v7 =	vbroadcast v6, $0x0;
	v8 =	vbroadcast v6, $0x1;
	v9 =	vld [tilespmem:s13+$0x1950]  }
0xea: {  	v10 =	vbroadcast v6, $0x2;
	v11 =	vbroadcast v6, $0x3;
	v12 =	vld [tilespmem:s13+$0x1960]  }
0xeb: {  	v1 =	vmul.f32 v7, v1;
	v2 =	vmul.f32 v8, v2;
	v7 =	vld [tilespmem:s13+$0x1970]  }
0xec: {  	v3 =	vmul.f32 v10, v3;
	v4 =	vmul.f32 v4, v11  }
0xed: {  	v8 =	vbroadcast v6, $0x5;
	[tilespmem:s13+$0x7D00] =	vst v1;
	v1 =	vbroadcast v6, $0x4  }
0xee: {  	[tilespmem:s13+$0x7D10] =	vst v2;
	v2 =	vbroadcast v6, $0x6;
	v6 =	vbroadcast v6, $0x7  }
0xef: {  	[tilespmem:s13+$0x7D20] =	vst v3;
	v1 =	vmul.f32 v5, v1;
	v3 =	vmul.f32 v9, v8  }
.Ltmp2:
0xf0: {  	[tilespmem:s13+$0x7D30] =	vst v4;
	v2 =	vmul.f32 v12, v2;
	v4 =	vmul.f32 v7, v6;
	(pc) =	sbr.rel @p0 .LBB2_6-.Ltmp2, $4  }
0xf1: {  	[tilespmem:s13+$0x7D40] =	vst v1  }
0xf2: {  	[tilespmem:s13+$0x7D50] =	vst v3  }
0xf3: {  	s10 =	sshra.s32 s9, $0x2;
	[tilespmem:s13+$0x7D60] =	vst v2  }
0xf4: {  	s9 =	sadd.s32 $0x240, s9;
	s17 =	sadd.s32 $0x10, s17;
	v1 =	vld [tilespmem:s10+$0x1980];
	[tilespmem:s13+$0x7D70] =	vst v4;
	s13 =	smov.u32 s10  }
0xf5: {  	v2 =	vld [tilespmem:s17+$0x0];
	_ =	sdelay $0x4  }
0xf6: {  	v1 =	vadd.f32 v2, v1;
	_ =	sdelay $0x1  }
0xf7: {  	v2 =	vmul.f32 $2.000000030e-01, v1;
	_ =	sdelay $0x1  }
0xf8: {  	v1 =	vmax.f32 v1, v2  }
0xf9: {  	v1 =	vmul.f32 $1.442695020e+00, v1;
	_ =	sdelay $0x1  }
0xfa: {  	(erf) = vpow2.f32 v1;
	_ =	sdelay $0x6  }
0xfb: {  	v1 =	vld [tilespmem:s13+$0x1900]  }
0xfc: {  	v2 =	vld [tilespmem:s13+$0x1910]  }
0xfd: {  	v3 =	vld [tilespmem:s13+$0x1920];
	v6 =	vpop (erf)  }
0xfe: {  	v4 =	vld [tilespmem:s13+$0x1930];
	v7 =	vbroadcast v6, $0x0  }
0xff: {  	v9 =	vld [tilespmem:s13+$0x1950];
	v8 =	vbroadcast v6, $0x1  }
0x100: {  	v5 =	vld [tilespmem:s13+$0x1940];
	v10 =	vbroadcast v6, $0x2;
	v1 =	vmul.f32 v7, v1  }
0x101: {  	v11 =	vld [tilespmem:s13+$0x1960];
	[tilespmem:s13+$0x7D80] =	vst v6;
	v60 =	vbroadcast v6, $0x3;
	v2 =	vmul.f32 v8, v2  }
0x102: {  	v61 =	vld [tilespmem:s13+$0x1970];
	v62 =	vbroadcast v6, $0x5;
	v3 =	vmul.f32 v10, v3;
	[tilespmem:s13+$0x7D00] =	vst v1  }
0x103: {  	v4 =	vmul.f32 v4, v60;
	v1 =	vbroadcast v6, $0x4;
	[tilespmem:s13+$0x7D10] =	vst v2  }
0x104: {  	v63 =	vmul.f32 v9, v62;
	v2 =	vbroadcast v6, $0x6;
	[tilespmem:s13+$0x7D20] =	vst v3  }
0x105: {  	v3 =	vbroadcast v6, $0x7;
	[tilespmem:s13+$0x7D30] =	vst v4;
	v1 =	vmul.f32 v5, v1  }
0x106: {  	[tilespmem:s13+$0x7D50] =	vst v63;
	v2 =	vmul.f32 v11, v2  }
0x107: {  	[tilespmem:s13+$0x7D40] =	vst v1;
	v1 =	vmul.f32 v61, v3  }
0x108: {  	[tilespmem:s13+$0x7D60] =	vst v2  }
0x109: {  	s18 =	simm.s32 $0x0;
	[tilespmem:s13+$0x7D70] =	vst v1  }
0x10a: {  	[spmem:s2] =	stream.indirect.scatter.add.f32 [tilespmem:s25], [sflag:$0x6], $0x90, s0, s30, $0xb8;
	[tilespmem:$0x1FB80] =	vst v63  }
.LBB2_8:
0x10b: {  	s13 =	smul.u32 $0x140, s18  }
0x10c: {  	s9 =	rddreg [dreg:$0x6]  }
0x10d: {  	s9 =	sadd.s32 s13, s9  }
0x10e: {  	s9 =	sshrl.u32 s9, $0x3  }
0x10f: {  	s10 =	simm.s32 $0x140;
	s9 =	sadd.s32 s1, s9  }
0x110: {  	[tilespmem:s10], [sflag:$0x7] =	stream.strided.gather [hbm4b:s9+s26], $0xA0, s28, s26, $0x38;
	[tilespmem:$0x1FB80] =	vst v63  }
0x111: {  	_ =	swait.ge [sflag:s29], $0xA0  }
0x112: {  	[sflag:s29] =	ssyncset.done $0x0  }
0x113: {  	[sflag:s29] =	ssyncadd.s32 $0xFFFFFF60  }
0x114: {  	[tilespmem:s22], [sflag:$0x1] =	stream.indirect.gather [hbm4b:s5+s30], $0x90, s10, s30, $0xb8;
	[tilespmem:$0x1FB80] =	vst v63  }
0x115: {  	s10 =	simm.s32 $0x168  }
0x116: {  	[tilespmem:s31], [sflag:$0x1] =	stream.indirect.gather [hbm4b:s5+s30], $0x90, s10, s30, $0xb8;
	[tilespmem:$0x1FB80] =	vst v63  }
0x117: {  	s11 =	simm.s32 $0x190;
	s14 =	simm.s32 $0x5C80  }
0x118: {  	[tilespmem:s14], [sflag:$0x3] =	stream.indirect.gather [hbm4b:s6+s30], $0x10, s11, s30, $0xb8;
	[tilespmem:$0x1FB80] =	vst v63  }
0x119: {  	s17 =	simm.s32 $0x1B8  }
0x11a: {  	[tilespmem:s3], [sflag:$0x3] =	stream.indirect.gather [hbm4b:s6+s30], $0x10, s17, s30, $0xb8;
	[tilespmem:$0x1FB80] =	vst v63  }
0x11b: {  	_ =	swait.ge [sflag:s15], $0x1680  }
0x11c: {  	[sflag:s15] =	ssyncset.done $0x0  }
0x11d: {  	[sflag:s15] =	ssyncadd.s32 $0xFFFFE980  }
0x11e: {  	_ =	swait.ge [sflag:s15], $0x1680  }
0x11f: {  	[sflag:s15] =	ssyncset.done $0x0  }
0x120: {  	[sflag:s15] =	ssyncadd.s32 $0xFFFFE980  }
0x121: {  	_ =	swait.ge [sflag:s16], $0x280  }
0x122: {  	[sflag:s16] =	ssyncset.done $0x0  }
0x123: {  	[sflag:s16] =	ssyncadd.s32 $0xFFFFFD80  }
0x124: {  	_ =	swait.ge [sflag:s16], $0x280  }
0x125: {  	[sflag:s16] =	ssyncset.done $0x0  }
0x126: {  	[sflag:s16] =	ssyncadd.s32 $0xFFFFFD80  }
0x127: {  	_ =	swait.ge [sflag:s19], $0x1680  }
0x128: {  	[sflag:s19] =	ssyncset.done $0x0  }
0x129: {  	s17 =	simm.s32 $0x0;
	[sflag:s19] =	ssyncadd.s32 $0xFFFFE980  }
0x12a: {  	s9 =	simm.s32 $0x6180;
	s14 =	simm.s32 $0x240;
	v1 =	vld [tilespmem:s17+$0x3000]  }
.LBB2_9:
0x12b: {  	p0 =	sne.s32 s14, $0x57C0;
	v2 =	vld [tilespmem:s9+$0x0];
	_ =	sdelay $0x4  }
0x12c: {  	v1 =	vadd.f32 v2, v1;
	_ =	sdelay $0x1  }
0x12d: {  	v2 =	vmul.f32 $2.000000030e-01, v1;
	_ =	sdelay $0x1  }
0x12e: {  	v1 =	vmax.f32 v1, v2  }
0x12f: {  	v1 =	vmul.f32 $1.442695020e+00, v1;
	_ =	sdelay $0x1  }
0x130: {  	(erf) = vpow2.f32 v1;
	_ =	sdelay $0x4  }
0x131: {  	v1 =	vld [tilespmem:s17+$0x2F80]  }
0x132: {  	v2 =	vld [tilespmem:s17+$0x2F90]  }
0x133: {  	v3 =	vld [tilespmem:s17+$0x2FA0]  }
0x134: {  	v4 =	vld [tilespmem:s17+$0x2FB0]  }
0x135: {  	v5 =	vld [tilespmem:s17+$0x2FC0];
	v6 =	vpop (erf)  }
0x136: {  	[tilespmem:s17+$0x6700] =	vst v6;
	v7 =	vbroadcast v6, $0x0;
	v8 =	vbroadcast v6, $0x1;
	v9 =	vld [tilespmem:s17+$0x2FD0]  }
0x137: {  	v10 =	vbroadcast v6, $0x2;
	v11 =	vbroadcast v6, $0x3;
	v12 =	vld [tilespmem:s17+$0x2FE0]  }
0x138: {  	v1 =	vmul.f32 v7, v1;
	v2 =	vmul.f32 v8, v2;
	v7 =	vld [tilespmem:s17+$0x2FF0]  }
0x139: {  	v3 =	vmul.f32 v10, v3;
	v4 =	vmul.f32 v4, v11  }
0x13a: {  	v8 =	vbroadcast v6, $0x5;
	[tilespmem:s17+$0x6680] =	vst v1;
	v1 =	vbroadcast v6, $0x4  }
0x13b: {  	[tilespmem:s17+$0x6690] =	vst v2;
	v2 =	vbroadcast v6, $0x6;
	v6 =	vbroadcast v6, $0x7  }
0x13c: {  	[tilespmem:s17+$0x66A0] =	vst v3;
	v1 =	vmul.f32 v5, v1;
	v3 =	vmul.f32 v9, v8  }
.Ltmp3:
0x13d: {  	[tilespmem:s17+$0x66B0] =	vst v4;
	v2 =	vmul.f32 v12, v2;
	v4 =	vmul.f32 v7, v6;
	(pc) =	sbr.rel @p0 .LBB2_9-.Ltmp3, $4  }
0x13e: {  	[tilespmem:s17+$0x66C0] =	vst v1  }
0x13f: {  	[tilespmem:s17+$0x66D0] =	vst v3  }
0x140: {  	s10 =	sshra.s32 s14, $0x2;
	[tilespmem:s17+$0x66E0] =	vst v2  }
0x141: {  	s14 =	sadd.s32 $0x240, s14;
	s9 =	sadd.s32 $0x10, s9;
	v1 =	vld [tilespmem:s10+$0x3000];
	[tilespmem:s17+$0x66F0] =	vst v4;
	s17 =	smov.u32 s10  }
0x142: {  	v2 =	vld [tilespmem:s9+$0x0];
	_ =	sdelay $0x4  }
0x143: {  	v1 =	vadd.f32 v2, v1;
	_ =	sdelay $0x1  }
0x144: {  	v2 =	vmul.f32 $2.000000030e-01, v1;
	_ =	sdelay $0x1  }
0x145: {  	v1 =	vmax.f32 v1, v2  }
0x146: {  	v1 =	vmul.f32 $1.442695020e+00, v1;
	_ =	sdelay $0x1  }
0x147: {  	(erf) = vpow2.f32 v1;
	_ =	sdelay $0x6  }
0x148: {  	v1 =	vld [tilespmem:s17+$0x2F80]  }
0x149: {  	v2 =	vld [tilespmem:s17+$0x2F90]  }
0x14a: {  	v3 =	vld [tilespmem:s17+$0x2FA0];
	v6 =	vpop (erf)  }
0x14b: {  	v4 =	vld [tilespmem:s17+$0x2FB0];
	v7 =	vbroadcast v6, $0x0  }
0x14c: {  	v9 =	vld [tilespmem:s17+$0x2FD0];
	v8 =	vbroadcast v6, $0x1  }
0x14d: {  	v5 =	vld [tilespmem:s17+$0x2FC0];
	v10 =	vbroadcast v6, $0x2;
	v1 =	vmul.f32 v7, v1  }
0x14e: {  	v11 =	vld [tilespmem:s17+$0x2FE0];
	[tilespmem:s17+$0x6700] =	vst v6;
	v60 =	vbroadcast v6, $0x3;
	v2 =	vmul.f32 v8, v2  }
0x14f: {  	v61 =	vld [tilespmem:s17+$0x2FF0];
	v62 =	vbroadcast v6, $0x5;
	v3 =	vmul.f32 v10, v3;
	[tilespmem:s17+$0x6680] =	vst v1  }
0x150: {  	v4 =	vmul.f32 v4, v60;
	v1 =	vbroadcast v6, $0x4;
	[tilespmem:s17+$0x6690] =	vst v2  }
0x151: {  	v63 =	vmul.f32 v9, v62;
	v2 =	vbroadcast v6, $0x6;
	[tilespmem:s17+$0x66A0] =	vst v3  }
0x152: {  	v3 =	vbroadcast v6, $0x7;
	[tilespmem:s17+$0x66B0] =	vst v4;
	v1 =	vmul.f32 v5, v1  }
0x153: {  	[tilespmem:s17+$0x66D0] =	vst v63;
	v2 =	vmul.f32 v11, v2  }
0x154: {  	[tilespmem:s17+$0x66C0] =	vst v1;
	v1 =	vmul.f32 v61, v3  }
0x155: {  	[tilespmem:s17+$0x66E0] =	vst v2  }
0x156: {  	[tilespmem:s17+$0x66F0] =	vst v1;
	s17 =	simm.s32 $0xF0  }
0x157: {  	[spmem:s2] =	stream.indirect.scatter.add.f32 [tilespmem:s20], [sflag:$0x5], $0x90, s17, s30, $0xb8;
	[tilespmem:$0x1FB80] =	vst v63  }
0x158: {  	_ =	swait.ge [sflag:s21], $0x1680  }
0x159: {  	[sflag:s21] =	ssyncset.done $0x0  }
0x15a: {  	s17 =	simm.s32 $0x0;
	[sflag:s21] =	ssyncadd.s32 $0xFFFFE980  }
0x15b: {  	s9 =	simm.s32 $0x6400;
	s14 =	simm.s32 $0x240;
	v1 =	vld [tilespmem:s17+$0x4680]  }
.LBB2_11:
0x15c: {  	p0 =	sne.s32 s14, $0x57C0;
	v2 =	vld [tilespmem:s9+$0x0];
	_ =	sdelay $0x4  }
0x15d: {  	v1 =	vadd.f32 v2, v1;
	_ =	sdelay $0x1  }
0x15e: {  	v2 =	vmul.f32 $2.000000030e-01, v1;
	_ =	sdelay $0x1  }
0x15f: {  	v1 =	vmax.f32 v1, v2  }
0x160: {  	v1 =	vmul.f32 $1.442695020e+00, v1;
	_ =	sdelay $0x1  }
0x161: {  	(erf) = vpow2.f32 v1;
	_ =	sdelay $0x4  }
0x162: {  	v1 =	vld [tilespmem:s17+$0x4600]  }
0x163: {  	v2 =	vld [tilespmem:s17+$0x4610]  }
0x164: {  	v3 =	vld [tilespmem:s17+$0x4620]  }
0x165: {  	v4 =	vld [tilespmem:s17+$0x4630]  }
0x166: {  	v5 =	vld [tilespmem:s17+$0x4640];
	v6 =	vpop (erf)  }
0x167: {  	[tilespmem:s17+$0x7D80] =	vst v6;
	v7 =	vbroadcast v6, $0x0;
	v8 =	vbroadcast v6, $0x1;
	v9 =	vld [tilespmem:s17+$0x4650]  }
0x168: {  	v10 =	vbroadcast v6, $0x2;
	v11 =	vbroadcast v6, $0x3;
	v12 =	vld [tilespmem:s17+$0x4660]  }
0x169: {  	v1 =	vmul.f32 v7, v1;
	v2 =	vmul.f32 v8, v2;
	v7 =	vld [tilespmem:s17+$0x4670]  }
0x16a: {  	v3 =	vmul.f32 v10, v3;
	v4 =	vmul.f32 v4, v11  }
0x16b: {  	v8 =	vbroadcast v6, $0x5;
	[tilespmem:s17+$0x7D00] =	vst v1;
	v1 =	vbroadcast v6, $0x4  }
0x16c: {  	[tilespmem:s17+$0x7D10] =	vst v2;
	v2 =	vbroadcast v6, $0x6;
	v6 =	vbroadcast v6, $0x7  }
0x16d: {  	[tilespmem:s17+$0x7D20] =	vst v3;
	v1 =	vmul.f32 v5, v1;
	v3 =	vmul.f32 v9, v8  }
.Ltmp4:
0x16e: {  	[tilespmem:s17+$0x7D30] =	vst v4;
	v2 =	vmul.f32 v12, v2;
	v4 =	vmul.f32 v7, v6;
	(pc) =	sbr.rel @p0 .LBB2_11-.Ltmp4, $4  }
0x16f: {  	[tilespmem:s17+$0x7D40] =	vst v1  }
0x170: {  	[tilespmem:s17+$0x7D50] =	vst v3  }
0x171: {  	s10 =	sshra.s32 s14, $0x2;
	[tilespmem:s17+$0x7D60] =	vst v2  }
0x172: {  	s14 =	sadd.s32 $0x240, s14;
	s9 =	sadd.s32 $0x10, s9;
	v1 =	vld [tilespmem:s10+$0x4680];
	[tilespmem:s17+$0x7D70] =	vst v4;
	s17 =	smov.u32 s10  }
0x173: {  	v2 =	vld [tilespmem:s9+$0x0];
	_ =	sdelay $0x4  }
0x174: {  	v1 =	vadd.f32 v2, v1;
	_ =	sdelay $0x1  }
0x175: {  	v2 =	vmul.f32 $2.000000030e-01, v1;
	_ =	sdelay $0x1  }
0x176: {  	v1 =	vmax.f32 v1, v2  }
0x177: {  	v1 =	vmul.f32 $1.442695020e+00, v1;
	_ =	sdelay $0x1  }
0x178: {  	(erf) = vpow2.f32 v1;
	_ =	sdelay $0x6  }
0x179: {  	v1 =	vld [tilespmem:s17+$0x4600]  }
0x17a: {  	v2 =	vld [tilespmem:s17+$0x4610]  }
0x17b: {  	v3 =	vld [tilespmem:s17+$0x4620];
	v6 =	vpop (erf)  }
0x17c: {  	v4 =	vld [tilespmem:s17+$0x4630];
	v7 =	vbroadcast v6, $0x0  }
0x17d: {  	v9 =	vld [tilespmem:s17+$0x4650];
	v8 =	vbroadcast v6, $0x1  }
0x17e: {  	v5 =	vld [tilespmem:s17+$0x4640];
	v10 =	vbroadcast v6, $0x2;
	v1 =	vmul.f32 v7, v1  }
0x17f: {  	v11 =	vld [tilespmem:s17+$0x4660];
	[tilespmem:s17+$0x7D80] =	vst v6;
	v60 =	vbroadcast v6, $0x3;
	v2 =	vmul.f32 v8, v2  }
0x180: {  	v61 =	vld [tilespmem:s17+$0x4670];
	v62 =	vbroadcast v6, $0x5;
	v3 =	vmul.f32 v10, v3;
	[tilespmem:s17+$0x7D00] =	vst v1  }
0x181: {  	v4 =	vmul.f32 v4, v60;
	v1 =	vbroadcast v6, $0x4;
	[tilespmem:s17+$0x7D10] =	vst v2  }
0x182: {  	v63 =	vmul.f32 v9, v62;
	v2 =	vbroadcast v6, $0x6;
	[tilespmem:s17+$0x7D20] =	vst v3  }
0x183: {  	v3 =	vbroadcast v6, $0x7;
	[tilespmem:s17+$0x7D30] =	vst v4;
	v1 =	vmul.f32 v5, v1  }
0x184: {  	[tilespmem:s17+$0x7D50] =	vst v63;
	v2 =	vmul.f32 v11, v2  }
0x185: {  	s10 =	rddreg [dreg:$0xe];
	[tilespmem:s17+$0x7D40] =	vst v1;
	v1 =	vmul.f32 v61, v3  }
0x186: {  	s9 =	sadd.s32 s10, s13;
	[tilespmem:s17+$0x7D60] =	vst v2  }
0x187: {  	s9 =	sshrl.u32 s9, $0x3;
	[tilespmem:s17+$0x7D70] =	vst v1;
	s17 =	simm.s32 $0x118  }
0x188: {  	[spmem:s2] =	stream.indirect.scatter.add.f32 [tilespmem:s25], [sflag:$0x6], $0x90, s17, s30, $0xb8;
	[tilespmem:$0x1FB80] =	vst v63  }
0x189: {  	s10 =	simm.s32 $0x1E0;
	s9 =	sadd.s32 s1, s9  }
0x18a: {  	[tilespmem:s10], [sflag:$0x7] =	stream.strided.gather [hbm4b:s9+s26], $0xA0, s28, s26, $0x38;
	[tilespmem:$0x1FB80] =	vst v63  }
0x18b: {  	_ =	swait.ge [sflag:s29], $0xA0  }
0x18c: {  	[sflag:s29] =	ssyncset.done $0x0  }
0x18d: {  	s11 =	simm.s32 $0x2F80;
	[sflag:s29] =	ssyncadd.s32 $0xFFFFFF60  }
0x18e: {  	[tilespmem:s11], [sflag:$0x2] =	stream.indirect.gather [hbm4b:s5+s30], $0x90, s10, s30, $0xb8;
	[tilespmem:$0x1FB80] =	vst v63  }
0x18f: {  	s14 =	simm.s32 $0x4600;
	s17 =	simm.s32 $0x208  }
0x190: {  	[tilespmem:s14], [sflag:$0x2] =	stream.indirect.gather [hbm4b:s5+s30], $0x90, s17, s30, $0xb8;
	[tilespmem:$0x1FB80] =	vst v63  }
0x191: {  	s11 =	simm.s32 $0x6180;
	s14 =	simm.s32 $0x230  }
0x192: {  	[tilespmem:s11], [sflag:$0x4] =	stream.indirect.gather [hbm4b:s6+s30], $0x10, s14, s30, $0xb8;
	[tilespmem:$0x1FB80] =	vst v63  }
0x193: {  	s17 =	simm.s32 $0x6400  }
0x194: {  	[tilespmem:s17], [sflag:$0x4] =	stream.indirect.gather [hbm4b:s6+s30], $0x10, s12, s30, $0xb8;
	[tilespmem:$0x1FB80] =	vst v63  }
0x195: {  	_ =	swait.ge [sflag:s23], $0x1680  }
0x196: {  	[sflag:s23] =	ssyncset.done $0x0  }
0x197: {  	[sflag:s23] =	ssyncadd.s32 $0xFFFFE980  }
0x198: {  	_ =	swait.ge [sflag:s23], $0x1680  }
0x199: {  	[sflag:s23] =	ssyncset.done $0x0  }
0x19a: {  	[sflag:s23] =	ssyncadd.s32 $0xFFFFE980  }
0x19b: {  	_ =	swait.ge [sflag:s8], $0x280  }
0x19c: {  	[sflag:s8] =	ssyncset.done $0x0  }
0x19d: {  	[sflag:s8] =	ssyncadd.s32 $0xFFFFFD80  }
0x19e: {  	_ =	swait.ge [sflag:s8], $0x280  }
0x19f: {  	[sflag:s8] =	ssyncset.done $0x0  }
0x1a0: {  	[sflag:s8] =	ssyncadd.s32 $0xFFFFFD80  }
0x1a1: {  	_ =	swait.ge [sflag:s19], $0x1680  }
0x1a2: {  	[sflag:s19] =	ssyncset.done $0x0  }
0x1a3: {  	s17 =	simm.s32 $0x0;
	[sflag:s19] =	ssyncadd.s32 $0xFFFFE980  }
0x1a4: {  	s9 =	simm.s32 $0x5C80;
	s14 =	simm.s32 $0x240;
	v1 =	vld [tilespmem:s17+$0x300]  }
.LBB2_13:
0x1a5: {  	p0 =	sne.s32 s14, $0x57C0;
	v2 =	vld [tilespmem:s9+$0x0];
	_ =	sdelay $0x4  }
0x1a6: {  	v1 =	vadd.f32 v2, v1;
	_ =	sdelay $0x1  }
0x1a7: {  	v2 =	vmul.f32 $2.000000030e-01, v1;
	_ =	sdelay $0x1  }
0x1a8: {  	v1 =	vmax.f32 v1, v2  }
0x1a9: {  	v1 =	vmul.f32 $1.442695020e+00, v1;
	_ =	sdelay $0x1  }
0x1aa: {  	(erf) = vpow2.f32 v1;
	_ =	sdelay $0x4  }
0x1ab: {  	v1 =	vld [tilespmem:s17+$0x280]  }
0x1ac: {  	v2 =	vld [tilespmem:s17+$0x290]  }
0x1ad: {  	v3 =	vld [tilespmem:s17+$0x2A0]  }
0x1ae: {  	v4 =	vld [tilespmem:s17+$0x2B0]  }
0x1af: {  	v5 =	vld [tilespmem:s17+$0x2C0];
	v6 =	vpop (erf)  }
0x1b0: {  	[tilespmem:s17+$0x6700] =	vst v6;
	v7 =	vbroadcast v6, $0x0;
	v8 =	vbroadcast v6, $0x1;
	v9 =	vld [tilespmem:s17+$0x2D0]  }
0x1b1: {  	v10 =	vbroadcast v6, $0x2;
	v11 =	vbroadcast v6, $0x3;
	v12 =	vld [tilespmem:s17+$0x2E0]  }
0x1b2: {  	v1 =	vmul.f32 v7, v1;
	v2 =	vmul.f32 v8, v2;
	v7 =	vld [tilespmem:s17+$0x2F0]  }
0x1b3: {  	v3 =	vmul.f32 v10, v3;
	v4 =	vmul.f32 v4, v11  }
0x1b4: {  	v8 =	vbroadcast v6, $0x5;
	[tilespmem:s17+$0x6680] =	vst v1;
	v1 =	vbroadcast v6, $0x4  }
0x1b5: {  	[tilespmem:s17+$0x6690] =	vst v2;
	v2 =	vbroadcast v6, $0x6;
	v6 =	vbroadcast v6, $0x7  }
0x1b6: {  	[tilespmem:s17+$0x66A0] =	vst v3;
	v1 =	vmul.f32 v5, v1;
	v3 =	vmul.f32 v9, v8  }
.Ltmp5:
0x1b7: {  	[tilespmem:s17+$0x66B0] =	vst v4;
	v2 =	vmul.f32 v12, v2;
	v4 =	vmul.f32 v7, v6;
	(pc) =	sbr.rel @p0 .LBB2_13-.Ltmp5, $4  }
0x1b8: {  	[tilespmem:s17+$0x66C0] =	vst v1  }
0x1b9: {  	[tilespmem:s17+$0x66D0] =	vst v3  }
0x1ba: {  	s10 =	sshra.s32 s14, $0x2;
	[tilespmem:s17+$0x66E0] =	vst v2  }
0x1bb: {  	s14 =	sadd.s32 $0x240, s14;
	s9 =	sadd.s32 $0x10, s9;
	v1 =	vld [tilespmem:s10+$0x300];
	[tilespmem:s17+$0x66F0] =	vst v4;
	s17 =	smov.u32 s10  }
0x1bc: {  	v2 =	vld [tilespmem:s9+$0x0];
	_ =	sdelay $0x4  }
0x1bd: {  	v1 =	vadd.f32 v2, v1;
	_ =	sdelay $0x1  }
0x1be: {  	v2 =	vmul.f32 $2.000000030e-01, v1;
	_ =	sdelay $0x1  }
0x1bf: {  	v1 =	vmax.f32 v1, v2  }
0x1c0: {  	v1 =	vmul.f32 $1.442695020e+00, v1;
	_ =	sdelay $0x1  }
0x1c1: {  	(erf) = vpow2.f32 v1;
	_ =	sdelay $0x6  }
0x1c2: {  	v1 =	vld [tilespmem:s17+$0x280]  }
0x1c3: {  	v2 =	vld [tilespmem:s17+$0x290]  }
0x1c4: {  	v3 =	vld [tilespmem:s17+$0x2A0];
	v6 =	vpop (erf)  }
0x1c5: {  	v4 =	vld [tilespmem:s17+$0x2B0];
	v7 =	vbroadcast v6, $0x0  }
0x1c6: {  	v9 =	vld [tilespmem:s17+$0x2D0];
	v8 =	vbroadcast v6, $0x1  }
0x1c7: {  	v5 =	vld [tilespmem:s17+$0x2C0];
	v10 =	vbroadcast v6, $0x2;
	v1 =	vmul.f32 v7, v1  }
0x1c8: {  	v11 =	vld [tilespmem:s17+$0x2E0];
	[tilespmem:s17+$0x6700] =	vst v6;
	v60 =	vbroadcast v6, $0x3;
	v2 =	vmul.f32 v8, v2  }
0x1c9: {  	v61 =	vld [tilespmem:s17+$0x2F0];
	v62 =	vbroadcast v6, $0x5;
	v3 =	vmul.f32 v10, v3;
	[tilespmem:s17+$0x6680] =	vst v1  }
0x1ca: {  	v4 =	vmul.f32 v4, v60;
	v1 =	vbroadcast v6, $0x4;
	[tilespmem:s17+$0x6690] =	vst v2  }
0x1cb: {  	v63 =	vmul.f32 v9, v62;
	v2 =	vbroadcast v6, $0x6;
	[tilespmem:s17+$0x66A0] =	vst v3  }
0x1cc: {  	v3 =	vbroadcast v6, $0x7;
	[tilespmem:s17+$0x66B0] =	vst v4;
	v1 =	vmul.f32 v5, v1  }
0x1cd: {  	[tilespmem:s17+$0x66D0] =	vst v63;
	v2 =	vmul.f32 v11, v2  }
0x1ce: {  	[tilespmem:s17+$0x66C0] =	vst v1;
	v1 =	vmul.f32 v61, v3  }
0x1cf: {  	[tilespmem:s17+$0x66E0] =	vst v2  }
0x1d0: {  	[tilespmem:s17+$0x66F0] =	vst v1;
	s17 =	simm.s32 $0x190  }
0x1d1: {  	[spmem:s2] =	stream.indirect.scatter.add.f32 [tilespmem:s20], [sflag:$0x5], $0x90, s17, s30, $0xb8;
	[tilespmem:$0x1FB80] =	vst v63  }
0x1d2: {  	_ =	swait.ge [sflag:s21], $0x1680  }
0x1d3: {  	[sflag:s21] =	ssyncset.done $0x0  }
0x1d4: {  	s17 =	simm.s32 $0x0;
	[sflag:s21] =	ssyncadd.s32 $0xFFFFE980  }
0x1d5: {  	s9 =	simm.s32 $0x5F00;
	s14 =	simm.s32 $0x240;
	v1 =	vld [tilespmem:s17+$0x1980]  }
.LBB2_15:
0x1d6: {  	p0 =	sne.s32 s14, $0x57C0;
	v2 =	vld [tilespmem:s9+$0x0];
	_ =	sdelay $0x4  }
0x1d7: {  	v1 =	vadd.f32 v2, v1;
	_ =	sdelay $0x1  }
0x1d8: {  	v2 =	vmul.f32 $2.000000030e-01, v1;
	_ =	sdelay $0x1  }
0x1d9: {  	v1 =	vmax.f32 v1, v2  }
0x1da: {  	v1 =	vmul.f32 $1.442695020e+00, v1;
	_ =	sdelay $0x1  }
0x1db: {  	(erf) = vpow2.f32 v1;
	_ =	sdelay $0x4  }
0x1dc: {  	v1 =	vld [tilespmem:s17+$0x1900]  }
0x1dd: {  	v2 =	vld [tilespmem:s17+$0x1910]  }
0x1de: {  	v3 =	vld [tilespmem:s17+$0x1920]  }
0x1df: {  	v4 =	vld [tilespmem:s17+$0x1930]  }
0x1e0: {  	v5 =	vld [tilespmem:s17+$0x1940];
	v6 =	vpop (erf)  }
0x1e1: {  	[tilespmem:s17+$0x7D80] =	vst v6;
	v7 =	vbroadcast v6, $0x0;
	v8 =	vbroadcast v6, $0x1;
	v9 =	vld [tilespmem:s17+$0x1950]  }
0x1e2: {  	v10 =	vbroadcast v6, $0x2;
	v11 =	vbroadcast v6, $0x3;
	v12 =	vld [tilespmem:s17+$0x1960]  }
0x1e3: {  	v1 =	vmul.f32 v7, v1;
	v2 =	vmul.f32 v8, v2;
	v7 =	vld [tilespmem:s17+$0x1970]  }
0x1e4: {  	v3 =	vmul.f32 v10, v3;
	v4 =	vmul.f32 v4, v11  }
0x1e5: {  	v8 =	vbroadcast v6, $0x5;
	[tilespmem:s17+$0x7D00] =	vst v1;
	v1 =	vbroadcast v6, $0x4  }
0x1e6: {  	[tilespmem:s17+$0x7D10] =	vst v2;
	v2 =	vbroadcast v6, $0x6;
	v6 =	vbroadcast v6, $0x7  }
0x1e7: {  	[tilespmem:s17+$0x7D20] =	vst v3;
	v1 =	vmul.f32 v5, v1;
	v3 =	vmul.f32 v9, v8  }
.Ltmp6:
0x1e8: {  	[tilespmem:s17+$0x7D30] =	vst v4;
	v2 =	vmul.f32 v12, v2;
	v4 =	vmul.f32 v7, v6;
	(pc) =	sbr.rel @p0 .LBB2_15-.Ltmp6, $4  }
0x1e9: {  	[tilespmem:s17+$0x7D40] =	vst v1  }
0x1ea: {  	[tilespmem:s17+$0x7D50] =	vst v3  }
0x1eb: {  	s10 =	sshra.s32 s14, $0x2;
	[tilespmem:s17+$0x7D60] =	vst v2  }
0x1ec: {  	s14 =	sadd.s32 $0x240, s14;
	s9 =	sadd.s32 $0x10, s9;
	v1 =	vld [tilespmem:s10+$0x1980];
	[tilespmem:s17+$0x7D70] =	vst v4;
	s17 =	smov.u32 s10  }
0x1ed: {  	v2 =	vld [tilespmem:s9+$0x0];
	_ =	sdelay $0x4  }
0x1ee: {  	v1 =	vadd.f32 v2, v1;
	_ =	sdelay $0x1  }
0x1ef: {  	v2 =	vmul.f32 $2.000000030e-01, v1;
	_ =	sdelay $0x1  }
0x1f0: {  	v1 =	vmax.f32 v1, v2  }
0x1f1: {  	v1 =	vmul.f32 $1.442695020e+00, v1;
	_ =	sdelay $0x1  }
0x1f2: {  	(erf) = vpow2.f32 v1;
	_ =	sdelay $0x6  }
0x1f3: {  	v1 =	vld [tilespmem:s17+$0x1900]  }
0x1f4: {  	v2 =	vld [tilespmem:s17+$0x1910]  }
0x1f5: {  	v3 =	vld [tilespmem:s17+$0x1920];
	v6 =	vpop (erf)  }
0x1f6: {  	v4 =	vld [tilespmem:s17+$0x1930];
	v7 =	vbroadcast v6, $0x0  }
0x1f7: {  	v9 =	vld [tilespmem:s17+$0x1950];
	v8 =	vbroadcast v6, $0x1  }
0x1f8: {  	v5 =	vld [tilespmem:s17+$0x1940];
	v10 =	vbroadcast v6, $0x2;
	v1 =	vmul.f32 v7, v1  }
0x1f9: {  	v11 =	vld [tilespmem:s17+$0x1960];
	[tilespmem:s17+$0x7D80] =	vst v6;
	v60 =	vbroadcast v6, $0x3;
	v2 =	vmul.f32 v8, v2  }
0x1fa: {  	v61 =	vld [tilespmem:s17+$0x1970];
	v62 =	vbroadcast v6, $0x5;
	v3 =	vmul.f32 v10, v3;
	[tilespmem:s17+$0x7D00] =	vst v1  }
0x1fb: {  	v4 =	vmul.f32 v4, v60;
	v1 =	vbroadcast v6, $0x4;
	[tilespmem:s17+$0x7D10] =	vst v2  }
0x1fc: {  	v63 =	vmul.f32 v9, v62;
	v2 =	vbroadcast v6, $0x6;
	[tilespmem:s17+$0x7D20] =	vst v3  }
0x1fd: {  	v3 =	vbroadcast v6, $0x7;
	[tilespmem:s17+$0x7D30] =	vst v4;
	v1 =	vmul.f32 v5, v1  }
0x1fe: {  	[tilespmem:s17+$0x7D50] =	vst v63;
	v2 =	vmul.f32 v11, v2  }
0x1ff: {  	s14 =	rddreg [dreg:$0x7];
	[tilespmem:s17+$0x7D40] =	vst v1;
	v1 =	vmul.f32 v61, v3  }
0x200: {  	s9 =	sadd.s32 s13, s14;
	[tilespmem:s17+$0x7D60] =	vst v2  }
0x201: {  	s11 =	simm.s32 $0x1B8;
	s9 =	sshrl.u32 s9, $0x3;
	[tilespmem:s17+$0x7D70] =	vst v1  }
0x202: {  	[spmem:s2] =	stream.indirect.scatter.add.f32 [tilespmem:s25], [sflag:$0x6], $0x90, s11, s30, $0xb8;
	[tilespmem:$0x1FB80] =	vst v63  }
0x203: {  	s10 =	simm.s32 $0x0;
	s9 =	sadd.s32 s1, s9  }
0x204: {  	[tilespmem:s10], [sflag:$0x7] =	stream.strided.gather [hbm4b:s9+s26], $0xA0, s28, s26, $0x38;
	[tilespmem:$0x1FB80] =	vst v63  }
0x205: {  	_ =	swait.ge [sflag:s29], $0xA0  }
0x206: {  	[sflag:s29] =	ssyncset.done $0x0  }
0x207: {  	[sflag:s29] =	ssyncadd.s32 $0xFFFFFF60  }
0x208: {  	[tilespmem:s22], [sflag:$0x1] =	stream.indirect.gather [hbm4b:s5+s30], $0x90, s10, s30, $0xb8;
	[tilespmem:$0x1FB80] =	vst v63  }
0x209: {  	_ = 	snop  }
0x20a: {  	[tilespmem:s31], [sflag:$0x1] =	stream.indirect.gather [hbm4b:s5+s30], $0x90, s30, s30, $0xb8;
	[tilespmem:$0x1FB80] =	vst v63  }
0x20b: {  	s17 =	simm.s32 $0x5C80  }
0x20c: {  	[tilespmem:s17], [sflag:$0x3] =	stream.indirect.gather [hbm4b:s6+s30], $0x10, s26, s30, $0xb8;
	[tilespmem:$0x1FB80] =	vst v63  }
0x20d: {  	_ = 	snop  }
0x20e: {  	[tilespmem:s3], [sflag:$0x3] =	stream.indirect.gather [hbm4b:s6+s30], $0x10, s0, s30, $0xb8;
	[tilespmem:$0x1FB80] =	vst v63  }
0x20f: {  	_ =	swait.ge [sflag:s15], $0x1680  }
0x210: {  	[sflag:s15] =	ssyncset.done $0x0  }
0x211: {  	[sflag:s15] =	ssyncadd.s32 $0xFFFFE980  }
0x212: {  	_ =	swait.ge [sflag:s15], $0x1680  }
0x213: {  	[sflag:s15] =	ssyncset.done $0x0  }
0x214: {  	[sflag:s15] =	ssyncadd.s32 $0xFFFFE980  }
0x215: {  	_ =	swait.ge [sflag:s16], $0x280  }
0x216: {  	[sflag:s16] =	ssyncset.done $0x0  }
0x217: {  	[sflag:s16] =	ssyncadd.s32 $0xFFFFFD80  }
0x218: {  	_ =	swait.ge [sflag:s16], $0x280  }
0x219: {  	[sflag:s16] =	ssyncset.done $0x0  }
0x21a: {  	[sflag:s16] =	ssyncadd.s32 $0xFFFFFD80  }
0x21b: {  	_ =	swait.ge [sflag:s19], $0x1680  }
0x21c: {  	[sflag:s19] =	ssyncset.done $0x0  }
0x21d: {  	s17 =	simm.s32 $0x0;
	[sflag:s19] =	ssyncadd.s32 $0xFFFFE980  }
0x21e: {  	s14 =	simm.s32 $0x240;
	s9 =	simm.s32 $0x6180;
	v1 =	vld [tilespmem:s17+$0x3000]  }
.LBB2_17:
0x21f: {  	p0 =	sne.s32 s14, $0x57C0;
	v2 =	vld [tilespmem:s9+$0x0];
	_ =	sdelay $0x4  }
0x220: {  	v1 =	vadd.f32 v2, v1;
	_ =	sdelay $0x1  }
0x221: {  	v2 =	vmul.f32 $2.000000030e-01, v1;
	_ =	sdelay $0x1  }
0x222: {  	v1 =	vmax.f32 v1, v2  }
0x223: {  	v1 =	vmul.f32 $1.442695020e+00, v1;
	_ =	sdelay $0x1  }
0x224: {  	(erf) = vpow2.f32 v1;
	_ =	sdelay $0x4  }
0x225: {  	v1 =	vld [tilespmem:s17+$0x2F80]  }
0x226: {  	v2 =	vld [tilespmem:s17+$0x2F90]  }
0x227: {  	v3 =	vld [tilespmem:s17+$0x2FA0]  }
0x228: {  	v4 =	vld [tilespmem:s17+$0x2FB0]  }
0x229: {  	v5 =	vld [tilespmem:s17+$0x2FC0];
	v6 =	vpop (erf)  }
0x22a: {  	[tilespmem:s17+$0x6700] =	vst v6;
	v7 =	vbroadcast v6, $0x0;
	v8 =	vbroadcast v6, $0x1;
	v9 =	vld [tilespmem:s17+$0x2FD0]  }
0x22b: {  	v10 =	vbroadcast v6, $0x2;
	v11 =	vbroadcast v6, $0x3;
	v12 =	vld [tilespmem:s17+$0x2FE0]  }
0x22c: {  	v1 =	vmul.f32 v7, v1;
	v2 =	vmul.f32 v8, v2;
	v7 =	vld [tilespmem:s17+$0x2FF0]  }
0x22d: {  	v3 =	vmul.f32 v10, v3;
	v4 =	vmul.f32 v4, v11  }
0x22e: {  	v8 =	vbroadcast v6, $0x5;
	[tilespmem:s17+$0x6680] =	vst v1;
	v1 =	vbroadcast v6, $0x4  }
0x22f: {  	[tilespmem:s17+$0x6690] =	vst v2;
	v2 =	vbroadcast v6, $0x6;
	v6 =	vbroadcast v6, $0x7  }
0x230: {  	[tilespmem:s17+$0x66A0] =	vst v3;
	v1 =	vmul.f32 v5, v1;
	v3 =	vmul.f32 v9, v8  }
.Ltmp7:
0x231: {  	[tilespmem:s17+$0x66B0] =	vst v4;
	v2 =	vmul.f32 v12, v2;
	v4 =	vmul.f32 v7, v6;
	(pc) =	sbr.rel @p0 .LBB2_17-.Ltmp7, $4  }
0x232: {  	[tilespmem:s17+$0x66C0] =	vst v1  }
0x233: {  	[tilespmem:s17+$0x66D0] =	vst v3  }
0x234: {  	s10 =	sshra.s32 s14, $0x2;
	[tilespmem:s17+$0x66E0] =	vst v2  }
0x235: {  	s14 =	sadd.s32 $0x240, s14;
	s9 =	sadd.s32 $0x10, s9;
	v1 =	vld [tilespmem:s10+$0x3000];
	[tilespmem:s17+$0x66F0] =	vst v4;
	s17 =	smov.u32 s10  }
0x236: {  	v2 =	vld [tilespmem:s9+$0x0];
	_ =	sdelay $0x4  }
0x237: {  	v1 =	vadd.f32 v2, v1;
	_ =	sdelay $0x1  }
0x238: {  	v2 =	vmul.f32 $2.000000030e-01, v1;
	_ =	sdelay $0x1  }
0x239: {  	v1 =	vmax.f32 v1, v2  }
0x23a: {  	v1 =	vmul.f32 $1.442695020e+00, v1;
	_ =	sdelay $0x1  }
0x23b: {  	(erf) = vpow2.f32 v1;
	_ =	sdelay $0x6  }
0x23c: {  	v1 =	vld [tilespmem:s17+$0x2F80]  }
0x23d: {  	v2 =	vld [tilespmem:s17+$0x2F90]  }
0x23e: {  	v3 =	vld [tilespmem:s17+$0x2FA0];
	v6 =	vpop (erf)  }
0x23f: {  	v4 =	vld [tilespmem:s17+$0x2FB0];
	v7 =	vbroadcast v6, $0x0  }
0x240: {  	v9 =	vld [tilespmem:s17+$0x2FD0];
	v8 =	vbroadcast v6, $0x1  }
0x241: {  	v5 =	vld [tilespmem:s17+$0x2FC0];
	v10 =	vbroadcast v6, $0x2;
	v1 =	vmul.f32 v7, v1  }
0x242: {  	v11 =	vld [tilespmem:s17+$0x2FE0];
	[tilespmem:s17+$0x6700] =	vst v6;
	v60 =	vbroadcast v6, $0x3;
	v2 =	vmul.f32 v8, v2  }
0x243: {  	v61 =	vld [tilespmem:s17+$0x2FF0];
	v62 =	vbroadcast v6, $0x5;
	v3 =	vmul.f32 v10, v3;
	[tilespmem:s17+$0x6680] =	vst v1  }
0x244: {  	v4 =	vmul.f32 v4, v60;
	v1 =	vbroadcast v6, $0x4;
	[tilespmem:s17+$0x6690] =	vst v2  }
0x245: {  	v63 =	vmul.f32 v9, v62;
	v2 =	vbroadcast v6, $0x6;
	[tilespmem:s17+$0x66A0] =	vst v3  }
0x246: {  	v3 =	vbroadcast v6, $0x7;
	[tilespmem:s17+$0x66B0] =	vst v4;
	v1 =	vmul.f32 v5, v1  }
0x247: {  	[tilespmem:s17+$0x66D0] =	vst v63;
	v2 =	vmul.f32 v11, v2  }
0x248: {  	[tilespmem:s17+$0x66C0] =	vst v1;
	v1 =	vmul.f32 v61, v3  }
0x249: {  	[tilespmem:s17+$0x66E0] =	vst v2  }
0x24a: {  	[tilespmem:s17+$0x66F0] =	vst v1;
	s17 =	simm.s32 $0x230  }
0x24b: {  	[spmem:s2] =	stream.indirect.scatter.add.f32 [tilespmem:s20], [sflag:$0x5], $0x90, s17, s30, $0xb8;
	[tilespmem:$0x1FB80] =	vst v63  }
0x24c: {  	_ =	swait.ge [sflag:s21], $0x1680  }
0x24d: {  	[sflag:s21] =	ssyncset.done $0x0  }
0x24e: {  	s17 =	simm.s32 $0x0;
	[sflag:s21] =	ssyncadd.s32 $0xFFFFE980  }
0x24f: {  	s9 =	simm.s32 $0x6400;
	s14 =	simm.s32 $0x240;
	v1 =	vld [tilespmem:s17+$0x4680]  }
.LBB2_19:
0x250: {  	p0 =	sne.s32 s14, $0x57C0;
	v2 =	vld [tilespmem:s9+$0x0];
	_ =	sdelay $0x4  }
0x251: {  	v1 =	vadd.f32 v2, v1;
	_ =	sdelay $0x1  }
0x252: {  	v2 =	vmul.f32 $2.000000030e-01, v1;
	_ =	sdelay $0x1  }
0x253: {  	v1 =	vmax.f32 v1, v2  }
0x254: {  	v1 =	vmul.f32 $1.442695020e+00, v1;
	_ =	sdelay $0x1  }
0x255: {  	(erf) = vpow2.f32 v1;
	_ =	sdelay $0x4  }
0x256: {  	v1 =	vld [tilespmem:s17+$0x4600]  }
0x257: {  	v2 =	vld [tilespmem:s17+$0x4610]  }
0x258: {  	v3 =	vld [tilespmem:s17+$0x4620]  }
0x259: {  	v4 =	vld [tilespmem:s17+$0x4630]  }
0x25a: {  	v5 =	vld [tilespmem:s17+$0x4640];
	v6 =	vpop (erf)  }
0x25b: {  	[tilespmem:s17+$0x7D80] =	vst v6;
	v7 =	vbroadcast v6, $0x0;
	v8 =	vbroadcast v6, $0x1;
	v9 =	vld [tilespmem:s17+$0x4650]  }
0x25c: {  	v10 =	vbroadcast v6, $0x2;
	v11 =	vbroadcast v6, $0x3;
	v12 =	vld [tilespmem:s17+$0x4660]  }
0x25d: {  	v1 =	vmul.f32 v7, v1;
	v2 =	vmul.f32 v8, v2;
	v7 =	vld [tilespmem:s17+$0x4670]  }
0x25e: {  	v3 =	vmul.f32 v10, v3;
	v4 =	vmul.f32 v4, v11  }
0x25f: {  	v8 =	vbroadcast v6, $0x5;
	[tilespmem:s17+$0x7D00] =	vst v1;
	v1 =	vbroadcast v6, $0x4  }
0x260: {  	[tilespmem:s17+$0x7D10] =	vst v2;
	v2 =	vbroadcast v6, $0x6;
	v6 =	vbroadcast v6, $0x7  }
0x261: {  	[tilespmem:s17+$0x7D20] =	vst v3;
	v1 =	vmul.f32 v5, v1;
	v3 =	vmul.f32 v9, v8  }
.Ltmp8:
0x262: {  	[tilespmem:s17+$0x7D30] =	vst v4;
	v2 =	vmul.f32 v12, v2;
	v4 =	vmul.f32 v7, v6;
	(pc) =	sbr.rel @p0 .LBB2_19-.Ltmp8, $4  }
0x263: {  	[tilespmem:s17+$0x7D40] =	vst v1  }
0x264: {  	[tilespmem:s17+$0x7D50] =	vst v3  }
0x265: {  	s10 =	sshra.s32 s14, $0x2;
	[tilespmem:s17+$0x7D60] =	vst v2  }
0x266: {  	s14 =	sadd.s32 $0x240, s14;
	s9 =	sadd.s32 $0x10, s9;
	v1 =	vld [tilespmem:s10+$0x4680];
	[tilespmem:s17+$0x7D70] =	vst v4;
	s17 =	smov.u32 s10  }
0x267: {  	v2 =	vld [tilespmem:s9+$0x0];
	_ =	sdelay $0x4  }
0x268: {  	v1 =	vadd.f32 v2, v1;
	_ =	sdelay $0x1  }
0x269: {  	v2 =	vmul.f32 $2.000000030e-01, v1;
	_ =	sdelay $0x1  }
0x26a: {  	v1 =	vmax.f32 v1, v2  }
0x26b: {  	v1 =	vmul.f32 $1.442695020e+00, v1;
	_ =	sdelay $0x1  }
0x26c: {  	(erf) = vpow2.f32 v1;
	_ =	sdelay $0x6  }
0x26d: {  	v1 =	vld [tilespmem:s17+$0x4600]  }
0x26e: {  	v2 =	vld [tilespmem:s17+$0x4610]  }
0x26f: {  	v3 =	vld [tilespmem:s17+$0x4620];
	v6 =	vpop (erf)  }
0x270: {  	v4 =	vld [tilespmem:s17+$0x4630];
	v7 =	vbroadcast v6, $0x0  }
0x271: {  	v9 =	vld [tilespmem:s17+$0x4650];
	v8 =	vbroadcast v6, $0x1  }
0x272: {  	v5 =	vld [tilespmem:s17+$0x4640];
	v10 =	vbroadcast v6, $0x2;
	v1 =	vmul.f32 v7, v1  }
0x273: {  	v11 =	vld [tilespmem:s17+$0x4660];
	[tilespmem:s17+$0x7D80] =	vst v6;
	v60 =	vbroadcast v6, $0x3;
	v2 =	vmul.f32 v8, v2  }
0x274: {  	v61 =	vld [tilespmem:s17+$0x4670];
	v62 =	vbroadcast v6, $0x5;
	v3 =	vmul.f32 v10, v3;
	[tilespmem:s17+$0x7D00] =	vst v1  }
0x275: {  	v4 =	vmul.f32 v4, v60;
	v1 =	vbroadcast v6, $0x4;
	[tilespmem:s17+$0x7D10] =	vst v2  }
0x276: {  	v63 =	vmul.f32 v9, v62;
	v2 =	vbroadcast v6, $0x6;
	[tilespmem:s17+$0x7D20] =	vst v3  }
0x277: {  	v3 =	vbroadcast v6, $0x7;
	[tilespmem:s17+$0x7D30] =	vst v4;
	v1 =	vmul.f32 v5, v1  }
0x278: {  	[tilespmem:s17+$0x7D50] =	vst v63;
	v2 =	vmul.f32 v11, v2  }
0x279: {  	p0 =	seq.s32 s18, $0x1E;
	s9 =	rddreg [dreg:$0x8];
	[tilespmem:s17+$0x7D40] =	vst v1;
	v1 =	vmul.f32 v61, v3  }
0x27a: {  	s9 =	sadd.s32 @!p0 s13, s9;
	[tilespmem:s17+$0x7D60] =	vst v2  }
0x27b: {  	s10 =	simm.s32 @!p0 $0x50;
	s9 =	sshrl.u32 @!p0 s9, $0x3;
	[tilespmem:s17+$0x7D70] =	vst v1  }
0x27c: {  	[spmem:s2] =	stream.indirect.scatter.add.f32 [tilespmem:s25], [sflag:$0x6], $0x90, s12, s30, $0xb8;
	[tilespmem:$0x1FB80] =	vst v63  }
0x27d: {  	s11 =	simm.s32 @!p0 $0x4E200;
	s13 =	simm.s32 @!p0 $0xA0;
	s9 =	sadd.s32 @!p0 s1, s9  }
0x27e: {  	[tilespmem:s13], [sflag:$0x7] =	stream.strided.gather @!p0 [hbm4b:s9+s10], $0xA0, s11, s10, $0x38;
	[tilespmem:$0x1FB80] =	vst v63  }
0x27f: {  	s9 =	simm.s32 @!p0 $0x7  }
0x280: {  	_ =	swait.ge @!p0 [sflag:s9], $0xA0  }
0x281: {  	[sflag:s9] =	ssyncset.done @!p0 $0x0  }
0x282: {  	s10 =	simm.s32 @!p0 $0x2F80;
	[sflag:s9] =	ssyncadd.s32 @!p0 $0xFFFFFF60;
	s9 =	simm.s32 @!p0 $0x28  }
0x283: {  	[tilespmem:s10], [sflag:$0x2] =	stream.indirect.gather @!p0 [hbm4b:s5+s9], $0x90, s13, s9, $0xb8;
	[tilespmem:$0x1FB80] =	vst v63  }
0x284: {  	s11 =	simm.s32 @!p0 $0x4600;
	s10 =	simm.s32 @!p0 $0xC8  }
0x285: {  	[tilespmem:s11], [sflag:$0x2] =	stream.indirect.gather @!p0 [hbm4b:s5+s9], $0x90, s10, s9, $0xb8;
	[tilespmem:$0x1FB80] =	vst v63  }
0x286: {  	s10 =	simm.s32 @!p0 $0xF0;
	s11 =	simm.s32 @!p0 $0x6180  }
0x287: {  	[tilespmem:s11], [sflag:$0x4] =	stream.indirect.gather @!p0 [hbm4b:s6+s9], $0x10, s10, s9, $0xb8;
	[tilespmem:$0x1FB80] =	vst v63  }
0x288: {  	s10 =	simm.s32 @!p0 $0x118;
	s11 =	simm.s32 @!p0 $0x6400  }
0x289: {  	[tilespmem:s11], [sflag:$0x4] =	stream.indirect.gather @!p0 [hbm4b:s6+s9], $0x10, s10, s9, $0xb8;
	[tilespmem:$0x1FB80] =	vst v63  }
0x28a: {  	_ =	swait.ge [sflag:s23], $0x1680  }
0x28b: {  	[sflag:s23] =	ssyncset.done $0x0  }
0x28c: {  	[sflag:s23] =	ssyncadd.s32 $0xFFFFE980  }
0x28d: {  	_ =	swait.ge [sflag:s23], $0x1680  }
0x28e: {  	[sflag:s23] =	ssyncset.done $0x0  }
0x28f: {  	[sflag:s23] =	ssyncadd.s32 $0xFFFFE980  }
0x290: {  	_ =	swait.ge [sflag:s8], $0x280  }
0x291: {  	[sflag:s8] =	ssyncset.done $0x0  }
0x292: {  	[sflag:s8] =	ssyncadd.s32 $0xFFFFFD80  }
0x293: {  	_ =	swait.ge [sflag:s8], $0x280  }
0x294: {  	[sflag:s8] =	ssyncset.done $0x0  }
0x295: {  	[sflag:s8] =	ssyncadd.s32 $0xFFFFFD80  }
0x296: {  	_ =	swait.ge [sflag:s19], $0x1680  }
0x297: {  	[sflag:s19] =	ssyncset.done $0x0  }
0x298: {  	s13 =	simm.s32 $0x0;
	[sflag:s19] =	ssyncadd.s32 $0xFFFFE980  }
0x299: {  	s14 =	simm.s32 $0x240;
	s9 =	simm.s32 $0x5C80;
	v1 =	vld [tilespmem:s13+$0x300]  }
.LBB2_21:
0x29a: {  	p0 =	sne.s32 s14, $0x57C0;
	v2 =	vld [tilespmem:s9+$0x0];
	_ =	sdelay $0x4  }
0x29b: {  	v1 =	vadd.f32 v2, v1;
	_ =	sdelay $0x1  }
0x29c: {  	v2 =	vmul.f32 $2.000000030e-01, v1;
	_ =	sdelay $0x1  }
0x29d: {  	v1 =	vmax.f32 v1, v2  }
0x29e: {  	v1 =	vmul.f32 $1.442695020e+00, v1;
	_ =	sdelay $0x1  }
0x29f: {  	(erf) = vpow2.f32 v1;
	_ =	sdelay $0x4  }
0x2a0: {  	v1 =	vld [tilespmem:s13+$0x280]  }
0x2a1: {  	v2 =	vld [tilespmem:s13+$0x290]  }
0x2a2: {  	v3 =	vld [tilespmem:s13+$0x2A0]  }
0x2a3: {  	v4 =	vld [tilespmem:s13+$0x2B0]  }
0x2a4: {  	v5 =	vld [tilespmem:s13+$0x2C0];
	v6 =	vpop (erf)  }
0x2a5: {  	[tilespmem:s13+$0x6700] =	vst v6;
	v7 =	vbroadcast v6, $0x0;
	v8 =	vbroadcast v6, $0x1;
	v9 =	vld [tilespmem:s13+$0x2D0]  }
0x2a6: {  	v10 =	vbroadcast v6, $0x2;
	v11 =	vbroadcast v6, $0x3;
	v12 =	vld [tilespmem:s13+$0x2E0]  }
0x2a7: {  	v1 =	vmul.f32 v7, v1;
	v2 =	vmul.f32 v8, v2;
	v7 =	vld [tilespmem:s13+$0x2F0]  }
0x2a8: {  	v3 =	vmul.f32 v10, v3;
	v4 =	vmul.f32 v4, v11  }
0x2a9: {  	v8 =	vbroadcast v6, $0x5;
	[tilespmem:s13+$0x6680] =	vst v1;
	v1 =	vbroadcast v6, $0x4  }
0x2aa: {  	[tilespmem:s13+$0x6690] =	vst v2;
	v2 =	vbroadcast v6, $0x6;
	v6 =	vbroadcast v6, $0x7  }
0x2ab: {  	[tilespmem:s13+$0x66A0] =	vst v3;
	v1 =	vmul.f32 v5, v1;
	v3 =	vmul.f32 v9, v8  }
.Ltmp9:
0x2ac: {  	[tilespmem:s13+$0x66B0] =	vst v4;
	v2 =	vmul.f32 v12, v2;
	v4 =	vmul.f32 v7, v6;
	(pc) =	sbr.rel @p0 .LBB2_21-.Ltmp9, $4  }
0x2ad: {  	[tilespmem:s13+$0x66C0] =	vst v1  }
0x2ae: {  	[tilespmem:s13+$0x66D0] =	vst v3  }
0x2af: {  	s10 =	sshra.s32 s14, $0x2;
	[tilespmem:s13+$0x66E0] =	vst v2  }
0x2b0: {  	s14 =	sadd.s32 $0x240, s14;
	s9 =	sadd.s32 $0x10, s9;
	v1 =	vld [tilespmem:s10+$0x300];
	[tilespmem:s13+$0x66F0] =	vst v4;
	s13 =	smov.u32 s10  }
0x2b1: {  	v2 =	vld [tilespmem:s9+$0x0];
	_ =	sdelay $0x4  }
0x2b2: {  	v1 =	vadd.f32 v2, v1;
	_ =	sdelay $0x1  }
0x2b3: {  	v2 =	vmul.f32 $2.000000030e-01, v1;
	_ =	sdelay $0x1  }
0x2b4: {  	v1 =	vmax.f32 v1, v2  }
0x2b5: {  	v1 =	vmul.f32 $1.442695020e+00, v1;
	_ =	sdelay $0x1  }
0x2b6: {  	(erf) = vpow2.f32 v1;
	_ =	sdelay $0x6  }
0x2b7: {  	v1 =	vld [tilespmem:s13+$0x280]  }
0x2b8: {  	v2 =	vld [tilespmem:s13+$0x290]  }
0x2b9: {  	v3 =	vld [tilespmem:s13+$0x2A0];
	v6 =	vpop (erf)  }
0x2ba: {  	v4 =	vld [tilespmem:s13+$0x2B0];
	v7 =	vbroadcast v6, $0x0  }
0x2bb: {  	v9 =	vld [tilespmem:s13+$0x2D0];
	v8 =	vbroadcast v6, $0x1  }
0x2bc: {  	v5 =	vld [tilespmem:s13+$0x2C0];
	v10 =	vbroadcast v6, $0x2;
	v1 =	vmul.f32 v7, v1  }
0x2bd: {  	v11 =	vld [tilespmem:s13+$0x2E0];
	[tilespmem:s13+$0x6700] =	vst v6;
	v60 =	vbroadcast v6, $0x3;
	v2 =	vmul.f32 v8, v2  }
0x2be: {  	v61 =	vld [tilespmem:s13+$0x2F0];
	v62 =	vbroadcast v6, $0x5;
	v3 =	vmul.f32 v10, v3;
	[tilespmem:s13+$0x6680] =	vst v1  }
0x2bf: {  	v4 =	vmul.f32 v4, v60;
	v1 =	vbroadcast v6, $0x4;
	[tilespmem:s13+$0x6690] =	vst v2  }
0x2c0: {  	v63 =	vmul.f32 v9, v62;
	v2 =	vbroadcast v6, $0x6;
	[tilespmem:s13+$0x66A0] =	vst v3  }
0x2c1: {  	v3 =	vbroadcast v6, $0x7;
	[tilespmem:s13+$0x66B0] =	vst v4;
	v1 =	vmul.f32 v5, v1  }
0x2c2: {  	[tilespmem:s13+$0x66D0] =	vst v63;
	v2 =	vmul.f32 v11, v2  }
0x2c3: {  	[tilespmem:s13+$0x66C0] =	vst v1;
	v1 =	vmul.f32 v61, v3  }
0x2c4: {  	[tilespmem:s13+$0x66E0] =	vst v2  }
0x2c5: {  	[tilespmem:s13+$0x66F0] =	vst v1  }
0x2c6: {  	[spmem:s2] =	stream.indirect.scatter.add.f32 [tilespmem:s20], [sflag:$0x5], $0x90, s26, s30, $0xb8;
	[tilespmem:$0x1FB80] =	vst v63  }
0x2c7: {  	_ =	swait.ge [sflag:s21], $0x1680  }
0x2c8: {  	[sflag:s21] =	ssyncset.done $0x0  }
0x2c9: {  	s13 =	simm.s32 $0x0;
	[sflag:s21] =	ssyncadd.s32 $0xFFFFE980  }
0x2ca: {  	s9 =	simm.s32 $0x5F00;
	s14 =	simm.s32 $0x240;
	v1 =	vld [tilespmem:s13+$0x1980]  }
.LBB2_23:
0x2cb: {  	p0 =	sne.s32 s14, $0x57C0;
	v2 =	vld [tilespmem:s9+$0x0];
	_ =	sdelay $0x4  }
0x2cc: {  	v1 =	vadd.f32 v2, v1;
	_ =	sdelay $0x1  }
0x2cd: {  	v2 =	vmul.f32 $2.000000030e-01, v1;
	_ =	sdelay $0x1  }
0x2ce: {  	v1 =	vmax.f32 v1, v2  }
0x2cf: {  	v1 =	vmul.f32 $1.442695020e+00, v1;
	_ =	sdelay $0x1  }
0x2d0: {  	(erf) = vpow2.f32 v1;
	_ =	sdelay $0x4  }
0x2d1: {  	v1 =	vld [tilespmem:s13+$0x1900]  }
0x2d2: {  	v2 =	vld [tilespmem:s13+$0x1910]  }
0x2d3: {  	v3 =	vld [tilespmem:s13+$0x1920]  }
0x2d4: {  	v4 =	vld [tilespmem:s13+$0x1930]  }
0x2d5: {  	v5 =	vld [tilespmem:s13+$0x1940];
	v6 =	vpop (erf)  }
0x2d6: {  	[tilespmem:s13+$0x7D80] =	vst v6;
	v7 =	vbroadcast v6, $0x0;
	v8 =	vbroadcast v6, $0x1;
	v9 =	vld [tilespmem:s13+$0x1950]  }
0x2d7: {  	v10 =	vbroadcast v6, $0x2;
	v11 =	vbroadcast v6, $0x3;
	v12 =	vld [tilespmem:s13+$0x1960]  }
0x2d8: {  	v1 =	vmul.f32 v7, v1;
	v2 =	vmul.f32 v8, v2;
	v7 =	vld [tilespmem:s13+$0x1970]  }
0x2d9: {  	v3 =	vmul.f32 v10, v3;
	v4 =	vmul.f32 v4, v11  }
0x2da: {  	v8 =	vbroadcast v6, $0x5;
	[tilespmem:s13+$0x7D00] =	vst v1;
	v1 =	vbroadcast v6, $0x4  }
0x2db: {  	[tilespmem:s13+$0x7D10] =	vst v2;
	v2 =	vbroadcast v6, $0x6;
	v6 =	vbroadcast v6, $0x7  }
0x2dc: {  	[tilespmem:s13+$0x7D20] =	vst v3;
	v1 =	vmul.f32 v5, v1;
	v3 =	vmul.f32 v9, v8  }
.Ltmp10:
0x2dd: {  	[tilespmem:s13+$0x7D30] =	vst v4;
	v2 =	vmul.f32 v12, v2;
	v4 =	vmul.f32 v7, v6;
	(pc) =	sbr.rel @p0 .LBB2_23-.Ltmp10, $4  }
0x2de: {  	[tilespmem:s13+$0x7D40] =	vst v1  }
0x2df: {  	[tilespmem:s13+$0x7D50] =	vst v3  }
0x2e0: {  	s10 =	sshra.s32 s14, $0x2;
	[tilespmem:s13+$0x7D60] =	vst v2  }
0x2e1: {  	s14 =	sadd.s32 $0x240, s14;
	s9 =	sadd.s32 $0x10, s9;
	v1 =	vld [tilespmem:s10+$0x1980];
	[tilespmem:s13+$0x7D70] =	vst v4;
	s13 =	smov.u32 s10  }
0x2e2: {  	v2 =	vld [tilespmem:s9+$0x0];
	_ =	sdelay $0x4  }
0x2e3: {  	v1 =	vadd.f32 v2, v1;
	_ =	sdelay $0x1  }
0x2e4: {  	v2 =	vmul.f32 $2.000000030e-01, v1;
	_ =	sdelay $0x1  }
0x2e5: {  	v1 =	vmax.f32 v1, v2  }
0x2e6: {  	v1 =	vmul.f32 $1.442695020e+00, v1;
	_ =	sdelay $0x1  }
0x2e7: {  	(erf) = vpow2.f32 v1;
	_ =	sdelay $0x6  }
0x2e8: {  	v1 =	vld [tilespmem:s13+$0x1900]  }
0x2e9: {  	v2 =	vld [tilespmem:s13+$0x1910]  }
0x2ea: {  	v3 =	vld [tilespmem:s13+$0x1920];
	v6 =	vpop (erf)  }
0x2eb: {  	v4 =	vld [tilespmem:s13+$0x1930];
	v7 =	vbroadcast v6, $0x0  }
0x2ec: {  	v9 =	vld [tilespmem:s13+$0x1950];
	v8 =	vbroadcast v6, $0x1  }
0x2ed: {  	v5 =	vld [tilespmem:s13+$0x1940];
	v10 =	vbroadcast v6, $0x2;
	v1 =	vmul.f32 v7, v1  }
0x2ee: {  	v11 =	vld [tilespmem:s13+$0x1960];
	[tilespmem:s13+$0x7D80] =	vst v6;
	v60 =	vbroadcast v6, $0x3;
	v2 =	vmul.f32 v8, v2  }
0x2ef: {  	v61 =	vld [tilespmem:s13+$0x1970];
	v62 =	vbroadcast v6, $0x5;
	v3 =	vmul.f32 v10, v3;
	[tilespmem:s13+$0x7D00] =	vst v1  }
0x2f0: {  	v4 =	vmul.f32 v4, v60;
	v1 =	vbroadcast v6, $0x4;
	[tilespmem:s13+$0x7D10] =	vst v2  }
0x2f1: {  	s18 =	sadd.s32 $0x1, s18;
	v63 =	vmul.f32 v9, v62;
	v2 =	vbroadcast v6, $0x6;
	[tilespmem:s13+$0x7D20] =	vst v3  }
0x2f2: {  	p0 =	sne.s32 s18, $0x1F;
	v3 =	vbroadcast v6, $0x7;
	[tilespmem:s13+$0x7D30] =	vst v4;
	v1 =	vmul.f32 v5, v1  }
.Ltmp11:
0x2f3: {  	[tilespmem:s13+$0x7D50] =	vst v63;
	v2 =	vmul.f32 v11, v2;
	(pc) =	sbr.rel @p0 .LBB2_8-.Ltmp11, $4  }
0x2f4: {  	[tilespmem:s13+$0x7D40] =	vst v1;
	v1 =	vmul.f32 v61, v3  }
0x2f5: {  	[tilespmem:s13+$0x7D60] =	vst v2  }
0x2f6: {  	[tilespmem:s13+$0x7D70] =	vst v1  }
0x2f7: {  	[spmem:s2] =	stream.indirect.scatter.add.f32 [tilespmem:s25], [sflag:$0x6], $0x90, s0, s30, $0xb8;
	[tilespmem:$0x1FB80] =	vst v63  }
0x2f8: {  	_ =	swait.ge [sflag:s19], $0x1680  }
0x2f9: {  	[sflag:s19] =	ssyncset.done $0x0  }
0x2fa: {  	[sflag:s19] =	ssyncadd.s32 $0xFFFFE980  }
0x2fb: {  	_ =	swait.ge [sflag:s21], $0x1680  }
0x2fc: {  	[sflag:s21] =	ssyncset.done $0x0  }
0x2fd: {  	[sflag:s21] =	ssyncadd.s32 $0xFFFFE980  }
0x2fe: {  	[bflag:$0x0] =	sbarrier.arrive $0xFFFF  }
0x2ff: {  	s9 =	rddreg [dreg:$0x9]  }
0x300: {  	[tilespmem:s20], [sflag:$0x3] =	stream.linear.gather [spmem:s9], $0x1680, $0x38;
	[tilespmem:$0x1FB80] =	vst v63  }
0x301: {  	_ =	swait.ge [sflag:s8], $0x1680  }
0x302: {  	[sflag:s8] =	ssyncset.done $0x0  }
0x303: {  	s14 =	rddreg [dreg:$0xf];
	[sflag:s8] =	ssyncadd.s32 $0xFFFFE980  }
0x304: {  	[tilespmem:s25], [sflag:$0x4] =	stream.linear.gather [spmem:s14], $0x1680, $0x38;
	[tilespmem:$0x1FB80] =	vst v63  }
0x305: {  	s17 =	simm.s32 $0x0;
	s10 =	rddreg [dreg:$0x10]  }
0x306: {  	[hbm4b:s10+s17] =	stream.linear.scatter [tilespmem:s20], [sflag:$0x5], $0x1680, $0x38;
	[tilespmem:$0x1FB80] =	vst v63  }
0x307: {  	_ =	swait.ge [sflag:s16], $0x1680  }
0x308: {  	[sflag:s16] =	ssyncset.done $0x0  }
0x309: {  	[sflag:s16] =	ssyncadd.s32 $0xFFFFE980  }
0x30a: {  	_ =	swait.ge [sflag:s19], $0x1680  }
0x30b: {  	[sflag:s19] =	ssyncset.done $0x0  }
0x30c: {  	s18 =	rddreg [dreg:$0x11];
	[sflag:s19] =	ssyncadd.s32 $0xFFFFE980  }
0x30d: {  	[tilespmem:s20], [sflag:$0x3] =	stream.linear.gather [spmem:s18], $0x1680, $0x38;
	[tilespmem:$0x1FB80] =	vst v63  }
0x30e: {  	s11 =	rddreg [dreg:$0x12]  }
0x30f: {  	[hbm4b:s11+s17] =	stream.linear.scatter [tilespmem:s25], [sflag:$0x6], $0x1680, $0x38;
	[tilespmem:$0x1FB80] =	vst v63  }
0x310: {  	_ =	swait.ge [sflag:s8], $0x1680  }
0x311: {  	[sflag:s8] =	ssyncset.done $0x0  }
0x312: {  	[sflag:s8] =	ssyncadd.s32 $0xFFFFE980  }
0x313: {  	_ =	swait.ge [sflag:s21], $0x1680  }
0x314: {  	[sflag:s21] =	ssyncset.done $0x0;
	s11 =	rddreg [dreg:$0x14]  }
0x315: {  	s14 =	rddreg [dreg:$0xd];
	[sflag:s21] =	ssyncadd.s32 $0xFFFFE980;
	s13 =	sshrl.u32 s11, $0x3  }
0x316: {  	[tilespmem:s25], [sflag:$0x4] =	stream.linear.gather [spmem:s14], $0x1680, $0x38;
	[tilespmem:$0x1FB80] =	vst v63  }
0x317: {  	s9 =	sadd.s32 s7, s13  }
0x318: {  	[hbm4b:s9+s4] =	stream.linear.scatter [tilespmem:s20], [sflag:$0x5], $0x1680, $0x38;
	[tilespmem:$0x1FB80] =	vst v63  }
0x319: {  	_ =	swait.ge [sflag:s16], $0x1680  }
0x31a: {  	[sflag:s16] =	ssyncset.done $0x0  }
0x31b: {  	[sflag:s16] =	ssyncadd.s32 $0xFFFFE980  }
0x31c: {  	s17 =	sadd.s32 $0x0, s24;
	_ =	swait.ge [sflag:s19], $0x1680  }
0x31d: {  	s18 =	sadd.s32 $0x1680, s14;
	s13 =	sadd.s32 $0x2D00, s14;
	[sflag:s19] =	ssyncset.done $0x0  }
0x31e: {  	s14 =	sadd.s32 $0x2D00, s11;
	s9 =	simm.s32 $0x5A0;
	[sflag:s19] =	ssyncadd.s32 $0xFFFFE980  }
0x31f: {  	[tilespmem:s20], [sflag:$0x3] =	stream.linear.gather [spmem:s18], $0x1680, $0x38;
	[tilespmem:$0x1FB80] =	vst v63  }
.LBB2_26:
0x320: {  	[hbm4b:s17+s4] =	stream.linear.scatter [tilespmem:s25], [sflag:$0x6], $0x1680, $0x38;
	[tilespmem:$0x1FB80] =	vst v63  }
0x321: {  	s10 =	smov.u32 s9;
	s9 =	sadd.s32 $0x5A0, s9;
	_ =	swait.ge [sflag:s8], $0x1680  }
0x322: {  	p0 =	sne.s32 s9, $0x21C0;
	[sflag:s8] =	ssyncset.done $0x0  }
0x323: {  	[sflag:s8] =	ssyncadd.s32 $0xFFFFE980  }
0x324: {  	_ =	swait.ge [sflag:s21], $0x1680  }
0x325: {  	[sflag:s21] =	ssyncset.done $0x0  }
0x326: {  	s11 =	sshrl.u32 s14, $0x3;
	[sflag:s21] =	ssyncadd.s32 $0xFFFFE980  }
0x327: {  	[tilespmem:s25], [sflag:$0x4] =	stream.linear.gather [spmem:s13], $0x1680, $0x38;
	[tilespmem:$0x1FB80] =	vst v63  }
0x328: {  	s11 =	sadd.s32 s7, s11  }
0x329: {  	[hbm4b:s11+s4] =	stream.linear.scatter [tilespmem:s20], [sflag:$0x5], $0x1680, $0x38;
	[tilespmem:$0x1FB80] =	vst v63  }
0x32a: {  	_ =	swait.ge [sflag:s16], $0x1680  }
0x32b: {  	[sflag:s16] =	ssyncset.done $0x0  }
0x32c: {  	[sflag:s16] =	ssyncadd.s32 $0xFFFFE980  }
.Ltmp12:
0x32d: {  	_ =	swait.ge [sflag:s19], $0x1680;
	(pc) =	sbr.rel @p0 .LBB2_26-.Ltmp12, $4  }
0x32e: {  	[sflag:s19] =	ssyncset.done $0x0  }
0x32f: {  	s11 =	sadd.s32 $0x1680, s13;
	[sflag:s19] =	ssyncadd.s32 $0xFFFFE980  }
0x330: {  	[tilespmem:s20], [sflag:$0x3] =	stream.linear.gather [spmem:s11], $0x1680, $0x38;
	[tilespmem:$0x1FB80] =	vst v63  }
0x331: {  	s14 =	sadd.s32 $0x2D00, s14;
	s17 =	sadd.s32 s10, s24;
	s13 =	sadd.s32 $0x2D00, s13  }
0x332: {  	[hbm4b:s17+s4] =	stream.linear.scatter [tilespmem:s25], [sflag:$0x6], $0x1680, $0x38;
	[tilespmem:$0x1FB80] =	vst v63  }
0x333: {  	_ =	swait.ge [sflag:s8], $0x1680  }
0x334: {  	[sflag:s8] =	ssyncset.done $0x0  }
0x335: {  	[sflag:s8] =	ssyncadd.s32 $0xFFFFE980  }
0x336: {  	_ =	swait.ge [sflag:s21], $0x1680  }
0x337: {  	[sflag:s21] =	ssyncset.done $0x0  }
0x338: {  	s10 =	sld [smem:$0x7FD];
	[sflag:s21] =	ssyncadd.s32 $0xFFFFE980  }
0x339: {  	[tilespmem:s25], [sflag:$0x4] =	stream.linear.gather [spmem:s13], $0x1680, $0x38;
	[tilespmem:$0x1FB80] =	vst v63  }
0x33a: {  	_ = 	snop  }
0x33b: {  	[hbm4b:s10+s4] =	stream.linear.scatter [tilespmem:s20], [sflag:$0x5], $0x1680, $0x38;
	[tilespmem:$0x1FB80] =	vst v63  }
0x33c: {  	_ =	swait.ge [sflag:s16], $0x1680  }
0x33d: {  	[sflag:s16] =	ssyncset.done $0x0  }
0x33e: {  	[sflag:s16] =	ssyncadd.s32 $0xFFFFE980  }
0x33f: {  	_ =	swait.ge [sflag:s19], $0x1680  }
0x340: {  	[sflag:s19] =	ssyncset.done $0x0;
	s14 =	rddreg [dreg:$0x13]  }
0x341: {  	[sflag:s19] =	ssyncadd.s32 $0xFFFFE980;
	s9 =	sadd.s32 s9, s14  }
0x342: {  	[hbm4b:s9+s4] =	stream.linear.scatter [tilespmem:s25], [sflag:$0x6], $0x1680, $0x38;
	[tilespmem:$0x1FB80] =	vst v63  }
0x343: {  	_ =	swait.ge [sflag:s21], $0x1680  }
0x344: {  	s17 =	sld [smem:$0x7FB];
	_ =	sdelay $0x2  }
0x345: {  	s18 =	rddreg [dreg:$0xa];
	s10 =	sadd.s32 $0x1, s17  }
0x346: {  	p0 =	sne.s32 s10, s18  }
.Ltmp13:
0x347: {  	_ = 	snop;
	(pc) =	sbr.rel @p0 .LBB2_1-.Ltmp13, $3  }
0x348: {  	_ =	sdelay $0x1  }
0x349: {  	[sflag:s21] =	ssyncset.done $0x0  }
0x34a: {  	[sflag:s21] =	ssyncadd.s32 $0xFFFFE980  }
0x34b: {  	_ =	sfence.sel $0x180000  }
0x34c: {  	[bflag:$0x0] =	sbarrier.arrive $0xFFFF  }
0x34d: {  	_ =	strace $0x90000047  }
0x34e: {  	s0 =	stileid.u32;
	[bflag:$0x2] =	sbarrier.arrive $0xFFFF  }
0x34f: {  	p0 =	sne.s32 s0, $0x0;
	s0 =	rddreg [dreg:$0x3]  }
0x350: {  	s0 =	sadd.s32 @!p0 $0x100000, s0  }
0x351: {  	[sflag:s0] =	ssyncadd.tile.s32 @!p0 $0x1;
	_ =	shalt  }
.Lfunc_end2:
_tile_overlayer_lowered:
.L_overlay_start_2:
0x352: {  	(tag) =	ssettag $0x2  }
0x353: {  	s0 =	rddreg [dreg:$0x0];
	s2 =	stileid.u32  }
0x354: {  	s1 =	rddreg [dreg:$0x1];
	p0 =	sne.s32 s2, $0x0  }
0x355: {  	s3 =	rddreg [dreg:$0x2];
	[bflag:$0x3] =	sbarrier.arrive $0xFFFF;
	s2 =	simm.s32 @!p0 $0x1C07  }
0x356: {  	[timem:s3], [sflag:s2] =	dma.local @!p0 [hbm:s0], s1  }
0x357: {  	s0 =	simm.s32 @!p0 $0x7  }
0x358: {  	_ =	swait.ge @!p0 [sflag:s0], s1  }
0x359: {  	s1 =	ssub.s32 @!p0 $0x0, s1;
	[sflag:s0] =	ssyncset.done @!p0 $0x0  }
0x35a: {  	[sflag:s0] =	ssyncadd.s32 @!p0 s1  }
0x35b: {  	[bflag:$0x3] =	sbarrier.arrive $0xFFFF  }
0x35c: {  	_ =	shalt  }

</sc_bundles>
